<compile_context>
chip_gen: v7x
topology: tpu7x:2x2x1
jax: 0.10.2.dev20260603
libtpu: 0.0.44.dev20260713+nightly
codegen_flags: <defaults>
</compile_context>

<pallas_src>
import functools

import jax
import jax.numpy as jnp
from jax import lax
from jax.experimental import pallas as pl
from jax.experimental.pallas import tpu as pltpu
from jax.experimental.pallas import tpu_sc as plsc

N = 50000
E = 800000
B = 512
L = 1500
V = 26
D = 32

NW = 32
NT = 16
CHUNK = 128
G = 1
SGS = 8
NSG = 25
NG = SGS * NSG
CPT = NSG * SGS * G
E_PAD = NW * CPT * CHUNK
RACC = 50048
R = 53248
BACC = 640
PCH = R // NW // CHUNK


def _sc_mesh():
    return plsc.VectorSubcoreMesh(core_axis_name="c", subcore_axis_name="s")


def _edge_segsum(y, srcp, dstp, zeros):

    def body(y_hbm, src_hbm, dst_hbm, zero_hbm, out_hbm,
             srci_v, dsti_v, ring_v, acc_sh, sem_i, sem_g, sem_s):
        c = lax.axis_index("c")
        s = lax.axis_index("s")
        wid = c * NT + s
        tpt = RACC // NT

        def idx_load(sg, slot):
            return [pltpu.make_async_copy(src_hbm.at[wid, sg],
                                          srci_v.at[slot], sem_i),
                    pltpu.make_async_copy(dst_hbm.at[wid, sg],
                                          dsti_v.at[slot], sem_i)]


        def gather(half, slot, row):
            return pltpu.make_async_copy(y_hbm.at[srci_v.at[slot, row]],
                                         ring_v.at[half], sem_g)

        def scatter(half, slot, row):
            return pltpu.make_async_copy(ring_v.at[half],
                                         acc_sh.at[dsti_v.at[slot, row]],
                                         sem_s)

        def gpos(g):
            return (g % 4,
                    (g // SGS) % 3,
                    g % SGS)

        pltpu.sync_copy(zero_hbm, acc_sh.at[pl.ds(s * tpt, tpt)])
        for dd in idx_load(0, 0):
            dd.start()
            dd.wait()
        gather(0, 0, 0).start()
        gather(1, 0, 1).start()
        for dd in idx_load(1, 1):
            dd.start()
        for dd in idx_load(2, 2):
            dd.start()
        plsc.subcore_barrier()

        def grp_body(g, carry):
            h, sl, row = gpos(g)
            gather(h, sl, row).wait()
            scatter(h, sl, row).start(add=True)

            @pl.when(g >= 2)
            def _():
                hp, slp, rowp = gpos(g - 2)
                scatter(hp, slp, rowp).wait()

            @pl.when(g <= NG - 3)
            def _():
                hn, sln, rown = gpos(g + 2)

                @pl.when(rown == 0)
                def _():
                    for dd in idx_load((g + 2) // SGS, sln):
                        dd.wait()

                gather(hn, sln, rown).start()

            @pl.when((g % SGS == 2) & (g >= SGS + 2)
                     & (g <= SGS * (NSG - 3) + 2))
            def _():
                sgn = g // SGS + 2
                for dd in idx_load(sgn, sgn % 3):
                    dd.start()

            return carry

        lax.fori_loop(0, NG, grp_body, 0)
        for gl in (NG - 2, NG - 1):
            hl, sll, rowl = gpos(gl)
            scatter(hl, sll, rowl).wait()
        plsc.subcore_barrier()
        pltpu.sync_copy(acc_sh.at[pl.ds(s * tpt, tpt)],
                        out_hbm.at[c, pl.ds(s * tpt, tpt)])

    f = pl.kernel(
        body,
        out_type=jax.ShapeDtypeStruct((2, RACC, D), jnp.float32),
        mesh=_sc_mesh(),
        compiler_params=pltpu.CompilerParams(use_tc_tiling_on_sc=False),
        scratch_types=[
            pltpu.VMEM((3, SGS, G * CHUNK), jnp.int32),
            pltpu.VMEM((3, SGS, G * CHUNK), jnp.int32),
            pltpu.VMEM((4, G * CHUNK, D), jnp.float32),
            pltpu.VMEM_SHARED((RACC, D), jnp.float32),
            pltpu.SemaphoreType.DMA,
            pltpu.SemaphoreType.DMA,
            pltpu.SemaphoreType.DMA,
        ],
    )
    return f(y, srcp, dstp, zeros)


def _pool_segsum(h5, batchp, zeros):

    def body(h_hbm, b_hbm, zero_hbm, out_hbm, hbuf_v, bidx_v, acc_sh, sem_s):
        c = lax.axis_index("c")
        s = lax.axis_index("s")
        wid = c * NT + s
        rows = PCH * CHUNK
        pltpu.sync_copy(h_hbm.at[pl.ds(wid * rows, rows)], hbuf_v)
        pltpu.sync_copy(b_hbm.at[pl.ds(wid * PCH, PCH)], bidx_v)
        pltpu.sync_copy(zero_hbm.at[pl.ds(0, BACC // NT)],
                        acc_sh.at[pl.ds(s * (BACC // NT), BACC // NT)])
        plsc.subcore_barrier()
        sds = [pltpu.make_async_copy(hbuf_v.at[pl.ds(j * CHUNK, CHUNK)],
                                     acc_sh.at[bidx_v.at[j]], sem_s)
               for j in range(PCH)]
        for d in sds:
            d.start(add=True)
        for d in sds:
            d.wait()
        plsc.subcore_barrier()
        pltpu.sync_copy(acc_sh.at[pl.ds(s * (BACC // NT), BACC // NT)],
                        out_hbm.at[c, pl.ds(s * (BACC // NT), BACC // NT)])

    f = pl.kernel(
        body,
        out_type=jax.ShapeDtypeStruct((2, BACC, D), jnp.float32),
        mesh=_sc_mesh(),
        compiler_params=pltpu.CompilerParams(use_tc_tiling_on_sc=False),
        scratch_types=[
            pltpu.VMEM((PCH * CHUNK, D), jnp.float32),
            pltpu.VMEM((PCH, CHUNK), jnp.int32),
            pltpu.VMEM_SHARED((BACC, D), jnp.float32),
            pltpu.SemaphoreType.DMA,
        ],
    )
    return f(h5, batchp, zeros)



def _mm_body(x_ref, w_ref, o_ref):
    o_ref[...] = jnp.dot(x_ref[...], w_ref[...],
                         preferred_element_type=jnp.float32)



def _tc_y0(x4, w_bd):
    blk = 512
    return pl.pallas_call(
        _mm_body,
        grid=(pl.cdiv(N // 4, blk),),
        in_specs=[pl.BlockSpec((blk, 4 * 78), lambda i: (i, 0)),
                  pl.BlockSpec((4 * 78, 4 * D), lambda i: (0, 0))],
        out_specs=pl.BlockSpec((blk, 4 * D), lambda i: (i, 0)),
        out_shape=jax.ShapeDtypeStruct((N // 4, 4 * D), jnp.float32),
    )(x4, w_bd)


def _combine_body(y_ref, s_ref, wb_ref, wa_ref, vec_ref, o_ref):
    vec = vec_ref[...]
    sp = s_ref[...]
    t = jnp.maximum(y_ref[...] + sp[0] + sp[1] + vec[0:1, :], 0.0)
    z = jnp.maximum(jnp.dot(t, wb_ref[...],
                            preferred_element_type=jnp.float32)
                    + vec[1:2, :], 0.0)
    h = z * vec[2:3, :] + vec[3:4, :]
    o_ref[...] = jnp.dot(h, wa_ref[...], preferred_element_type=jnp.float32)


def _tc_combine(y, s_part, wb_bd, wa_bd, vecs4):
    blk = 1664
    dd = 4 * D
    return pl.pallas_call(
        _combine_body,
        grid=(pl.cdiv(N // 4, blk),),
        in_specs=[pl.BlockSpec((blk, dd), lambda i: (i, 0)),
                  pl.BlockSpec((2, blk, dd), lambda i: (0, i, 0)),
                  pl.BlockSpec((dd, dd), lambda i: (0, 0)),
                  pl.BlockSpec((dd, dd), lambda i: (0, 0)),
                  pl.BlockSpec((4, dd), lambda i: (0, 0))],
        out_specs=pl.BlockSpec((blk, dd), lambda i: (i, 0)),
        out_shape=jax.ShapeDtypeStruct((N // 4, dd), jnp.float32),
    )(y, s_part, wb_bd, wa_bd, vecs4)


def _final_layer_body(y_ref, s_ref, wb_ref, vec_ref, o_ref):
    vec = vec_ref[...]
    sp = s_ref[...]
    t = jnp.maximum(y_ref[...] + sp[0] + sp[1] + vec[0:1, :], 0.0)
    z = jnp.maximum(jnp.dot(t, wb_ref[...],
                            preferred_element_type=jnp.float32)
                    + vec[1:2, :], 0.0)
    o_ref[...] = z * vec[2:3, :] + vec[3:4, :]


def _tc_final_layer(y, s_part, wb_bd, vecs4):
    blk = 1664
    dd = 4 * D
    return pl.pallas_call(
        _final_layer_body,
        grid=(pl.cdiv(N // 4, blk),),
        in_specs=[pl.BlockSpec((blk, dd), lambda i: (i, 0)),
                  pl.BlockSpec((2, blk, dd), lambda i: (0, i, 0)),
                  pl.BlockSpec((dd, dd), lambda i: (0, 0)),
                  pl.BlockSpec((4, dd), lambda i: (0, 0))],
        out_specs=pl.BlockSpec((blk, dd), lambda i: (i, 0)),
        out_shape=jax.ShapeDtypeStruct((R // 4, dd), jnp.float32),
    )(y, s_part, wb_bd, vecs4)


def _q_body(t_ref, w_ref, o_ref):
    v = pl.program_id(0)
    mask = (t_ref[...] == v).astype(jnp.float32)
    o_ref[...] = jnp.dot(mask, w_ref[...],
                         preferred_element_type=jnp.float32)[None]


def _tc_q(target, wp):
    return pl.pallas_call(
        _q_body,
        grid=(V,),
        in_specs=[pl.BlockSpec((B, L), lambda v: (0, 0)),
                  pl.BlockSpec((L, 256), lambda v: (0, 0))],
        out_specs=pl.BlockSpec((1, B, 256), lambda v: (v, 0, 0)),
        out_shape=jax.ShapeDtypeStruct((V, B, 256), jnp.float32),
    )(target, wp)


def _conv2_body(q_ref, e_ref, cb_ref, o_ref):
    o_ref[...] = (jnp.dot(q_ref[...], e_ref[...],
                          preferred_element_type=jnp.float32)
                  + cb_ref[...])


def _tc_conv2(qbig, ehat, cbcol):
    blk = 2048
    return pl.pallas_call(
        _conv2_body,
        grid=(B * D // blk,),
        in_specs=[pl.BlockSpec((blk, V * 8), lambda i: (i, 0)),
                  pl.BlockSpec((V * 8, 121), lambda i: (0, 0)),
                  pl.BlockSpec((blk, 1), lambda i: (0, 0))],
        out_specs=pl.BlockSpec((blk, 121), lambda i: (i, 0)),
        out_shape=jax.ShapeDtypeStruct((B * D, 121), jnp.float32),
    )(qbig, ehat, cbcol)


def _xt_body(c_ref, w_ref, b_ref, o_ref):
    o_ref[...] = (jnp.dot(c_ref[...], w_ref[...],
                          preferred_element_type=jnp.float32)
                  + b_ref[...])


def _tc_xt(conv3, w2, bias_eff):
    return pl.pallas_call(
        _xt_body,
        out_shape=jax.ShapeDtypeStruct((B, 128), jnp.float32),
    )(conv3, w2, bias_eff)


def _head_body(p_ref, xt_ref, wxd_ref, bxd_ref, f1a_ref, f1b_ref, b1_ref,
               w2_ref, b2_ref, wo_ref, bo_ref, o_ref):
    pall = p_ref[...]
    pooled = pall[0, :B, :] + pall[1, :B, :]
    xd = jnp.maximum(jnp.dot(pooled, wxd_ref[...],
                             preferred_element_type=jnp.float32)
                     + bxd_ref[...], 0.0)
    xc = jnp.maximum(jnp.dot(xd, f1a_ref[...],
                             preferred_element_type=jnp.float32)
                     + jnp.dot(xt_ref[...], f1b_ref[...],
                               preferred_element_type=jnp.float32)
                     + b1_ref[...], 0.0)
    x2 = jnp.maximum(jnp.dot(xc, w2_ref[...],
                             preferred_element_type=jnp.float32)
                     + b2_ref[...], 0.0)
    o_ref[...] = (jnp.dot(x2, wo_ref[...],
                          preferred_element_type=jnp.float32)
                  + bo_ref[...])


def _tc_head(pooled_part, xt, p):
    args = (pooled_part, xt,
            p['fc1_xd_W'], p['fc1_xd_b'].reshape(1, 128),
            p['fc1_W'][:128], p['fc1_W'][128:], p['fc1_b'].reshape(1, 1024),
            p['fc2_W'], p['fc2_b'].reshape(1, 256),
            p['out_W'], p['out_b'].reshape(1, 1))
    return pl.pallas_call(
        _head_body,
        out_shape=jax.ShapeDtypeStruct((B, 1), jnp.float32),
    )(*args)


def kernel(x, edge_index, batch, target, params):
    p = params
    f32 = jnp.float32

    pad_i = jnp.arange(E_PAD - E, dtype=jnp.int32)
    srcp = jnp.concatenate([edge_index[0], pad_i % N]
                           ).reshape(NW, NSG, SGS, G * CHUNK)
    dstp = jnp.concatenate([edge_index[1], N + pad_i % (RACC - N)]
                           ).reshape(NW, NSG, SGS, G * CHUNK)
    pad_b = jnp.arange(R - N, dtype=jnp.int32)
    batchp = jnp.concatenate([batch, B + pad_b % (BACC - B)]
                             ).reshape(NW * PCH, CHUNK)
    zeros = jnp.zeros((RACC // NT, D), f32)

    eye4 = jnp.eye(4, dtype=f32)
    vecs4 = [jnp.stack([jnp.tile(p['b%da' % i], 4),
                        jnp.tile(p['b%db' % i], 4),
                        jnp.tile(p['bn%d_g' % i] / jnp.sqrt(f32(1.0 + 1e-5)),
                                 4),
                        jnp.tile(p['bn%d_b' % i], 4)]) for i in range(5)]
    wa_bd = [jnp.kron(eye4, p['W%da' % i]) for i in range(5)]
    wb_bd = [jnp.kron(eye4, p['W%db' % i]) for i in range(5)]

    x4 = x.reshape(N // 4, 4 * 78)
    y = _tc_y0(x4, jnp.kron(eye4, p['W0a']))
    s_part = _edge_segsum(y.reshape(N, D), srcp, dstp, zeros)

    wp = p['conv_W'].transpose(1, 0, 2).reshape(L, 256)
    q = _tc_q(target, wp)
    qbig = q.reshape(V, B, D, 8).transpose(1, 2, 0, 3).reshape(B * D, V * 8)
    ehat = jnp.stack([p['emb'][:, k:k + 121] for k in range(8)],
                     axis=1).reshape(V * 8, 121)
    cbcol = jnp.tile(p['conv_b'], 2048 // D).reshape(2048, 1)
    convflat = _tc_conv2(qbig, ehat, cbcol)
    conv3 = convflat.reshape(B, D * 121)
    xt = _tc_xt(conv3, p['fc1_xt_W'], p['fc1_xt_b'].reshape(1, 128))

    for i in range(4):
        y = _tc_combine(y, s_part.reshape(2, RACC // 4, 4 * D),
                        wb_bd[i], wa_bd[i + 1], vecs4[i])
        s_part = _edge_segsum(y.reshape(N, D), srcp, dstp, zeros)
    h5 = _tc_final_layer(y, s_part.reshape(2, RACC // 4, 4 * D),
                         wb_bd[4], vecs4[4])
    pooled_part = _pool_segsum(h5.reshape(R, D), batchp, zeros)

    return _tc_head(pooled_part, xt, p)

# --- scband reference (transcript-rebuilt; emitter-appended) ---
"""Pipeline reference for scband-ginconv-net-68169720922993 (READ-ONLY COPY).

The authoritative reference and input builder live on the scoring server;
editing this copy changes nothing except your own understanding.
"""

import jax, jax.numpy as jnp
import numpy as np

N = 50000
E = 800000
B = 512
L = 1500
V = 26


def setup_inputs(seed: int = 0) -> dict:
    key = jax.random.key(seed)
    ks = jax.random.split(key, 32)
    x = jax.random.normal(ks[0], (N, 78), dtype=jnp.float32)
    edge_index = jax.random.randint(ks[1], (2, E), 0, N, dtype=jnp.int32)
    batch = jnp.sort(jax.random.randint(ks[2], (N,), 0, B, dtype=jnp.int32))
    target = jax.random.randint(ks[3], (B, L), 0, V, dtype=jnp.int32)

    def w(k, shape, scale=0.05):
        return jax.random.normal(k, shape, dtype=jnp.float32) * scale

    p = {}
    ki = 4
    dims_in = [78, 32, 32, 32, 32]
    for i in range(5):
        p['W%da' % i] = w(ks[ki], (dims_in[i], 32)); ki += 1
        p['b%da' % i] = jnp.zeros((32,), jnp.float32)
        p['W%db' % i] = w(ks[ki], (32, 32)); ki += 1
        p['b%db' % i] = jnp.zeros((32,), jnp.float32)
        p['bn%d_g' % i] = jnp.ones((32,), jnp.float32)
        p['bn%d_b' % i] = jnp.zeros((32,), jnp.float32)
    p['fc1_xd_W'] = w(ks[ki], (32, 128)); ki += 1
    p['fc1_xd_b'] = jnp.zeros((128,), jnp.float32)
    p['emb'] = w(ks[ki], (V, 128), 1.0); ki += 1
    p['conv_W'] = w(ks[ki], (32, 1500, 8)); ki += 1
    p['conv_b'] = jnp.zeros((32,), jnp.float32)
    p['fc1_xt_W'] = w(ks[ki], (32 * 121, 128)); ki += 1
    p['fc1_xt_b'] = jnp.zeros((128,), jnp.float32)
    p['fc1_W'] = w(ks[ki], (256, 1024)); ki += 1
    p['fc1_b'] = jnp.zeros((1024,), jnp.float32)
    p['fc2_W'] = w(ks[ki], (1024, 256)); ki += 1
    p['fc2_b'] = jnp.zeros((256,), jnp.float32)
    p['out_W'] = w(ks[ki], (256, 1)); ki += 1
    p['out_b'] = jnp.zeros((1,), jnp.float32)
    return {'x': x, 'edge_index': edge_index, 'batch': batch, 'target': target, 'params': p}


def reference(x, edge_index, batch, target, params):
    p = params
    src = edge_index[0]
    dst = edge_index[1]
    h = x
    for i in range(5):
        # GINConv (eps=0): mlp((1+eps)*x + sum_{j in N(i)} x_j)
        agg = jax.ops.segment_sum(h[src], dst, num_segments=h.shape[0])
        m = h + agg
        m = jnp.maximum(m @ p['W%da' % i] + p['b%da' % i], 0.0) @ p['W%db' % i] + p['b%db' % i]
        m = jnp.maximum(m, 0.0)  # F.relu after conv
        # BatchNorm1d in eval mode (running_mean=0, running_var=1)
        h = m / jnp.sqrt(1.0 + 1e-5) * p['bn%d_g' % i] + p['bn%d_b' % i]
    pooled = jax.ops.segment_sum(h, batch, num_segments=B)  # global_add_pool
    xd = jnp.maximum(pooled @ p['fc1_xd_W'] + p['fc1_xd_b'], 0.0)
    # dropout is identity in eval mode
    emb = jnp.take(p['emb'], target, axis=0)  # [B, 1500, 128]
    conv = jax.lax.conv_general_dilated(emb, p['conv_W'], (1,), 'VALID',
                                        dimension_numbers=('NCH', 'OIH', 'NCH'))
    conv = conv + p['conv_b'][None, :, None]  # [B, 32, 121]
    xt = conv.reshape(-1, 32 * 121) @ p['fc1_xt_W'] + p['fc1_xt_b']
    xc = jnp.concatenate([xd, xt], axis=1)  # [B, 256]
    xc = jnp.maximum(xc @ p['fc1_W'] + p['fc1_b'], 0.0)
    xc = jnp.maximum(xc @ p['fc2_W'] + p['fc2_b'], 0.0)
    out = xc @ p['out_W'] + p['out_b']
    return out

if __name__ == "__main__":
    import jax
    _d = setup_inputs()
    print(jax.jit(kernel)(*tuple(_d.values())))

</pallas_src>

<mosaic_0001>
#map = affine_map<(d0, d1) -> (0, 0)>
#map1 = affine_map<(d0, d1) -> (0, 0, 0, 0)>
#map2 = affine_map<(d0, d1) -> (0, 0, 0)>
module attributes {stable_mosaic.version = 14 : i64} {
  func.func @body(%arg0: i32, %arg1: i32, %arg2: memref<50000x32xf32, #tpu.memory_space<hbm>>, %arg3: memref<32x25x8x128xi32, #tpu.memory_space<hbm>>, %arg4: memref<32x25x8x128xi32, #tpu.memory_space<hbm>>, %arg5: memref<3128x32xf32, #tpu.memory_space<hbm>>, %arg6: memref<2x50048x32xf32, #tpu.memory_space<hbm>>, %arg7: memref<3x8x128xi32, #tpu.memory_space<vmem>>, %arg8: memref<3x8x128xi32, #tpu.memory_space<vmem>>, %arg9: memref<4x128x32xf32, #tpu.memory_space<vmem>>, %arg10: memref<50048x32xf32, #tpu.memory_space<vmem_shared>>, %arg11: memref<!tpu.dma_semaphore, #tpu.memory_space<semaphore_mem>>, %arg12: memref<!tpu.dma_semaphore, #tpu.memory_space<semaphore_mem>>, %arg13: memref<!tpu.dma_semaphore, #tpu.memory_space<semaphore_mem>>) attributes {dimension_semantics = [#tpu.dimension_semantics<core_parallel>, #tpu.dimension_semantics<subcore_parallel>], iteration_bounds = array<i64: 2, 16>, scalar_prefetch = 0 : i64, scratch_operands = 7 : i64, tpu.core_type = #tpu.core_type<sc_vector_subcore>, window_params = [{transform_indices = #map}, {transform_indices = #map1}, {transform_indices = #map1}, {transform_indices = #map}, {transform_indices = #map2}]} {
    %mul3A = arith.constant 16 : i32
    %mul3A_0 = arith.muli %arg0, %mul3A : i32
    %add3A = arith.addi %mul3A_0, %arg1 : i32
    %mul3A_1 = arith.constant 3128 : i32
    %mul3A_2 = arith.muli %arg1, %mul3A_1 : i32
    "tpu.region"() ({
      %run_scoped3A = tpu.sem_alloc : memref<!tpu.dma_semaphore, #tpu.memory_space<semaphore_mem>>
      %dma_start3A_207 = arith.constant 0 : i32
      %dma_start3A_208 = tpu.memref_slice %arg10[%mul3A_2, %dma_start3A_207] : memref<50048x32xf32, #tpu.memory_space<vmem_shared>> -> memref<3128x32xf32, #tpu.memory_space<vmem_shared>>
      tpu.enqueue_dma source(%arg5 : memref<3128x32xf32, #tpu.memory_space<hbm>>) target(%dma_start3A_208 : memref<3128x32xf32, #tpu.memory_space<vmem_shared>>) target_semaphore(%run_scoped3A : memref<!tpu.dma_semaphore, #tpu.memory_space<semaphore_mem>>)
      %dma_wait3A_209 = arith.constant 0 : i32
      %dma_wait3A_210 = tpu.memref_slice %arg10[%mul3A_2, %dma_wait3A_209] : memref<50048x32xf32, #tpu.memory_space<vmem_shared>> -> memref<3128x32xf32, #tpu.memory_space<vmem_shared>>
      tpu.wait_dma2 semaphore(%run_scoped3A : memref<!tpu.dma_semaphore, #tpu.memory_space<semaphore_mem>>) src(%arg5 : memref<3128x32xf32, #tpu.memory_space<hbm>>) dst(%dma_wait3A_210 : memref<3128x32xf32, #tpu.memory_space<vmem_shared>>)
      tpu.yield
    }) : () -> ()
    %dma_start3A = arith.constant 0 : i32
    %dma_start3A_3 = arith.constant 0 : i32
    %dma_start3A_4 = arith.constant 0 : i32
    %dma_start3A_5 = arith.constant 0 : i32
    %dma_start3A_6 = tpu.memref_slice %arg7[%dma_start3A_3, %dma_start3A_4, %dma_start3A_5] : memref<3x8x128xi32, #tpu.memory_space<vmem>> -> memref<1x8x128xi32, #tpu.memory_space<vmem>>
    %dma_start3A_7 = tpu.memref_squeeze %dma_start3A_6 : memref<1x8x128xi32, #tpu.memory_space<vmem>> -> memref<8x128xi32, #tpu.memory_space<vmem>>
    %dma_start3A_8 = arith.constant 0 : i32
    %dma_start3A_9 = arith.constant 0 : i32
    %dma_start3A_10 = tpu.memref_slice %arg3[%add3A, %dma_start3A, %dma_start3A_8, %dma_start3A_9] : memref<32x25x8x128xi32, #tpu.memory_space<hbm>> -> memref<1x1x8x128xi32, #tpu.memory_space<hbm>>
    %dma_start3A_11 = tpu.memref_squeeze %dma_start3A_10 : memref<1x1x8x128xi32, #tpu.memory_space<hbm>> -> memref<8x128xi32, #tpu.memory_space<hbm>>
    %dma_start3A_12 = arith.constant 0 : i32
    %dma_start3A_13 = arith.constant 0 : i32
    %dma_start3A_14 = tpu.memref_slice %arg7[%dma_start3A_3, %dma_start3A_12, %dma_start3A_13] : memref<3x8x128xi32, #tpu.memory_space<vmem>> -> memref<1x8x128xi32, #tpu.memory_space<vmem>>
    %dma_start3A_15 = tpu.memref_squeeze %dma_start3A_14 : memref<1x8x128xi32, #tpu.memory_space<vmem>> -> memref<8x128xi32, #tpu.memory_space<vmem>>
    %dma_start3A_16 = arith.constant 0 : i32
    %dma_start3A_17 = arith.constant 0 : i32
    %dma_start3A_18 = tpu.memref_slice %arg3[%add3A, %dma_start3A, %dma_start3A_16, %dma_start3A_17] : memref<32x25x8x128xi32, #tpu.memory_space<hbm>> -> memref<1x1x8x128xi32, #tpu.memory_space<hbm>>
    %dma_start3A_19 = tpu.memref_squeeze %dma_start3A_18 : memref<1x1x8x128xi32, #tpu.memory_space<hbm>> -> memref<8x128xi32, #tpu.memory_space<hbm>>
    tpu.enqueue_dma source(%dma_start3A_19 : memref<8x128xi32, #tpu.memory_space<hbm>>) target(%dma_start3A_15 : memref<8x128xi32, #tpu.memory_space<vmem>>) target_semaphore(%arg11 : memref<!tpu.dma_semaphore, #tpu.memory_space<semaphore_mem>>)
    %dma_wait3A = arith.constant 0 : i32
    %dma_wait3A_20 = arith.constant 0 : i32
    %dma_wait3A_21 = arith.constant 0 : i32
    %dma_wait3A_22 = arith.constant 0 : i32
    %dma_wait3A_23 = tpu.memref_slice %arg7[%dma_wait3A_20, %dma_wait3A_21, %dma_wait3A_22] : memref<3x8x128xi32, #tpu.memory_space<vmem>> -> memref<1x8x128xi32, #tpu.memory_space<vmem>>
    %dma_wait3A_24 = tpu.memref_squeeze %dma_wait3A_23 : memref<1x8x128xi32, #tpu.memory_space<vmem>> -> memref<8x128xi32, #tpu.memory_space<vmem>>
    %dma_wait3A_25 = arith.constant 0 : i32
    %dma_wait3A_26 = arith.constant 0 : i32
    %dma_wait3A_27 = tpu.memref_slice %arg3[%add3A, %dma_wait3A, %dma_wait3A_25, %dma_wait3A_26] : memref<32x25x8x128xi32, #tpu.memory_space<hbm>> -> memref<1x1x8x128xi32, #tpu.memory_space<hbm>>
    %dma_wait3A_28 = tpu.memref_squeeze %dma_wait3A_27 : memref<1x1x8x128xi32, #tpu.memory_space<hbm>> -> memref<8x128xi32, #tpu.memory_space<hbm>>
    %dma_wait3A_29 = arith.constant 0 : i32
    %dma_wait3A_30 = arith.constant 0 : i32
    %dma_wait3A_31 = tpu.memref_slice %arg7[%dma_wait3A_20, %dma_wait3A_29, %dma_wait3A_30] : memref<3x8x128xi32, #tpu.memory_space<vmem>> -> memref<1x8x128xi32, #tpu.memory_space<vmem>>
    %dma_wait3A_32 = tpu.memref_squeeze %dma_wait3A_31 : memref<1x8x128xi32, #tpu.memory_space<vmem>> -> memref<8x128xi32, #tpu.memory_space<vmem>>
    %dma_wait3A_33 = arith.constant 0 : i32
    %dma_wait3A_34 = arith.constant 0 : i32
    %dma_wait3A_35 = tpu.memref_slice %arg3[%add3A, %dma_wait3A, %dma_wait3A_33, %dma_wait3A_34] : memref<32x25x8x128xi32, #tpu.memory_space<hbm>> -> memref<1x1x8x128xi32, #tpu.memory_space<hbm>>
    %dma_wait3A_36 = tpu.memref_squeeze %dma_wait3A_35 : memref<1x1x8x128xi32, #tpu.memory_space<hbm>> -> memref<8x128xi32, #tpu.memory_space<hbm>>
    tpu.wait_dma2 semaphore(%arg11 : memref<!tpu.dma_semaphore, #tpu.memory_space<semaphore_mem>>) src(%dma_wait3A_36 : memref<8x128xi32, #tpu.memory_space<hbm>>) dst(%dma_wait3A_32 : memref<8x128xi32, #tpu.memory_space<vmem>>)
    %dma_start3A_37 = arith.constant 0 : i32
    %dma_start3A_38 = arith.constant 0 : i32
    %dma_start3A_39 = arith.constant 0 : i32
    %dma_start3A_40 = arith.constant 0 : i32
    %dma_start3A_41 = tpu.memref_slice %arg8[%dma_start3A_38, %dma_start3A_39, %dma_start3A_40] : memref<3x8x128xi32, #tpu.memory_space<vmem>> -> memref<1x8x128xi32, #tpu.memory_space<vmem>>
    %dma_start3A_42 = tpu.memref_squeeze %dma_start3A_41 : memref<1x8x128xi32, #tpu.memory_space<vmem>> -> memref<8x128xi32, #tpu.memory_space<vmem>>
    %dma_start3A_43 = arith.constant 0 : i32
    %dma_start3A_44 = arith.constant 0 : i32
    %dma_start3A_45 = tpu.memref_slice %arg4[%add3A, %dma_start3A_37, %dma_start3A_43, %dma_start3A_44] : memref<32x25x8x128xi32, #tpu.memory_space<hbm>> -> memref<1x1x8x128xi32, #tpu.memory_space<hbm>>
    %dma_start3A_46 = tpu.memref_squeeze %dma_start3A_45 : memref<1x1x8x128xi32, #tpu.memory_space<hbm>> -> memref<8x128xi32, #tpu.memory_space<hbm>>
    %dma_start3A_47 = arith.constant 0 : i32
    %dma_start3A_48 = arith.constant 0 : i32
    %dma_start3A_49 = tpu.memref_slice %arg8[%dma_start3A_38, %dma_start3A_47, %dma_start3A_48] : memref<3x8x128xi32, #tpu.memory_space<vmem>> -> memref<1x8x128xi32, #tpu.memory_space<vmem>>
    %dma_start3A_50 = tpu.memref_squeeze %dma_start3A_49 : memref<1x8x128xi32, #tpu.memory_space<vmem>> -> memref<8x128xi32, #tpu.memory_space<vmem>>
    %dma_start3A_51 = arith.constant 0 : i32
    %dma_start3A_52 = arith.constant 0 : i32
    %dma_start3A_53 = tpu.memref_slice %arg4[%add3A, %dma_start3A_37, %dma_start3A_51, %dma_start3A_52] : memref<32x25x8x128xi32, #tpu.memory_space<hbm>> -> memref<1x1x8x128xi32, #tpu.memory_space<hbm>>
    %dma_start3A_54 = tpu.memref_squeeze %dma_start3A_53 : memref<1x1x8x128xi32, #tpu.memory_space<hbm>> -> memref<8x128xi32, #tpu.memory_space<hbm>>
    tpu.enqueue_dma source(%dma_start3A_54 : memref<8x128xi32, #tpu.memory_space<hbm>>) target(%dma_start3A_50 : memref<8x128xi32, #tpu.memory_space<vmem>>) target_semaphore(%arg11 : memref<!tpu.dma_semaphore, #tpu.memory_space<semaphore_mem>>)
    %dma_wait3A_55 = arith.constant 0 : i32
    %dma_wait3A_56 = arith.constant 0 : i32
    %dma_wait3A_57 = arith.constant 0 : i32
    %dma_wait3A_58 = arith.constant 0 : i32
    %dma_wait3A_59 = tpu.memref_slice %arg8[%dma_wait3A_56, %dma_wait3A_57, %dma_wait3A_58] : memref<3x8x128xi32, #tpu.memory_space<vmem>> -> memref<1x8x128xi32, #tpu.memory_space<vmem>>
    %dma_wait3A_60 = tpu.memref_squeeze %dma_wait3A_59 : memref<1x8x128xi32, #tpu.memory_space<vmem>> -> memref<8x128xi32, #tpu.memory_space<vmem>>
    %dma_wait3A_61 = arith.constant 0 : i32
    %dma_wait3A_62 = arith.constant 0 : i32
    %dma_wait3A_63 = tpu.memref_slice %arg4[%add3A, %dma_wait3A_55, %dma_wait3A_61, %dma_wait3A_62] : memref<32x25x8x128xi32, #tpu.memory_space<hbm>> -> memref<1x1x8x128xi32, #tpu.memory_space<hbm>>
    %dma_wait3A_64 = tpu.memref_squeeze %dma_wait3A_63 : memref<1x1x8x128xi32, #tpu.memory_space<hbm>> -> memref<8x128xi32, #tpu.memory_space<hbm>>
    %dma_wait3A_65 = arith.constant 0 : i32
    %dma_wait3A_66 = arith.constant 0 : i32
    %dma_wait3A_67 = tpu.memref_slice %arg8[%dma_wait3A_56, %dma_wait3A_65, %dma_wait3A_66] : memref<3x8x128xi32, #tpu.memory_space<vmem>> -> memref<1x8x128xi32, #tpu.memory_space<vmem>>
    %dma_wait3A_68 = tpu.memref_squeeze %dma_wait3A_67 : memref<1x8x128xi32, #tpu.memory_space<vmem>> -> memref<8x128xi32, #tpu.memory_space<vmem>>
    %dma_wait3A_69 = arith.constant 0 : i32
    %dma_wait3A_70 = arith.constant 0 : i32
    %dma_wait3A_71 = tpu.memref_slice %arg4[%add3A, %dma_wait3A_55, %dma_wait3A_69, %dma_wait3A_70] : memref<32x25x8x128xi32, #tpu.memory_space<hbm>> -> memref<1x1x8x128xi32, #tpu.memory_space<hbm>>
    %dma_wait3A_72 = tpu.memref_squeeze %dma_wait3A_71 : memref<1x1x8x128xi32, #tpu.memory_space<hbm>> -> memref<8x128xi32, #tpu.memory_space<hbm>>
    tpu.wait_dma2 semaphore(%arg11 : memref<!tpu.dma_semaphore, #tpu.memory_space<semaphore_mem>>) src(%dma_wait3A_72 : memref<8x128xi32, #tpu.memory_space<hbm>>) dst(%dma_wait3A_68 : memref<8x128xi32, #tpu.memory_space<vmem>>)
    %dma_start3A_73 = arith.constant 0 : i32
    %dma_start3A_74 = arith.constant 0 : i32
    %dma_start3A_75 = arith.constant 0 : i32
    %dma_start3A_76 = arith.constant 0 : i32
    %dma_start3A_77 = arith.constant 0 : i32
    %dma_start3A_78 = tpu.memref_slice %arg9[%dma_start3A_75, %dma_start3A_76, %dma_start3A_77] : memref<4x128x32xf32, #tpu.memory_space<vmem>> -> memref<1x128x32xf32, #tpu.memory_space<vmem>>
    %dma_start3A_79 = tpu.memref_squeeze %dma_start3A_78 : memref<1x128x32xf32, #tpu.memory_space<vmem>> -> memref<128x32xf32, #tpu.memory_space<vmem>>
    %dma_start3A_80 = arith.constant 0 : i32
    %dma_start3A_81 = tpu.memref_slice %arg7[%dma_start3A_73, %dma_start3A_74, %dma_start3A_80] : memref<3x8x128xi32, #tpu.memory_space<vmem>> -> memref<1x1x128xi32, #tpu.memory_space<vmem>>
    %dma_start3A_82 = tpu.memref_squeeze %dma_start3A_81 : memref<1x1x128xi32, #tpu.memory_space<vmem>> -> memref<128xi32, #tpu.memory_space<vmem>>
    %dma_start3A_83 = arith.constant 0 : i32
    %dma_start3A_84 = arith.constant 0 : i32
    %dma_start3A_85 = tpu.memref_slice %arg2[%dma_start3A_83, %dma_start3A_84] : memref<50000x32xf32, #tpu.memory_space<hbm>> -> memref<50000x32xf32, #tpu.memory_space<hbm>>
    tpu.enqueue_indirect_dma source(%dma_start3A_85 : memref<50000x32xf32, #tpu.memory_space<hbm>>) target(%dma_start3A_79 : memref<128x32xf32, #tpu.memory_space<vmem>>) offsets(%dma_start3A_82 : memref<128xi32, #tpu.memory_space<vmem>>) semaphore(%arg12 : memref<!tpu.dma_semaphore, #tpu.memory_space<semaphore_mem>>)
    %dma_start3A_86 = arith.constant 0 : i32
    %dma_start3A_87 = arith.constant 1 : i32
    %dma_start3A_88 = arith.constant 1 : i32
    %dma_start3A_89 = arith.constant 0 : i32
    %dma_start3A_90 = arith.constant 0 : i32
    %dma_start3A_91 = tpu.memref_slice %arg9[%dma_start3A_88, %dma_start3A_89, %dma_start3A_90] : memref<4x128x32xf32, #tpu.memory_space<vmem>> -> memref<1x128x32xf32, #tpu.memory_space<vmem>>
    %dma_start3A_92 = tpu.memref_squeeze %dma_start3A_91 : memref<1x128x32xf32, #tpu.memory_space<vmem>> -> memref<128x32xf32, #tpu.memory_space<vmem>>
    %dma_start3A_93 = arith.constant 0 : i32
    %dma_start3A_94 = tpu.memref_slice %arg7[%dma_start3A_86, %dma_start3A_87, %dma_start3A_93] : memref<3x8x128xi32, #tpu.memory_space<vmem>> -> memref<1x1x128xi32, #tpu.memory_space<vmem>>
    %dma_start3A_95 = tpu.memref_squeeze %dma_start3A_94 : memref<1x1x128xi32, #tpu.memory_space<vmem>> -> memref<128xi32, #tpu.memory_space<vmem>>
    %dma_start3A_96 = arith.constant 0 : i32
    %dma_start3A_97 = arith.constant 0 : i32
    %dma_start3A_98 = tpu.memref_slice %arg2[%dma_start3A_96, %dma_start3A_97] : memref<50000x32xf32, #tpu.memory_space<hbm>> -> memref<50000x32xf32, #tpu.memory_space<hbm>>
    tpu.enqueue_indirect_dma source(%dma_start3A_98 : memref<50000x32xf32, #tpu.memory_space<hbm>>) target(%dma_start3A_92 : memref<128x32xf32, #tpu.memory_space<vmem>>) offsets(%dma_start3A_95 : memref<128xi32, #tpu.memory_space<vmem>>) semaphore(%arg12 : memref<!tpu.dma_semaphore, #tpu.memory_space<semaphore_mem>>)
    %dma_start3A_99 = arith.constant 1 : i32
    %dma_start3A_100 = arith.constant 1 : i32
    %dma_start3A_101 = arith.constant 0 : i32
    %dma_start3A_102 = arith.constant 0 : i32
    %dma_start3A_103 = tpu.memref_slice %arg7[%dma_start3A_100, %dma_start3A_101, %dma_start3A_102] : memref<3x8x128xi32, #tpu.memory_space<vmem>> -> memref<1x8x128xi32, #tpu.memory_space<vmem>>
    %dma_start3A_104 = tpu.memref_squeeze %dma_start3A_103 : memref<1x8x128xi32, #tpu.memory_space<vmem>> -> memref<8x128xi32, #tpu.memory_space<vmem>>
    %dma_start3A_105 = arith.constant 0 : i32
    %dma_start3A_106 = arith.constant 0 : i32
    %dma_start3A_107 = tpu.memref_slice %arg3[%add3A, %dma_start3A_99, %dma_start3A_105, %dma_start3A_106] : memref<32x25x8x128xi32, #tpu.memory_space<hbm>> -> memref<1x1x8x128xi32, #tpu.memory_space<hbm>>
    %dma_start3A_108 = tpu.memref_squeeze %dma_start3A_107 : memref<1x1x8x128xi32, #tpu.memory_space<hbm>> -> memref<8x128xi32, #tpu.memory_space<hbm>>
    %dma_start3A_109 = arith.constant 0 : i32
    %dma_start3A_110 = arith.constant 0 : i32
    %dma_start3A_111 = tpu.memref_slice %arg7[%dma_start3A_100, %dma_start3A_109, %dma_start3A_110] : memref<3x8x128xi32, #tpu.memory_space<vmem>> -> memref<1x8x128xi32, #tpu.memory_space<vmem>>
    %dma_start3A_112 = tpu.memref_squeeze %dma_start3A_111 : memref<1x8x128xi32, #tpu.memory_space<vmem>> -> memref<8x128xi32, #tpu.memory_space<vmem>>
    %dma_start3A_113 = arith.constant 0 : i32
    %dma_start3A_114 = arith.constant 0 : i32
    %dma_start3A_115 = tpu.memref_slice %arg3[%add3A, %dma_start3A_99, %dma_start3A_113, %dma_start3A_114] : memref<32x25x8x128xi32, #tpu.memory_space<hbm>> -> memref<1x1x8x128xi32, #tpu.memory_space<hbm>>
    %dma_start3A_116 = tpu.memref_squeeze %dma_start3A_115 : memref<1x1x8x128xi32, #tpu.memory_space<hbm>> -> memref<8x128xi32, #tpu.memory_space<hbm>>
    tpu.enqueue_dma source(%dma_start3A_116 : memref<8x128xi32, #tpu.memory_space<hbm>>) target(%dma_start3A_112 : memref<8x128xi32, #tpu.memory_space<vmem>>) target_semaphore(%arg11 : memref<!tpu.dma_semaphore, #tpu.memory_space<semaphore_mem>>)
    %dma_start3A_117 = arith.constant 1 : i32
    %dma_start3A_118 = arith.constant 1 : i32
    %dma_start3A_119 = arith.constant 0 : i32
    %dma_start3A_120 = arith.constant 0 : i32
    %dma_start3A_121 = tpu.memref_slice %arg8[%dma_start3A_118, %dma_start3A_119, %dma_start3A_120] : memref<3x8x128xi32, #tpu.memory_space<vmem>> -> memref<1x8x128xi32, #tpu.memory_space<vmem>>
    %dma_start3A_122 = tpu.memref_squeeze %dma_start3A_121 : memref<1x8x128xi32, #tpu.memory_space<vmem>> -> memref<8x128xi32, #tpu.memory_space<vmem>>
    %dma_start3A_123 = arith.constant 0 : i32
    %dma_start3A_124 = arith.constant 0 : i32
    %dma_start3A_125 = tpu.memref_slice %arg4[%add3A, %dma_start3A_117, %dma_start3A_123, %dma_start3A_124] : memref<32x25x8x128xi32, #tpu.memory_space<hbm>> -> memref<1x1x8x128xi32, #tpu.memory_space<hbm>>
    %dma_start3A_126 = tpu.memref_squeeze %dma_start3A_125 : memref<1x1x8x128xi32, #tpu.memory_space<hbm>> -> memref<8x128xi32, #tpu.memory_space<hbm>>
    %dma_start3A_127 = arith.constant 0 : i32
    %dma_start3A_128 = arith.constant 0 : i32
    %dma_start3A_129 = tpu.memref_slice %arg8[%dma_start3A_118, %dma_start3A_127, %dma_start3A_128] : memref<3x8x128xi32, #tpu.memory_space<vmem>> -> memref<1x8x128xi32, #tpu.memory_space<vmem>>
    %dma_start3A_130 = tpu.memref_squeeze %dma_start3A_129 : memref<1x8x128xi32, #tpu.memory_space<vmem>> -> memref<8x128xi32, #tpu.memory_space<vmem>>
    %dma_start3A_131 = arith.constant 0 : i32
    %dma_start3A_132 = arith.constant 0 : i32
    %dma_start3A_133 = tpu.memref_slice %arg4[%add3A, %dma_start3A_117, %dma_start3A_131, %dma_start3A_132] : memref<32x25x8x128xi32, #tpu.memory_space<hbm>> -> memref<1x1x8x128xi32, #tpu.memory_space<hbm>>
    %dma_start3A_134 = tpu.memref_squeeze %dma_start3A_133 : memref<1x1x8x128xi32, #tpu.memory_space<hbm>> -> memref<8x128xi32, #tpu.memory_space<hbm>>
    tpu.enqueue_dma source(%dma_start3A_134 : memref<8x128xi32, #tpu.memory_space<hbm>>) target(%dma_start3A_130 : memref<8x128xi32, #tpu.memory_space<vmem>>) target_semaphore(%arg11 : memref<!tpu.dma_semaphore, #tpu.memory_space<semaphore_mem>>)
    %dma_start3A_135 = arith.constant 2 : i32
    %dma_start3A_136 = arith.constant 2 : i32
    %dma_start3A_137 = arith.constant 0 : i32
    %dma_start3A_138 = arith.constant 0 : i32
    %dma_start3A_139 = tpu.memref_slice %arg7[%dma_start3A_136, %dma_start3A_137, %dma_start3A_138] : memref<3x8x128xi32, #tpu.memory_space<vmem>> -> memref<1x8x128xi32, #tpu.memory_space<vmem>>
    %dma_start3A_140 = tpu.memref_squeeze %dma_start3A_139 : memref<1x8x128xi32, #tpu.memory_space<vmem>> -> memref<8x128xi32, #tpu.memory_space<vmem>>
    %dma_start3A_141 = arith.constant 0 : i32
    %dma_start3A_142 = arith.constant 0 : i32
    %dma_start3A_143 = tpu.memref_slice %arg3[%add3A, %dma_start3A_135, %dma_start3A_141, %dma_start3A_142] : memref<32x25x8x128xi32, #tpu.memory_space<hbm>> -> memref<1x1x8x128xi32, #tpu.memory_space<hbm>>
    %dma_start3A_144 = tpu.memref_squeeze %dma_start3A_143 : memref<1x1x8x128xi32, #tpu.memory_space<hbm>> -> memref<8x128xi32, #tpu.memory_space<hbm>>
    %dma_start3A_145 = arith.constant 0 : i32
    %dma_start3A_146 = arith.constant 0 : i32
    %dma_start3A_147 = tpu.memref_slice %arg7[%dma_start3A_136, %dma_start3A_145, %dma_start3A_146] : memref<3x8x128xi32, #tpu.memory_space<vmem>> -> memref<1x8x128xi32, #tpu.memory_space<vmem>>
    %dma_start3A_148 = tpu.memref_squeeze %dma_start3A_147 : memref<1x8x128xi32, #tpu.memory_space<vmem>> -> memref<8x128xi32, #tpu.memory_space<vmem>>
    %dma_start3A_149 = arith.constant 0 : i32
    %dma_start3A_150 = arith.constant 0 : i32
    %dma_start3A_151 = tpu.memref_slice %arg3[%add3A, %dma_start3A_135, %dma_start3A_149, %dma_start3A_150] : memref<32x25x8x128xi32, #tpu.memory_space<hbm>> -> memref<1x1x8x128xi32, #tpu.memory_space<hbm>>
    %dma_start3A_152 = tpu.memref_squeeze %dma_start3A_151 : memref<1x1x8x128xi32, #tpu.memory_space<hbm>> -> memref<8x128xi32, #tpu.memory_space<hbm>>
    tpu.enqueue_dma source(%dma_start3A_152 : memref<8x128xi32, #tpu.memory_space<hbm>>) target(%dma_start3A_148 : memref<8x128xi32, #tpu.memory_space<vmem>>) target_semaphore(%arg11 : memref<!tpu.dma_semaphore, #tpu.memory_space<semaphore_mem>>)
    %dma_start3A_153 = arith.constant 2 : i32
    %dma_start3A_154 = arith.constant 2 : i32
    %dma_start3A_155 = arith.constant 0 : i32
    %dma_start3A_156 = arith.constant 0 : i32
    %dma_start3A_157 = tpu.memref_slice %arg8[%dma_start3A_154, %dma_start3A_155, %dma_start3A_156] : memref<3x8x128xi32, #tpu.memory_space<vmem>> -> memref<1x8x128xi32, #tpu.memory_space<vmem>>
    %dma_start3A_158 = tpu.memref_squeeze %dma_start3A_157 : memref<1x8x128xi32, #tpu.memory_space<vmem>> -> memref<8x128xi32, #tpu.memory_space<vmem>>
    %dma_start3A_159 = arith.constant 0 : i32
    %dma_start3A_160 = arith.constant 0 : i32
    %dma_start3A_161 = tpu.memref_slice %arg4[%add3A, %dma_start3A_153, %dma_start3A_159, %dma_start3A_160] : memref<32x25x8x128xi32, #tpu.memory_space<hbm>> -> memref<1x1x8x128xi32, #tpu.memory_space<hbm>>
    %dma_start3A_162 = tpu.memref_squeeze %dma_start3A_161 : memref<1x1x8x128xi32, #tpu.memory_space<hbm>> -> memref<8x128xi32, #tpu.memory_space<hbm>>
    %dma_start3A_163 = arith.constant 0 : i32
    %dma_start3A_164 = arith.constant 0 : i32
    %dma_start3A_165 = tpu.memref_slice %arg8[%dma_start3A_154, %dma_start3A_163, %dma_start3A_164] : memref<3x8x128xi32, #tpu.memory_space<vmem>> -> memref<1x8x128xi32, #tpu.memory_space<vmem>>
    %dma_start3A_166 = tpu.memref_squeeze %dma_start3A_165 : memref<1x8x128xi32, #tpu.memory_space<vmem>> -> memref<8x128xi32, #tpu.memory_space<vmem>>
    %dma_start3A_167 = arith.constant 0 : i32
    %dma_start3A_168 = arith.constant 0 : i32
    %dma_start3A_169 = tpu.memref_slice %arg4[%add3A, %dma_start3A_153, %dma_start3A_167, %dma_start3A_168] : memref<32x25x8x128xi32, #tpu.memory_space<hbm>> -> memref<1x1x8x128xi32, #tpu.memory_space<hbm>>
    %dma_start3A_170 = tpu.memref_squeeze %dma_start3A_169 : memref<1x1x8x128xi32, #tpu.memory_space<hbm>> -> memref<8x128xi32, #tpu.memory_space<hbm>>
    tpu.enqueue_dma source(%dma_start3A_170 : memref<8x128xi32, #tpu.memory_space<hbm>>) target(%dma_start3A_166 : memref<8x128xi32, #tpu.memory_space<vmem>>) target_semaphore(%arg11 : memref<!tpu.dma_semaphore, #tpu.memory_space<semaphore_mem>>)
    %barrier3A = arith.constant 0 : index
    tpu.barrier barrier_id(%barrier3A)
    %scan3A = arith.constant 0 : i32
    %scan3A_171 = arith.constant 0 : i32
    %scan3A_172 = arith.constant 200 : i32
    %scan3A_173 = arith.addi %scan3A_171, %scan3A_172 : i32
    %scan3A_174 = arith.constant 1 : i32
    scf.for %scan3A_207 = %scan3A_171 to %scan3A_173 step %scan3A_174  : i32 {
      %jit3A = arith.constant 4 : i32
      %eq3A = arith.constant 0 : i32
      %eq3A_208 = arith.cmpi eq, %jit3A, %eq3A : i32
      %jit3A_209 = arith.constant 1 : i32
      %select_n3A = arith.select %eq3A_208, %jit3A_209, %jit3A : i32
      %rem3A = arith.remsi %scan3A_207, %select_n3A : i32
      %ne3A = arith.constant 0 : i32
      %ne3A_210 = arith.cmpi ne, %rem3A, %ne3A : i32
      %lt3A = arith.constant 0 : i32
      %lt3A_211 = arith.cmpi slt, %rem3A, %lt3A : i32
      %lt3A_212 = arith.constant 0 : i32
      %lt3A_213 = arith.cmpi slt, %select_n3A, %lt3A_212 : i32
      %ne3A_214 = arith.xori %lt3A_211, %lt3A_213 : i1
      %and3A = arith.andi %ne3A_214, %ne3A_210 : i1
      %add3A_215 = arith.addi %rem3A, %select_n3A : i32
      %select_n3A_216 = arith.select %and3A, %add3A_215, %rem3A : i32
      %jit3A_217 = arith.constant 8 : i32
      %div3A = arith.divsi %scan3A_207, %jit3A_217 : i32
      %sign3A = arith.constant 0 : i32
      %sign3A_218 = arith.cmpi sgt, %scan3A_207, %sign3A : i32
      %sign3A_219 = arith.extui %sign3A_218 : i1 to i32
      %sign3A_220 = arith.constant 0 : i32
      %sign3A_221 = arith.cmpi slt, %scan3A_207, %sign3A_220 : i32
      %sign3A_222 = arith.extui %sign3A_221 : i1 to i32
      %sign3A_223 = arith.subi %sign3A_219, %sign3A_222 : i32
      %sign3A_224 = arith.constant 0 : i32
      %sign3A_225 = arith.cmpi sgt, %jit3A_217, %sign3A_224 : i32
      %sign3A_226 = arith.extui %sign3A_225 : i1 to i32
      %sign3A_227 = arith.constant 0 : i32
      %sign3A_228 = arith.cmpi slt, %jit3A_217, %sign3A_227 : i32
      %sign3A_229 = arith.extui %sign3A_228 : i1 to i32
      %sign3A_230 = arith.subi %sign3A_226, %sign3A_229 : i32
      %ne3A_231 = arith.cmpi ne, %sign3A_223, %sign3A_230 : i32
      %rem3A_232 = arith.remsi %scan3A_207, %jit3A_217 : i32
      %ne3A_233 = arith.constant 0 : i32
      %ne3A_234 = arith.cmpi ne, %rem3A_232, %ne3A_233 : i32
      %and3A_235 = arith.andi %ne3A_231, %ne3A_234 : i1
      %sub3A = arith.constant 1 : i32
      %sub3A_236 = arith.subi %div3A, %sub3A : i32
      %select_n3A_237 = arith.select %and3A_235, %sub3A_236, %div3A : i32
      %jit3A_238 = arith.constant 3 : i32
      %eq3A_239 = arith.constant 0 : i32
      %eq3A_240 = arith.cmpi eq, %jit3A_238, %eq3A_239 : i32
      %jit3A_241 = arith.constant 1 : i32
      %select_n3A_242 = arith.select %eq3A_240, %jit3A_241, %jit3A_238 : i32
      %rem3A_243 = arith.remsi %select_n3A_237, %select_n3A_242 : i32
      %ne3A_244 = arith.constant 0 : i32
      %ne3A_245 = arith.cmpi ne, %rem3A_243, %ne3A_244 : i32
      %lt3A_246 = arith.constant 0 : i32
      %lt3A_247 = arith.cmpi slt, %rem3A_243, %lt3A_246 : i32
      %lt3A_248 = arith.constant 0 : i32
      %lt3A_249 = arith.cmpi slt, %select_n3A_242, %lt3A_248 : i32
      %ne3A_250 = arith.xori %lt3A_247, %lt3A_249 : i1
      %and3A_251 = arith.andi %ne3A_250, %ne3A_245 : i1
      %add3A_252 = arith.addi %rem3A_243, %select_n3A_242 : i32
      %select_n3A_253 = arith.select %and3A_251, %add3A_252, %rem3A_243 : i32
      %jit3A_254 = arith.constant 8 : i32
      %eq3A_255 = arith.constant 0 : i32
      %eq3A_256 = arith.cmpi eq, %jit3A_254, %eq3A_255 : i32
      %jit3A_257 = arith.constant 1 : i32
      %select_n3A_258 = arith.select %eq3A_256, %jit3A_257, %jit3A_254 : i32
      %rem3A_259 = arith.remsi %scan3A_207, %select_n3A_258 : i32
      %ne3A_260 = arith.constant 0 : i32
      %ne3A_261 = arith.cmpi ne, %rem3A_259, %ne3A_260 : i32
      %lt3A_262 = arith.constant 0 : i32
      %lt3A_263 = arith.cmpi slt, %rem3A_259, %lt3A_262 : i32
      %lt3A_264 = arith.constant 0 : i32
      %lt3A_265 = arith.cmpi slt, %select_n3A_258, %lt3A_264 : i32
      %ne3A_266 = arith.xori %lt3A_263, %lt3A_265 : i1
      %and3A_267 = arith.andi %ne3A_266, %ne3A_261 : i1
      %add3A_268 = arith.addi %rem3A_259, %select_n3A_258 : i32
      %select_n3A_269 = arith.select %and3A_267, %add3A_268, %rem3A_259 : i32
      %dma_wait3A_270 = arith.constant 0 : i32
      %dma_wait3A_271 = arith.constant 0 : i32
      %dma_wait3A_272 = tpu.memref_slice %arg9[%select_n3A_216, %dma_wait3A_270, %dma_wait3A_271] : memref<4x128x32xf32, #tpu.memory_space<vmem>> -> memref<1x128x32xf32, #tpu.memory_space<vmem>>
      %dma_wait3A_273 = tpu.memref_squeeze %dma_wait3A_272 : memref<1x128x32xf32, #tpu.memory_space<vmem>> -> memref<128x32xf32, #tpu.memory_space<vmem>>
      %dma_wait3A_274 = arith.constant 0 : i32
      %dma_wait3A_275 = tpu.memref_slice %arg7[%select_n3A_253, %select_n3A_269, %dma_wait3A_274] : memref<3x8x128xi32, #tpu.memory_space<vmem>> -> memref<1x1x128xi32, #tpu.memory_space<vmem>>
      %dma_wait3A_276 = tpu.memref_squeeze %dma_wait3A_275 : memref<1x1x128xi32, #tpu.memory_space<vmem>> -> memref<128xi32, #tpu.memory_space<vmem>>
      %dma_wait3A_277 = arith.constant 0 : i32
      %dma_wait3A_278 = arith.constant 0 : i32
      %dma_wait3A_279 = tpu.memref_slice %arg2[%dma_wait3A_277, %dma_wait3A_278] : memref<50000x32xf32, #tpu.memory_space<hbm>> -> memref<50000x32xf32, #tpu.memory_space<hbm>>
      tpu.wait_indirect_dma semaphore(%arg12 : memref<!tpu.dma_semaphore, #tpu.memory_space<semaphore_mem>>) src(%dma_wait3A_279 : memref<50000x32xf32, #tpu.memory_space<hbm>>) dst(%dma_wait3A_273 : memref<128x32xf32, #tpu.memory_space<vmem>>)
      %dma_start3A_280 = arith.constant 0 : i32
      %dma_start3A_281 = arith.constant 0 : i32
      %dma_start3A_282 = tpu.memref_slice %arg9[%select_n3A_216, %dma_start3A_280, %dma_start3A_281] : memref<4x128x32xf32, #tpu.memory_space<vmem>> -> memref<1x128x32xf32, #tpu.memory_space<vmem>>
      %dma_start3A_283 = tpu.memref_squeeze %dma_start3A_282 : memref<1x128x32xf32, #tpu.memory_space<vmem>> -> memref<128x32xf32, #tpu.memory_space<vmem>>
      %dma_start3A_284 = arith.constant 0 : i32
      %dma_start3A_285 = tpu.memref_slice %arg8[%select_n3A_253, %select_n3A_269, %dma_start3A_284] : memref<3x8x128xi32, #tpu.memory_space<vmem>> -> memref<1x1x128xi32, #tpu.memory_space<vmem>>
      %dma_start3A_286 = tpu.memref_squeeze %dma_start3A_285 : memref<1x1x128xi32, #tpu.memory_space<vmem>> -> memref<128xi32, #tpu.memory_space<vmem>>
      %dma_start3A_287 = arith.constant 0 : i32
      %dma_start3A_288 = arith.constant 0 : i32
      %dma_start3A_289 = tpu.memref_slice %arg10[%dma_start3A_287, %dma_start3A_288] : memref<50048x32xf32, #tpu.memory_space<vmem_shared>> -> memref<50048x32xf32, #tpu.memory_space<vmem_shared>>
      tpu.enqueue_indirect_dma source(%dma_start3A_283 : memref<128x32xf32, #tpu.memory_space<vmem>>) target(%dma_start3A_289 : memref<50048x32xf32, #tpu.memory_space<vmem_shared>>) offsets(%dma_start3A_286 : memref<128xi32, #tpu.memory_space<vmem>>) semaphore(%arg13 : memref<!tpu.dma_semaphore, #tpu.memory_space<semaphore_mem>>) {add = true}
      %ge3A = arith.constant 2 : i32
      %ge3A_290 = arith.cmpi sge, %scan3A_207, %ge3A : i32
      %convert_element_type3A = arith.extui %ge3A_290 : i1 to i32
      %cond3A = arith.constant 0 : i32
      %cond3A_291 = arith.cmpi ne, %convert_element_type3A, %cond3A : i32
      scf.if %cond3A_291 {
        %sub3A_323 = arith.constant 2 : i32
        %sub3A_324 = arith.subi %scan3A_207, %sub3A_323 : i32
        %jit3A_325 = arith.constant 4 : i32
        %eq3A_326 = arith.constant 0 : i32
        %eq3A_327 = arith.cmpi eq, %jit3A_325, %eq3A_326 : i32
        %jit3A_328 = arith.constant 1 : i32
        %select_n3A_329 = arith.select %eq3A_327, %jit3A_328, %jit3A_325 : i32
        %rem3A_330 = arith.remsi %sub3A_324, %select_n3A_329 : i32
        %ne3A_331 = arith.constant 0 : i32
        %ne3A_332 = arith.cmpi ne, %rem3A_330, %ne3A_331 : i32
        %lt3A_333 = arith.constant 0 : i32
        %lt3A_334 = arith.cmpi slt, %rem3A_330, %lt3A_333 : i32
        %lt3A_335 = arith.constant 0 : i32
        %lt3A_336 = arith.cmpi slt, %select_n3A_329, %lt3A_335 : i32
        %ne3A_337 = arith.xori %lt3A_334, %lt3A_336 : i1
        %and3A_338 = arith.andi %ne3A_337, %ne3A_332 : i1
        %add3A_339 = arith.addi %rem3A_330, %select_n3A_329 : i32
        %select_n3A_340 = arith.select %and3A_338, %add3A_339, %rem3A_330 : i32
        %jit3A_341 = arith.constant 8 : i32
        %div3A_342 = arith.divsi %sub3A_324, %jit3A_341 : i32
        %sign3A_343 = arith.constant 0 : i32
        %sign3A_344 = arith.cmpi sgt, %sub3A_324, %sign3A_343 : i32
        %sign3A_345 = arith.extui %sign3A_344 : i1 to i32
        %sign3A_346 = arith.constant 0 : i32
        %sign3A_347 = arith.cmpi slt, %sub3A_324, %sign3A_346 : i32
        %sign3A_348 = arith.extui %sign3A_347 : i1 to i32
        %sign3A_349 = arith.subi %sign3A_345, %sign3A_348 : i32
        %sign3A_350 = arith.constant 0 : i32
        %sign3A_351 = arith.cmpi sgt, %jit3A_341, %sign3A_350 : i32
        %sign3A_352 = arith.extui %sign3A_351 : i1 to i32
        %sign3A_353 = arith.constant 0 : i32
        %sign3A_354 = arith.cmpi slt, %jit3A_341, %sign3A_353 : i32
        %sign3A_355 = arith.extui %sign3A_354 : i1 to i32
        %sign3A_356 = arith.subi %sign3A_352, %sign3A_355 : i32
        %ne3A_357 = arith.cmpi ne, %sign3A_349, %sign3A_356 : i32
        %rem3A_358 = arith.remsi %sub3A_324, %jit3A_341 : i32
        %ne3A_359 = arith.constant 0 : i32
        %ne3A_360 = arith.cmpi ne, %rem3A_358, %ne3A_359 : i32
        %and3A_361 = arith.andi %ne3A_357, %ne3A_360 : i1
        %sub3A_362 = arith.constant 1 : i32
        %sub3A_363 = arith.subi %div3A_342, %sub3A_362 : i32
        %select_n3A_364 = arith.select %and3A_361, %sub3A_363, %div3A_342 : i32
        %jit3A_365 = arith.constant 3 : i32
        %eq3A_366 = arith.constant 0 : i32
        %eq3A_367 = arith.cmpi eq, %jit3A_365, %eq3A_366 : i32
        %jit3A_368 = arith.constant 1 : i32
        %select_n3A_369 = arith.select %eq3A_367, %jit3A_368, %jit3A_365 : i32
        %rem3A_370 = arith.remsi %select_n3A_364, %select_n3A_369 : i32
        %ne3A_371 = arith.constant 0 : i32
        %ne3A_372 = arith.cmpi ne, %rem3A_370, %ne3A_371 : i32
        %lt3A_373 = arith.constant 0 : i32
        %lt3A_374 = arith.cmpi slt, %rem3A_370, %lt3A_373 : i32
        %lt3A_375 = arith.constant 0 : i32
        %lt3A_376 = arith.cmpi slt, %select_n3A_369, %lt3A_375 : i32
        %ne3A_377 = arith.xori %lt3A_374, %lt3A_376 : i1
        %and3A_378 = arith.andi %ne3A_377, %ne3A_372 : i1
        %add3A_379 = arith.addi %rem3A_370, %select_n3A_369 : i32
        %select_n3A_380 = arith.select %and3A_378, %add3A_379, %rem3A_370 : i32
        %jit3A_381 = arith.constant 8 : i32
        %eq3A_382 = arith.constant 0 : i32
        %eq3A_383 = arith.cmpi eq, %jit3A_381, %eq3A_382 : i32
        %jit3A_384 = arith.constant 1 : i32
        %select_n3A_385 = arith.select %eq3A_383, %jit3A_384, %jit3A_381 : i32
        %rem3A_386 = arith.remsi %sub3A_324, %select_n3A_385 : i32
        %ne3A_387 = arith.constant 0 : i32
        %ne3A_388 = arith.cmpi ne, %rem3A_386, %ne3A_387 : i32
        %lt3A_389 = arith.constant 0 : i32
        %lt3A_390 = arith.cmpi slt, %rem3A_386, %lt3A_389 : i32
        %lt3A_391 = arith.constant 0 : i32
        %lt3A_392 = arith.cmpi slt, %select_n3A_385, %lt3A_391 : i32
        %ne3A_393 = arith.xori %lt3A_390, %lt3A_392 : i1
        %and3A_394 = arith.andi %ne3A_393, %ne3A_388 : i1
        %add3A_395 = arith.addi %rem3A_386, %select_n3A_385 : i32
        %select_n3A_396 = arith.select %and3A_394, %add3A_395, %rem3A_386 : i32
        %dma_wait3A_397 = arith.constant 0 : i32
        %dma_wait3A_398 = arith.constant 0 : i32
        %dma_wait3A_399 = tpu.memref_slice %arg9[%select_n3A_340, %dma_wait3A_397, %dma_wait3A_398] : memref<4x128x32xf32, #tpu.memory_space<vmem>> -> memref<1x128x32xf32, #tpu.memory_space<vmem>>
        %dma_wait3A_400 = tpu.memref_squeeze %dma_wait3A_399 : memref<1x128x32xf32, #tpu.memory_space<vmem>> -> memref<128x32xf32, #tpu.memory_space<vmem>>
        %dma_wait3A_401 = arith.constant 0 : i32
        %dma_wait3A_402 = tpu.memref_slice %arg8[%select_n3A_380, %select_n3A_396, %dma_wait3A_401] : memref<3x8x128xi32, #tpu.memory_space<vmem>> -> memref<1x1x128xi32, #tpu.memory_space<vmem>>
        %dma_wait3A_403 = tpu.memref_squeeze %dma_wait3A_402 : memref<1x1x128xi32, #tpu.memory_space<vmem>> -> memref<128xi32, #tpu.memory_space<vmem>>
        %dma_wait3A_404 = arith.constant 0 : i32
        %dma_wait3A_405 = arith.constant 0 : i32
        %dma_wait3A_406 = tpu.memref_slice %arg10[%dma_wait3A_404, %dma_wait3A_405] : memref<50048x32xf32, #tpu.memory_space<vmem_shared>> -> memref<50048x32xf32, #tpu.memory_space<vmem_shared>>
        tpu.wait_indirect_dma semaphore(%arg13 : memref<!tpu.dma_semaphore, #tpu.memory_space<semaphore_mem>>) src(%dma_wait3A_400 : memref<128x32xf32, #tpu.memory_space<vmem>>) dst(%dma_wait3A_406 : memref<50048x32xf32, #tpu.memory_space<vmem_shared>>)
      } else {
      }
      %le3A = arith.constant 197 : i32
      %le3A_292 = arith.cmpi sle, %scan3A_207, %le3A : i32
      %convert_element_type3A_293 = arith.extui %le3A_292 : i1 to i32
      %cond3A_294 = arith.constant 0 : i32
      %cond3A_295 = arith.cmpi ne, %convert_element_type3A_293, %cond3A_294 : i32
      scf.if %cond3A_295 {
        %add3A_323 = arith.constant 2 : i32
        %add3A_324 = arith.addi %scan3A_207, %add3A_323 : i32
        %jit3A_325 = arith.constant 4 : i32
        %eq3A_326 = arith.constant 0 : i32
        %eq3A_327 = arith.cmpi eq, %jit3A_325, %eq3A_326 : i32
        %jit3A_328 = arith.constant 1 : i32
        %select_n3A_329 = arith.select %eq3A_327, %jit3A_328, %jit3A_325 : i32
        %rem3A_330 = arith.remsi %add3A_324, %select_n3A_329 : i32
        %ne3A_331 = arith.constant 0 : i32
        %ne3A_332 = arith.cmpi ne, %rem3A_330, %ne3A_331 : i32
        %lt3A_333 = arith.constant 0 : i32
        %lt3A_334 = arith.cmpi slt, %rem3A_330, %lt3A_333 : i32
        %lt3A_335 = arith.constant 0 : i32
        %lt3A_336 = arith.cmpi slt, %select_n3A_329, %lt3A_335 : i32
        %ne3A_337 = arith.xori %lt3A_334, %lt3A_336 : i1
        %and3A_338 = arith.andi %ne3A_337, %ne3A_332 : i1
        %add3A_339 = arith.addi %rem3A_330, %select_n3A_329 : i32
        %select_n3A_340 = arith.select %and3A_338, %add3A_339, %rem3A_330 : i32
        %jit3A_341 = arith.constant 8 : i32
        %div3A_342 = arith.divsi %add3A_324, %jit3A_341 : i32
        %sign3A_343 = arith.constant 0 : i32
        %sign3A_344 = arith.cmpi sgt, %add3A_324, %sign3A_343 : i32
        %sign3A_345 = arith.extui %sign3A_344 : i1 to i32
        %sign3A_346 = arith.constant 0 : i32
        %sign3A_347 = arith.cmpi slt, %add3A_324, %sign3A_346 : i32
        %sign3A_348 = arith.extui %sign3A_347 : i1 to i32
        %sign3A_349 = arith.subi %sign3A_345, %sign3A_348 : i32
        %sign3A_350 = arith.constant 0 : i32
        %sign3A_351 = arith.cmpi sgt, %jit3A_341, %sign3A_350 : i32
        %sign3A_352 = arith.extui %sign3A_351 : i1 to i32
        %sign3A_353 = arith.constant 0 : i32
        %sign3A_354 = arith.cmpi slt, %jit3A_341, %sign3A_353 : i32
        %sign3A_355 = arith.extui %sign3A_354 : i1 to i32
        %sign3A_356 = arith.subi %sign3A_352, %sign3A_355 : i32
        %ne3A_357 = arith.cmpi ne, %sign3A_349, %sign3A_356 : i32
        %rem3A_358 = arith.remsi %add3A_324, %jit3A_341 : i32
        %ne3A_359 = arith.constant 0 : i32
        %ne3A_360 = arith.cmpi ne, %rem3A_358, %ne3A_359 : i32
        %and3A_361 = arith.andi %ne3A_357, %ne3A_360 : i1
        %sub3A_362 = arith.constant 1 : i32
        %sub3A_363 = arith.subi %div3A_342, %sub3A_362 : i32
        %select_n3A_364 = arith.select %and3A_361, %sub3A_363, %div3A_342 : i32
        %jit3A_365 = arith.constant 3 : i32
        %eq3A_366 = arith.constant 0 : i32
        %eq3A_367 = arith.cmpi eq, %jit3A_365, %eq3A_366 : i32
        %jit3A_368 = arith.constant 1 : i32
        %select_n3A_369 = arith.select %eq3A_367, %jit3A_368, %jit3A_365 : i32
        %rem3A_370 = arith.remsi %select_n3A_364, %select_n3A_369 : i32
        %ne3A_371 = arith.constant 0 : i32
        %ne3A_372 = arith.cmpi ne, %rem3A_370, %ne3A_371 : i32
        %lt3A_373 = arith.constant 0 : i32
        %lt3A_374 = arith.cmpi slt, %rem3A_370, %lt3A_373 : i32
        %lt3A_375 = arith.constant 0 : i32
        %lt3A_376 = arith.cmpi slt, %select_n3A_369, %lt3A_375 : i32
        %ne3A_377 = arith.xori %lt3A_374, %lt3A_376 : i1
        %and3A_378 = arith.andi %ne3A_377, %ne3A_372 : i1
        %add3A_379 = arith.addi %rem3A_370, %select_n3A_369 : i32
        %select_n3A_380 = arith.select %and3A_378, %add3A_379, %rem3A_370 : i32
        %jit3A_381 = arith.constant 8 : i32
        %eq3A_382 = arith.constant 0 : i32
        %eq3A_383 = arith.cmpi eq, %jit3A_381, %eq3A_382 : i32
        %jit3A_384 = arith.constant 1 : i32
        %select_n3A_385 = arith.select %eq3A_383, %jit3A_384, %jit3A_381 : i32
        %rem3A_386 = arith.remsi %add3A_324, %select_n3A_385 : i32
        %ne3A_387 = arith.constant 0 : i32
        %ne3A_388 = arith.cmpi ne, %rem3A_386, %ne3A_387 : i32
        %lt3A_389 = arith.constant 0 : i32
        %lt3A_390 = arith.cmpi slt, %rem3A_386, %lt3A_389 : i32
        %lt3A_391 = arith.constant 0 : i32
        %lt3A_392 = arith.cmpi slt, %select_n3A_385, %lt3A_391 : i32
        %ne3A_393 = arith.xori %lt3A_390, %lt3A_392 : i1
        %and3A_394 = arith.andi %ne3A_393, %ne3A_388 : i1
        %add3A_395 = arith.addi %rem3A_386, %select_n3A_385 : i32
        %select_n3A_396 = arith.select %and3A_394, %add3A_395, %rem3A_386 : i32
        %eq3A_397 = arith.constant 0 : i32
        %eq3A_398 = arith.cmpi eq, %select_n3A_396, %eq3A_397 : i32
        %convert_element_type3A_399 = arith.extui %eq3A_398 : i1 to i32
        %cond3A_400 = arith.constant 0 : i32
        %cond3A_401 = arith.cmpi ne, %convert_element_type3A_399, %cond3A_400 : i32
        scf.if %cond3A_401 {
          %add3A_412 = arith.constant 2 : i32
          %add3A_413 = arith.addi %scan3A_207, %add3A_412 : i32
          %jit3A_414 = arith.constant 8 : i32
          %div3A_415 = arith.divsi %add3A_413, %jit3A_414 : i32
          %sign3A_416 = arith.constant 0 : i32
          %sign3A_417 = arith.cmpi sgt, %add3A_413, %sign3A_416 : i32
          %sign3A_418 = arith.extui %sign3A_417 : i1 to i32
          %sign3A_419 = arith.constant 0 : i32
          %sign3A_420 = arith.cmpi slt, %add3A_413, %sign3A_419 : i32
          %sign3A_421 = arith.extui %sign3A_420 : i1 to i32
          %sign3A_422 = arith.subi %sign3A_418, %sign3A_421 : i32
          %sign3A_423 = arith.constant 0 : i32
          %sign3A_424 = arith.cmpi sgt, %jit3A_414, %sign3A_423 : i32
          %sign3A_425 = arith.extui %sign3A_424 : i1 to i32
          %sign3A_426 = arith.constant 0 : i32
          %sign3A_427 = arith.cmpi slt, %jit3A_414, %sign3A_426 : i32
          %sign3A_428 = arith.extui %sign3A_427 : i1 to i32
          %sign3A_429 = arith.subi %sign3A_425, %sign3A_428 : i32
          %ne3A_430 = arith.cmpi ne, %sign3A_422, %sign3A_429 : i32
          %rem3A_431 = arith.remsi %add3A_413, %jit3A_414 : i32
          %ne3A_432 = arith.constant 0 : i32
          %ne3A_433 = arith.cmpi ne, %rem3A_431, %ne3A_432 : i32
          %and3A_434 = arith.andi %ne3A_430, %ne3A_433 : i1
          %sub3A_435 = arith.constant 1 : i32
          %sub3A_436 = arith.subi %div3A_415, %sub3A_435 : i32
          %select_n3A_437 = arith.select %and3A_434, %sub3A_436, %div3A_415 : i32
          %dma_wait3A_438 = arith.constant 0 : i32
          %dma_wait3A_439 = arith.constant 0 : i32
          %dma_wait3A_440 = tpu.memref_slice %arg7[%select_n3A_380, %dma_wait3A_438, %dma_wait3A_439] : memref<3x8x128xi32, #tpu.memory_space<vmem>> -> memref<1x8x128xi32, #tpu.memory_space<vmem>>
          %dma_wait3A_441 = tpu.memref_squeeze %dma_wait3A_440 : memref<1x8x128xi32, #tpu.memory_space<vmem>> -> memref<8x128xi32, #tpu.memory_space<vmem>>
          %dma_wait3A_442 = arith.constant 0 : i32
          %dma_wait3A_443 = arith.constant 0 : i32
          %dma_wait3A_444 = tpu.memref_slice %arg3[%add3A, %select_n3A_437, %dma_wait3A_442, %dma_wait3A_443] : memref<32x25x8x128xi32, #tpu.memory_space<hbm>> -> memref<1x1x8x128xi32, #tpu.memory_space<hbm>>
          %dma_wait3A_445 = tpu.memref_squeeze %dma_wait3A_444 : memref<1x1x8x128xi32, #tpu.memory_space<hbm>> -> memref<8x128xi32, #tpu.memory_space<hbm>>
          %dma_wait3A_446 = arith.constant 0 : i32
          %dma_wait3A_447 = arith.constant 0 : i32
          %dma_wait3A_448 = tpu.memref_slice %arg7[%select_n3A_380, %dma_wait3A_446, %dma_wait3A_447] : memref<3x8x128xi32, #tpu.memory_space<vmem>> -> memref<1x8x128xi32, #tpu.memory_space<vmem>>
          %dma_wait3A_449 = tpu.memref_squeeze %dma_wait3A_448 : memref<1x8x128xi32, #tpu.memory_space<vmem>> -> memref<8x128xi32, #tpu.memory_space<vmem>>
          %dma_wait3A_450 = arith.constant 0 : i32
          %dma_wait3A_451 = arith.constant 0 : i32
          %dma_wait3A_452 = tpu.memref_slice %arg3[%add3A, %select_n3A_437, %dma_wait3A_450, %dma_wait3A_451] : memref<32x25x8x128xi32, #tpu.memory_space<hbm>> -> memref<1x1x8x128xi32, #tpu.memory_space<hbm>>
          %dma_wait3A_453 = tpu.memref_squeeze %dma_wait3A_452 : memref<1x1x8x128xi32, #tpu.memory_space<hbm>> -> memref<8x128xi32, #tpu.memory_space<hbm>>
          tpu.wait_dma2 semaphore(%arg11 : memref<!tpu.dma_semaphore, #tpu.memory_space<semaphore_mem>>) src(%dma_wait3A_453 : memref<8x128xi32, #tpu.memory_space<hbm>>) dst(%dma_wait3A_449 : memref<8x128xi32, #tpu.memory_space<vmem>>)
          %dma_wait3A_454 = arith.constant 0 : i32
          %dma_wait3A_455 = arith.constant 0 : i32
          %dma_wait3A_456 = tpu.memref_slice %arg8[%select_n3A_380, %dma_wait3A_454, %dma_wait3A_455] : memref<3x8x128xi32, #tpu.memory_space<vmem>> -> memref<1x8x128xi32, #tpu.memory_space<vmem>>
          %dma_wait3A_457 = tpu.memref_squeeze %dma_wait3A_456 : memref<1x8x128xi32, #tpu.memory_space<vmem>> -> memref<8x128xi32, #tpu.memory_space<vmem>>
          %dma_wait3A_458 = arith.constant 0 : i32
          %dma_wait3A_459 = arith.constant 0 : i32
          %dma_wait3A_460 = tpu.memref_slice %arg4[%add3A, %select_n3A_437, %dma_wait3A_458, %dma_wait3A_459] : memref<32x25x8x128xi32, #tpu.memory_space<hbm>> -> memref<1x1x8x128xi32, #tpu.memory_space<hbm>>
          %dma_wait3A_461 = tpu.memref_squeeze %dma_wait3A_460 : memref<1x1x8x128xi32, #tpu.memory_space<hbm>> -> memref<8x128xi32, #tpu.memory_space<hbm>>
          %dma_wait3A_462 = arith.constant 0 : i32
          %dma_wait3A_463 = arith.constant 0 : i32
          %dma_wait3A_464 = tpu.memref_slice %arg8[%select_n3A_380, %dma_wait3A_462, %dma_wait3A_463] : memref<3x8x128xi32, #tpu.memory_space<vmem>> -> memref<1x8x128xi32, #tpu.memory_space<vmem>>
          %dma_wait3A_465 = tpu.memref_squeeze %dma_wait3A_464 : memref<1x8x128xi32, #tpu.memory_space<vmem>> -> memref<8x128xi32, #tpu.memory_space<vmem>>
          %dma_wait3A_466 = arith.constant 0 : i32
          %dma_wait3A_467 = arith.constant 0 : i32
          %dma_wait3A_468 = tpu.memref_slice %arg4[%add3A, %select_n3A_437, %dma_wait3A_466, %dma_wait3A_467] : memref<32x25x8x128xi32, #tpu.memory_space<hbm>> -> memref<1x1x8x128xi32, #tpu.memory_space<hbm>>
          %dma_wait3A_469 = tpu.memref_squeeze %dma_wait3A_468 : memref<1x1x8x128xi32, #tpu.memory_space<hbm>> -> memref<8x128xi32, #tpu.memory_space<hbm>>
          tpu.wait_dma2 semaphore(%arg11 : memref<!tpu.dma_semaphore, #tpu.memory_space<semaphore_mem>>) src(%dma_wait3A_469 : memref<8x128xi32, #tpu.memory_space<hbm>>) dst(%dma_wait3A_465 : memref<8x128xi32, #tpu.memory_space<vmem>>)
        } else {
        }
        %dma_start3A_402 = arith.constant 0 : i32
        %dma_start3A_403 = arith.constant 0 : i32
        %dma_start3A_404 = tpu.memref_slice %arg9[%select_n3A_340, %dma_start3A_402, %dma_start3A_403] : memref<4x128x32xf32, #tpu.memory_space<vmem>> -> memref<1x128x32xf32, #tpu.memory_space<vmem>>
        %dma_start3A_405 = tpu.memref_squeeze %dma_start3A_404 : memref<1x128x32xf32, #tpu.memory_space<vmem>> -> memref<128x32xf32, #tpu.memory_space<vmem>>
        %dma_start3A_406 = arith.constant 0 : i32
        %dma_start3A_407 = tpu.memref_slice %arg7[%select_n3A_380, %select_n3A_396, %dma_start3A_406] : memref<3x8x128xi32, #tpu.memory_space<vmem>> -> memref<1x1x128xi32, #tpu.memory_space<vmem>>
        %dma_start3A_408 = tpu.memref_squeeze %dma_start3A_407 : memref<1x1x128xi32, #tpu.memory_space<vmem>> -> memref<128xi32, #tpu.memory_space<vmem>>
        %dma_start3A_409 = arith.constant 0 : i32
        %dma_start3A_410 = arith.constant 0 : i32
        %dma_start3A_411 = tpu.memref_slice %arg2[%dma_start3A_409, %dma_start3A_410] : memref<50000x32xf32, #tpu.memory_space<hbm>> -> memref<50000x32xf32, #tpu.memory_space<hbm>>
        tpu.enqueue_indirect_dma source(%dma_start3A_411 : memref<50000x32xf32, #tpu.memory_space<hbm>>) target(%dma_start3A_405 : memref<128x32xf32, #tpu.memory_space<vmem>>) offsets(%dma_start3A_408 : memref<128xi32, #tpu.memory_space<vmem>>) semaphore(%arg12 : memref<!tpu.dma_semaphore, #tpu.memory_space<semaphore_mem>>)
      } else {
      }
      %jit3A_296 = arith.constant 8 : i32
      %eq3A_297 = arith.constant 0 : i32
      %eq3A_298 = arith.cmpi eq, %jit3A_296, %eq3A_297 : i32
      %jit3A_299 = arith.constant 1 : i32
      %select_n3A_300 = arith.select %eq3A_298, %jit3A_299, %jit3A_296 : i32
      %rem3A_301 = arith.remsi %scan3A_207, %select_n3A_300 : i32
      %ne3A_302 = arith.constant 0 : i32
      %ne3A_303 = arith.cmpi ne, %rem3A_301, %ne3A_302 : i32
      %lt3A_304 = arith.constant 0 : i32
      %lt3A_305 = arith.cmpi slt, %rem3A_301, %lt3A_304 : i32
      %lt3A_306 = arith.constant 0 : i32
      %lt3A_307 = arith.cmpi slt, %select_n3A_300, %lt3A_306 : i32
      %ne3A_308 = arith.xori %lt3A_305, %lt3A_307 : i1
      %and3A_309 = arith.andi %ne3A_308, %ne3A_303 : i1
      %add3A_310 = arith.addi %rem3A_301, %select_n3A_300 : i32
      %select_n3A_311 = arith.select %and3A_309, %add3A_310, %rem3A_301 : i32
      %eq3A_312 = arith.constant 2 : i32
      %eq3A_313 = arith.cmpi eq, %select_n3A_311, %eq3A_312 : i32
      %ge3A_314 = arith.constant 10 : i32
      %ge3A_315 = arith.cmpi sge, %scan3A_207, %ge3A_314 : i32
      %and3A_316 = arith.andi %eq3A_313, %ge3A_315 : i1
      %le3A_317 = arith.constant 178 : i32
      %le3A_318 = arith.cmpi sle, %scan3A_207, %le3A_317 : i32
      %and3A_319 = arith.andi %and3A_316, %le3A_318 : i1
      %convert_element_type3A_320 = arith.extui %and3A_319 : i1 to i32
      %cond3A_321 = arith.constant 0 : i32
      %cond3A_322 = arith.cmpi ne, %convert_element_type3A_320, %cond3A_321 : i32
      scf.if %cond3A_322 {
        %jit3A_323 = arith.constant 8 : i32
        %div3A_324 = arith.divsi %scan3A_207, %jit3A_323 : i32
        %sign3A_325 = arith.constant 0 : i32
        %sign3A_326 = arith.cmpi sgt, %scan3A_207, %sign3A_325 : i32
        %sign3A_327 = arith.extui %sign3A_326 : i1 to i32
        %sign3A_328 = arith.constant 0 : i32
        %sign3A_329 = arith.cmpi slt, %scan3A_207, %sign3A_328 : i32
        %sign3A_330 = arith.extui %sign3A_329 : i1 to i32
        %sign3A_331 = arith.subi %sign3A_327, %sign3A_330 : i32
        %sign3A_332 = arith.constant 0 : i32
        %sign3A_333 = arith.cmpi sgt, %jit3A_323, %sign3A_332 : i32
        %sign3A_334 = arith.extui %sign3A_333 : i1 to i32
        %sign3A_335 = arith.constant 0 : i32
        %sign3A_336 = arith.cmpi slt, %jit3A_323, %sign3A_335 : i32
        %sign3A_337 = arith.extui %sign3A_336 : i1 to i32
        %sign3A_338 = arith.subi %sign3A_334, %sign3A_337 : i32
        %ne3A_339 = arith.cmpi ne, %sign3A_331, %sign3A_338 : i32
        %rem3A_340 = arith.remsi %scan3A_207, %jit3A_323 : i32
        %ne3A_341 = arith.constant 0 : i32
        %ne3A_342 = arith.cmpi ne, %rem3A_340, %ne3A_341 : i32
        %and3A_343 = arith.andi %ne3A_339, %ne3A_342 : i1
        %sub3A_344 = arith.constant 1 : i32
        %sub3A_345 = arith.subi %div3A_324, %sub3A_344 : i32
        %select_n3A_346 = arith.select %and3A_343, %sub3A_345, %div3A_324 : i32
        %add3A_347 = arith.constant 2 : i32
        %add3A_348 = arith.addi %select_n3A_346, %add3A_347 : i32
        %jit3A_349 = arith.constant 3 : i32
        %eq3A_350 = arith.constant 0 : i32
        %eq3A_351 = arith.cmpi eq, %jit3A_349, %eq3A_350 : i32
        %jit3A_352 = arith.constant 1 : i32
        %select_n3A_353 = arith.select %eq3A_351, %jit3A_352, %jit3A_349 : i32
        %rem3A_354 = arith.remsi %add3A_348, %select_n3A_353 : i32
        %ne3A_355 = arith.constant 0 : i32
        %ne3A_356 = arith.cmpi ne, %rem3A_354, %ne3A_355 : i32
        %lt3A_357 = arith.constant 0 : i32
        %lt3A_358 = arith.cmpi slt, %rem3A_354, %lt3A_357 : i32
        %lt3A_359 = arith.constant 0 : i32
        %lt3A_360 = arith.cmpi slt, %select_n3A_353, %lt3A_359 : i32
        %ne3A_361 = arith.xori %lt3A_358, %lt3A_360 : i1
        %and3A_362 = arith.andi %ne3A_361, %ne3A_356 : i1
        %add3A_363 = arith.addi %rem3A_354, %select_n3A_353 : i32
        %select_n3A_364 = arith.select %and3A_362, %add3A_363, %rem3A_354 : i32
        %dma_start3A_365 = arith.constant 0 : i32
        %dma_start3A_366 = arith.constant 0 : i32
        %dma_start3A_367 = tpu.memref_slice %arg7[%select_n3A_364, %dma_start3A_365, %dma_start3A_366] : memref<3x8x128xi32, #tpu.memory_space<vmem>> -> memref<1x8x128xi32, #tpu.memory_space<vmem>>
        %dma_start3A_368 = tpu.memref_squeeze %dma_start3A_367 : memref<1x8x128xi32, #tpu.memory_space<vmem>> -> memref<8x128xi32, #tpu.memory_space<vmem>>
        %dma_start3A_369 = arith.constant 0 : i32
        %dma_start3A_370 = arith.constant 0 : i32
        %dma_start3A_371 = tpu.memref_slice %arg3[%add3A, %add3A_348, %dma_start3A_369, %dma_start3A_370] : memref<32x25x8x128xi32, #tpu.memory_space<hbm>> -> memref<1x1x8x128xi32, #tpu.memory_space<hbm>>
        %dma_start3A_372 = tpu.memref_squeeze %dma_start3A_371 : memref<1x1x8x128xi32, #tpu.memory_space<hbm>> -> memref<8x128xi32, #tpu.memory_space<hbm>>
        %dma_start3A_373 = arith.constant 0 : i32
        %dma_start3A_374 = arith.constant 0 : i32
        %dma_start3A_375 = tpu.memref_slice %arg7[%select_n3A_364, %dma_start3A_373, %dma_start3A_374] : memref<3x8x128xi32, #tpu.memory_space<vmem>> -> memref<1x8x128xi32, #tpu.memory_space<vmem>>
        %dma_start3A_376 = tpu.memref_squeeze %dma_start3A_375 : memref<1x8x128xi32, #tpu.memory_space<vmem>> -> memref<8x128xi32, #tpu.memory_space<vmem>>
        %dma_start3A_377 = arith.constant 0 : i32
        %dma_start3A_378 = arith.constant 0 : i32
        %dma_start3A_379 = tpu.memref_slice %arg3[%add3A, %add3A_348, %dma_start3A_377, %dma_start3A_378] : memref<32x25x8x128xi32, #tpu.memory_space<hbm>> -> memref<1x1x8x128xi32, #tpu.memory_space<hbm>>
        %dma_start3A_380 = tpu.memref_squeeze %dma_start3A_379 : memref<1x1x8x128xi32, #tpu.memory_space<hbm>> -> memref<8x128xi32, #tpu.memory_space<hbm>>
        tpu.enqueue_dma source(%dma_start3A_380 : memref<8x128xi32, #tpu.memory_space<hbm>>) target(%dma_start3A_376 : memref<8x128xi32, #tpu.memory_space<vmem>>) target_semaphore(%arg11 : memref<!tpu.dma_semaphore, #tpu.memory_space<semaphore_mem>>)
        %dma_start3A_381 = arith.constant 0 : i32
        %dma_start3A_382 = arith.constant 0 : i32
        %dma_start3A_383 = tpu.memref_slice %arg8[%select_n3A_364, %dma_start3A_381, %dma_start3A_382] : memref<3x8x128xi32, #tpu.memory_space<vmem>> -> memref<1x8x128xi32, #tpu.memory_space<vmem>>
        %dma_start3A_384 = tpu.memref_squeeze %dma_start3A_383 : memref<1x8x128xi32, #tpu.memory_space<vmem>> -> memref<8x128xi32, #tpu.memory_space<vmem>>
        %dma_start3A_385 = arith.constant 0 : i32
        %dma_start3A_386 = arith.constant 0 : i32
        %dma_start3A_387 = tpu.memref_slice %arg4[%add3A, %add3A_348, %dma_start3A_385, %dma_start3A_386] : memref<32x25x8x128xi32, #tpu.memory_space<hbm>> -> memref<1x1x8x128xi32, #tpu.memory_space<hbm>>
        %dma_start3A_388 = tpu.memref_squeeze %dma_start3A_387 : memref<1x1x8x128xi32, #tpu.memory_space<hbm>> -> memref<8x128xi32, #tpu.memory_space<hbm>>
        %dma_start3A_389 = arith.constant 0 : i32
        %dma_start3A_390 = arith.constant 0 : i32
        %dma_start3A_391 = tpu.memref_slice %arg8[%select_n3A_364, %dma_start3A_389, %dma_start3A_390] : memref<3x8x128xi32, #tpu.memory_space<vmem>> -> memref<1x8x128xi32, #tpu.memory_space<vmem>>
        %dma_start3A_392 = tpu.memref_squeeze %dma_start3A_391 : memref<1x8x128xi32, #tpu.memory_space<vmem>> -> memref<8x128xi32, #tpu.memory_space<vmem>>
        %dma_start3A_393 = arith.constant 0 : i32
        %dma_start3A_394 = arith.constant 0 : i32
        %dma_start3A_395 = tpu.memref_slice %arg4[%add3A, %add3A_348, %dma_start3A_393, %dma_start3A_394] : memref<32x25x8x128xi32, #tpu.memory_space<hbm>> -> memref<1x1x8x128xi32, #tpu.memory_space<hbm>>
        %dma_start3A_396 = tpu.memref_squeeze %dma_start3A_395 : memref<1x1x8x128xi32, #tpu.memory_space<hbm>> -> memref<8x128xi32, #tpu.memory_space<hbm>>
        tpu.enqueue_dma source(%dma_start3A_396 : memref<8x128xi32, #tpu.memory_space<hbm>>) target(%dma_start3A_392 : memref<8x128xi32, #tpu.memory_space<vmem>>) target_semaphore(%arg11 : memref<!tpu.dma_semaphore, #tpu.memory_space<semaphore_mem>>)
      } else {
      }
    }
    %scan3A_175 = arith.constant 200 : i32
    %dma_wait3A_176 = arith.constant 2 : i32
    %dma_wait3A_177 = arith.constant 0 : i32
    %dma_wait3A_178 = arith.constant 6 : i32
    %dma_wait3A_179 = arith.constant 0 : i32
    %dma_wait3A_180 = arith.constant 0 : i32
    %dma_wait3A_181 = tpu.memref_slice %arg9[%dma_wait3A_176, %dma_wait3A_179, %dma_wait3A_180] : memref<4x128x32xf32, #tpu.memory_space<vmem>> -> memref<1x128x32xf32, #tpu.memory_space<vmem>>
    %dma_wait3A_182 = tpu.memref_squeeze %dma_wait3A_181 : memref<1x128x32xf32, #tpu.memory_space<vmem>> -> memref<128x32xf32, #tpu.memory_space<vmem>>
    %dma_wait3A_183 = arith.constant 0 : i32
    %dma_wait3A_184 = tpu.memref_slice %arg8[%dma_wait3A_177, %dma_wait3A_178, %dma_wait3A_183] : memref<3x8x128xi32, #tpu.memory_space<vmem>> -> memref<1x1x128xi32, #tpu.memory_space<vmem>>
    %dma_wait3A_185 = tpu.memref_squeeze %dma_wait3A_184 : memref<1x1x128xi32, #tpu.memory_space<vmem>> -> memref<128xi32, #tpu.memory_space<vmem>>
    %dma_wait3A_186 = arith.constant 0 : i32
    %dma_wait3A_187 = arith.constant 0 : i32
    %dma_wait3A_188 = tpu.memref_slice %arg10[%dma_wait3A_186, %dma_wait3A_187] : memref<50048x32xf32, #tpu.memory_space<vmem_shared>> -> memref<50048x32xf32, #tpu.memory_space<vmem_shared>>
    tpu.wait_indirect_dma semaphore(%arg13 : memref<!tpu.dma_semaphore, #tpu.memory_space<semaphore_mem>>) src(%dma_wait3A_182 : memref<128x32xf32, #tpu.memory_space<vmem>>) dst(%dma_wait3A_188 : memref<50048x32xf32, #tpu.memory_space<vmem_shared>>)
    %dma_wait3A_189 = arith.constant 3 : i32
    %dma_wait3A_190 = arith.constant 0 : i32
    %dma_wait3A_191 = arith.constant 7 : i32
    %dma_wait3A_192 = arith.constant 0 : i32
    %dma_wait3A_193 = arith.constant 0 : i32
    %dma_wait3A_194 = tpu.memref_slice %arg9[%dma_wait3A_189, %dma_wait3A_192, %dma_wait3A_193] : memref<4x128x32xf32, #tpu.memory_space<vmem>> -> memref<1x128x32xf32, #tpu.memory_space<vmem>>
    %dma_wait3A_195 = tpu.memref_squeeze %dma_wait3A_194 : memref<1x128x32xf32, #tpu.memory_space<vmem>> -> memref<128x32xf32, #tpu.memory_space<vmem>>
    %dma_wait3A_196 = arith.constant 0 : i32
    %dma_wait3A_197 = tpu.memref_slice %arg8[%dma_wait3A_190, %dma_wait3A_191, %dma_wait3A_196] : memref<3x8x128xi32, #tpu.memory_space<vmem>> -> memref<1x1x128xi32, #tpu.memory_space<vmem>>
    %dma_wait3A_198 = tpu.memref_squeeze %dma_wait3A_197 : memref<1x1x128xi32, #tpu.memory_space<vmem>> -> memref<128xi32, #tpu.memory_space<vmem>>
    %dma_wait3A_199 = arith.constant 0 : i32
    %dma_wait3A_200 = arith.constant 0 : i32
    %dma_wait3A_201 = tpu.memref_slice %arg10[%dma_wait3A_199, %dma_wait3A_200] : memref<50048x32xf32, #tpu.memory_space<vmem_shared>> -> memref<50048x32xf32, #tpu.memory_space<vmem_shared>>
    tpu.wait_indirect_dma semaphore(%arg13 : memref<!tpu.dma_semaphore, #tpu.memory_space<semaphore_mem>>) src(%dma_wait3A_195 : memref<128x32xf32, #tpu.memory_space<vmem>>) dst(%dma_wait3A_201 : memref<50048x32xf32, #tpu.memory_space<vmem_shared>>)
    %barrier3A_202 = arith.constant 0 : index
    tpu.barrier barrier_id(%barrier3A_202)
    %mul3A_203 = arith.constant 3128 : i32
    %mul3A_204 = arith.muli %arg1, %mul3A_203 : i32
    %mul3A_205 = arith.constant 3128 : i32
    %mul3A_206 = arith.muli %arg1, %mul3A_205 : i32
    "tpu.region"() ({
      %run_scoped3A = tpu.sem_alloc : memref<!tpu.dma_semaphore, #tpu.memory_space<semaphore_mem>>
      %dma_start3A_207 = arith.constant 0 : i32
      %dma_start3A_208 = tpu.memref_slice %arg6[%arg0, %mul3A_206, %dma_start3A_207] : memref<2x50048x32xf32, #tpu.memory_space<hbm>> -> memref<1x3128x32xf32, #tpu.memory_space<hbm>>
      %dma_start3A_209 = tpu.memref_squeeze %dma_start3A_208 : memref<1x3128x32xf32, #tpu.memory_space<hbm>> -> memref<3128x32xf32, #tpu.memory_space<hbm>>
      %dma_start3A_210 = arith.constant 0 : i32
      %dma_start3A_211 = tpu.memref_slice %arg10[%mul3A_204, %dma_start3A_210] : memref<50048x32xf32, #tpu.memory_space<vmem_shared>> -> memref<3128x32xf32, #tpu.memory_space<vmem_shared>>
      tpu.enqueue_dma source(%dma_start3A_211 : memref<3128x32xf32, #tpu.memory_space<vmem_shared>>) target(%dma_start3A_209 : memref<3128x32xf32, #tpu.memory_space<hbm>>) target_semaphore(%run_scoped3A : memref<!tpu.dma_semaphore, #tpu.memory_space<semaphore_mem>>)
      %dma_wait3A_212 = arith.constant 0 : i32
      %dma_wait3A_213 = tpu.memref_slice %arg6[%arg0, %mul3A_206, %dma_wait3A_212] : memref<2x50048x32xf32, #tpu.memory_space<hbm>> -> memref<1x3128x32xf32, #tpu.memory_space<hbm>>
      %dma_wait3A_214 = tpu.memref_squeeze %dma_wait3A_213 : memref<1x3128x32xf32, #tpu.memory_space<hbm>> -> memref<3128x32xf32, #tpu.memory_space<hbm>>
      %dma_wait3A_215 = arith.constant 0 : i32
      %dma_wait3A_216 = tpu.memref_slice %arg10[%mul3A_204, %dma_wait3A_215] : memref<50048x32xf32, #tpu.memory_space<vmem_shared>> -> memref<3128x32xf32, #tpu.memory_space<vmem_shared>>
      tpu.wait_dma2 semaphore(%run_scoped3A : memref<!tpu.dma_semaphore, #tpu.memory_space<semaphore_mem>>) src(%dma_wait3A_216 : memref<3128x32xf32, #tpu.memory_space<vmem_shared>>) dst(%dma_wait3A_214 : memref<3128x32xf32, #tpu.memory_space<hbm>>)
      tpu.yield
    }) : () -> ()
    return
  }
}

#map = affine_map<(d0, d1) -> (0, 0)>
#map1 = affine_map<(d0, d1) -> (0, 0, 0, 0)>
#map2 = affine_map<(d0, d1) -> (0, 0, 0)>
module attributes {stable_mosaic.version = 14 : i64} {
  func.func @body(%arg0: i32, %arg1: i32, %arg2: memref<50000x32xf32, #tpu.memory_space<hbm>>, %arg3: memref<32x25x8x128xi32, #tpu.memory_space<hbm>>, %arg4: memref<32x25x8x128xi32, #tpu.memory_space<hbm>>, %arg5: memref<3128x32xf32, #tpu.memory_space<hbm>>, %arg6: memref<2x50048x32xf32, #tpu.memory_space<hbm>>, %arg7: memref<3x8x128xi32, #tpu.memory_space<vmem>>, %arg8: memref<3x8x128xi32, #tpu.memory_space<vmem>>, %arg9: memref<4x128x32xf32, #tpu.memory_space<vmem>>, %arg10: memref<50048x32xf32, #tpu.memory_space<vmem_shared>>, %arg11: memref<!tpu.dma_semaphore, #tpu.memory_space<semaphore_mem>>, %arg12: memref<!tpu.dma_semaphore, #tpu.memory_space<semaphore_mem>>, %arg13: memref<!tpu.dma_semaphore, #tpu.memory_space<semaphore_mem>>) attributes {dimension_semantics = [#tpu.dimension_semantics<core_parallel>, #tpu.dimension_semantics<subcore_parallel>], iteration_bounds = array<i64: 2, 16>, scalar_prefetch = 0 : i64, scratch_operands = 7 : i64, tpu.core_type = #tpu.core_type<sc_vector_subcore>, window_params = [{transform_indices = #map}, {transform_indices = #map1}, {transform_indices = #map1}, {transform_indices = #map}, {transform_indices = #map2}]} {
    %mul3A = arith.constant 16 : i32
    %mul3A_0 = arith.muli %arg0, %mul3A : i32
    %add3A = arith.addi %mul3A_0, %arg1 : i32
    %mul3A_1 = arith.constant 3128 : i32
    %mul3A_2 = arith.muli %arg1, %mul3A_1 : i32
    "tpu.region"() ({
      %run_scoped3A = tpu.sem_alloc : memref<!tpu.dma_semaphore, #tpu.memory_space<semaphore_mem>>
      %dma_start3A_207 = arith.constant 0 : i32
      %dma_start3A_208 = tpu.memref_slice %arg10[%mul3A_2, %dma_start3A_207] : memref<50048x32xf32, #tpu.memory_space<vmem_shared>> -> memref<3128x32xf32, #tpu.memory_space<vmem_shared>>
      tpu.enqueue_dma source(%arg5 : memref<3128x32xf32, #tpu.memory_space<hbm>>) target(%dma_start3A_208 : memref<3128x32xf32, #tpu.memory_space<vmem_shared>>) target_semaphore(%run_scoped3A : memref<!tpu.dma_semaphore, #tpu.memory_space<semaphore_mem>>)
      %dma_wait3A_209 = arith.constant 0 : i32
      %dma_wait3A_210 = tpu.memref_slice %arg10[%mul3A_2, %dma_wait3A_209] : memref<50048x32xf32, #tpu.memory_space<vmem_shared>> -> memref<3128x32xf32, #tpu.memory_space<vmem_shared>>
      tpu.wait_dma2 semaphore(%run_scoped3A : memref<!tpu.dma_semaphore, #tpu.memory_space<semaphore_mem>>) src(%arg5 : memref<3128x32xf32, #tpu.memory_space<hbm>>) dst(%dma_wait3A_210 : memref<3128x32xf32, #tpu.memory_space<vmem_shared>>)
      tpu.yield
    }) : () -> ()
    %dma_start3A = arith.constant 0 : i32
    %dma_start3A_3 = arith.constant 0 : i32
    %dma_start3A_4 = arith.constant 0 : i32
    %dma_start3A_5 = arith.constant 0 : i32
    %dma_start3A_6 = tpu.memref_slice %arg7[%dma_start3A_3, %dma_start3A_4, %dma_start3A_5] : memref<3x8x128xi32, #tpu.memory_space<vmem>> -> memref<1x8x128xi32, #tpu.memory_space<vmem>>
    %dma_start3A_7 = tpu.memref_squeeze %dma_start3A_6 : memref<1x8x128xi32, #tpu.memory_space<vmem>> -> memref<8x128xi32, #tpu.memory_space<vmem>>
    %dma_start3A_8 = arith.constant 0 : i32
    %dma_start3A_9 = arith.constant 0 : i32
    %dma_start3A_10 = tpu.memref_slice %arg3[%add3A, %dma_start3A, %dma_start3A_8, %dma_start3A_9] : memref<32x25x8x128xi32, #tpu.memory_space<hbm>> -> memref<1x1x8x128xi32, #tpu.memory_space<hbm>>
    %dma_start3A_11 = tpu.memref_squeeze %dma_start3A_10 : memref<1x1x8x128xi32, #tpu.memory_space<hbm>> -> memref<8x128xi32, #tpu.memory_space<hbm>>
    %dma_start3A_12 = arith.constant 0 : i32
    %dma_start3A_13 = arith.constant 0 : i32
    %dma_start3A_14 = tpu.memref_slice %arg7[%dma_start3A_3, %dma_start3A_12, %dma_start3A_13] : memref<3x8x128xi32, #tpu.memory_space<vmem>> -> memref<1x8x128xi32, #tpu.memory_space<vmem>>
    %dma_start3A_15 = tpu.memref_squeeze %dma_start3A_14 : memref<1x8x128xi32, #tpu.memory_space<vmem>> -> memref<8x128xi32, #tpu.memory_space<vmem>>
    %dma_start3A_16 = arith.constant 0 : i32
    %dma_start3A_17 = arith.constant 0 : i32
    %dma_start3A_18 = tpu.memref_slice %arg3[%add3A, %dma_start3A, %dma_start3A_16, %dma_start3A_17] : memref<32x25x8x128xi32, #tpu.memory_space<hbm>> -> memref<1x1x8x128xi32, #tpu.memory_space<hbm>>
    %dma_start3A_19 = tpu.memref_squeeze %dma_start3A_18 : memref<1x1x8x128xi32, #tpu.memory_space<hbm>> -> memref<8x128xi32, #tpu.memory_space<hbm>>
    tpu.enqueue_dma source(%dma_start3A_19 : memref<8x128xi32, #tpu.memory_space<hbm>>) target(%dma_start3A_15 : memref<8x128xi32, #tpu.memory_space<vmem>>) target_semaphore(%arg11 : memref<!tpu.dma_semaphore, #tpu.memory_space<semaphore_mem>>)
    %dma_wait3A = arith.constant 0 : i32
    %dma_wait3A_20 = arith.constant 0 : i32
    %dma_wait3A_21 = arith.constant 0 : i32
    %dma_wait3A_22 = arith.constant 0 : i32
    %dma_wait3A_23 = tpu.memref_slice %arg7[%dma_wait3A_20, %dma_wait3A_21, %dma_wait3A_22] : memref<3x8x128xi32, #tpu.memory_space<vmem>> -> memref<1x8x128xi32, #tpu.memory_space<vmem>>
    %dma_wait3A_24 = tpu.memref_squeeze %dma_wait3A_23 : memref<1x8x128xi32, #tpu.memory_space<vmem>> -> memref<8x128xi32, #tpu.memory_space<vmem>>
    %dma_wait3A_25 = arith.constant 0 : i32
    %dma_wait3A_26 = arith.constant 0 : i32
    %dma_wait3A_27 = tpu.memref_slice %arg3[%add3A, %dma_wait3A, %dma_wait3A_25, %dma_wait3A_26] : memref<32x25x8x128xi32, #tpu.memory_space<hbm>> -> memref<1x1x8x128xi32, #tpu.memory_space<hbm>>
    %dma_wait3A_28 = tpu.memref_squeeze %dma_wait3A_27 : memref<1x1x8x128xi32, #tpu.memory_space<hbm>> -> memref<8x128xi32, #tpu.memory_space<hbm>>
    %dma_wait3A_29 = arith.constant 0 : i32
    %dma_wait3A_30 = arith.constant 0 : i32
    %dma_wait3A_31 = tpu.memref_slice %arg7[%dma_wait3A_20, %dma_wait3A_29, %dma_wait3A_30] : memref<3x8x128xi32, #tpu.memory_space<vmem>> -> memref<1x8x128xi32, #tpu.memory_space<vmem>>
    %dma_wait3A_32 = tpu.memref_squeeze %dma_wait3A_31 : memref<1x8x128xi32, #tpu.memory_space<vmem>> -> memref<8x128xi32, #tpu.memory_space<vmem>>
    %dma_wait3A_33 = arith.constant 0 : i32
    %dma_wait3A_34 = arith.constant 0 : i32
    %dma_wait3A_35 = tpu.memref_slice %arg3[%add3A, %dma_wait3A, %dma_wait3A_33, %dma_wait3A_34] : memref<32x25x8x128xi32, #tpu.memory_space<hbm>> -> memref<1x1x8x128xi32, #tpu.memory_space<hbm>>
    %dma_wait3A_36 = tpu.memref_squeeze %dma_wait3A_35 : memref<1x1x8x128xi32, #tpu.memory_space<hbm>> -> memref<8x128xi32, #tpu.memory_space<hbm>>
    tpu.wait_dma2 semaphore(%arg11 : memref<!tpu.dma_semaphore, #tpu.memory_space<semaphore_mem>>) src(%dma_wait3A_36 : memref<8x128xi32, #tpu.memory_space<hbm>>) dst(%dma_wait3A_32 : memref<8x128xi32, #tpu.memory_space<vmem>>)
    %dma_start3A_37 = arith.constant 0 : i32
    %dma_start3A_38 = arith.constant 0 : i32
    %dma_start3A_39 = arith.constant 0 : i32
    %dma_start3A_40 = arith.constant 0 : i32
    %dma_start3A_41 = tpu.memref_slice %arg8[%dma_start3A_38, %dma_start3A_39, %dma_start3A_40] : memref<3x8x128xi32, #tpu.memory_space<vmem>> -> memref<1x8x128xi32, #tpu.memory_space<vmem>>
    %dma_start3A_42 = tpu.memref_squeeze %dma_start3A_41 : memref<1x8x128xi32, #tpu.memory_space<vmem>> -> memref<8x128xi32, #tpu.memory_space<vmem>>
    %dma_start3A_43 = arith.constant 0 : i32
    %dma_start3A_44 = arith.constant 0 : i32
    %dma_start3A_45 = tpu.memref_slice %arg4[%add3A, %dma_start3A_37, %dma_start3A_43, %dma_start3A_44] : memref<32x25x8x128xi32, #tpu.memory_space<hbm>> -> memref<1x1x8x128xi32, #tpu.memory_space<hbm>>
    %dma_start3A_46 = tpu.memref_squeeze %dma_start3A_45 : memref<1x1x8x128xi32, #tpu.memory_space<hbm>> -> memref<8x128xi32, #tpu.memory_space<hbm>>
    %dma_start3A_47 = arith.constant 0 : i32
    %dma_start3A_48 = arith.constant 0 : i32
    %dma_start3A_49 = tpu.memref_slice %arg8[%dma_start3A_38, %dma_start3A_47, %dma_start3A_48] : memref<3x8x128xi32, #tpu.memory_space<vmem>> -> memref<1x8x128xi32, #tpu.memory_space<vmem>>
    %dma_start3A_50 = tpu.memref_squeeze %dma_start3A_49 : memref<1x8x128xi32, #tpu.memory_space<vmem>> -> memref<8x128xi32, #tpu.memory_space<vmem>>
    %dma_start3A_51 = arith.constant 0 : i32
    %dma_start3A_52 = arith.constant 0 : i32
    %dma_start3A_53 = tpu.memref_slice %arg4[%add3A, %dma_start3A_37, %dma_start3A_51, %dma_start3A_52] : memref<32x25x8x128xi32, #tpu.memory_space<hbm>> -> memref<1x1x8x128xi32, #tpu.memory_space<hbm>>
    %dma_start3A_54 = tpu.memref_squeeze %dma_start3A_53 : memref<1x1x8x128xi32, #tpu.memory_space<hbm>> -> memref<8x128xi32, #tpu.memory_space<hbm>>
    tpu.enqueue_dma source(%dma_start3A_54 : memref<8x128xi32, #tpu.memory_space<hbm>>) target(%dma_start3A_50 : memref<8x128xi32, #tpu.memory_space<vmem>>) target_semaphore(%arg11 : memref<!tpu.dma_semaphore, #tpu.memory_space<semaphore_mem>>)
    %dma_wait3A_55 = arith.constant 0 : i32
    %dma_wait3A_56 = arith.constant 0 : i32
    %dma_wait3A_57 = arith.constant 0 : i32
    %dma_wait3A_58 = arith.constant 0 : i32
    %dma_wait3A_59 = tpu.memref_slice %arg8[%dma_wait3A_56, %dma_wait3A_57, %dma_wait3A_58] : memref<3x8x128xi32, #tpu.memory_space<vmem>> -> memref<1x8x128xi32, #tpu.memory_space<vmem>>
    %dma_wait3A_60 = tpu.memref_squeeze %dma_wait3A_59 : memref<1x8x128xi32, #tpu.memory_space<vmem>> -> memref<8x128xi32, #tpu.memory_space<vmem>>
    %dma_wait3A_61 = arith.constant 0 : i32
    %dma_wait3A_62 = arith.constant 0 : i32
    %dma_wait3A_63 = tpu.memref_slice %arg4[%add3A, %dma_wait3A_55, %dma_wait3A_61, %dma_wait3A_62] : memref<32x25x8x128xi32, #tpu.memory_space<hbm>> -> memref<1x1x8x128xi32, #tpu.memory_space<hbm>>
    %dma_wait3A_64 = tpu.memref_squeeze %dma_wait3A_63 : memref<1x1x8x128xi32, #tpu.memory_space<hbm>> -> memref<8x128xi32, #tpu.memory_space<hbm>>
    %dma_wait3A_65 = arith.constant 0 : i32
    %dma_wait3A_66 = arith.constant 0 : i32
    %dma_wait3A_67 = tpu.memref_slice %arg8[%dma_wait3A_56, %dma_wait3A_65, %dma_wait3A_66] : memref<3x8x128xi32, #tpu.memory_space<vmem>> -> memref<1x8x128xi32, #tpu.memory_space<vmem>>
    %dma_wait3A_68 = tpu.memref_squeeze %dma_wait3A_67 : memref<1x8x128xi32, #tpu.memory_space<vmem>> -> memref<8x128xi32, #tpu.memory_space<vmem>>
    %dma_wait3A_69 = arith.constant 0 : i32
    %dma_wait3A_70 = arith.constant 0 : i32
    %dma_wait3A_71 = tpu.memref_slice %arg4[%add3A, %dma_wait3A_55, %dma_wait3A_69, %dma_wait3A_70] : memref<32x25x8x128xi32, #tpu.memory_space<hbm>> -> memref<1x1x8x128xi32, #tpu.memory_space<hbm>>
    %dma_wait3A_72 = tpu.memref_squeeze %dma_wait3A_71 : memref<1x1x8x128xi32, #tpu.memory_space<hbm>> -> memref<8x128xi32, #tpu.memory_space<hbm>>
    tpu.wait_dma2 semaphore(%arg11 : memref<!tpu.dma_semaphore, #tpu.memory_space<semaphore_mem>>) src(%dma_wait3A_72 : memref<8x128xi32, #tpu.memory_space<hbm>>) dst(%dma_wait3A_68 : memref<8x128xi32, #tpu.memory_space<vmem>>)
    %dma_start3A_73 = arith.constant 0 : i32
    %dma_start3A_74 = arith.constant 0 : i32
    %dma_start3A_75 = arith.constant 0 : i32
    %dma_start3A_76 = arith.constant 0 : i32
    %dma_start3A_77 = arith.constant 0 : i32
    %dma_start3A_78 = tpu.memref_slice %arg9[%dma_start3A_75, %dma_start3A_76, %dma_start3A_77] : memref<4x128x32xf32, #tpu.memory_space<vmem>> -> memref<1x128x32xf32, #tpu.memory_space<vmem>>
    %dma_start3A_79 = tpu.memref_squeeze %dma_start3A_78 : memref<1x128x32xf32, #tpu.memory_space<vmem>> -> memref<128x32xf32, #tpu.memory_space<vmem>>
    %dma_start3A_80 = arith.constant 0 : i32
    %dma_start3A_81 = tpu.memref_slice %arg7[%dma_start3A_73, %dma_start3A_74, %dma_start3A_80] : memref<3x8x128xi32, #tpu.memory_space<vmem>> -> memref<1x1x128xi32, #tpu.memory_space<vmem>>
    %dma_start3A_82 = tpu.memref_squeeze %dma_start3A_81 : memref<1x1x128xi32, #tpu.memory_space<vmem>> -> memref<128xi32, #tpu.memory_space<vmem>>
    %dma_start3A_83 = arith.constant 0 : i32
    %dma_start3A_84 = arith.constant 0 : i32
    %dma_start3A_85 = tpu.memref_slice %arg2[%dma_start3A_83, %dma_start3A_84] : memref<50000x32xf32, #tpu.memory_space<hbm>> -> memref<50000x32xf32, #tpu.memory_space<hbm>>
    tpu.enqueue_indirect_dma source(%dma_start3A_85 : memref<50000x32xf32, #tpu.memory_space<hbm>>) target(%dma_start3A_79 : memref<128x32xf32, #tpu.memory_space<vmem>>) offsets(%dma_start3A_82 : memref<128xi32, #tpu.memory_space<vmem>>) semaphore(%arg12 : memref<!tpu.dma_semaphore, #tpu.memory_space<semaphore_mem>>)
    %dma_start3A_86 = arith.constant 0 : i32
    %dma_start3A_87 = arith.constant 1 : i32
    %dma_start3A_88 = arith.constant 1 : i32
    %dma_start3A_89 = arith.constant 0 : i32
    %dma_start3A_90 = arith.constant 0 : i32
    %dma_start3A_91 = tpu.memref_slice %arg9[%dma_start3A_88, %dma_start3A_89, %dma_start3A_90] : memref<4x128x32xf32, #tpu.memory_space<vmem>> -> memref<1x128x32xf32, #tpu.memory_space<vmem>>
    %dma_start3A_92 = tpu.memref_squeeze %dma_start3A_91 : memref<1x128x32xf32, #tpu.memory_space<vmem>> -> memref<128x32xf32, #tpu.memory_space<vmem>>
    %dma_start3A_93 = arith.constant 0 : i32
    %dma_start3A_94 = tpu.memref_slice %arg7[%dma_start3A_86, %dma_start3A_87, %dma_start3A_93] : memref<3x8x128xi32, #tpu.memory_space<vmem>> -> memref<1x1x128xi32, #tpu.memory_space<vmem>>
    %dma_start3A_95 = tpu.memref_squeeze %dma_start3A_94 : memref<1x1x128xi32, #tpu.memory_space<vmem>> -> memref<128xi32, #tpu.memory_space<vmem>>
    %dma_start3A_96 = arith.constant 0 : i32
    %dma_start3A_97 = arith.constant 0 : i32
    %dma_start3A_98 = tpu.memref_slice %arg2[%dma_start3A_96, %dma_start3A_97] : memref<50000x32xf32, #tpu.memory_space<hbm>> -> memref<50000x32xf32, #tpu.memory_space<hbm>>
    tpu.enqueue_indirect_dma source(%dma_start3A_98 : memref<50000x32xf32, #tpu.memory_space<hbm>>) target(%dma_start3A_92 : memref<128x32xf32, #tpu.memory_space<vmem>>) offsets(%dma_start3A_95 : memref<128xi32, #tpu.memory_space<vmem>>) semaphore(%arg12 : memref<!tpu.dma_semaphore, #tpu.memory_space<semaphore_mem>>)
    %dma_start3A_99 = arith.constant 1 : i32
    %dma_start3A_100 = arith.constant 1 : i32
    %dma_start3A_101 = arith.constant 0 : i32
    %dma_start3A_102 = arith.constant 0 : i32
    %dma_start3A_103 = tpu.memref_slice %arg7[%dma_start3A_100, %dma_start3A_101, %dma_start3A_102] : memref<3x8x128xi32, #tpu.memory_space<vmem>> -> memref<1x8x128xi32, #tpu.memory_space<vmem>>
    %dma_start3A_104 = tpu.memref_squeeze %dma_start3A_103 : memref<1x8x128xi32, #tpu.memory_space<vmem>> -> memref<8x128xi32, #tpu.memory_space<vmem>>
    %dma_start3A_105 = arith.constant 0 : i32
    %dma_start3A_106 = arith.constant 0 : i32
    %dma_start3A_107 = tpu.memref_slice %arg3[%add3A, %dma_start3A_99, %dma_start3A_105, %dma_start3A_106] : memref<32x25x8x128xi32, #tpu.memory_space<hbm>> -> memref<1x1x8x128xi32, #tpu.memory_space<hbm>>
    %dma_start3A_108 = tpu.memref_squeeze %dma_start3A_107 : memref<1x1x8x128xi32, #tpu.memory_space<hbm>> -> memref<8x128xi32, #tpu.memory_space<hbm>>
    %dma_start3A_109 = arith.constant 0 : i32
    %dma_start3A_110 = arith.constant 0 : i32
    %dma_start3A_111 = tpu.memref_slice %arg7[%dma_start3A_100, %dma_start3A_109, %dma_start3A_110] : memref<3x8x128xi32, #tpu.memory_space<vmem>> -> memref<1x8x128xi32, #tpu.memory_space<vmem>>
    %dma_start3A_112 = tpu.memref_squeeze %dma_start3A_111 : memref<1x8x128xi32, #tpu.memory_space<vmem>> -> memref<8x128xi32, #tpu.memory_space<vmem>>
    %dma_start3A_113 = arith.constant 0 : i32
    %dma_start3A_114 = arith.constant 0 : i32
    %dma_start3A_115 = tpu.memref_slice %arg3[%add3A, %dma_start3A_99, %dma_start3A_113, %dma_start3A_114] : memref<32x25x8x128xi32, #tpu.memory_space<hbm>> -> memref<1x1x8x128xi32, #tpu.memory_space<hbm>>
    %dma_start3A_116 = tpu.memref_squeeze %dma_start3A_115 : memref<1x1x8x128xi32, #tpu.memory_space<hbm>> -> memref<8x128xi32, #tpu.memory_space<hbm>>
    tpu.enqueue_dma source(%dma_start3A_116 : memref<8x128xi32, #tpu.memory_space<hbm>>) target(%dma_start3A_112 : memref<8x128xi32, #tpu.memory_space<vmem>>) target_semaphore(%arg11 : memref<!tpu.dma_semaphore, #tpu.memory_space<semaphore_mem>>)
    %dma_start3A_117 = arith.constant 1 : i32
    %dma_start3A_118 = arith.constant 1 : i32
    %dma_start3A_119 = arith.constant 0 : i32
    %dma_start3A_120 = arith.constant 0 : i32
    %dma_start3A_121 = tpu.memref_slice %arg8[%dma_start3A_118, %dma_start3A_119, %dma_start3A_120] : memref<3x8x128xi32, #tpu.memory_space<vmem>> -> memref<1x8x128xi32, #tpu.memory_space<vmem>>
    %dma_start3A_122 = tpu.memref_squeeze %dma_start3A_121 : memref<1x8x128xi32, #tpu.memory_space<vmem>> -> memref<8x128xi32, #tpu.memory_space<vmem>>
    %dma_start3A_123 = arith.constant 0 : i32
    %dma_start3A_124 = arith.constant 0 : i32
    %dma_start3A_125 = tpu.memref_slice %arg4[%add3A, %dma_start3A_117, %dma_start3A_123, %dma_start3A_124] : memref<32x25x8x128xi32, #tpu.memory_space<hbm>> -> memref<1x1x8x128xi32, #tpu.memory_space<hbm>>
    %dma_start3A_126 = tpu.memref_squeeze %dma_start3A_125 : memref<1x1x8x128xi32, #tpu.memory_space<hbm>> -> memref<8x128xi32, #tpu.memory_space<hbm>>
    %dma_start3A_127 = arith.constant 0 : i32
    %dma_start3A_128 = arith.constant 0 : i32
    %dma_start3A_129 = tpu.memref_slice %arg8[%dma_start3A_118, %dma_start3A_127, %dma_start3A_128] : memref<3x8x128xi32, #tpu.memory_space<vmem>> -> memref<1x8x128xi32, #tpu.memory_space<vmem>>
    %dma_start3A_130 = tpu.memref_squeeze %dma_start3A_129 : memref<1x8x128xi32, #tpu.memory_space<vmem>> -> memref<8x128xi32, #tpu.memory_space<vmem>>
    %dma_start3A_131 = arith.constant 0 : i32
    %dma_start3A_132 = arith.constant 0 : i32
    %dma_start3A_133 = tpu.memref_slice %arg4[%add3A, %dma_start3A_117, %dma_start3A_131, %dma_start3A_132] : memref<32x25x8x128xi32, #tpu.memory_space<hbm>> -> memref<1x1x8x128xi32, #tpu.memory_space<hbm>>
    %dma_start3A_134 = tpu.memref_squeeze %dma_start3A_133 : memref<1x1x8x128xi32, #tpu.memory_space<hbm>> -> memref<8x128xi32, #tpu.memory_space<hbm>>
    tpu.enqueue_dma source(%dma_start3A_134 : memref<8x128xi32, #tpu.memory_space<hbm>>) target(%dma_start3A_130 : memref<8x128xi32, #tpu.memory_space<vmem>>) target_semaphore(%arg11 : memref<!tpu.dma_semaphore, #tpu.memory_space<semaphore_mem>>)
    %dma_start3A_135 = arith.constant 2 : i32
    %dma_start3A_136 = arith.constant 2 : i32
    %dma_start3A_137 = arith.constant 0 : i32
    %dma_start3A_138 = arith.constant 0 : i32
    %dma_start3A_139 = tpu.memref_slice %arg7[%dma_start3A_136, %dma_start3A_137, %dma_start3A_138] : memref<3x8x128xi32, #tpu.memory_space<vmem>> -> memref<1x8x128xi32, #tpu.memory_space<vmem>>
    %dma_start3A_140 = tpu.memref_squeeze %dma_start3A_139 : memref<1x8x128xi32, #tpu.memory_space<vmem>> -> memref<8x128xi32, #tpu.memory_space<vmem>>
    %dma_start3A_141 = arith.constant 0 : i32
    %dma_start3A_142 = arith.constant 0 : i32
    %dma_start3A_143 = tpu.memref_slice %arg3[%add3A, %dma_start3A_135, %dma_start3A_141, %dma_start3A_142] : memref<32x25x8x128xi32, #tpu.memory_space<hbm>> -> memref<1x1x8x128xi32, #tpu.memory_space<hbm>>
    %dma_start3A_144 = tpu.memref_squeeze %dma_start3A_143 : memref<1x1x8x128xi32, #tpu.memory_space<hbm>> -> memref<8x128xi32, #tpu.memory_space<hbm>>
    %dma_start3A_145 = arith.constant 0 : i32
    %dma_start3A_146 = arith.constant 0 : i32
    %dma_start3A_147 = tpu.memref_slice %arg7[%dma_start3A_136, %dma_start3A_145, %dma_start3A_146] : memref<3x8x128xi32, #tpu.memory_space<vmem>> -> memref<1x8x128xi32, #tpu.memory_space<vmem>>
    %dma_start3A_148 = tpu.memref_squeeze %dma_start3A_147 : memref<1x8x128xi32, #tpu.memory_space<vmem>> -> memref<8x128xi32, #tpu.memory_space<vmem>>
    %dma_start3A_149 = arith.constant 0 : i32
    %dma_start3A_150 = arith.constant 0 : i32
    %dma_start3A_151 = tpu.memref_slice %arg3[%add3A, %dma_start3A_135, %dma_start3A_149, %dma_start3A_150] : memref<32x25x8x128xi32, #tpu.memory_space<hbm>> -> memref<1x1x8x128xi32, #tpu.memory_space<hbm>>
    %dma_start3A_152 = tpu.memref_squeeze %dma_start3A_151 : memref<1x1x8x128xi32, #tpu.memory_space<hbm>> -> memref<8x128xi32, #tpu.memory_space<hbm>>
    tpu.enqueue_dma source(%dma_start3A_152 : memref<8x128xi32, #tpu.memory_space<hbm>>) target(%dma_start3A_148 : memref<8x128xi32, #tpu.memory_space<vmem>>) target_semaphore(%arg11 : memref<!tpu.dma_semaphore, #tpu.memory_space<semaphore_mem>>)
    %dma_start3A_153 = arith.constant 2 : i32
    %dma_start3A_154 = arith.constant 2 : i32
    %dma_start3A_155 = arith.constant 0 : i32
    %dma_start3A_156 = arith.constant 0 : i32
    %dma_start3A_157 = tpu.memref_slice %arg8[%dma_start3A_154, %dma_start3A_155, %dma_start3A_156] : memref<3x8x128xi32, #tpu.memory_space<vmem>> -> memref<1x8x128xi32, #tpu.memory_space<vmem>>
    %dma_start3A_158 = tpu.memref_squeeze %dma_start3A_157 : memref<1x8x128xi32, #tpu.memory_space<vmem>> -> memref<8x128xi32, #tpu.memory_space<vmem>>
    %dma_start3A_159 = arith.constant 0 : i32
    %dma_start3A_160 = arith.constant 0 : i32
    %dma_start3A_161 = tpu.memref_slice %arg4[%add3A, %dma_start3A_153, %dma_start3A_159, %dma_start3A_160] : memref<32x25x8x128xi32, #tpu.memory_space<hbm>> -> memref<1x1x8x128xi32, #tpu.memory_space<hbm>>
    %dma_start3A_162 = tpu.memref_squeeze %dma_start3A_161 : memref<1x1x8x128xi32, #tpu.memory_space<hbm>> -> memref<8x128xi32, #tpu.memory_space<hbm>>
    %dma_start3A_163 = arith.constant 0 : i32
    %dma_start3A_164 = arith.constant 0 : i32
    %dma_start3A_165 = tpu.memref_slice %arg8[%dma_start3A_154, %dma_start3A_163, %dma_start3A_164] : memref<3x8x128xi32, #tpu.memory_space<vmem>> -> memref<1x8x128xi32, #tpu.memory_space<vmem>>
    %dma_start3A_166 = tpu.memref_squeeze %dma_start3A_165 : memref<1x8x128xi32, #tpu.memory_space<vmem>> -> memref<8x128xi32, #tpu.memory_space<vmem>>
    %dma_start3A_167 = arith.constant 0 : i32
    %dma_start3A_168 = arith.constant 0 : i32
    %dma_start3A_169 = tpu.memref_slice %arg4[%add3A, %dma_start3A_153, %dma_start3A_167, %dma_start3A_168] : memref<32x25x8x128xi32, #tpu.memory_space<hbm>> -> memref<1x1x8x128xi32, #tpu.memory_space<hbm>>
    %dma_start3A_170 = tpu.memref_squeeze %dma_start3A_169 : memref<1x1x8x128xi32, #tpu.memory_space<hbm>> -> memref<8x128xi32, #tpu.memory_space<hbm>>
    tpu.enqueue_dma source(%dma_start3A_170 : memref<8x128xi32, #tpu.memory_space<hbm>>) target(%dma_start3A_166 : memref<8x128xi32, #tpu.memory_space<vmem>>) target_semaphore(%arg11 : memref<!tpu.dma_semaphore, #tpu.memory_space<semaphore_mem>>)
    %barrier3A = arith.constant 0 : index
    tpu.barrier barrier_id(%barrier3A)
    %scan3A = arith.constant 0 : i32
    %scan3A_171 = arith.constant 0 : i32
    %scan3A_172 = arith.constant 200 : i32
    %scan3A_173 = arith.addi %scan3A_171, %scan3A_172 : i32
    %scan3A_174 = arith.constant 1 : i32
    scf.for %scan3A_207 = %scan3A_171 to %scan3A_173 step %scan3A_174  : i32 {
      %jit3A = arith.constant 4 : i32
      %eq3A = arith.constant 0 : i32
      %eq3A_208 = arith.cmpi eq, %jit3A, %eq3A : i32
      %jit3A_209 = arith.constant 1 : i32
      %select_n3A = arith.select %eq3A_208, %jit3A_209, %jit3A : i32
      %rem3A = arith.remsi %scan3A_207, %select_n3A : i32
      %ne3A = arith.constant 0 : i32
      %ne3A_210 = arith.cmpi ne, %rem3A, %ne3A : i32
      %lt3A = arith.constant 0 : i32
      %lt3A_211 = arith.cmpi slt, %rem3A, %lt3A : i32
      %lt3A_212 = arith.constant 0 : i32
      %lt3A_213 = arith.cmpi slt, %select_n3A, %lt3A_212 : i32
      %ne3A_214 = arith.xori %lt3A_211, %lt3A_213 : i1
      %and3A = arith.andi %ne3A_214, %ne3A_210 : i1
      %add3A_215 = arith.addi %rem3A, %select_n3A : i32
      %select_n3A_216 = arith.select %and3A, %add3A_215, %rem3A : i32
      %jit3A_217 = arith.constant 8 : i32
      %div3A = arith.divsi %scan3A_207, %jit3A_217 : i32
      %sign3A = arith.constant 0 : i32
      %sign3A_218 = arith.cmpi sgt, %scan3A_207, %sign3A : i32
      %sign3A_219 = arith.extui %sign3A_218 : i1 to i32
      %sign3A_220 = arith.constant 0 : i32
      %sign3A_221 = arith.cmpi slt, %scan3A_207, %sign3A_220 : i32
      %sign3A_222 = arith.extui %sign3A_221 : i1 to i32
      %sign3A_223 = arith.subi %sign3A_219, %sign3A_222 : i32
      %sign3A_224 = arith.constant 0 : i32
      %sign3A_225 = arith.cmpi sgt, %jit3A_217, %sign3A_224 : i32
      %sign3A_226 = arith.extui %sign3A_225 : i1 to i32
      %sign3A_227 = arith.constant 0 : i32
      %sign3A_228 = arith.cmpi slt, %jit3A_217, %sign3A_227 : i32
      %sign3A_229 = arith.extui %sign3A_228 : i1 to i32
      %sign3A_230 = arith.subi %sign3A_226, %sign3A_229 : i32
      %ne3A_231 = arith.cmpi ne, %sign3A_223, %sign3A_230 : i32
      %rem3A_232 = arith.remsi %scan3A_207, %jit3A_217 : i32
      %ne3A_233 = arith.constant 0 : i32
      %ne3A_234 = arith.cmpi ne, %rem3A_232, %ne3A_233 : i32
      %and3A_235 = arith.andi %ne3A_231, %ne3A_234 : i1
      %sub3A = arith.constant 1 : i32
      %sub3A_236 = arith.subi %div3A, %sub3A : i32
      %select_n3A_237 = arith.select %and3A_235, %sub3A_236, %div3A : i32
      %jit3A_238 = arith.constant 3 : i32
      %eq3A_239 = arith.constant 0 : i32
      %eq3A_240 = arith.cmpi eq, %jit3A_238, %eq3A_239 : i32
      %jit3A_241 = arith.constant 1 : i32
      %select_n3A_242 = arith.select %eq3A_240, %jit3A_241, %jit3A_238 : i32
      %rem3A_243 = arith.remsi %select_n3A_237, %select_n3A_242 : i32
      %ne3A_244 = arith.constant 0 : i32
      %ne3A_245 = arith.cmpi ne, %rem3A_243, %ne3A_244 : i32
      %lt3A_246 = arith.constant 0 : i32
      %lt3A_247 = arith.cmpi slt, %rem3A_243, %lt3A_246 : i32
      %lt3A_248 = arith.constant 0 : i32
      %lt3A_249 = arith.cmpi slt, %select_n3A_242, %lt3A_248 : i32
      %ne3A_250 = arith.xori %lt3A_247, %lt3A_249 : i1
      %and3A_251 = arith.andi %ne3A_250, %ne3A_245 : i1
      %add3A_252 = arith.addi %rem3A_243, %select_n3A_242 : i32
      %select_n3A_253 = arith.select %and3A_251, %add3A_252, %rem3A_243 : i32
      %jit3A_254 = arith.constant 8 : i32
      %eq3A_255 = arith.constant 0 : i32
      %eq3A_256 = arith.cmpi eq, %jit3A_254, %eq3A_255 : i32
      %jit3A_257 = arith.constant 1 : i32
      %select_n3A_258 = arith.select %eq3A_256, %jit3A_257, %jit3A_254 : i32
      %rem3A_259 = arith.remsi %scan3A_207, %select_n3A_258 : i32
      %ne3A_260 = arith.constant 0 : i32
      %ne3A_261 = arith.cmpi ne, %rem3A_259, %ne3A_260 : i32
      %lt3A_262 = arith.constant 0 : i32
      %lt3A_263 = arith.cmpi slt, %rem3A_259, %lt3A_262 : i32
      %lt3A_264 = arith.constant 0 : i32
      %lt3A_265 = arith.cmpi slt, %select_n3A_258, %lt3A_264 : i32
      %ne3A_266 = arith.xori %lt3A_263, %lt3A_265 : i1
      %and3A_267 = arith.andi %ne3A_266, %ne3A_261 : i1
      %add3A_268 = arith.addi %rem3A_259, %select_n3A_258 : i32
      %select_n3A_269 = arith.select %and3A_267, %add3A_268, %rem3A_259 : i32
      %dma_wait3A_270 = arith.constant 0 : i32
      %dma_wait3A_271 = arith.constant 0 : i32
      %dma_wait3A_272 = tpu.memref_slice %arg9[%select_n3A_216, %dma_wait3A_270, %dma_wait3A_271] : memref<4x128x32xf32, #tpu.memory_space<vmem>> -> memref<1x128x32xf32, #tpu.memory_space<vmem>>
      %dma_wait3A_273 = tpu.memref_squeeze %dma_wait3A_272 : memref<1x128x32xf32, #tpu.memory_space<vmem>> -> memref<128x32xf32, #tpu.memory_space<vmem>>
      %dma_wait3A_274 = arith.constant 0 : i32
      %dma_wait3A_275 = tpu.memref_slice %arg7[%select_n3A_253, %select_n3A_269, %dma_wait3A_274] : memref<3x8x128xi32, #tpu.memory_space<vmem>> -> memref<1x1x128xi32, #tpu.memory_space<vmem>>
      %dma_wait3A_276 = tpu.memref_squeeze %dma_wait3A_275 : memref<1x1x128xi32, #tpu.memory_space<vmem>> -> memref<128xi32, #tpu.memory_space<vmem>>
      %dma_wait3A_277 = arith.constant 0 : i32
      %dma_wait3A_278 = arith.constant 0 : i32
      %dma_wait3A_279 = tpu.memref_slice %arg2[%dma_wait3A_277, %dma_wait3A_278] : memref<50000x32xf32, #tpu.memory_space<hbm>> -> memref<50000x32xf32, #tpu.memory_space<hbm>>
      tpu.wait_indirect_dma semaphore(%arg12 : memref<!tpu.dma_semaphore, #tpu.memory_space<semaphore_mem>>) src(%dma_wait3A_279 : memref<50000x32xf32, #tpu.memory_space<hbm>>) dst(%dma_wait3A_273 : memref<128x32xf32, #tpu.memory_space<vmem>>)
      %dma_start3A_280 = arith.constant 0 : i32
      %dma_start3A_281 = arith.constant 0 : i32
      %dma_start3A_282 = tpu.memref_slice %arg9[%select_n3A_216, %dma_start3A_280, %dma_start3A_281] : memref<4x128x32xf32, #tpu.memory_space<vmem>> -> memref<1x128x32xf32, #tpu.memory_space<vmem>>
      %dma_start3A_283 = tpu.memref_squeeze %dma_start3A_282 : memref<1x128x32xf32, #tpu.memory_space<vmem>> -> memref<128x32xf32, #tpu.memory_space<vmem>>
      %dma_start3A_284 = arith.constant 0 : i32
      %dma_start3A_285 = tpu.memref_slice %arg8[%select_n3A_253, %select_n3A_269, %dma_start3A_284] : memref<3x8x128xi32, #tpu.memory_space<vmem>> -> memref<1x1x128xi32, #tpu.memory_space<vmem>>
      %dma_start3A_286 = tpu.memref_squeeze %dma_start3A_285 : memref<1x1x128xi32, #tpu.memory_space<vmem>> -> memref<128xi32, #tpu.memory_space<vmem>>
      %dma_start3A_287 = arith.constant 0 : i32
      %dma_start3A_288 = arith.constant 0 : i32
      %dma_start3A_289 = tpu.memref_slice %arg10[%dma_start3A_287, %dma_start3A_288] : memref<50048x32xf32, #tpu.memory_space<vmem_shared>> -> memref<50048x32xf32, #tpu.memory_space<vmem_shared>>
      tpu.enqueue_indirect_dma source(%dma_start3A_283 : memref<128x32xf32, #tpu.memory_space<vmem>>) target(%dma_start3A_289 : memref<50048x32xf32, #tpu.memory_space<vmem_shared>>) offsets(%dma_start3A_286 : memref<128xi32, #tpu.memory_space<vmem>>) semaphore(%arg13 : memref<!tpu.dma_semaphore, #tpu.memory_space<semaphore_mem>>) {add = true}
      %ge3A = arith.constant 2 : i32
      %ge3A_290 = arith.cmpi sge, %scan3A_207, %ge3A : i32
      %convert_element_type3A = arith.extui %ge3A_290 : i1 to i32
      %cond3A = arith.constant 0 : i32
      %cond3A_291 = arith.cmpi ne, %convert_element_type3A, %cond3A : i32
      scf.if %cond3A_291 {
        %sub3A_323 = arith.constant 2 : i32
        %sub3A_324 = arith.subi %scan3A_207, %sub3A_323 : i32
        %jit3A_325 = arith.constant 4 : i32
        %eq3A_326 = arith.constant 0 : i32
        %eq3A_327 = arith.cmpi eq, %jit3A_325, %eq3A_326 : i32
        %jit3A_328 = arith.constant 1 : i32
        %select_n3A_329 = arith.select %eq3A_327, %jit3A_328, %jit3A_325 : i32
        %rem3A_330 = arith.remsi %sub3A_324, %select_n3A_329 : i32
        %ne3A_331 = arith.constant 0 : i32
        %ne3A_332 = arith.cmpi ne, %rem3A_330, %ne3A_331 : i32
        %lt3A_333 = arith.constant 0 : i32
        %lt3A_334 = arith.cmpi slt, %rem3A_330, %lt3A_333 : i32
        %lt3A_335 = arith.constant 0 : i32
        %lt3A_336 = arith.cmpi slt, %select_n3A_329, %lt3A_335 : i32
        %ne3A_337 = arith.xori %lt3A_334, %lt3A_336 : i1
        %and3A_338 = arith.andi %ne3A_337, %ne3A_332 : i1
        %add3A_339 = arith.addi %rem3A_330, %select_n3A_329 : i32
        %select_n3A_340 = arith.select %and3A_338, %add3A_339, %rem3A_330 : i32
        %jit3A_341 = arith.constant 8 : i32
        %div3A_342 = arith.divsi %sub3A_324, %jit3A_341 : i32
        %sign3A_343 = arith.constant 0 : i32
        %sign3A_344 = arith.cmpi sgt, %sub3A_324, %sign3A_343 : i32
        %sign3A_345 = arith.extui %sign3A_344 : i1 to i32
        %sign3A_346 = arith.constant 0 : i32
        %sign3A_347 = arith.cmpi slt, %sub3A_324, %sign3A_346 : i32
        %sign3A_348 = arith.extui %sign3A_347 : i1 to i32
        %sign3A_349 = arith.subi %sign3A_345, %sign3A_348 : i32
        %sign3A_350 = arith.constant 0 : i32
        %sign3A_351 = arith.cmpi sgt, %jit3A_341, %sign3A_350 : i32
        %sign3A_352 = arith.extui %sign3A_351 : i1 to i32
        %sign3A_353 = arith.constant 0 : i32
        %sign3A_354 = arith.cmpi slt, %jit3A_341, %sign3A_353 : i32
        %sign3A_355 = arith.extui %sign3A_354 : i1 to i32
        %sign3A_356 = arith.subi %sign3A_352, %sign3A_355 : i32
        %ne3A_357 = arith.cmpi ne, %sign3A_349, %sign3A_356 : i32
        %rem3A_358 = arith.remsi %sub3A_324, %jit3A_341 : i32
        %ne3A_359 = arith.constant 0 : i32
        %ne3A_360 = arith.cmpi ne, %rem3A_358, %ne3A_359 : i32
        %and3A_361 = arith.andi %ne3A_357, %ne3A_360 : i1
        %sub3A_362 = arith.constant 1 : i32
        %sub3A_363 = arith.subi %div3A_342, %sub3A_362 : i32
        %select_n3A_364 = arith.select %and3A_361, %sub3A_363, %div3A_342 : i32
        %jit3A_365 = arith.constant 3 : i32
        %eq3A_366 = arith.constant 0 : i32
        %eq3A_367 = arith.cmpi eq, %jit3A_365, %eq3A_366 : i32
        %jit3A_368 = arith.constant 1 : i32
        %select_n3A_369 = arith.select %eq3A_367, %jit3A_368, %jit3A_365 : i32
        %rem3A_370 = arith.remsi %select_n3A_364, %select_n3A_369 : i32
        %ne3A_371 = arith.constant 0 : i32
        %ne3A_372 = arith.cmpi ne, %rem3A_370, %ne3A_371 : i32
        %lt3A_373 = arith.constant 0 : i32
        %lt3A_374 = arith.cmpi slt, %rem3A_370, %lt3A_373 : i32
        %lt3A_375 = arith.constant 0 : i32
        %lt3A_376 = arith.cmpi slt, %select_n3A_369, %lt3A_375 : i32
        %ne3A_377 = arith.xori %lt3A_374, %lt3A_376 : i1
        %and3A_378 = arith.andi %ne3A_377, %ne3A_372 : i1
        %add3A_379 = arith.addi %rem3A_370, %select_n3A_369 : i32
        %select_n3A_380 = arith.select %and3A_378, %add3A_379, %rem3A_370 : i32
        %jit3A_381 = arith.constant 8 : i32
        %eq3A_382 = arith.constant 0 : i32
        %eq3A_383 = arith.cmpi eq, %jit3A_381, %eq3A_382 : i32
        %jit3A_384 = arith.constant 1 : i32
        %select_n3A_385 = arith.select %eq3A_383, %jit3A_384, %jit3A_381 : i32
        %rem3A_386 = arith.remsi %sub3A_324, %select_n3A_385 : i32
        %ne3A_387 = arith.constant 0 : i32
        %ne3A_388 = arith.cmpi ne, %rem3A_386, %ne3A_387 : i32
        %lt3A_389 = arith.constant 0 : i32
        %lt3A_390 = arith.cmpi slt, %rem3A_386, %lt3A_389 : i32
        %lt3A_391 = arith.constant 0 : i32
        %lt3A_392 = arith.cmpi slt, %select_n3A_385, %lt3A_391 : i32
        %ne3A_393 = arith.xori %lt3A_390, %lt3A_392 : i1
        %and3A_394 = arith.andi %ne3A_393, %ne3A_388 : i1
        %add3A_395 = arith.addi %rem3A_386, %select_n3A_385 : i32
        %select_n3A_396 = arith.select %and3A_394, %add3A_395, %rem3A_386 : i32
        %dma_wait3A_397 = arith.constant 0 : i32
        %dma_wait3A_398 = arith.constant 0 : i32
        %dma_wait3A_399 = tpu.memref_slice %arg9[%select_n3A_340, %dma_wait3A_397, %dma_wait3A_398] : memref<4x128x32xf32, #tpu.memory_space<vmem>> -> memref<1x128x32xf32, #tpu.memory_space<vmem>>
        %dma_wait3A_400 = tpu.memref_squeeze %dma_wait3A_399 : memref<1x128x32xf32, #tpu.memory_space<vmem>> -> memref<128x32xf32, #tpu.memory_space<vmem>>
        %dma_wait3A_401 = arith.constant 0 : i32
        %dma_wait3A_402 = tpu.memref_slice %arg8[%select_n3A_380, %select_n3A_396, %dma_wait3A_401] : memref<3x8x128xi32, #tpu.memory_space<vmem>> -> memref<1x1x128xi32, #tpu.memory_space<vmem>>
        %dma_wait3A_403 = tpu.memref_squeeze %dma_wait3A_402 : memref<1x1x128xi32, #tpu.memory_space<vmem>> -> memref<128xi32, #tpu.memory_space<vmem>>
        %dma_wait3A_404 = arith.constant 0 : i32
        %dma_wait3A_405 = arith.constant 0 : i32
        %dma_wait3A_406 = tpu.memref_slice %arg10[%dma_wait3A_404, %dma_wait3A_405] : memref<50048x32xf32, #tpu.memory_space<vmem_shared>> -> memref<50048x32xf32, #tpu.memory_space<vmem_shared>>
        tpu.wait_indirect_dma semaphore(%arg13 : memref<!tpu.dma_semaphore, #tpu.memory_space<semaphore_mem>>) src(%dma_wait3A_400 : memref<128x32xf32, #tpu.memory_space<vmem>>) dst(%dma_wait3A_406 : memref<50048x32xf32, #tpu.memory_space<vmem_shared>>)
      } else {
      }
      %le3A = arith.constant 197 : i32
      %le3A_292 = arith.cmpi sle, %scan3A_207, %le3A : i32
      %convert_element_type3A_293 = arith.extui %le3A_292 : i1 to i32
      %cond3A_294 = arith.constant 0 : i32
      %cond3A_295 = arith.cmpi ne, %convert_element_type3A_293, %cond3A_294 : i32
      scf.if %cond3A_295 {
        %add3A_323 = arith.constant 2 : i32
        %add3A_324 = arith.addi %scan3A_207, %add3A_323 : i32
        %jit3A_325 = arith.constant 4 : i32
        %eq3A_326 = arith.constant 0 : i32
        %eq3A_327 = arith.cmpi eq, %jit3A_325, %eq3A_326 : i32
        %jit3A_328 = arith.constant 1 : i32
        %select_n3A_329 = arith.select %eq3A_327, %jit3A_328, %jit3A_325 : i32
        %rem3A_330 = arith.remsi %add3A_324, %select_n3A_329 : i32
        %ne3A_331 = arith.constant 0 : i32
        %ne3A_332 = arith.cmpi ne, %rem3A_330, %ne3A_331 : i32
        %lt3A_333 = arith.constant 0 : i32
        %lt3A_334 = arith.cmpi slt, %rem3A_330, %lt3A_333 : i32
        %lt3A_335 = arith.constant 0 : i32
        %lt3A_336 = arith.cmpi slt, %select_n3A_329, %lt3A_335 : i32
        %ne3A_337 = arith.xori %lt3A_334, %lt3A_336 : i1
        %and3A_338 = arith.andi %ne3A_337, %ne3A_332 : i1
        %add3A_339 = arith.addi %rem3A_330, %select_n3A_329 : i32
        %select_n3A_340 = arith.select %and3A_338, %add3A_339, %rem3A_330 : i32
        %jit3A_341 = arith.constant 8 : i32
        %div3A_342 = arith.divsi %add3A_324, %jit3A_341 : i32
        %sign3A_343 = arith.constant 0 : i32
        %sign3A_344 = arith.cmpi sgt, %add3A_324, %sign3A_343 : i32
        %sign3A_345 = arith.extui %sign3A_344 : i1 to i32
        %sign3A_346 = arith.constant 0 : i32
        %sign3A_347 = arith.cmpi slt, %add3A_324, %sign3A_346 : i32
        %sign3A_348 = arith.extui %sign3A_347 : i1 to i32
        %sign3A_349 = arith.subi %sign3A_345, %sign3A_348 : i32
        %sign3A_350 = arith.constant 0 : i32
        %sign3A_351 = arith.cmpi sgt, %jit3A_341, %sign3A_350 : i32
        %sign3A_352 = arith.extui %sign3A_351 : i1 to i32
        %sign3A_353 = arith.constant 0 : i32
        %sign3A_354 = arith.cmpi slt, %jit3A_341, %sign3A_353 : i32
        %sign3A_355 = arith.extui %sign3A_354 : i1 to i32
        %sign3A_356 = arith.subi %sign3A_352, %sign3A_355 : i32
        %ne3A_357 = arith.cmpi ne, %sign3A_349, %sign3A_356 : i32
        %rem3A_358 = arith.remsi %add3A_324, %jit3A_341 : i32
        %ne3A_359 = arith.constant 0 : i32
        %ne3A_360 = arith.cmpi ne, %rem3A_358, %ne3A_359 : i32
        %and3A_361 = arith.andi %ne3A_357, %ne3A_360 : i1
        %sub3A_362 = arith.constant 1 : i32
        %sub3A_363 = arith.subi %div3A_342, %sub3A_362 : i32
        %select_n3A_364 = arith.select %and3A_361, %sub3A_363, %div3A_342 : i32
        %jit3A_365 = arith.constant 3 : i32
        %eq3A_366 = arith.constant 0 : i32
        %eq3A_367 = arith.cmpi eq, %jit3A_365, %eq3A_366 : i32
        %jit3A_368 = arith.constant 1 : i32
        %select_n3A_369 = arith.select %eq3A_367, %jit3A_368, %jit3A_365 : i32
        %rem3A_370 = arith.remsi %select_n3A_364, %select_n3A_369 : i32
        %ne3A_371 = arith.constant 0 : i32
        %ne3A_372 = arith.cmpi ne, %rem3A_370, %ne3A_371 : i32
        %lt3A_373 = arith.constant 0 : i32
        %lt3A_374 = arith.cmpi slt, %rem3A_370, %lt3A_373 : i32
        %lt3A_375 = arith.constant 0 : i32
        %lt3A_376 = arith.cmpi slt, %select_n3A_369, %lt3A_375 : i32
        %ne3A_377 = arith.xori %lt3A_374, %lt3A_376 : i1
        %and3A_378 = arith.andi %ne3A_377, %ne3A_372 : i1
        %add3A_379 = arith.addi %rem3A_370, %select_n3A_369 : i32
        %select_n3A_380 = arith.select %and3A_378, %add3A_379, %rem3A_370 : i32
        %jit3A_381 = arith.constant 8 : i32
        %eq3A_382 = arith.constant 0 : i32
        %eq3A_383 = arith.cmpi eq, %jit3A_381, %eq3A_382 : i32
        %jit3A_384 = arith.constant 1 : i32
        %select_n3A_385 = arith.select %eq3A_383, %jit3A_384, %jit3A_381 : i32
        %rem3A_386 = arith.remsi %add3A_324, %select_n3A_385 : i32
        %ne3A_387 = arith.constant 0 : i32
        %ne3A_388 = arith.cmpi ne, %rem3A_386, %ne3A_387 : i32
        %lt3A_389 = arith.constant 0 : i32
        %lt3A_390 = arith.cmpi slt, %rem3A_386, %lt3A_389 : i32
        %lt3A_391 = arith.constant 0 : i32
        %lt3A_392 = arith.cmpi slt, %select_n3A_385, %lt3A_391 : i32
        %ne3A_393 = arith.xori %lt3A_390, %lt3A_392 : i1
        %and3A_394 = arith.andi %ne3A_393, %ne3A_388 : i1
        %add3A_395 = arith.addi %rem3A_386, %select_n3A_385 : i32
        %select_n3A_396 = arith.select %and3A_394, %add3A_395, %rem3A_386 : i32
        %eq3A_397 = arith.constant 0 : i32
        %eq3A_398 = arith.cmpi eq, %select_n3A_396, %eq3A_397 : i32
        %convert_element_type3A_399 = arith.extui %eq3A_398 : i1 to i32
        %cond3A_400 = arith.constant 0 : i32
        %cond3A_401 = arith.cmpi ne, %convert_element_type3A_399, %cond3A_400 : i32
        scf.if %cond3A_401 {
          %add3A_412 = arith.constant 2 : i32
          %add3A_413 = arith.addi %scan3A_207, %add3A_412 : i32
          %jit3A_414 = arith.constant 8 : i32
          %div3A_415 = arith.divsi %add3A_413, %jit3A_414 : i32
          %sign3A_416 = arith.constant 0 : i32
          %sign3A_417 = arith.cmpi sgt, %add3A_413, %sign3A_416 : i32
          %sign3A_418 = arith.extui %sign3A_417 : i1 to i32
          %sign3A_419 = arith.constant 0 : i32
          %sign3A_420 = arith.cmpi slt, %add3A_413, %sign3A_419 : i32
          %sign3A_421 = arith.extui %sign3A_420 : i1 to i32
          %sign3A_422 = arith.subi %sign3A_418, %sign3A_421 : i32
          %sign3A_423 = arith.constant 0 : i32
          %sign3A_424 = arith.cmpi sgt, %jit3A_414, %sign3A_423 : i32
          %sign3A_425 = arith.extui %sign3A_424 : i1 to i32
          %sign3A_426 = arith.constant 0 : i32
          %sign3A_427 = arith.cmpi slt, %jit3A_414, %sign3A_426 : i32
          %sign3A_428 = arith.extui %sign3A_427 : i1 to i32
          %sign3A_429 = arith.subi %sign3A_425, %sign3A_428 : i32
          %ne3A_430 = arith.cmpi ne, %sign3A_422, %sign3A_429 : i32
          %rem3A_431 = arith.remsi %add3A_413, %jit3A_414 : i32
          %ne3A_432 = arith.constant 0 : i32
          %ne3A_433 = arith.cmpi ne, %rem3A_431, %ne3A_432 : i32
          %and3A_434 = arith.andi %ne3A_430, %ne3A_433 : i1
          %sub3A_435 = arith.constant 1 : i32
          %sub3A_436 = arith.subi %div3A_415, %sub3A_435 : i32
          %select_n3A_437 = arith.select %and3A_434, %sub3A_436, %div3A_415 : i32
          %dma_wait3A_438 = arith.constant 0 : i32
          %dma_wait3A_439 = arith.constant 0 : i32
          %dma_wait3A_440 = tpu.memref_slice %arg7[%select_n3A_380, %dma_wait3A_438, %dma_wait3A_439] : memref<3x8x128xi32, #tpu.memory_space<vmem>> -> memref<1x8x128xi32, #tpu.memory_space<vmem>>
          %dma_wait3A_441 = tpu.memref_squeeze %dma_wait3A_440 : memref<1x8x128xi32, #tpu.memory_space<vmem>> -> memref<8x128xi32, #tpu.memory_space<vmem>>
          %dma_wait3A_442 = arith.constant 0 : i32
          %dma_wait3A_443 = arith.constant 0 : i32
          %dma_wait3A_444 = tpu.memref_slice %arg3[%add3A, %select_n3A_437, %dma_wait3A_442, %dma_wait3A_443] : memref<32x25x8x128xi32, #tpu.memory_space<hbm>> -> memref<1x1x8x128xi32, #tpu.memory_space<hbm>>
          %dma_wait3A_445 = tpu.memref_squeeze %dma_wait3A_444 : memref<1x1x8x128xi32, #tpu.memory_space<hbm>> -> memref<8x128xi32, #tpu.memory_space<hbm>>
          %dma_wait3A_446 = arith.constant 0 : i32
          %dma_wait3A_447 = arith.constant 0 : i32
          %dma_wait3A_448 = tpu.memref_slice %arg7[%select_n3A_380, %dma_wait3A_446, %dma_wait3A_447] : memref<3x8x128xi32, #tpu.memory_space<vmem>> -> memref<1x8x128xi32, #tpu.memory_space<vmem>>
          %dma_wait3A_449 = tpu.memref_squeeze %dma_wait3A_448 : memref<1x8x128xi32, #tpu.memory_space<vmem>> -> memref<8x128xi32, #tpu.memory_space<vmem>>
          %dma_wait3A_450 = arith.constant 0 : i32
          %dma_wait3A_451 = arith.constant 0 : i32
          %dma_wait3A_452 = tpu.memref_slice %arg3[%add3A, %select_n3A_437, %dma_wait3A_450, %dma_wait3A_451] : memref<32x25x8x128xi32, #tpu.memory_space<hbm>> -> memref<1x1x8x128xi32, #tpu.memory_space<hbm>>
          %dma_wait3A_453 = tpu.memref_squeeze %dma_wait3A_452 : memref<1x1x8x128xi32, #tpu.memory_space<hbm>> -> memref<8x128xi32, #tpu.memory_space<hbm>>
          tpu.wait_dma2 semaphore(%arg11 : memref<!tpu.dma_semaphore, #tpu.memory_space<semaphore_mem>>) src(%dma_wait3A_453 : memref<8x128xi32, #tpu.memory_space<hbm>>) dst(%dma_wait3A_449 : memref<8x128xi32, #tpu.memory_space<vmem>>)
          %dma_wait3A_454 = arith.constant 0 : i32
          %dma_wait3A_455 = arith.constant 0 : i32
          %dma_wait3A_456 = tpu.memref_slice %arg8[%select_n3A_380, %dma_wait3A_454, %dma_wait3A_455] : memref<3x8x128xi32, #tpu.memory_space<vmem>> -> memref<1x8x128xi32, #tpu.memory_space<vmem>>
          %dma_wait3A_457 = tpu.memref_squeeze %dma_wait3A_456 : memref<1x8x128xi32, #tpu.memory_space<vmem>> -> memref<8x128xi32, #tpu.memory_space<vmem>>
          %dma_wait3A_458 = arith.constant 0 : i32
          %dma_wait3A_459 = arith.constant 0 : i32
          %dma_wait3A_460 = tpu.memref_slice %arg4[%add3A, %select_n3A_437, %dma_wait3A_458, %dma_wait3A_459] : memref<32x25x8x128xi32, #tpu.memory_space<hbm>> -> memref<1x1x8x128xi32, #tpu.memory_space<hbm>>
          %dma_wait3A_461 = tpu.memref_squeeze %dma_wait3A_460 : memref<1x1x8x128xi32, #tpu.memory_space<hbm>> -> memref<8x128xi32, #tpu.memory_space<hbm>>
          %dma_wait3A_462 = arith.constant 0 : i32
          %dma_wait3A_463 = arith.constant 0 : i32
          %dma_wait3A_464 = tpu.memref_slice %arg8[%select_n3A_380, %dma_wait3A_462, %dma_wait3A_463] : memref<3x8x128xi32, #tpu.memory_space<vmem>> -> memref<1x8x128xi32, #tpu.memory_space<vmem>>
          %dma_wait3A_465 = tpu.memref_squeeze %dma_wait3A_464 : memref<1x8x128xi32, #tpu.memory_space<vmem>> -> memref<8x128xi32, #tpu.memory_space<vmem>>
          %dma_wait3A_466 = arith.constant 0 : i32
          %dma_wait3A_467 = arith.constant 0 : i32
          %dma_wait3A_468 = tpu.memref_slice %arg4[%add3A, %select_n3A_437, %dma_wait3A_466, %dma_wait3A_467] : memref<32x25x8x128xi32, #tpu.memory_space<hbm>> -> memref<1x1x8x128xi32, #tpu.memory_space<hbm>>
          %dma_wait3A_469 = tpu.memref_squeeze %dma_wait3A_468 : memref<1x1x8x128xi32, #tpu.memory_space<hbm>> -> memref<8x128xi32, #tpu.memory_space<hbm>>
          tpu.wait_dma2 semaphore(%arg11 : memref<!tpu.dma_semaphore, #tpu.memory_space<semaphore_mem>>) src(%dma_wait3A_469 : memref<8x128xi32, #tpu.memory_space<hbm>>) dst(%dma_wait3A_465 : memref<8x128xi32, #tpu.memory_space<vmem>>)
        } else {
        }
        %dma_start3A_402 = arith.constant 0 : i32
        %dma_start3A_403 = arith.constant 0 : i32
        %dma_start3A_404 = tpu.memref_slice %arg9[%select_n3A_340, %dma_start3A_402, %dma_start3A_403] : memref<4x128x32xf32, #tpu.memory_space<vmem>> -> memref<1x128x32xf32, #tpu.memory_space<vmem>>
        %dma_start3A_405 = tpu.memref_squeeze %dma_start3A_404 : memref<1x128x32xf32, #tpu.memory_space<vmem>> -> memref<128x32xf32, #tpu.memory_space<vmem>>
        %dma_start3A_406 = arith.constant 0 : i32
        %dma_start3A_407 = tpu.memref_slice %arg7[%select_n3A_380, %select_n3A_396, %dma_start3A_406] : memref<3x8x128xi32, #tpu.memory_space<vmem>> -> memref<1x1x128xi32, #tpu.memory_space<vmem>>
        %dma_start3A_408 = tpu.memref_squeeze %dma_start3A_407 : memref<1x1x128xi32, #tpu.memory_space<vmem>> -> memref<128xi32, #tpu.memory_space<vmem>>
        %dma_start3A_409 = arith.constant 0 : i32
        %dma_start3A_410 = arith.constant 0 : i32
        %dma_start3A_411 = tpu.memref_slice %arg2[%dma_start3A_409, %dma_start3A_410] : memref<50000x32xf32, #tpu.memory_space<hbm>> -> memref<50000x32xf32, #tpu.memory_space<hbm>>
        tpu.enqueue_indirect_dma source(%dma_start3A_411 : memref<50000x32xf32, #tpu.memory_space<hbm>>) target(%dma_start3A_405 : memref<128x32xf32, #tpu.memory_space<vmem>>) offsets(%dma_start3A_408 : memref<128xi32, #tpu.memory_space<vmem>>) semaphore(%arg12 : memref<!tpu.dma_semaphore, #tpu.memory_space<semaphore_mem>>)
      } else {
      }
      %jit3A_296 = arith.constant 8 : i32
      %eq3A_297 = arith.constant 0 : i32
      %eq3A_298 = arith.cmpi eq, %jit3A_296, %eq3A_297 : i32
      %jit3A_299 = arith.constant 1 : i32
      %select_n3A_300 = arith.select %eq3A_298, %jit3A_299, %jit3A_296 : i32
      %rem3A_301 = arith.remsi %scan3A_207, %select_n3A_300 : i32
      %ne3A_302 = arith.constant 0 : i32
      %ne3A_303 = arith.cmpi ne, %rem3A_301, %ne3A_302 : i32
      %lt3A_304 = arith.constant 0 : i32
      %lt3A_305 = arith.cmpi slt, %rem3A_301, %lt3A_304 : i32
      %lt3A_306 = arith.constant 0 : i32
      %lt3A_307 = arith.cmpi slt, %select_n3A_300, %lt3A_306 : i32
      %ne3A_308 = arith.xori %lt3A_305, %lt3A_307 : i1
      %and3A_309 = arith.andi %ne3A_308, %ne3A_303 : i1
      %add3A_310 = arith.addi %rem3A_301, %select_n3A_300 : i32
      %select_n3A_311 = arith.select %and3A_309, %add3A_310, %rem3A_301 : i32
      %eq3A_312 = arith.constant 2 : i32
      %eq3A_313 = arith.cmpi eq, %select_n3A_311, %eq3A_312 : i32
      %ge3A_314 = arith.constant 10 : i32
      %ge3A_315 = arith.cmpi sge, %scan3A_207, %ge3A_314 : i32
      %and3A_316 = arith.andi %eq3A_313, %ge3A_315 : i1
      %le3A_317 = arith.constant 178 : i32
      %le3A_318 = arith.cmpi sle, %scan3A_207, %le3A_317 : i32
      %and3A_319 = arith.andi %and3A_316, %le3A_318 : i1
      %convert_element_type3A_320 = arith.extui %and3A_319 : i1 to i32
      %cond3A_321 = arith.constant 0 : i32
      %cond3A_322 = arith.cmpi ne, %convert_element_type3A_320, %cond3A_321 : i32
      scf.if %cond3A_322 {
        %jit3A_323 = arith.constant 8 : i32
        %div3A_324 = arith.divsi %scan3A_207, %jit3A_323 : i32
        %sign3A_325 = arith.constant 0 : i32
        %sign3A_326 = arith.cmpi sgt, %scan3A_207, %sign3A_325 : i32
        %sign3A_327 = arith.extui %sign3A_326 : i1 to i32
        %sign3A_328 = arith.constant 0 : i32
        %sign3A_329 = arith.cmpi slt, %scan3A_207, %sign3A_328 : i32
        %sign3A_330 = arith.extui %sign3A_329 : i1 to i32
        %sign3A_331 = arith.subi %sign3A_327, %sign3A_330 : i32
        %sign3A_332 = arith.constant 0 : i32
        %sign3A_333 = arith.cmpi sgt, %jit3A_323, %sign3A_332 : i32
        %sign3A_334 = arith.extui %sign3A_333 : i1 to i32
        %sign3A_335 = arith.constant 0 : i32
        %sign3A_336 = arith.cmpi slt, %jit3A_323, %sign3A_335 : i32
        %sign3A_337 = arith.extui %sign3A_336 : i1 to i32
        %sign3A_338 = arith.subi %sign3A_334, %sign3A_337 : i32
        %ne3A_339 = arith.cmpi ne, %sign3A_331, %sign3A_338 : i32
        %rem3A_340 = arith.remsi %scan3A_207, %jit3A_323 : i32
        %ne3A_341 = arith.constant 0 : i32
        %ne3A_342 = arith.cmpi ne, %rem3A_340, %ne3A_341 : i32
        %and3A_343 = arith.andi %ne3A_339, %ne3A_342 : i1
        %sub3A_344 = arith.constant 1 : i32
        %sub3A_345 = arith.subi %div3A_324, %sub3A_344 : i32
        %select_n3A_346 = arith.select %and3A_343, %sub3A_345, %div3A_324 : i32
        %add3A_347 = arith.constant 2 : i32
        %add3A_348 = arith.addi %select_n3A_346, %add3A_347 : i32
        %jit3A_349 = arith.constant 3 : i32
        %eq3A_350 = arith.constant 0 : i32
        %eq3A_351 = arith.cmpi eq, %jit3A_349, %eq3A_350 : i32
        %jit3A_352 = arith.constant 1 : i32
        %select_n3A_353 = arith.select %eq3A_351, %jit3A_352, %jit3A_349 : i32
        %rem3A_354 = arith.remsi %add3A_348, %select_n3A_353 : i32
        %ne3A_355 = arith.constant 0 : i32
        %ne3A_356 = arith.cmpi ne, %rem3A_354, %ne3A_355 : i32
        %lt3A_357 = arith.constant 0 : i32
        %lt3A_358 = arith.cmpi slt, %rem3A_354, %lt3A_357 : i32
        %lt3A_359 = arith.constant 0 : i32
        %lt3A_360 = arith.cmpi slt, %select_n3A_353, %lt3A_359 : i32
        %ne3A_361 = arith.xori %lt3A_358, %lt3A_360 : i1
        %and3A_362 = arith.andi %ne3A_361, %ne3A_356 : i1
        %add3A_363 = arith.addi %rem3A_354, %select_n3A_353 : i32
        %select_n3A_364 = arith.select %and3A_362, %add3A_363, %rem3A_354 : i32
        %dma_start3A_365 = arith.constant 0 : i32
        %dma_start3A_366 = arith.constant 0 : i32
        %dma_start3A_367 = tpu.memref_slice %arg7[%select_n3A_364, %dma_start3A_365, %dma_start3A_366] : memref<3x8x128xi32, #tpu.memory_space<vmem>> -> memref<1x8x128xi32, #tpu.memory_space<vmem>>
        %dma_start3A_368 = tpu.memref_squeeze %dma_start3A_367 : memref<1x8x128xi32, #tpu.memory_space<vmem>> -> memref<8x128xi32, #tpu.memory_space<vmem>>
        %dma_start3A_369 = arith.constant 0 : i32
        %dma_start3A_370 = arith.constant 0 : i32
        %dma_start3A_371 = tpu.memref_slice %arg3[%add3A, %add3A_348, %dma_start3A_369, %dma_start3A_370] : memref<32x25x8x128xi32, #tpu.memory_space<hbm>> -> memref<1x1x8x128xi32, #tpu.memory_space<hbm>>
        %dma_start3A_372 = tpu.memref_squeeze %dma_start3A_371 : memref<1x1x8x128xi32, #tpu.memory_space<hbm>> -> memref<8x128xi32, #tpu.memory_space<hbm>>
        %dma_start3A_373 = arith.constant 0 : i32
        %dma_start3A_374 = arith.constant 0 : i32
        %dma_start3A_375 = tpu.memref_slice %arg7[%select_n3A_364, %dma_start3A_373, %dma_start3A_374] : memref<3x8x128xi32, #tpu.memory_space<vmem>> -> memref<1x8x128xi32, #tpu.memory_space<vmem>>
        %dma_start3A_376 = tpu.memref_squeeze %dma_start3A_375 : memref<1x8x128xi32, #tpu.memory_space<vmem>> -> memref<8x128xi32, #tpu.memory_space<vmem>>
        %dma_start3A_377 = arith.constant 0 : i32
        %dma_start3A_378 = arith.constant 0 : i32
        %dma_start3A_379 = tpu.memref_slice %arg3[%add3A, %add3A_348, %dma_start3A_377, %dma_start3A_378] : memref<32x25x8x128xi32, #tpu.memory_space<hbm>> -> memref<1x1x8x128xi32, #tpu.memory_space<hbm>>
        %dma_start3A_380 = tpu.memref_squeeze %dma_start3A_379 : memref<1x1x8x128xi32, #tpu.memory_space<hbm>> -> memref<8x128xi32, #tpu.memory_space<hbm>>
        tpu.enqueue_dma source(%dma_start3A_380 : memref<8x128xi32, #tpu.memory_space<hbm>>) target(%dma_start3A_376 : memref<8x128xi32, #tpu.memory_space<vmem>>) target_semaphore(%arg11 : memref<!tpu.dma_semaphore, #tpu.memory_space<semaphore_mem>>)
        %dma_start3A_381 = arith.constant 0 : i32
        %dma_start3A_382 = arith.constant 0 : i32
        %dma_start3A_383 = tpu.memref_slice %arg8[%select_n3A_364, %dma_start3A_381, %dma_start3A_382] : memref<3x8x128xi32, #tpu.memory_space<vmem>> -> memref<1x8x128xi32, #tpu.memory_space<vmem>>
        %dma_start3A_384 = tpu.memref_squeeze %dma_start3A_383 : memref<1x8x128xi32, #tpu.memory_space<vmem>> -> memref<8x128xi32, #tpu.memory_space<vmem>>
        %dma_start3A_385 = arith.constant 0 : i32
        %dma_start3A_386 = arith.constant 0 : i32
        %dma_start3A_387 = tpu.memref_slice %arg4[%add3A, %add3A_348, %dma_start3A_385, %dma_start3A_386] : memref<32x25x8x128xi32, #tpu.memory_space<hbm>> -> memref<1x1x8x128xi32, #tpu.memory_space<hbm>>
        %dma_start3A_388 = tpu.memref_squeeze %dma_start3A_387 : memref<1x1x8x128xi32, #tpu.memory_space<hbm>> -> memref<8x128xi32, #tpu.memory_space<hbm>>
        %dma_start3A_389 = arith.constant 0 : i32
        %dma_start3A_390 = arith.constant 0 : i32
        %dma_start3A_391 = tpu.memref_slice %arg8[%select_n3A_364, %dma_start3A_389, %dma_start3A_390] : memref<3x8x128xi32, #tpu.memory_space<vmem>> -> memref<1x8x128xi32, #tpu.memory_space<vmem>>
        %dma_start3A_392 = tpu.memref_squeeze %dma_start3A_391 : memref<1x8x128xi32, #tpu.memory_space<vmem>> -> memref<8x128xi32, #tpu.memory_space<vmem>>
        %dma_start3A_393 = arith.constant 0 : i32
        %dma_start3A_394 = arith.constant 0 : i32
        %dma_start3A_395 = tpu.memref_slice %arg4[%add3A, %add3A_348, %dma_start3A_393, %dma_start3A_394] : memref<32x25x8x128xi32, #tpu.memory_space<hbm>> -> memref<1x1x8x128xi32, #tpu.memory_space<hbm>>
        %dma_start3A_396 = tpu.memref_squeeze %dma_start3A_395 : memref<1x1x8x128xi32, #tpu.memory_space<hbm>> -> memref<8x128xi32, #tpu.memory_space<hbm>>
        tpu.enqueue_dma source(%dma_start3A_396 : memref<8x128xi32, #tpu.memory_space<hbm>>) target(%dma_start3A_392 : memref<8x128xi32, #tpu.memory_space<vmem>>) target_semaphore(%arg11 : memref<!tpu.dma_semaphore, #tpu.memory_space<semaphore_mem>>)
      } else {
      }
    }
    %scan3A_175 = arith.constant 200 : i32
    %dma_wait3A_176 = arith.constant 2 : i32
    %dma_wait3A_177 = arith.constant 0 : i32
    %dma_wait3A_178 = arith.constant 6 : i32
    %dma_wait3A_179 = arith.constant 0 : i32
    %dma_wait3A_180 = arith.constant 0 : i32
    %dma_wait3A_181 = tpu.memref_slice %arg9[%dma_wait3A_176, %dma_wait3A_179, %dma_wait3A_180] : memref<4x128x32xf32, #tpu.memory_space<vmem>> -> memref<1x128x32xf32, #tpu.memory_space<vmem>>
    %dma_wait3A_182 = tpu.memref_squeeze %dma_wait3A_181 : memref<1x128x32xf32, #tpu.memory_space<vmem>> -> memref<128x32xf32, #tpu.memory_space<vmem>>
    %dma_wait3A_183 = arith.constant 0 : i32
    %dma_wait3A_184 = tpu.memref_slice %arg8[%dma_wait3A_177, %dma_wait3A_178, %dma_wait3A_183] : memref<3x8x128xi32, #tpu.memory_space<vmem>> -> memref<1x1x128xi32, #tpu.memory_space<vmem>>
    %dma_wait3A_185 = tpu.memref_squeeze %dma_wait3A_184 : memref<1x1x128xi32, #tpu.memory_space<vmem>> -> memref<128xi32, #tpu.memory_space<vmem>>
    %dma_wait3A_186 = arith.constant 0 : i32
    %dma_wait3A_187 = arith.constant 0 : i32
    %dma_wait3A_188 = tpu.memref_slice %arg10[%dma_wait3A_186, %dma_wait3A_187] : memref<50048x32xf32, #tpu.memory_space<vmem_shared>> -> memref<50048x32xf32, #tpu.memory_space<vmem_shared>>
    tpu.wait_indirect_dma semaphore(%arg13 : memref<!tpu.dma_semaphore, #tpu.memory_space<semaphore_mem>>) src(%dma_wait3A_182 : memref<128x32xf32, #tpu.memory_space<vmem>>) dst(%dma_wait3A_188 : memref<50048x32xf32, #tpu.memory_space<vmem_shared>>)
    %dma_wait3A_189 = arith.constant 3 : i32
    %dma_wait3A_190 = arith.constant 0 : i32
    %dma_wait3A_191 = arith.constant 7 : i32
    %dma_wait3A_192 = arith.constant 0 : i32
    %dma_wait3A_193 = arith.constant 0 : i32
    %dma_wait3A_194 = tpu.memref_slice %arg9[%dma_wait3A_189, %dma_wait3A_192, %dma_wait3A_193] : memref<4x128x32xf32, #tpu.memory_space<vmem>> -> memref<1x128x32xf32, #tpu.memory_space<vmem>>
    %dma_wait3A_195 = tpu.memref_squeeze %dma_wait3A_194 : memref<1x128x32xf32, #tpu.memory_space<vmem>> -> memref<128x32xf32, #tpu.memory_space<vmem>>
    %dma_wait3A_196 = arith.constant 0 : i32
    %dma_wait3A_197 = tpu.memref_slice %arg8[%dma_wait3A_190, %dma_wait3A_191, %dma_wait3A_196] : memref<3x8x128xi32, #tpu.memory_space<vmem>> -> memref<1x1x128xi32, #tpu.memory_space<vmem>>
    %dma_wait3A_198 = tpu.memref_squeeze %dma_wait3A_197 : memref<1x1x128xi32, #tpu.memory_space<vmem>> -> memref<128xi32, #tpu.memory_space<vmem>>
    %dma_wait3A_199 = arith.constant 0 : i32
    %dma_wait3A_200 = arith.constant 0 : i32
    %dma_wait3A_201 = tpu.memref_slice %arg10[%dma_wait3A_199, %dma_wait3A_200] : memref<50048x32xf32, #tpu.memory_space<vmem_shared>> -> memref<50048x32xf32, #tpu.memory_space<vmem_shared>>
    tpu.wait_indirect_dma semaphore(%arg13 : memref<!tpu.dma_semaphore, #tpu.memory_space<semaphore_mem>>) src(%dma_wait3A_195 : memref<128x32xf32, #tpu.memory_space<vmem>>) dst(%dma_wait3A_201 : memref<50048x32xf32, #tpu.memory_space<vmem_shared>>)
    %barrier3A_202 = arith.constant 0 : index
    tpu.barrier barrier_id(%barrier3A_202)
    %mul3A_203 = arith.constant 3128 : i32
    %mul3A_204 = arith.muli %arg1, %mul3A_203 : i32
    %mul3A_205 = arith.constant 3128 : i32
    %mul3A_206 = arith.muli %arg1, %mul3A_205 : i32
    "tpu.region"() ({
      %run_scoped3A = tpu.sem_alloc : memref<!tpu.dma_semaphore, #tpu.memory_space<semaphore_mem>>
      %dma_start3A_207 = arith.constant 0 : i32
      %dma_start3A_208 = tpu.memref_slice %arg6[%arg0, %mul3A_206, %dma_start3A_207] : memref<2x50048x32xf32, #tpu.memory_space<hbm>> -> memref<1x3128x32xf32, #tpu.memory_space<hbm>>
      %dma_start3A_209 = tpu.memref_squeeze %dma_start3A_208 : memref<1x3128x32xf32, #tpu.memory_space<hbm>> -> memref<3128x32xf32, #tpu.memory_space<hbm>>
      %dma_start3A_210 = arith.constant 0 : i32
      %dma_start3A_211 = tpu.memref_slice %arg10[%mul3A_204, %dma_start3A_210] : memref<50048x32xf32, #tpu.memory_space<vmem_shared>> -> memref<3128x32xf32, #tpu.memory_space<vmem_shared>>
      tpu.enqueue_dma source(%dma_start3A_211 : memref<3128x32xf32, #tpu.memory_space<vmem_shared>>) target(%dma_start3A_209 : memref<3128x32xf32, #tpu.memory_space<hbm>>) target_semaphore(%run_scoped3A : memref<!tpu.dma_semaphore, #tpu.memory_space<semaphore_mem>>)
      %dma_wait3A_212 = arith.constant 0 : i32
      %dma_wait3A_213 = tpu.memref_slice %arg6[%arg0, %mul3A_206, %dma_wait3A_212] : memref<2x50048x32xf32, #tpu.memory_space<hbm>> -> memref<1x3128x32xf32, #tpu.memory_space<hbm>>
      %dma_wait3A_214 = tpu.memref_squeeze %dma_wait3A_213 : memref<1x3128x32xf32, #tpu.memory_space<hbm>> -> memref<3128x32xf32, #tpu.memory_space<hbm>>
      %dma_wait3A_215 = arith.constant 0 : i32
      %dma_wait3A_216 = tpu.memref_slice %arg10[%mul3A_204, %dma_wait3A_215] : memref<50048x32xf32, #tpu.memory_space<vmem_shared>> -> memref<3128x32xf32, #tpu.memory_space<vmem_shared>>
      tpu.wait_dma2 semaphore(%run_scoped3A : memref<!tpu.dma_semaphore, #tpu.memory_space<semaphore_mem>>) src(%dma_wait3A_216 : memref<3128x32xf32, #tpu.memory_space<vmem_shared>>) dst(%dma_wait3A_214 : memref<3128x32xf32, #tpu.memory_space<hbm>>)
      tpu.yield
    }) : () -> ()
    return
  }
}

#map = affine_map<(d0, d1) -> (0, 0)>
#map1 = affine_map<(d0, d1) -> (0, 0, 0, 0)>
#map2 = affine_map<(d0, d1) -> (0, 0, 0)>
module attributes {stable_mosaic.version = 14 : i64} {
  func.func @body(%arg0: i32, %arg1: i32, %arg2: memref<50000x32xf32, #tpu.memory_space<hbm>>, %arg3: memref<32x25x8x128xi32, #tpu.memory_space<hbm>>, %arg4: memref<32x25x8x128xi32, #tpu.memory_space<hbm>>, %arg5: memref<3128x32xf32, #tpu.memory_space<hbm>>, %arg6: memref<2x50048x32xf32, #tpu.memory_space<hbm>>, %arg7: memref<3x8x128xi32, #tpu.memory_space<vmem>>, %arg8: memref<3x8x128xi32, #tpu.memory_space<vmem>>, %arg9: memref<4x128x32xf32, #tpu.memory_space<vmem>>, %arg10: memref<50048x32xf32, #tpu.memory_space<vmem_shared>>, %arg11: memref<!tpu.dma_semaphore, #tpu.memory_space<semaphore_mem>>, %arg12: memref<!tpu.dma_semaphore, #tpu.memory_space<semaphore_mem>>, %arg13: memref<!tpu.dma_semaphore, #tpu.memory_space<semaphore_mem>>) attributes {dimension_semantics = [#tpu.dimension_semantics<core_parallel>, #tpu.dimension_semantics<subcore_parallel>], iteration_bounds = array<i64: 2, 16>, scalar_prefetch = 0 : i64, scratch_operands = 7 : i64, tpu.core_type = #tpu.core_type<sc_vector_subcore>, window_params = [{transform_indices = #map}, {transform_indices = #map1}, {transform_indices = #map1}, {transform_indices = #map}, {transform_indices = #map2}]} {
    %mul3A = arith.constant 16 : i32
    %mul3A_0 = arith.muli %arg0, %mul3A : i32
    %add3A = arith.addi %mul3A_0, %arg1 : i32
    %mul3A_1 = arith.constant 3128 : i32
    %mul3A_2 = arith.muli %arg1, %mul3A_1 : i32
    "tpu.region"() ({
      %run_scoped3A = tpu.sem_alloc : memref<!tpu.dma_semaphore, #tpu.memory_space<semaphore_mem>>
      %dma_start3A_207 = arith.constant 0 : i32
      %dma_start3A_208 = tpu.memref_slice %arg10[%mul3A_2, %dma_start3A_207] : memref<50048x32xf32, #tpu.memory_space<vmem_shared>> -> memref<3128x32xf32, #tpu.memory_space<vmem_shared>>
      tpu.enqueue_dma source(%arg5 : memref<3128x32xf32, #tpu.memory_space<hbm>>) target(%dma_start3A_208 : memref<3128x32xf32, #tpu.memory_space<vmem_shared>>) target_semaphore(%run_scoped3A : memref<!tpu.dma_semaphore, #tpu.memory_space<semaphore_mem>>)
      %dma_wait3A_209 = arith.constant 0 : i32
      %dma_wait3A_210 = tpu.memref_slice %arg10[%mul3A_2, %dma_wait3A_209] : memref<50048x32xf32, #tpu.memory_space<vmem_shared>> -> memref<3128x32xf32, #tpu.memory_space<vmem_shared>>
      tpu.wait_dma2 semaphore(%run_scoped3A : memref<!tpu.dma_semaphore, #tpu.memory_space<semaphore_mem>>) src(%arg5 : memref<3128x32xf32, #tpu.memory_space<hbm>>) dst(%dma_wait3A_210 : memref<3128x32xf32, #tpu.memory_space<vmem_shared>>)
      tpu.yield
    }) : () -> ()
    %dma_start3A = arith.constant 0 : i32
    %dma_start3A_3 = arith.constant 0 : i32
    %dma_start3A_4 = arith.constant 0 : i32
    %dma_start3A_5 = arith.constant 0 : i32
    %dma_start3A_6 = tpu.memref_slice %arg7[%dma_start3A_3, %dma_start3A_4, %dma_start3A_5] : memref<3x8x128xi32, #tpu.memory_space<vmem>> -> memref<1x8x128xi32, #tpu.memory_space<vmem>>
    %dma_start3A_7 = tpu.memref_squeeze %dma_start3A_6 : memref<1x8x128xi32, #tpu.memory_space<vmem>> -> memref<8x128xi32, #tpu.memory_space<vmem>>
    %dma_start3A_8 = arith.constant 0 : i32
    %dma_start3A_9 = arith.constant 0 : i32
    %dma_start3A_10 = tpu.memref_slice %arg3[%add3A, %dma_start3A, %dma_start3A_8, %dma_start3A_9] : memref<32x25x8x128xi32, #tpu.memory_space<hbm>> -> memref<1x1x8x128xi32, #tpu.memory_space<hbm>>
    %dma_start3A_11 = tpu.memref_squeeze %dma_start3A_10 : memref<1x1x8x128xi32, #tpu.memory_space<hbm>> -> memref<8x128xi32, #tpu.memory_space<hbm>>
    %dma_start3A_12 = arith.constant 0 : i32
    %dma_start3A_13 = arith.constant 0 : i32
    %dma_start3A_14 = tpu.memref_slice %arg7[%dma_start3A_3, %dma_start3A_12, %dma_start3A_13] : memref<3x8x128xi32, #tpu.memory_space<vmem>> -> memref<1x8x128xi32, #tpu.memory_space<vmem>>
    %dma_start3A_15 = tpu.memref_squeeze %dma_start3A_14 : memref<1x8x128xi32, #tpu.memory_space<vmem>> -> memref<8x128xi32, #tpu.memory_space<vmem>>
    %dma_start3A_16 = arith.constant 0 : i32
    %dma_start3A_17 = arith.constant 0 : i32
    %dma_start3A_18 = tpu.memref_slice %arg3[%add3A, %dma_start3A, %dma_start3A_16, %dma_start3A_17] : memref<32x25x8x128xi32, #tpu.memory_space<hbm>> -> memref<1x1x8x128xi32, #tpu.memory_space<hbm>>
    %dma_start3A_19 = tpu.memref_squeeze %dma_start3A_18 : memref<1x1x8x128xi32, #tpu.memory_space<hbm>> -> memref<8x128xi32, #tpu.memory_space<hbm>>
    tpu.enqueue_dma source(%dma_start3A_19 : memref<8x128xi32, #tpu.memory_space<hbm>>) target(%dma_start3A_15 : memref<8x128xi32, #tpu.memory_space<vmem>>) target_semaphore(%arg11 : memref<!tpu.dma_semaphore, #tpu.memory_space<semaphore_mem>>)
    %dma_wait3A = arith.constant 0 : i32
    %dma_wait3A_20 = arith.constant 0 : i32
    %dma_wait3A_21 = arith.constant 0 : i32
    %dma_wait3A_22 = arith.constant 0 : i32
    %dma_wait3A_23 = tpu.memref_slice %arg7[%dma_wait3A_20, %dma_wait3A_21, %dma_wait3A_22] : memref<3x8x128xi32, #tpu.memory_space<vmem>> -> memref<1x8x128xi32, #tpu.memory_space<vmem>>
    %dma_wait3A_24 = tpu.memref_squeeze %dma_wait3A_23 : memref<1x8x128xi32, #tpu.memory_space<vmem>> -> memref<8x128xi32, #tpu.memory_space<vmem>>
    %dma_wait3A_25 = arith.constant 0 : i32
    %dma_wait3A_26 = arith.constant 0 : i32
    %dma_wait3A_27 = tpu.memref_slice %arg3[%add3A, %dma_wait3A, %dma_wait3A_25, %dma_wait3A_26] : memref<32x25x8x128xi32, #tpu.memory_space<hbm>> -> memref<1x1x8x128xi32, #tpu.memory_space<hbm>>
    %dma_wait3A_28 = tpu.memref_squeeze %dma_wait3A_27 : memref<1x1x8x128xi32, #tpu.memory_space<hbm>> -> memref<8x128xi32, #tpu.memory_space<hbm>>
    %dma_wait3A_29 = arith.constant 0 : i32
    %dma_wait3A_30 = arith.constant 0 : i32
    %dma_wait3A_31 = tpu.memref_slice %arg7[%dma_wait3A_20, %dma_wait3A_29, %dma_wait3A_30] : memref<3x8x128xi32, #tpu.memory_space<vmem>> -> memref<1x8x128xi32, #tpu.memory_space<vmem>>
    %dma_wait3A_32 = tpu.memref_squeeze %dma_wait3A_31 : memref<1x8x128xi32, #tpu.memory_space<vmem>> -> memref<8x128xi32, #tpu.memory_space<vmem>>
    %dma_wait3A_33 = arith.constant 0 : i32
    %dma_wait3A_34 = arith.constant 0 : i32
    %dma_wait3A_35 = tpu.memref_slice %arg3[%add3A, %dma_wait3A, %dma_wait3A_33, %dma_wait3A_34] : memref<32x25x8x128xi32, #tpu.memory_space<hbm>> -> memref<1x1x8x128xi32, #tpu.memory_space<hbm>>
    %dma_wait3A_36 = tpu.memref_squeeze %dma_wait3A_35 : memref<1x1x8x128xi32, #tpu.memory_space<hbm>> -> memref<8x128xi32, #tpu.memory_space<hbm>>
    tpu.wait_dma2 semaphore(%arg11 : memref<!tpu.dma_semaphore, #tpu.memory_space<semaphore_mem>>) src(%dma_wait3A_36 : memref<8x128xi32, #tpu.memory_space<hbm>>) dst(%dma_wait3A_32 : memref<8x128xi32, #tpu.memory_space<vmem>>)
    %dma_start3A_37 = arith.constant 0 : i32
    %dma_start3A_38 = arith.constant 0 : i32
    %dma_start3A_39 = arith.constant 0 : i32
    %dma_start3A_40 = arith.constant 0 : i32
    %dma_start3A_41 = tpu.memref_slice %arg8[%dma_start3A_38, %dma_start3A_39, %dma_start3A_40] : memref<3x8x128xi32, #tpu.memory_space<vmem>> -> memref<1x8x128xi32, #tpu.memory_space<vmem>>
    %dma_start3A_42 = tpu.memref_squeeze %dma_start3A_41 : memref<1x8x128xi32, #tpu.memory_space<vmem>> -> memref<8x128xi32, #tpu.memory_space<vmem>>
    %dma_start3A_43 = arith.constant 0 : i32
    %dma_start3A_44 = arith.constant 0 : i32
    %dma_start3A_45 = tpu.memref_slice %arg4[%add3A, %dma_start3A_37, %dma_start3A_43, %dma_start3A_44] : memref<32x25x8x128xi32, #tpu.memory_space<hbm>> -> memref<1x1x8x128xi32, #tpu.memory_space<hbm>>
    %dma_start3A_46 = tpu.memref_squeeze %dma_start3A_45 : memref<1x1x8x128xi32, #tpu.memory_space<hbm>> -> memref<8x128xi32, #tpu.memory_space<hbm>>
    %dma_start3A_47 = arith.constant 0 : i32
    %dma_start3A_48 = arith.constant 0 : i32
    %dma_start3A_49 = tpu.memref_slice %arg8[%dma_start3A_38, %dma_start3A_47, %dma_start3A_48] : memref<3x8x128xi32, #tpu.memory_space<vmem>> -> memref<1x8x128xi32, #tpu.memory_space<vmem>>
    %dma_start3A_50 = tpu.memref_squeeze %dma_start3A_49 : memref<1x8x128xi32, #tpu.memory_space<vmem>> -> memref<8x128xi32, #tpu.memory_space<vmem>>
    %dma_start3A_51 = arith.constant 0 : i32
    %dma_start3A_52 = arith.constant 0 : i32
    %dma_start3A_53 = tpu.memref_slice %arg4[%add3A, %dma_start3A_37, %dma_start3A_51, %dma_start3A_52] : memref<32x25x8x128xi32, #tpu.memory_space<hbm>> -> memref<1x1x8x128xi32, #tpu.memory_space<hbm>>
    %dma_start3A_54 = tpu.memref_squeeze %dma_start3A_53 : memref<1x1x8x128xi32, #tpu.memory_space<hbm>> -> memref<8x128xi32, #tpu.memory_space<hbm>>
    tpu.enqueue_dma source(%dma_start3A_54 : memref<8x128xi32, #tpu.memory_space<hbm>>) target(%dma_start3A_50 : memref<8x128xi32, #tpu.memory_space<vmem>>) target_semaphore(%arg11 : memref<!tpu.dma_semaphore, #tpu.memory_space<semaphore_mem>>)
    %dma_wait3A_55 = arith.constant 0 : i32
    %dma_wait3A_56 = arith.constant 0 : i32
    %dma_wait3A_57 = arith.constant 0 : i32
    %dma_wait3A_58 = arith.constant 0 : i32
    %dma_wait3A_59 = tpu.memref_slice %arg8[%dma_wait3A_56, %dma_wait3A_57, %dma_wait3A_58] : memref<3x8x128xi32, #tpu.memory_space<vmem>> -> memref<1x8x128xi32, #tpu.memory_space<vmem>>
    %dma_wait3A_60 = tpu.memref_squeeze %dma_wait3A_59 : memref<1x8x128xi32, #tpu.memory_space<vmem>> -> memref<8x128xi32, #tpu.memory_space<vmem>>
    %dma_wait3A_61 = arith.constant 0 : i32
    %dma_wait3A_62 = arith.constant 0 : i32
    %dma_wait3A_63 = tpu.memref_slice %arg4[%add3A, %dma_wait3A_55, %dma_wait3A_61, %dma_wait3A_62] : memref<32x25x8x128xi32, #tpu.memory_space<hbm>> -> memref<1x1x8x128xi32, #tpu.memory_space<hbm>>
    %dma_wait3A_64 = tpu.memref_squeeze %dma_wait3A_63 : memref<1x1x8x128xi32, #tpu.memory_space<hbm>> -> memref<8x128xi32, #tpu.memory_space<hbm>>
    %dma_wait3A_65 = arith.constant 0 : i32
    %dma_wait3A_66 = arith.constant 0 : i32
    %dma_wait3A_67 = tpu.memref_slice %arg8[%dma_wait3A_56, %dma_wait3A_65, %dma_wait3A_66] : memref<3x8x128xi32, #tpu.memory_space<vmem>> -> memref<1x8x128xi32, #tpu.memory_space<vmem>>
    %dma_wait3A_68 = tpu.memref_squeeze %dma_wait3A_67 : memref<1x8x128xi32, #tpu.memory_space<vmem>> -> memref<8x128xi32, #tpu.memory_space<vmem>>
    %dma_wait3A_69 = arith.constant 0 : i32
    %dma_wait3A_70 = arith.constant 0 : i32
    %dma_wait3A_71 = tpu.memref_slice %arg4[%add3A, %dma_wait3A_55, %dma_wait3A_69, %dma_wait3A_70] : memref<32x25x8x128xi32, #tpu.memory_space<hbm>> -> memref<1x1x8x128xi32, #tpu.memory_space<hbm>>
    %dma_wait3A_72 = tpu.memref_squeeze %dma_wait3A_71 : memref<1x1x8x128xi32, #tpu.memory_space<hbm>> -> memref<8x128xi32, #tpu.memory_space<hbm>>
    tpu.wait_dma2 semaphore(%arg11 : memref<!tpu.dma_semaphore, #tpu.memory_space<semaphore_mem>>) src(%dma_wait3A_72 : memref<8x128xi32, #tpu.memory_space<hbm>>) dst(%dma_wait3A_68 : memref<8x128xi32, #tpu.memory_space<vmem>>)
    %dma_start3A_73 = arith.constant 0 : i32
    %dma_start3A_74 = arith.constant 0 : i32
    %dma_start3A_75 = arith.constant 0 : i32
    %dma_start3A_76 = arith.constant 0 : i32
    %dma_start3A_77 = arith.constant 0 : i32
    %dma_start3A_78 = tpu.memref_slice %arg9[%dma_start3A_75, %dma_start3A_76, %dma_start3A_77] : memref<4x128x32xf32, #tpu.memory_space<vmem>> -> memref<1x128x32xf32, #tpu.memory_space<vmem>>
    %dma_start3A_79 = tpu.memref_squeeze %dma_start3A_78 : memref<1x128x32xf32, #tpu.memory_space<vmem>> -> memref<128x32xf32, #tpu.memory_space<vmem>>
    %dma_start3A_80 = arith.constant 0 : i32
    %dma_start3A_81 = tpu.memref_slice %arg7[%dma_start3A_73, %dma_start3A_74, %dma_start3A_80] : memref<3x8x128xi32, #tpu.memory_space<vmem>> -> memref<1x1x128xi32, #tpu.memory_space<vmem>>
    %dma_start3A_82 = tpu.memref_squeeze %dma_start3A_81 : memref<1x1x128xi32, #tpu.memory_space<vmem>> -> memref<128xi32, #tpu.memory_space<vmem>>
    %dma_start3A_83 = arith.constant 0 : i32
    %dma_start3A_84 = arith.constant 0 : i32
    %dma_start3A_85 = tpu.memref_slice %arg2[%dma_start3A_83, %dma_start3A_84] : memref<50000x32xf32, #tpu.memory_space<hbm>> -> memref<50000x32xf32, #tpu.memory_space<hbm>>
    tpu.enqueue_indirect_dma source(%dma_start3A_85 : memref<50000x32xf32, #tpu.memory_space<hbm>>) target(%dma_start3A_79 : memref<128x32xf32, #tpu.memory_space<vmem>>) offsets(%dma_start3A_82 : memref<128xi32, #tpu.memory_space<vmem>>) semaphore(%arg12 : memref<!tpu.dma_semaphore, #tpu.memory_space<semaphore_mem>>)
    %dma_start3A_86 = arith.constant 0 : i32
    %dma_start3A_87 = arith.constant 1 : i32
    %dma_start3A_88 = arith.constant 1 : i32
    %dma_start3A_89 = arith.constant 0 : i32
    %dma_start3A_90 = arith.constant 0 : i32
    %dma_start3A_91 = tpu.memref_slice %arg9[%dma_start3A_88, %dma_start3A_89, %dma_start3A_90] : memref<4x128x32xf32, #tpu.memory_space<vmem>> -> memref<1x128x32xf32, #tpu.memory_space<vmem>>
    %dma_start3A_92 = tpu.memref_squeeze %dma_start3A_91 : memref<1x128x32xf32, #tpu.memory_space<vmem>> -> memref<128x32xf32, #tpu.memory_space<vmem>>
    %dma_start3A_93 = arith.constant 0 : i32
    %dma_start3A_94 = tpu.memref_slice %arg7[%dma_start3A_86, %dma_start3A_87, %dma_start3A_93] : memref<3x8x128xi32, #tpu.memory_space<vmem>> -> memref<1x1x128xi32, #tpu.memory_space<vmem>>
    %dma_start3A_95 = tpu.memref_squeeze %dma_start3A_94 : memref<1x1x128xi32, #tpu.memory_space<vmem>> -> memref<128xi32, #tpu.memory_space<vmem>>
    %dma_start3A_96 = arith.constant 0 : i32
    %dma_start3A_97 = arith.constant 0 : i32
    %dma_start3A_98 = tpu.memref_slice %arg2[%dma_start3A_96, %dma_start3A_97] : memref<50000x32xf32, #tpu.memory_space<hbm>> -> memref<50000x32xf32, #tpu.memory_space<hbm>>
    tpu.enqueue_indirect_dma source(%dma_start3A_98 : memref<50000x32xf32, #tpu.memory_space<hbm>>) target(%dma_start3A_92 : memref<128x32xf32, #tpu.memory_space<vmem>>) offsets(%dma_start3A_95 : memref<128xi32, #tpu.memory_space<vmem>>) semaphore(%arg12 : memref<!tpu.dma_semaphore, #tpu.memory_space<semaphore_mem>>)
    %dma_start3A_99 = arith.constant 1 : i32
    %dma_start3A_100 = arith.constant 1 : i32
    %dma_start3A_101 = arith.constant 0 : i32
    %dma_start3A_102 = arith.constant 0 : i32
    %dma_start3A_103 = tpu.memref_slice %arg7[%dma_start3A_100, %dma_start3A_101, %dma_start3A_102] : memref<3x8x128xi32, #tpu.memory_space<vmem>> -> memref<1x8x128xi32, #tpu.memory_space<vmem>>
    %dma_start3A_104 = tpu.memref_squeeze %dma_start3A_103 : memref<1x8x128xi32, #tpu.memory_space<vmem>> -> memref<8x128xi32, #tpu.memory_space<vmem>>
    %dma_start3A_105 = arith.constant 0 : i32
    %dma_start3A_106 = arith.constant 0 : i32
    %dma_start3A_107 = tpu.memref_slice %arg3[%add3A, %dma_start3A_99, %dma_start3A_105, %dma_start3A_106] : memref<32x25x8x128xi32, #tpu.memory_space<hbm>> -> memref<1x1x8x128xi32, #tpu.memory_space<hbm>>
    %dma_start3A_108 = tpu.memref_squeeze %dma_start3A_107 : memref<1x1x8x128xi32, #tpu.memory_space<hbm>> -> memref<8x128xi32, #tpu.memory_space<hbm>>
    %dma_start3A_109 = arith.constant 0 : i32
    %dma_start3A_110 = arith.constant 0 : i32
    %dma_start3A_111 = tpu.memref_slice %arg7[%dma_start3A_100, %dma_start3A_109, %dma_start3A_110] : memref<3x8x128xi32, #tpu.memory_space<vmem>> -> memref<1x8x128xi32, #tpu.memory_space<vmem>>
    %dma_start3A_112 = tpu.memref_squeeze %dma_start3A_111 : memref<1x8x128xi32, #tpu.memory_space<vmem>> -> memref<8x128xi32, #tpu.memory_space<vmem>>
    %dma_start3A_113 = arith.constant 0 : i32
    %dma_start3A_114 = arith.constant 0 : i32
    %dma_start3A_115 = tpu.memref_slice %arg3[%add3A, %dma_start3A_99, %dma_start3A_113, %dma_start3A_114] : memref<32x25x8x128xi32, #tpu.memory_space<hbm>> -> memref<1x1x8x128xi32, #tpu.memory_space<hbm>>
    %dma_start3A_116 = tpu.memref_squeeze %dma_start3A_115 : memref<1x1x8x128xi32, #tpu.memory_space<hbm>> -> memref<8x128xi32, #tpu.memory_space<hbm>>
    tpu.enqueue_dma source(%dma_start3A_116 : memref<8x128xi32, #tpu.memory_space<hbm>>) target(%dma_start3A_112 : memref<8x128xi32, #tpu.memory_space<vmem>>) target_semaphore(%arg11 : memref<!tpu.dma_semaphore, #tpu.memory_space<semaphore_mem>>)
    %dma_start3A_117 = arith.constant 1 : i32
    %dma_start3A_118 = arith.constant 1 : i32
    %dma_start3A_119 = arith.constant 0 : i32
    %dma_start3A_120 = arith.constant 0 : i32
    %dma_start3A_121 = tpu.memref_slice %arg8[%dma_start3A_118, %dma_start3A_119, %dma_start3A_120] : memref<3x8x128xi32, #tpu.memory_space<vmem>> -> memref<1x8x128xi32, #tpu.memory_space<vmem>>
    %dma_start3A_122 = tpu.memref_squeeze %dma_start3A_121 : memref<1x8x128xi32, #tpu.memory_space<vmem>> -> memref<8x128xi32, #tpu.memory_space<vmem>>
    %dma_start3A_123 = arith.constant 0 : i32
    %dma_start3A_124 = arith.constant 0 : i32
    %dma_start3A_125 = tpu.memref_slice %arg4[%add3A, %dma_start3A_117, %dma_start3A_123, %dma_start3A_124] : memref<32x25x8x128xi32, #tpu.memory_space<hbm>> -> memref<1x1x8x128xi32, #tpu.memory_space<hbm>>
    %dma_start3A_126 = tpu.memref_squeeze %dma_start3A_125 : memref<1x1x8x128xi32, #tpu.memory_space<hbm>> -> memref<8x128xi32, #tpu.memory_space<hbm>>
    %dma_start3A_127 = arith.constant 0 : i32
    %dma_start3A_128 = arith.constant 0 : i32
    %dma_start3A_129 = tpu.memref_slice %arg8[%dma_start3A_118, %dma_start3A_127, %dma_start3A_128] : memref<3x8x128xi32, #tpu.memory_space<vmem>> -> memref<1x8x128xi32, #tpu.memory_space<vmem>>
    %dma_start3A_130 = tpu.memref_squeeze %dma_start3A_129 : memref<1x8x128xi32, #tpu.memory_space<vmem>> -> memref<8x128xi32, #tpu.memory_space<vmem>>
    %dma_start3A_131 = arith.constant 0 : i32
    %dma_start3A_132 = arith.constant 0 : i32
    %dma_start3A_133 = tpu.memref_slice %arg4[%add3A, %dma_start3A_117, %dma_start3A_131, %dma_start3A_132] : memref<32x25x8x128xi32, #tpu.memory_space<hbm>> -> memref<1x1x8x128xi32, #tpu.memory_space<hbm>>
    %dma_start3A_134 = tpu.memref_squeeze %dma_start3A_133 : memref<1x1x8x128xi32, #tpu.memory_space<hbm>> -> memref<8x128xi32, #tpu.memory_space<hbm>>
    tpu.enqueue_dma source(%dma_start3A_134 : memref<8x128xi32, #tpu.memory_space<hbm>>) target(%dma_start3A_130 : memref<8x128xi32, #tpu.memory_space<vmem>>) target_semaphore(%arg11 : memref<!tpu.dma_semaphore, #tpu.memory_space<semaphore_mem>>)
    %dma_start3A_135 = arith.constant 2 : i32
    %dma_start3A_136 = arith.constant 2 : i32
    %dma_start3A_137 = arith.constant 0 : i32
    %dma_start3A_138 = arith.constant 0 : i32
    %dma_start3A_139 = tpu.memref_slice %arg7[%dma_start3A_136, %dma_start3A_137, %dma_start3A_138] : memref<3x8x128xi32, #tpu.memory_space<vmem>> -> memref<1x8x128xi32, #tpu.memory_space<vmem>>
    %dma_start3A_140 = tpu.memref_squeeze %dma_start3A_139 : memref<1x8x128xi32, #tpu.memory_space<vmem>> -> memref<8x128xi32, #tpu.memory_space<vmem>>
    %dma_start3A_141 = arith.constant 0 : i32
    %dma_start3A_142 = arith.constant 0 : i32
    %dma_start3A_143 = tpu.memref_slice %arg3[%add3A, %dma_start3A_135, %dma_start3A_141, %dma_start3A_142] : memref<32x25x8x128xi32, #tpu.memory_space<hbm>> -> memref<1x1x8x128xi32, #tpu.memory_space<hbm>>
    %dma_start3A_144 = tpu.memref_squeeze %dma_start3A_143 : memref<1x1x8x128xi32, #tpu.memory_space<hbm>> -> memref<8x128xi32, #tpu.memory_space<hbm>>
    %dma_start3A_145 = arith.constant 0 : i32
    %dma_start3A_146 = arith.constant 0 : i32
    %dma_start3A_147 = tpu.memref_slice %arg7[%dma_start3A_136, %dma_start3A_145, %dma_start3A_146] : memref<3x8x128xi32, #tpu.memory_space<vmem>> -> memref<1x8x128xi32, #tpu.memory_space<vmem>>
    %dma_start3A_148 = tpu.memref_squeeze %dma_start3A_147 : memref<1x8x128xi32, #tpu.memory_space<vmem>> -> memref<8x128xi32, #tpu.memory_space<vmem>>
    %dma_start3A_149 = arith.constant 0 : i32
    %dma_start3A_150 = arith.constant 0 : i32
    %dma_start3A_151 = tpu.memref_slice %arg3[%add3A, %dma_start3A_135, %dma_start3A_149, %dma_start3A_150] : memref<32x25x8x128xi32, #tpu.memory_space<hbm>> -> memref<1x1x8x128xi32, #tpu.memory_space<hbm>>
    %dma_start3A_152 = tpu.memref_squeeze %dma_start3A_151 : memref<1x1x8x128xi32, #tpu.memory_space<hbm>> -> memref<8x128xi32, #tpu.memory_space<hbm>>
    tpu.enqueue_dma source(%dma_start3A_152 : memref<8x128xi32, #tpu.memory_space<hbm>>) target(%dma_start3A_148 : memref<8x128xi32, #tpu.memory_space<vmem>>) target_semaphore(%arg11 : memref<!tpu.dma_semaphore, #tpu.memory_space<semaphore_mem>>)
    %dma_start3A_153 = arith.constant 2 : i32
    %dma_start3A_154 = arith.constant 2 : i32
    %dma_start3A_155 = arith.constant 0 : i32
    %dma_start3A_156 = arith.constant 0 : i32
    %dma_start3A_157 = tpu.memref_slice %arg8[%dma_start3A_154, %dma_start3A_155, %dma_start3A_156] : memref<3x8x128xi32, #tpu.memory_space<vmem>> -> memref<1x8x128xi32, #tpu.memory_space<vmem>>
    %dma_start3A_158 = tpu.memref_squeeze %dma_start3A_157 : memref<1x8x128xi32, #tpu.memory_space<vmem>> -> memref<8x128xi32, #tpu.memory_space<vmem>>
    %dma_start3A_159 = arith.constant 0 : i32
    %dma_start3A_160 = arith.constant 0 : i32
    %dma_start3A_161 = tpu.memref_slice %arg4[%add3A, %dma_start3A_153, %dma_start3A_159, %dma_start3A_160] : memref<32x25x8x128xi32, #tpu.memory_space<hbm>> -> memref<1x1x8x128xi32, #tpu.memory_space<hbm>>
    %dma_start3A_162 = tpu.memref_squeeze %dma_start3A_161 : memref<1x1x8x128xi32, #tpu.memory_space<hbm>> -> memref<8x128xi32, #tpu.memory_space<hbm>>
    %dma_start3A_163 = arith.constant 0 : i32
    %dma_start3A_164 = arith.constant 0 : i32
    %dma_start3A_165 = tpu.memref_slice %arg8[%dma_start3A_154, %dma_start3A_163, %dma_start3A_164] : memref<3x8x128xi32, #tpu.memory_space<vmem>> -> memref<1x8x128xi32, #tpu.memory_space<vmem>>
    %dma_start3A_166 = tpu.memref_squeeze %dma_start3A_165 : memref<1x8x128xi32, #tpu.memory_space<vmem>> -> memref<8x128xi32, #tpu.memory_space<vmem>>
    %dma_start3A_167 = arith.constant 0 : i32
    %dma_start3A_168 = arith.constant 0 : i32
    %dma_start3A_169 = tpu.memref_slice %arg4[%add3A, %dma_start3A_153, %dma_start3A_167, %dma_start3A_168] : memref<32x25x8x128xi32, #tpu.memory_space<hbm>> -> memref<1x1x8x128xi32, #tpu.memory_space<hbm>>
    %dma_start3A_170 = tpu.memref_squeeze %dma_start3A_169 : memref<1x1x8x128xi32, #tpu.memory_space<hbm>> -> memref<8x128xi32, #tpu.memory_space<hbm>>
    tpu.enqueue_dma source(%dma_start3A_170 : memref<8x128xi32, #tpu.memory_space<hbm>>) target(%dma_start3A_166 : memref<8x128xi32, #tpu.memory_space<vmem>>) target_semaphore(%arg11 : memref<!tpu.dma_semaphore, #tpu.memory_space<semaphore_mem>>)
    %barrier3A = arith.constant 0 : index
    tpu.barrier barrier_id(%barrier3A)
    %scan3A = arith.constant 0 : i32
    %scan3A_171 = arith.constant 0 : i32
    %scan3A_172 = arith.constant 200 : i32
    %scan3A_173 = arith.addi %scan3A_171, %scan3A_172 : i32
    %scan3A_174 = arith.constant 1 : i32
    scf.for %scan3A_207 = %scan3A_171 to %scan3A_173 step %scan3A_174  : i32 {
      %jit3A = arith.constant 4 : i32
      %eq3A = arith.constant 0 : i32
      %eq3A_208 = arith.cmpi eq, %jit3A, %eq3A : i32
      %jit3A_209 = arith.constant 1 : i32
      %select_n3A = arith.select %eq3A_208, %jit3A_209, %jit3A : i32
      %rem3A = arith.remsi %scan3A_207, %select_n3A : i32
      %ne3A = arith.constant 0 : i32
      %ne3A_210 = arith.cmpi ne, %rem3A, %ne3A : i32
      %lt3A = arith.constant 0 : i32
      %lt3A_211 = arith.cmpi slt, %rem3A, %lt3A : i32
      %lt3A_212 = arith.constant 0 : i32
      %lt3A_213 = arith.cmpi slt, %select_n3A, %lt3A_212 : i32
      %ne3A_214 = arith.xori %lt3A_211, %lt3A_213 : i1
      %and3A = arith.andi %ne3A_214, %ne3A_210 : i1
      %add3A_215 = arith.addi %rem3A, %select_n3A : i32
      %select_n3A_216 = arith.select %and3A, %add3A_215, %rem3A : i32
      %jit3A_217 = arith.constant 8 : i32
      %div3A = arith.divsi %scan3A_207, %jit3A_217 : i32
      %sign3A = arith.constant 0 : i32
      %sign3A_218 = arith.cmpi sgt, %scan3A_207, %sign3A : i32
      %sign3A_219 = arith.extui %sign3A_218 : i1 to i32
      %sign3A_220 = arith.constant 0 : i32
      %sign3A_221 = arith.cmpi slt, %scan3A_207, %sign3A_220 : i32
      %sign3A_222 = arith.extui %sign3A_221 : i1 to i32
      %sign3A_223 = arith.subi %sign3A_219, %sign3A_222 : i32
      %sign3A_224 = arith.constant 0 : i32
      %sign3A_225 = arith.cmpi sgt, %jit3A_217, %sign3A_224 : i32
      %sign3A_226 = arith.extui %sign3A_225 : i1 to i32
      %sign3A_227 = arith.constant 0 : i32
      %sign3A_228 = arith.cmpi slt, %jit3A_217, %sign3A_227 : i32
      %sign3A_229 = arith.extui %sign3A_228 : i1 to i32
      %sign3A_230 = arith.subi %sign3A_226, %sign3A_229 : i32
      %ne3A_231 = arith.cmpi ne, %sign3A_223, %sign3A_230 : i32
      %rem3A_232 = arith.remsi %scan3A_207, %jit3A_217 : i32
      %ne3A_233 = arith.constant 0 : i32
      %ne3A_234 = arith.cmpi ne, %rem3A_232, %ne3A_233 : i32
      %and3A_235 = arith.andi %ne3A_231, %ne3A_234 : i1
      %sub3A = arith.constant 1 : i32
      %sub3A_236 = arith.subi %div3A, %sub3A : i32
      %select_n3A_237 = arith.select %and3A_235, %sub3A_236, %div3A : i32
      %jit3A_238 = arith.constant 3 : i32
      %eq3A_239 = arith.constant 0 : i32
      %eq3A_240 = arith.cmpi eq, %jit3A_238, %eq3A_239 : i32
      %jit3A_241 = arith.constant 1 : i32
      %select_n3A_242 = arith.select %eq3A_240, %jit3A_241, %jit3A_238 : i32
      %rem3A_243 = arith.remsi %select_n3A_237, %select_n3A_242 : i32
      %ne3A_244 = arith.constant 0 : i32
      %ne3A_245 = arith.cmpi ne, %rem3A_243, %ne3A_244 : i32
      %lt3A_246 = arith.constant 0 : i32
      %lt3A_247 = arith.cmpi slt, %rem3A_243, %lt3A_246 : i32
      %lt3A_248 = arith.constant 0 : i32
      %lt3A_249 = arith.cmpi slt, %select_n3A_242, %lt3A_248 : i32
      %ne3A_250 = arith.xori %lt3A_247, %lt3A_249 : i1
      %and3A_251 = arith.andi %ne3A_250, %ne3A_245 : i1
      %add3A_252 = arith.addi %rem3A_243, %select_n3A_242 : i32
      %select_n3A_253 = arith.select %and3A_251, %add3A_252, %rem3A_243 : i32
      %jit3A_254 = arith.constant 8 : i32
      %eq3A_255 = arith.constant 0 : i32
      %eq3A_256 = arith.cmpi eq, %jit3A_254, %eq3A_255 : i32
      %jit3A_257 = arith.constant 1 : i32
      %select_n3A_258 = arith.select %eq3A_256, %jit3A_257, %jit3A_254 : i32
      %rem3A_259 = arith.remsi %scan3A_207, %select_n3A_258 : i32
      %ne3A_260 = arith.constant 0 : i32
      %ne3A_261 = arith.cmpi ne, %rem3A_259, %ne3A_260 : i32
      %lt3A_262 = arith.constant 0 : i32
      %lt3A_263 = arith.cmpi slt, %rem3A_259, %lt3A_262 : i32
      %lt3A_264 = arith.constant 0 : i32
      %lt3A_265 = arith.cmpi slt, %select_n3A_258, %lt3A_264 : i32
      %ne3A_266 = arith.xori %lt3A_263, %lt3A_265 : i1
      %and3A_267 = arith.andi %ne3A_266, %ne3A_261 : i1
      %add3A_268 = arith.addi %rem3A_259, %select_n3A_258 : i32
      %select_n3A_269 = arith.select %and3A_267, %add3A_268, %rem3A_259 : i32
      %dma_wait3A_270 = arith.constant 0 : i32
      %dma_wait3A_271 = arith.constant 0 : i32
      %dma_wait3A_272 = tpu.memref_slice %arg9[%select_n3A_216, %dma_wait3A_270, %dma_wait3A_271] : memref<4x128x32xf32, #tpu.memory_space<vmem>> -> memref<1x128x32xf32, #tpu.memory_space<vmem>>
      %dma_wait3A_273 = tpu.memref_squeeze %dma_wait3A_272 : memref<1x128x32xf32, #tpu.memory_space<vmem>> -> memref<128x32xf32, #tpu.memory_space<vmem>>
      %dma_wait3A_274 = arith.constant 0 : i32
      %dma_wait3A_275 = tpu.memref_slice %arg7[%select_n3A_253, %select_n3A_269, %dma_wait3A_274] : memref<3x8x128xi32, #tpu.memory_space<vmem>> -> memref<1x1x128xi32, #tpu.memory_space<vmem>>
      %dma_wait3A_276 = tpu.memref_squeeze %dma_wait3A_275 : memref<1x1x128xi32, #tpu.memory_space<vmem>> -> memref<128xi32, #tpu.memory_space<vmem>>
      %dma_wait3A_277 = arith.constant 0 : i32
      %dma_wait3A_278 = arith.constant 0 : i32
      %dma_wait3A_279 = tpu.memref_slice %arg2[%dma_wait3A_277, %dma_wait3A_278] : memref<50000x32xf32, #tpu.memory_space<hbm>> -> memref<50000x32xf32, #tpu.memory_space<hbm>>
      tpu.wait_indirect_dma semaphore(%arg12 : memref<!tpu.dma_semaphore, #tpu.memory_space<semaphore_mem>>) src(%dma_wait3A_279 : memref<50000x32xf32, #tpu.memory_space<hbm>>) dst(%dma_wait3A_273 : memref<128x32xf32, #tpu.memory_space<vmem>>)
      %dma_start3A_280 = arith.constant 0 : i32
      %dma_start3A_281 = arith.constant 0 : i32
      %dma_start3A_282 = tpu.memref_slice %arg9[%select_n3A_216, %dma_start3A_280, %dma_start3A_281] : memref<4x128x32xf32, #tpu.memory_space<vmem>> -> memref<1x128x32xf32, #tpu.memory_space<vmem>>
      %dma_start3A_283 = tpu.memref_squeeze %dma_start3A_282 : memref<1x128x32xf32, #tpu.memory_space<vmem>> -> memref<128x32xf32, #tpu.memory_space<vmem>>
      %dma_start3A_284 = arith.constant 0 : i32
      %dma_start3A_285 = tpu.memref_slice %arg8[%select_n3A_253, %select_n3A_269, %dma_start3A_284] : memref<3x8x128xi32, #tpu.memory_space<vmem>> -> memref<1x1x128xi32, #tpu.memory_space<vmem>>
      %dma_start3A_286 = tpu.memref_squeeze %dma_start3A_285 : memref<1x1x128xi32, #tpu.memory_space<vmem>> -> memref<128xi32, #tpu.memory_space<vmem>>
      %dma_start3A_287 = arith.constant 0 : i32
      %dma_start3A_288 = arith.constant 0 : i32
      %dma_start3A_289 = tpu.memref_slice %arg10[%dma_start3A_287, %dma_start3A_288] : memref<50048x32xf32, #tpu.memory_space<vmem_shared>> -> memref<50048x32xf32, #tpu.memory_space<vmem_shared>>
      tpu.enqueue_indirect_dma source(%dma_start3A_283 : memref<128x32xf32, #tpu.memory_space<vmem>>) target(%dma_start3A_289 : memref<50048x32xf32, #tpu.memory_space<vmem_shared>>) offsets(%dma_start3A_286 : memref<128xi32, #tpu.memory_space<vmem>>) semaphore(%arg13 : memref<!tpu.dma_semaphore, #tpu.memory_space<semaphore_mem>>) {add = true}
      %ge3A = arith.constant 2 : i32
      %ge3A_290 = arith.cmpi sge, %scan3A_207, %ge3A : i32
      %convert_element_type3A = arith.extui %ge3A_290 : i1 to i32
      %cond3A = arith.constant 0 : i32
      %cond3A_291 = arith.cmpi ne, %convert_element_type3A, %cond3A : i32
      scf.if %cond3A_291 {
        %sub3A_323 = arith.constant 2 : i32
        %sub3A_324 = arith.subi %scan3A_207, %sub3A_323 : i32
        %jit3A_325 = arith.constant 4 : i32
        %eq3A_326 = arith.constant 0 : i32
        %eq3A_327 = arith.cmpi eq, %jit3A_325, %eq3A_326 : i32
        %jit3A_328 = arith.constant 1 : i32
        %select_n3A_329 = arith.select %eq3A_327, %jit3A_328, %jit3A_325 : i32
        %rem3A_330 = arith.remsi %sub3A_324, %select_n3A_329 : i32
        %ne3A_331 = arith.constant 0 : i32
        %ne3A_332 = arith.cmpi ne, %rem3A_330, %ne3A_331 : i32
        %lt3A_333 = arith.constant 0 : i32
        %lt3A_334 = arith.cmpi slt, %rem3A_330, %lt3A_333 : i32
        %lt3A_335 = arith.constant 0 : i32
        %lt3A_336 = arith.cmpi slt, %select_n3A_329, %lt3A_335 : i32
        %ne3A_337 = arith.xori %lt3A_334, %lt3A_336 : i1
        %and3A_338 = arith.andi %ne3A_337, %ne3A_332 : i1
        %add3A_339 = arith.addi %rem3A_330, %select_n3A_329 : i32
        %select_n3A_340 = arith.select %and3A_338, %add3A_339, %rem3A_330 : i32
        %jit3A_341 = arith.constant 8 : i32
        %div3A_342 = arith.divsi %sub3A_324, %jit3A_341 : i32
        %sign3A_343 = arith.constant 0 : i32
        %sign3A_344 = arith.cmpi sgt, %sub3A_324, %sign3A_343 : i32
        %sign3A_345 = arith.extui %sign3A_344 : i1 to i32
        %sign3A_346 = arith.constant 0 : i32
        %sign3A_347 = arith.cmpi slt, %sub3A_324, %sign3A_346 : i32
        %sign3A_348 = arith.extui %sign3A_347 : i1 to i32
        %sign3A_349 = arith.subi %sign3A_345, %sign3A_348 : i32
        %sign3A_350 = arith.constant 0 : i32
        %sign3A_351 = arith.cmpi sgt, %jit3A_341, %sign3A_350 : i32
        %sign3A_352 = arith.extui %sign3A_351 : i1 to i32
        %sign3A_353 = arith.constant 0 : i32
        %sign3A_354 = arith.cmpi slt, %jit3A_341, %sign3A_353 : i32
        %sign3A_355 = arith.extui %sign3A_354 : i1 to i32
        %sign3A_356 = arith.subi %sign3A_352, %sign3A_355 : i32
        %ne3A_357 = arith.cmpi ne, %sign3A_349, %sign3A_356 : i32
        %rem3A_358 = arith.remsi %sub3A_324, %jit3A_341 : i32
        %ne3A_359 = arith.constant 0 : i32
        %ne3A_360 = arith.cmpi ne, %rem3A_358, %ne3A_359 : i32
        %and3A_361 = arith.andi %ne3A_357, %ne3A_360 : i1
        %sub3A_362 = arith.constant 1 : i32
        %sub3A_363 = arith.subi %div3A_342, %sub3A_362 : i32
        %select_n3A_364 = arith.select %and3A_361, %sub3A_363, %div3A_342 : i32
        %jit3A_365 = arith.constant 3 : i32
        %eq3A_366 = arith.constant 0 : i32
        %eq3A_367 = arith.cmpi eq, %jit3A_365, %eq3A_366 : i32
        %jit3A_368 = arith.constant 1 : i32
        %select_n3A_369 = arith.select %eq3A_367, %jit3A_368, %jit3A_365 : i32
        %rem3A_370 = arith.remsi %select_n3A_364, %select_n3A_369 : i32
        %ne3A_371 = arith.constant 0 : i32
        %ne3A_372 = arith.cmpi ne, %rem3A_370, %ne3A_371 : i32
        %lt3A_373 = arith.constant 0 : i32
        %lt3A_374 = arith.cmpi slt, %rem3A_370, %lt3A_373 : i32
        %lt3A_375 = arith.constant 0 : i32
        %lt3A_376 = arith.cmpi slt, %select_n3A_369, %lt3A_375 : i32
        %ne3A_377 = arith.xori %lt3A_374, %lt3A_376 : i1
        %and3A_378 = arith.andi %ne3A_377, %ne3A_372 : i1
        %add3A_379 = arith.addi %rem3A_370, %select_n3A_369 : i32
        %select_n3A_380 = arith.select %and3A_378, %add3A_379, %rem3A_370 : i32
        %jit3A_381 = arith.constant 8 : i32
        %eq3A_382 = arith.constant 0 : i32
        %eq3A_383 = arith.cmpi eq, %jit3A_381, %eq3A_382 : i32
        %jit3A_384 = arith.constant 1 : i32
        %select_n3A_385 = arith.select %eq3A_383, %jit3A_384, %jit3A_381 : i32
        %rem3A_386 = arith.remsi %sub3A_324, %select_n3A_385 : i32
        %ne3A_387 = arith.constant 0 : i32
        %ne3A_388 = arith.cmpi ne, %rem3A_386, %ne3A_387 : i32
        %lt3A_389 = arith.constant 0 : i32
        %lt3A_390 = arith.cmpi slt, %rem3A_386, %lt3A_389 : i32
        %lt3A_391 = arith.constant 0 : i32
        %lt3A_392 = arith.cmpi slt, %select_n3A_385, %lt3A_391 : i32
        %ne3A_393 = arith.xori %lt3A_390, %lt3A_392 : i1
        %and3A_394 = arith.andi %ne3A_393, %ne3A_388 : i1
        %add3A_395 = arith.addi %rem3A_386, %select_n3A_385 : i32
        %select_n3A_396 = arith.select %and3A_394, %add3A_395, %rem3A_386 : i32
        %dma_wait3A_397 = arith.constant 0 : i32
        %dma_wait3A_398 = arith.constant 0 : i32
        %dma_wait3A_399 = tpu.memref_slice %arg9[%select_n3A_340, %dma_wait3A_397, %dma_wait3A_398] : memref<4x128x32xf32, #tpu.memory_space<vmem>> -> memref<1x128x32xf32, #tpu.memory_space<vmem>>
        %dma_wait3A_400 = tpu.memref_squeeze %dma_wait3A_399 : memref<1x128x32xf32, #tpu.memory_space<vmem>> -> memref<128x32xf32, #tpu.memory_space<vmem>>
        %dma_wait3A_401 = arith.constant 0 : i32
        %dma_wait3A_402 = tpu.memref_slice %arg8[%select_n3A_380, %select_n3A_396, %dma_wait3A_401] : memref<3x8x128xi32, #tpu.memory_space<vmem>> -> memref<1x1x128xi32, #tpu.memory_space<vmem>>
        %dma_wait3A_403 = tpu.memref_squeeze %dma_wait3A_402 : memref<1x1x128xi32, #tpu.memory_space<vmem>> -> memref<128xi32, #tpu.memory_space<vmem>>
        %dma_wait3A_404 = arith.constant 0 : i32
        %dma_wait3A_405 = arith.constant 0 : i32
        %dma_wait3A_406 = tpu.memref_slice %arg10[%dma_wait3A_404, %dma_wait3A_405] : memref<50048x32xf32, #tpu.memory_space<vmem_shared>> -> memref<50048x32xf32, #tpu.memory_space<vmem_shared>>
        tpu.wait_indirect_dma semaphore(%arg13 : memref<!tpu.dma_semaphore, #tpu.memory_space<semaphore_mem>>) src(%dma_wait3A_400 : memref<128x32xf32, #tpu.memory_space<vmem>>) dst(%dma_wait3A_406 : memref<50048x32xf32, #tpu.memory_space<vmem_shared>>)
      } else {
      }
      %le3A = arith.constant 197 : i32
      %le3A_292 = arith.cmpi sle, %scan3A_207, %le3A : i32
      %convert_element_type3A_293 = arith.extui %le3A_292 : i1 to i32
      %cond3A_294 = arith.constant 0 : i32
      %cond3A_295 = arith.cmpi ne, %convert_element_type3A_293, %cond3A_294 : i32
      scf.if %cond3A_295 {
        %add3A_323 = arith.constant 2 : i32
        %add3A_324 = arith.addi %scan3A_207, %add3A_323 : i32
        %jit3A_325 = arith.constant 4 : i32
        %eq3A_326 = arith.constant 0 : i32
        %eq3A_327 = arith.cmpi eq, %jit3A_325, %eq3A_326 : i32
        %jit3A_328 = arith.constant 1 : i32
        %select_n3A_329 = arith.select %eq3A_327, %jit3A_328, %jit3A_325 : i32
        %rem3A_330 = arith.remsi %add3A_324, %select_n3A_329 : i32
        %ne3A_331 = arith.constant 0 : i32
        %ne3A_332 = arith.cmpi ne, %rem3A_330, %ne3A_331 : i32
        %lt3A_333 = arith.constant 0 : i32
        %lt3A_334 = arith.cmpi slt, %rem3A_330, %lt3A_333 : i32
        %lt3A_335 = arith.constant 0 : i32
        %lt3A_336 = arith.cmpi slt, %select_n3A_329, %lt3A_335 : i32
        %ne3A_337 = arith.xori %lt3A_334, %lt3A_336 : i1
        %and3A_338 = arith.andi %ne3A_337, %ne3A_332 : i1
        %add3A_339 = arith.addi %rem3A_330, %select_n3A_329 : i32
        %select_n3A_340 = arith.select %and3A_338, %add3A_339, %rem3A_330 : i32
        %jit3A_341 = arith.constant 8 : i32
        %div3A_342 = arith.divsi %add3A_324, %jit3A_341 : i32
        %sign3A_343 = arith.constant 0 : i32
        %sign3A_344 = arith.cmpi sgt, %add3A_324, %sign3A_343 : i32
        %sign3A_345 = arith.extui %sign3A_344 : i1 to i32
        %sign3A_346 = arith.constant 0 : i32
        %sign3A_347 = arith.cmpi slt, %add3A_324, %sign3A_346 : i32
        %sign3A_348 = arith.extui %sign3A_347 : i1 to i32
        %sign3A_349 = arith.subi %sign3A_345, %sign3A_348 : i32
        %sign3A_350 = arith.constant 0 : i32
        %sign3A_351 = arith.cmpi sgt, %jit3A_341, %sign3A_350 : i32
        %sign3A_352 = arith.extui %sign3A_351 : i1 to i32
        %sign3A_353 = arith.constant 0 : i32
        %sign3A_354 = arith.cmpi slt, %jit3A_341, %sign3A_353 : i32
        %sign3A_355 = arith.extui %sign3A_354 : i1 to i32
        %sign3A_356 = arith.subi %sign3A_352, %sign3A_355 : i32
        %ne3A_357 = arith.cmpi ne, %sign3A_349, %sign3A_356 : i32
        %rem3A_358 = arith.remsi %add3A_324, %jit3A_341 : i32
        %ne3A_359 = arith.constant 0 : i32
        %ne3A_360 = arith.cmpi ne, %rem3A_358, %ne3A_359 : i32
        %and3A_361 = arith.andi %ne3A_357, %ne3A_360 : i1
        %sub3A_362 = arith.constant 1 : i32
        %sub3A_363 = arith.subi %div3A_342, %sub3A_362 : i32
        %select_n3A_364 = arith.select %and3A_361, %sub3A_363, %div3A_342 : i32
        %jit3A_365 = arith.constant 3 : i32
        %eq3A_366 = arith.constant 0 : i32
        %eq3A_367 = arith.cmpi eq, %jit3A_365, %eq3A_366 : i32
        %jit3A_368 = arith.constant 1 : i32
        %select_n3A_369 = arith.select %eq3A_367, %jit3A_368, %jit3A_365 : i32
        %rem3A_370 = arith.remsi %select_n3A_364, %select_n3A_369 : i32
        %ne3A_371 = arith.constant 0 : i32
        %ne3A_372 = arith.cmpi ne, %rem3A_370, %ne3A_371 : i32
        %lt3A_373 = arith.constant 0 : i32
        %lt3A_374 = arith.cmpi slt, %rem3A_370, %lt3A_373 : i32
        %lt3A_375 = arith.constant 0 : i32
        %lt3A_376 = arith.cmpi slt, %select_n3A_369, %lt3A_375 : i32
        %ne3A_377 = arith.xori %lt3A_374, %lt3A_376 : i1
        %and3A_378 = arith.andi %ne3A_377, %ne3A_372 : i1
        %add3A_379 = arith.addi %rem3A_370, %select_n3A_369 : i32
        %select_n3A_380 = arith.select %and3A_378, %add3A_379, %rem3A_370 : i32
        %jit3A_381 = arith.constant 8 : i32
        %eq3A_382 = arith.constant 0 : i32
        %eq3A_383 = arith.cmpi eq, %jit3A_381, %eq3A_382 : i32
        %jit3A_384 = arith.constant 1 : i32
        %select_n3A_385 = arith.select %eq3A_383, %jit3A_384, %jit3A_381 : i32
        %rem3A_386 = arith.remsi %add3A_324, %select_n3A_385 : i32
        %ne3A_387 = arith.constant 0 : i32
        %ne3A_388 = arith.cmpi ne, %rem3A_386, %ne3A_387 : i32
        %lt3A_389 = arith.constant 0 : i32
        %lt3A_390 = arith.cmpi slt, %rem3A_386, %lt3A_389 : i32
        %lt3A_391 = arith.constant 0 : i32
        %lt3A_392 = arith.cmpi slt, %select_n3A_385, %lt3A_391 : i32
        %ne3A_393 = arith.xori %lt3A_390, %lt3A_392 : i1
        %and3A_394 = arith.andi %ne3A_393, %ne3A_388 : i1
        %add3A_395 = arith.addi %rem3A_386, %select_n3A_385 : i32
        %select_n3A_396 = arith.select %and3A_394, %add3A_395, %rem3A_386 : i32
        %eq3A_397 = arith.constant 0 : i32
        %eq3A_398 = arith.cmpi eq, %select_n3A_396, %eq3A_397 : i32
        %convert_element_type3A_399 = arith.extui %eq3A_398 : i1 to i32
        %cond3A_400 = arith.constant 0 : i32
        %cond3A_401 = arith.cmpi ne, %convert_element_type3A_399, %cond3A_400 : i32
        scf.if %cond3A_401 {
          %add3A_412 = arith.constant 2 : i32
          %add3A_413 = arith.addi %scan3A_207, %add3A_412 : i32
          %jit3A_414 = arith.constant 8 : i32
          %div3A_415 = arith.divsi %add3A_413, %jit3A_414 : i32
          %sign3A_416 = arith.constant 0 : i32
          %sign3A_417 = arith.cmpi sgt, %add3A_413, %sign3A_416 : i32
          %sign3A_418 = arith.extui %sign3A_417 : i1 to i32
          %sign3A_419 = arith.constant 0 : i32
          %sign3A_420 = arith.cmpi slt, %add3A_413, %sign3A_419 : i32
          %sign3A_421 = arith.extui %sign3A_420 : i1 to i32
          %sign3A_422 = arith.subi %sign3A_418, %sign3A_421 : i32
          %sign3A_423 = arith.constant 0 : i32
          %sign3A_424 = arith.cmpi sgt, %jit3A_414, %sign3A_423 : i32
          %sign3A_425 = arith.extui %sign3A_424 : i1 to i32
          %sign3A_426 = arith.constant 0 : i32
          %sign3A_427 = arith.cmpi slt, %jit3A_414, %sign3A_426 : i32
          %sign3A_428 = arith.extui %sign3A_427 : i1 to i32
          %sign3A_429 = arith.subi %sign3A_425, %sign3A_428 : i32
          %ne3A_430 = arith.cmpi ne, %sign3A_422, %sign3A_429 : i32
          %rem3A_431 = arith.remsi %add3A_413, %jit3A_414 : i32
          %ne3A_432 = arith.constant 0 : i32
          %ne3A_433 = arith.cmpi ne, %rem3A_431, %ne3A_432 : i32
          %and3A_434 = arith.andi %ne3A_430, %ne3A_433 : i1
          %sub3A_435 = arith.constant 1 : i32
          %sub3A_436 = arith.subi %div3A_415, %sub3A_435 : i32
          %select_n3A_437 = arith.select %and3A_434, %sub3A_436, %div3A_415 : i32
          %dma_wait3A_438 = arith.constant 0 : i32
          %dma_wait3A_439 = arith.constant 0 : i32
          %dma_wait3A_440 = tpu.memref_slice %arg7[%select_n3A_380, %dma_wait3A_438, %dma_wait3A_439] : memref<3x8x128xi32, #tpu.memory_space<vmem>> -> memref<1x8x128xi32, #tpu.memory_space<vmem>>
          %dma_wait3A_441 = tpu.memref_squeeze %dma_wait3A_440 : memref<1x8x128xi32, #tpu.memory_space<vmem>> -> memref<8x128xi32, #tpu.memory_space<vmem>>
          %dma_wait3A_442 = arith.constant 0 : i32
          %dma_wait3A_443 = arith.constant 0 : i32
          %dma_wait3A_444 = tpu.memref_slice %arg3[%add3A, %select_n3A_437, %dma_wait3A_442, %dma_wait3A_443] : memref<32x25x8x128xi32, #tpu.memory_space<hbm>> -> memref<1x1x8x128xi32, #tpu.memory_space<hbm>>
          %dma_wait3A_445 = tpu.memref_squeeze %dma_wait3A_444 : memref<1x1x8x128xi32, #tpu.memory_space<hbm>> -> memref<8x128xi32, #tpu.memory_space<hbm>>
          %dma_wait3A_446 = arith.constant 0 : i32
          %dma_wait3A_447 = arith.constant 0 : i32
          %dma_wait3A_448 = tpu.memref_slice %arg7[%select_n3A_380, %dma_wait3A_446, %dma_wait3A_447] : memref<3x8x128xi32, #tpu.memory_space<vmem>> -> memref<1x8x128xi32, #tpu.memory_space<vmem>>
          %dma_wait3A_449 = tpu.memref_squeeze %dma_wait3A_448 : memref<1x8x128xi32, #tpu.memory_space<vmem>> -> memref<8x128xi32, #tpu.memory_space<vmem>>
          %dma_wait3A_450 = arith.constant 0 : i32
          %dma_wait3A_451 = arith.constant 0 : i32
          %dma_wait3A_452 = tpu.memref_slice %arg3[%add3A, %select_n3A_437, %dma_wait3A_450, %dma_wait3A_451] : memref<32x25x8x128xi32, #tpu.memory_space<hbm>> -> memref<1x1x8x128xi32, #tpu.memory_space<hbm>>
          %dma_wait3A_453 = tpu.memref_squeeze %dma_wait3A_452 : memref<1x1x8x128xi32, #tpu.memory_space<hbm>> -> memref<8x128xi32, #tpu.memory_space<hbm>>
          tpu.wait_dma2 semaphore(%arg11 : memref<!tpu.dma_semaphore, #tpu.memory_space<semaphore_mem>>) src(%dma_wait3A_453 : memref<8x128xi32, #tpu.memory_space<hbm>>) dst(%dma_wait3A_449 : memref<8x128xi32, #tpu.memory_space<vmem>>)
          %dma_wait3A_454 = arith.constant 0 : i32
          %dma_wait3A_455 = arith.constant 0 : i32
          %dma_wait3A_456 = tpu.memref_slice %arg8[%select_n3A_380, %dma_wait3A_454, %dma_wait3A_455] : memref<3x8x128xi32, #tpu.memory_space<vmem>> -> memref<1x8x128xi32, #tpu.memory_space<vmem>>
          %dma_wait3A_457 = tpu.memref_squeeze %dma_wait3A_456 : memref<1x8x128xi32, #tpu.memory_space<vmem>> -> memref<8x128xi32, #tpu.memory_space<vmem>>
          %dma_wait3A_458 = arith.constant 0 : i32
          %dma_wait3A_459 = arith.constant 0 : i32
          %dma_wait3A_460 = tpu.memref_slice %arg4[%add3A, %select_n3A_437, %dma_wait3A_458, %dma_wait3A_459] : memref<32x25x8x128xi32, #tpu.memory_space<hbm>> -> memref<1x1x8x128xi32, #tpu.memory_space<hbm>>
          %dma_wait3A_461 = tpu.memref_squeeze %dma_wait3A_460 : memref<1x1x8x128xi32, #tpu.memory_space<hbm>> -> memref<8x128xi32, #tpu.memory_space<hbm>>
          %dma_wait3A_462 = arith.constant 0 : i32
          %dma_wait3A_463 = arith.constant 0 : i32
          %dma_wait3A_464 = tpu.memref_slice %arg8[%select_n3A_380, %dma_wait3A_462, %dma_wait3A_463] : memref<3x8x128xi32, #tpu.memory_space<vmem>> -> memref<1x8x128xi32, #tpu.memory_space<vmem>>
          %dma_wait3A_465 = tpu.memref_squeeze %dma_wait3A_464 : memref<1x8x128xi32, #tpu.memory_space<vmem>> -> memref<8x128xi32, #tpu.memory_space<vmem>>
          %dma_wait3A_466 = arith.constant 0 : i32
          %dma_wait3A_467 = arith.constant 0 : i32
          %dma_wait3A_468 = tpu.memref_slice %arg4[%add3A, %select_n3A_437, %dma_wait3A_466, %dma_wait3A_467] : memref<32x25x8x128xi32, #tpu.memory_space<hbm>> -> memref<1x1x8x128xi32, #tpu.memory_space<hbm>>
          %dma_wait3A_469 = tpu.memref_squeeze %dma_wait3A_468 : memref<1x1x8x128xi32, #tpu.memory_space<hbm>> -> memref<8x128xi32, #tpu.memory_space<hbm>>
          tpu.wait_dma2 semaphore(%arg11 : memref<!tpu.dma_semaphore, #tpu.memory_space<semaphore_mem>>) src(%dma_wait3A_469 : memref<8x128xi32, #tpu.memory_space<hbm>>) dst(%dma_wait3A_465 : memref<8x128xi32, #tpu.memory_space<vmem>>)
        } else {
        }
        %dma_start3A_402 = arith.constant 0 : i32
        %dma_start3A_403 = arith.constant 0 : i32
        %dma_start3A_404 = tpu.memref_slice %arg9[%select_n3A_340, %dma_start3A_402, %dma_start3A_403] : memref<4x128x32xf32, #tpu.memory_space<vmem>> -> memref<1x128x32xf32, #tpu.memory_space<vmem>>
        %dma_start3A_405 = tpu.memref_squeeze %dma_start3A_404 : memref<1x128x32xf32, #tpu.memory_space<vmem>> -> memref<128x32xf32, #tpu.memory_space<vmem>>
        %dma_start3A_406 = arith.constant 0 : i32
        %dma_start3A_407 = tpu.memref_slice %arg7[%select_n3A_380, %select_n3A_396, %dma_start3A_406] : memref<3x8x128xi32, #tpu.memory_space<vmem>> -> memref<1x1x128xi32, #tpu.memory_space<vmem>>
        %dma_start3A_408 = tpu.memref_squeeze %dma_start3A_407 : memref<1x1x128xi32, #tpu.memory_space<vmem>> -> memref<128xi32, #tpu.memory_space<vmem>>
        %dma_start3A_409 = arith.constant 0 : i32
        %dma_start3A_410 = arith.constant 0 : i32
        %dma_start3A_411 = tpu.memref_slice %arg2[%dma_start3A_409, %dma_start3A_410] : memref<50000x32xf32, #tpu.memory_space<hbm>> -> memref<50000x32xf32, #tpu.memory_space<hbm>>
        tpu.enqueue_indirect_dma source(%dma_start3A_411 : memref<50000x32xf32, #tpu.memory_space<hbm>>) target(%dma_start3A_405 : memref<128x32xf32, #tpu.memory_space<vmem>>) offsets(%dma_start3A_408 : memref<128xi32, #tpu.memory_space<vmem>>) semaphore(%arg12 : memref<!tpu.dma_semaphore, #tpu.memory_space<semaphore_mem>>)
      } else {
      }
      %jit3A_296 = arith.constant 8 : i32
      %eq3A_297 = arith.constant 0 : i32
      %eq3A_298 = arith.cmpi eq, %jit3A_296, %eq3A_297 : i32
      %jit3A_299 = arith.constant 1 : i32
      %select_n3A_300 = arith.select %eq3A_298, %jit3A_299, %jit3A_296 : i32
      %rem3A_301 = arith.remsi %scan3A_207, %select_n3A_300 : i32
      %ne3A_302 = arith.constant 0 : i32
      %ne3A_303 = arith.cmpi ne, %rem3A_301, %ne3A_302 : i32
      %lt3A_304 = arith.constant 0 : i32
      %lt3A_305 = arith.cmpi slt, %rem3A_301, %lt3A_304 : i32
      %lt3A_306 = arith.constant 0 : i32
      %lt3A_307 = arith.cmpi slt, %select_n3A_300, %lt3A_306 : i32
      %ne3A_308 = arith.xori %lt3A_305, %lt3A_307 : i1
      %and3A_309 = arith.andi %ne3A_308, %ne3A_303 : i1
      %add3A_310 = arith.addi %rem3A_301, %select_n3A_300 : i32
      %select_n3A_311 = arith.select %and3A_309, %add3A_310, %rem3A_301 : i32
      %eq3A_312 = arith.constant 2 : i32
      %eq3A_313 = arith.cmpi eq, %select_n3A_311, %eq3A_312 : i32
      %ge3A_314 = arith.constant 10 : i32
      %ge3A_315 = arith.cmpi sge, %scan3A_207, %ge3A_314 : i32
      %and3A_316 = arith.andi %eq3A_313, %ge3A_315 : i1
      %le3A_317 = arith.constant 178 : i32
      %le3A_318 = arith.cmpi sle, %scan3A_207, %le3A_317 : i32
      %and3A_319 = arith.andi %and3A_316, %le3A_318 : i1
      %convert_element_type3A_320 = arith.extui %and3A_319 : i1 to i32
      %cond3A_321 = arith.constant 0 : i32
      %cond3A_322 = arith.cmpi ne, %convert_element_type3A_320, %cond3A_321 : i32
      scf.if %cond3A_322 {
        %jit3A_323 = arith.constant 8 : i32
        %div3A_324 = arith.divsi %scan3A_207, %jit3A_323 : i32
        %sign3A_325 = arith.constant 0 : i32
        %sign3A_326 = arith.cmpi sgt, %scan3A_207, %sign3A_325 : i32
        %sign3A_327 = arith.extui %sign3A_326 : i1 to i32
        %sign3A_328 = arith.constant 0 : i32
        %sign3A_329 = arith.cmpi slt, %scan3A_207, %sign3A_328 : i32
        %sign3A_330 = arith.extui %sign3A_329 : i1 to i32
        %sign3A_331 = arith.subi %sign3A_327, %sign3A_330 : i32
        %sign3A_332 = arith.constant 0 : i32
        %sign3A_333 = arith.cmpi sgt, %jit3A_323, %sign3A_332 : i32
        %sign3A_334 = arith.extui %sign3A_333 : i1 to i32
        %sign3A_335 = arith.constant 0 : i32
        %sign3A_336 = arith.cmpi slt, %jit3A_323, %sign3A_335 : i32
        %sign3A_337 = arith.extui %sign3A_336 : i1 to i32
        %sign3A_338 = arith.subi %sign3A_334, %sign3A_337 : i32
        %ne3A_339 = arith.cmpi ne, %sign3A_331, %sign3A_338 : i32
        %rem3A_340 = arith.remsi %scan3A_207, %jit3A_323 : i32
        %ne3A_341 = arith.constant 0 : i32
        %ne3A_342 = arith.cmpi ne, %rem3A_340, %ne3A_341 : i32
        %and3A_343 = arith.andi %ne3A_339, %ne3A_342 : i1
        %sub3A_344 = arith.constant 1 : i32
        %sub3A_345 = arith.subi %div3A_324, %sub3A_344 : i32
        %select_n3A_346 = arith.select %and3A_343, %sub3A_345, %div3A_324 : i32
        %add3A_347 = arith.constant 2 : i32
        %add3A_348 = arith.addi %select_n3A_346, %add3A_347 : i32
        %jit3A_349 = arith.constant 3 : i32
        %eq3A_350 = arith.constant 0 : i32
        %eq3A_351 = arith.cmpi eq, %jit3A_349, %eq3A_350 : i32
        %jit3A_352 = arith.constant 1 : i32
        %select_n3A_353 = arith.select %eq3A_351, %jit3A_352, %jit3A_349 : i32
        %rem3A_354 = arith.remsi %add3A_348, %select_n3A_353 : i32
        %ne3A_355 = arith.constant 0 : i32
        %ne3A_356 = arith.cmpi ne, %rem3A_354, %ne3A_355 : i32
        %lt3A_357 = arith.constant 0 : i32
        %lt3A_358 = arith.cmpi slt, %rem3A_354, %lt3A_357 : i32
        %lt3A_359 = arith.constant 0 : i32
        %lt3A_360 = arith.cmpi slt, %select_n3A_353, %lt3A_359 : i32
        %ne3A_361 = arith.xori %lt3A_358, %lt3A_360 : i1
        %and3A_362 = arith.andi %ne3A_361, %ne3A_356 : i1
        %add3A_363 = arith.addi %rem3A_354, %select_n3A_353 : i32
        %select_n3A_364 = arith.select %and3A_362, %add3A_363, %rem3A_354 : i32
        %dma_start3A_365 = arith.constant 0 : i32
        %dma_start3A_366 = arith.constant 0 : i32
        %dma_start3A_367 = tpu.memref_slice %arg7[%select_n3A_364, %dma_start3A_365, %dma_start3A_366] : memref<3x8x128xi32, #tpu.memory_space<vmem>> -> memref<1x8x128xi32, #tpu.memory_space<vmem>>
        %dma_start3A_368 = tpu.memref_squeeze %dma_start3A_367 : memref<1x8x128xi32, #tpu.memory_space<vmem>> -> memref<8x128xi32, #tpu.memory_space<vmem>>
        %dma_start3A_369 = arith.constant 0 : i32
        %dma_start3A_370 = arith.constant 0 : i32
        %dma_start3A_371 = tpu.memref_slice %arg3[%add3A, %add3A_348, %dma_start3A_369, %dma_start3A_370] : memref<32x25x8x128xi32, #tpu.memory_space<hbm>> -> memref<1x1x8x128xi32, #tpu.memory_space<hbm>>
        %dma_start3A_372 = tpu.memref_squeeze %dma_start3A_371 : memref<1x1x8x128xi32, #tpu.memory_space<hbm>> -> memref<8x128xi32, #tpu.memory_space<hbm>>
        %dma_start3A_373 = arith.constant 0 : i32
        %dma_start3A_374 = arith.constant 0 : i32
        %dma_start3A_375 = tpu.memref_slice %arg7[%select_n3A_364, %dma_start3A_373, %dma_start3A_374] : memref<3x8x128xi32, #tpu.memory_space<vmem>> -> memref<1x8x128xi32, #tpu.memory_space<vmem>>
        %dma_start3A_376 = tpu.memref_squeeze %dma_start3A_375 : memref<1x8x128xi32, #tpu.memory_space<vmem>> -> memref<8x128xi32, #tpu.memory_space<vmem>>
        %dma_start3A_377 = arith.constant 0 : i32
        %dma_start3A_378 = arith.constant 0 : i32
        %dma_start3A_379 = tpu.memref_slice %arg3[%add3A, %add3A_348, %dma_start3A_377, %dma_start3A_378] : memref<32x25x8x128xi32, #tpu.memory_space<hbm>> -> memref<1x1x8x128xi32, #tpu.memory_space<hbm>>
        %dma_start3A_380 = tpu.memref_squeeze %dma_start3A_379 : memref<1x1x8x128xi32, #tpu.memory_space<hbm>> -> memref<8x128xi32, #tpu.memory_space<hbm>>
        tpu.enqueue_dma source(%dma_start3A_380 : memref<8x128xi32, #tpu.memory_space<hbm>>) target(%dma_start3A_376 : memref<8x128xi32, #tpu.memory_space<vmem>>) target_semaphore(%arg11 : memref<!tpu.dma_semaphore, #tpu.memory_space<semaphore_mem>>)
        %dma_start3A_381 = arith.constant 0 : i32
        %dma_start3A_382 = arith.constant 0 : i32
        %dma_start3A_383 = tpu.memref_slice %arg8[%select_n3A_364, %dma_start3A_381, %dma_start3A_382] : memref<3x8x128xi32, #tpu.memory_space<vmem>> -> memref<1x8x128xi32, #tpu.memory_space<vmem>>
        %dma_start3A_384 = tpu.memref_squeeze %dma_start3A_383 : memref<1x8x128xi32, #tpu.memory_space<vmem>> -> memref<8x128xi32, #tpu.memory_space<vmem>>
        %dma_start3A_385 = arith.constant 0 : i32
        %dma_start3A_386 = arith.constant 0 : i32
        %dma_start3A_387 = tpu.memref_slice %arg4[%add3A, %add3A_348, %dma_start3A_385, %dma_start3A_386] : memref<32x25x8x128xi32, #tpu.memory_space<hbm>> -> memref<1x1x8x128xi32, #tpu.memory_space<hbm>>
        %dma_start3A_388 = tpu.memref_squeeze %dma_start3A_387 : memref<1x1x8x128xi32, #tpu.memory_space<hbm>> -> memref<8x128xi32, #tpu.memory_space<hbm>>
        %dma_start3A_389 = arith.constant 0 : i32
        %dma_start3A_390 = arith.constant 0 : i32
        %dma_start3A_391 = tpu.memref_slice %arg8[%select_n3A_364, %dma_start3A_389, %dma_start3A_390] : memref<3x8x128xi32, #tpu.memory_space<vmem>> -> memref<1x8x128xi32, #tpu.memory_space<vmem>>
        %dma_start3A_392 = tpu.memref_squeeze %dma_start3A_391 : memref<1x8x128xi32, #tpu.memory_space<vmem>> -> memref<8x128xi32, #tpu.memory_space<vmem>>
        %dma_start3A_393 = arith.constant 0 : i32
        %dma_start3A_394 = arith.constant 0 : i32
        %dma_start3A_395 = tpu.memref_slice %arg4[%add3A, %add3A_348, %dma_start3A_393, %dma_start3A_394] : memref<32x25x8x128xi32, #tpu.memory_space<hbm>> -> memref<1x1x8x128xi32, #tpu.memory_space<hbm>>
        %dma_start3A_396 = tpu.memref_squeeze %dma_start3A_395 : memref<1x1x8x128xi32, #tpu.memory_space<hbm>> -> memref<8x128xi32, #tpu.memory_space<hbm>>
        tpu.enqueue_dma source(%dma_start3A_396 : memref<8x128xi32, #tpu.memory_space<hbm>>) target(%dma_start3A_392 : memref<8x128xi32, #tpu.memory_space<vmem>>) target_semaphore(%arg11 : memref<!tpu.dma_semaphore, #tpu.memory_space<semaphore_mem>>)
      } else {
      }
    }
    %scan3A_175 = arith.constant 200 : i32
    %dma_wait3A_176 = arith.constant 2 : i32
    %dma_wait3A_177 = arith.constant 0 : i32
    %dma_wait3A_178 = arith.constant 6 : i32
    %dma_wait3A_179 = arith.constant 0 : i32
    %dma_wait3A_180 = arith.constant 0 : i32
    %dma_wait3A_181 = tpu.memref_slice %arg9[%dma_wait3A_176, %dma_wait3A_179, %dma_wait3A_180] : memref<4x128x32xf32, #tpu.memory_space<vmem>> -> memref<1x128x32xf32, #tpu.memory_space<vmem>>
    %dma_wait3A_182 = tpu.memref_squeeze %dma_wait3A_181 : memref<1x128x32xf32, #tpu.memory_space<vmem>> -> memref<128x32xf32, #tpu.memory_space<vmem>>
    %dma_wait3A_183 = arith.constant 0 : i32
    %dma_wait3A_184 = tpu.memref_slice %arg8[%dma_wait3A_177, %dma_wait3A_178, %dma_wait3A_183] : memref<3x8x128xi32, #tpu.memory_space<vmem>> -> memref<1x1x128xi32, #tpu.memory_space<vmem>>
    %dma_wait3A_185 = tpu.memref_squeeze %dma_wait3A_184 : memref<1x1x128xi32, #tpu.memory_space<vmem>> -> memref<128xi32, #tpu.memory_space<vmem>>
    %dma_wait3A_186 = arith.constant 0 : i32
    %dma_wait3A_187 = arith.constant 0 : i32
    %dma_wait3A_188 = tpu.memref_slice %arg10[%dma_wait3A_186, %dma_wait3A_187] : memref<50048x32xf32, #tpu.memory_space<vmem_shared>> -> memref<50048x32xf32, #tpu.memory_space<vmem_shared>>
    tpu.wait_indirect_dma semaphore(%arg13 : memref<!tpu.dma_semaphore, #tpu.memory_space<semaphore_mem>>) src(%dma_wait3A_182 : memref<128x32xf32, #tpu.memory_space<vmem>>) dst(%dma_wait3A_188 : memref<50048x32xf32, #tpu.memory_space<vmem_shared>>)
    %dma_wait3A_189 = arith.constant 3 : i32
    %dma_wait3A_190 = arith.constant 0 : i32
    %dma_wait3A_191 = arith.constant 7 : i32
    %dma_wait3A_192 = arith.constant 0 : i32
    %dma_wait3A_193 = arith.constant 0 : i32
    %dma_wait3A_194 = tpu.memref_slice %arg9[%dma_wait3A_189, %dma_wait3A_192, %dma_wait3A_193] : memref<4x128x32xf32, #tpu.memory_space<vmem>> -> memref<1x128x32xf32, #tpu.memory_space<vmem>>
    %dma_wait3A_195 = tpu.memref_squeeze %dma_wait3A_194 : memref<1x128x32xf32, #tpu.memory_space<vmem>> -> memref<128x32xf32, #tpu.memory_space<vmem>>
    %dma_wait3A_196 = arith.constant 0 : i32
    %dma_wait3A_197 = tpu.memref_slice %arg8[%dma_wait3A_190, %dma_wait3A_191, %dma_wait3A_196] : memref<3x8x128xi32, #tpu.memory_space<vmem>> -> memref<1x1x128xi32, #tpu.memory_space<vmem>>
    %dma_wait3A_198 = tpu.memref_squeeze %dma_wait3A_197 : memref<1x1x128xi32, #tpu.memory_space<vmem>> -> memref<128xi32, #tpu.memory_space<vmem>>
    %dma_wait3A_199 = arith.constant 0 : i32
    %dma_wait3A_200 = arith.constant 0 : i32
    %dma_wait3A_201 = tpu.memref_slice %arg10[%dma_wait3A_199, %dma_wait3A_200] : memref<50048x32xf32, #tpu.memory_space<vmem_shared>> -> memref<50048x32xf32, #tpu.memory_space<vmem_shared>>
    tpu.wait_indirect_dma semaphore(%arg13 : memref<!tpu.dma_semaphore, #tpu.memory_space<semaphore_mem>>) src(%dma_wait3A_195 : memref<128x32xf32, #tpu.memory_space<vmem>>) dst(%dma_wait3A_201 : memref<50048x32xf32, #tpu.memory_space<vmem_shared>>)
    %barrier3A_202 = arith.constant 0 : index
    tpu.barrier barrier_id(%barrier3A_202)
    %mul3A_203 = arith.constant 3128 : i32
    %mul3A_204 = arith.muli %arg1, %mul3A_203 : i32
    %mul3A_205 = arith.constant 3128 : i32
    %mul3A_206 = arith.muli %arg1, %mul3A_205 : i32
    "tpu.region"() ({
      %run_scoped3A = tpu.sem_alloc : memref<!tpu.dma_semaphore, #tpu.memory_space<semaphore_mem>>
      %dma_start3A_207 = arith.constant 0 : i32
      %dma_start3A_208 = tpu.memref_slice %arg6[%arg0, %mul3A_206, %dma_start3A_207] : memref<2x50048x32xf32, #tpu.memory_space<hbm>> -> memref<1x3128x32xf32, #tpu.memory_space<hbm>>
      %dma_start3A_209 = tpu.memref_squeeze %dma_start3A_208 : memref<1x3128x32xf32, #tpu.memory_space<hbm>> -> memref<3128x32xf32, #tpu.memory_space<hbm>>
      %dma_start3A_210 = arith.constant 0 : i32
      %dma_start3A_211 = tpu.memref_slice %arg10[%mul3A_204, %dma_start3A_210] : memref<50048x32xf32, #tpu.memory_space<vmem_shared>> -> memref<3128x32xf32, #tpu.memory_space<vmem_shared>>
      tpu.enqueue_dma source(%dma_start3A_211 : memref<3128x32xf32, #tpu.memory_space<vmem_shared>>) target(%dma_start3A_209 : memref<3128x32xf32, #tpu.memory_space<hbm>>) target_semaphore(%run_scoped3A : memref<!tpu.dma_semaphore, #tpu.memory_space<semaphore_mem>>)
      %dma_wait3A_212 = arith.constant 0 : i32
      %dma_wait3A_213 = tpu.memref_slice %arg6[%arg0, %mul3A_206, %dma_wait3A_212] : memref<2x50048x32xf32, #tpu.memory_space<hbm>> -> memref<1x3128x32xf32, #tpu.memory_space<hbm>>
      %dma_wait3A_214 = tpu.memref_squeeze %dma_wait3A_213 : memref<1x3128x32xf32, #tpu.memory_space<hbm>> -> memref<3128x32xf32, #tpu.memory_space<hbm>>
      %dma_wait3A_215 = arith.constant 0 : i32
      %dma_wait3A_216 = tpu.memref_slice %arg10[%mul3A_204, %dma_wait3A_215] : memref<50048x32xf32, #tpu.memory_space<vmem_shared>> -> memref<3128x32xf32, #tpu.memory_space<vmem_shared>>
      tpu.wait_dma2 semaphore(%run_scoped3A : memref<!tpu.dma_semaphore, #tpu.memory_space<semaphore_mem>>) src(%dma_wait3A_216 : memref<3128x32xf32, #tpu.memory_space<vmem_shared>>) dst(%dma_wait3A_214 : memref<3128x32xf32, #tpu.memory_space<hbm>>)
      tpu.yield
    }) : () -> ()
    return
  }
}

#map = affine_map<(d0, d1) -> (0, 0)>
#map1 = affine_map<(d0, d1) -> (0, 0, 0, 0)>
#map2 = affine_map<(d0, d1) -> (0, 0, 0)>
module attributes {stable_mosaic.version = 14 : i64} {
  func.func @body(%arg0: i32, %arg1: i32, %arg2: memref<50000x32xf32, #tpu.memory_space<hbm>>, %arg3: memref<32x25x8x128xi32, #tpu.memory_space<hbm>>, %arg4: memref<32x25x8x128xi32, #tpu.memory_space<hbm>>, %arg5: memref<3128x32xf32, #tpu.memory_space<hbm>>, %arg6: memref<2x50048x32xf32, #tpu.memory_space<hbm>>, %arg7: memref<3x8x128xi32, #tpu.memory_space<vmem>>, %arg8: memref<3x8x128xi32, #tpu.memory_space<vmem>>, %arg9: memref<4x128x32xf32, #tpu.memory_space<vmem>>, %arg10: memref<50048x32xf32, #tpu.memory_space<vmem_shared>>, %arg11: memref<!tpu.dma_semaphore, #tpu.memory_space<semaphore_mem>>, %arg12: memref<!tpu.dma_semaphore, #tpu.memory_space<semaphore_mem>>, %arg13: memref<!tpu.dma_semaphore, #tpu.memory_space<semaphore_mem>>) attributes {dimension_semantics = [#tpu.dimension_semantics<core_parallel>, #tpu.dimension_semantics<subcore_parallel>], iteration_bounds = array<i64: 2, 16>, scalar_prefetch = 0 : i64, scratch_operands = 7 : i64, tpu.core_type = #tpu.core_type<sc_vector_subcore>, window_params = [{transform_indices = #map}, {transform_indices = #map1}, {transform_indices = #map1}, {transform_indices = #map}, {transform_indices = #map2}]} {
    %mul3A = arith.constant 16 : i32
    %mul3A_0 = arith.muli %arg0, %mul3A : i32
    %add3A = arith.addi %mul3A_0, %arg1 : i32
    %mul3A_1 = arith.constant 3128 : i32
    %mul3A_2 = arith.muli %arg1, %mul3A_1 : i32
    "tpu.region"() ({
      %run_scoped3A = tpu.sem_alloc : memref<!tpu.dma_semaphore, #tpu.memory_space<semaphore_mem>>
      %dma_start3A_207 = arith.constant 0 : i32
      %dma_start3A_208 = tpu.memref_slice %arg10[%mul3A_2, %dma_start3A_207] : memref<50048x32xf32, #tpu.memory_space<vmem_shared>> -> memref<3128x32xf32, #tpu.memory_space<vmem_shared>>
      tpu.enqueue_dma source(%arg5 : memref<3128x32xf32, #tpu.memory_space<hbm>>) target(%dma_start3A_208 : memref<3128x32xf32, #tpu.memory_space<vmem_shared>>) target_semaphore(%run_scoped3A : memref<!tpu.dma_semaphore, #tpu.memory_space<semaphore_mem>>)
      %dma_wait3A_209 = arith.constant 0 : i32
      %dma_wait3A_210 = tpu.memref_slice %arg10[%mul3A_2, %dma_wait3A_209] : memref<50048x32xf32, #tpu.memory_space<vmem_shared>> -> memref<3128x32xf32, #tpu.memory_space<vmem_shared>>
      tpu.wait_dma2 semaphore(%run_scoped3A : memref<!tpu.dma_semaphore, #tpu.memory_space<semaphore_mem>>) src(%arg5 : memref<3128x32xf32, #tpu.memory_space<hbm>>) dst(%dma_wait3A_210 : memref<3128x32xf32, #tpu.memory_space<vmem_shared>>)
      tpu.yield
    }) : () -> ()
    %dma_start3A = arith.constant 0 : i32
    %dma_start3A_3 = arith.constant 0 : i32
    %dma_start3A_4 = arith.constant 0 : i32
    %dma_start3A_5 = arith.constant 0 : i32
    %dma_start3A_6 = tpu.memref_slice %arg7[%dma_start3A_3, %dma_start3A_4, %dma_start3A_5] : memref<3x8x128xi32, #tpu.memory_space<vmem>> -> memref<1x8x128xi32, #tpu.memory_space<vmem>>
    %dma_start3A_7 = tpu.memref_squeeze %dma_start3A_6 : memref<1x8x128xi32, #tpu.memory_space<vmem>> -> memref<8x128xi32, #tpu.memory_space<vmem>>
    %dma_start3A_8 = arith.constant 0 : i32
    %dma_start3A_9 = arith.constant 0 : i32
    %dma_start3A_10 = tpu.memref_slice %arg3[%add3A, %dma_start3A, %dma_start3A_8, %dma_start3A_9] : memref<32x25x8x128xi32, #tpu.memory_space<hbm>> -> memref<1x1x8x128xi32, #tpu.memory_space<hbm>>
    %dma_start3A_11 = tpu.memref_squeeze %dma_start3A_10 : memref<1x1x8x128xi32, #tpu.memory_space<hbm>> -> memref<8x128xi32, #tpu.memory_space<hbm>>
    %dma_start3A_12 = arith.constant 0 : i32
    %dma_start3A_13 = arith.constant 0 : i32
    %dma_start3A_14 = tpu.memref_slice %arg7[%dma_start3A_3, %dma_start3A_12, %dma_start3A_13] : memref<3x8x128xi32, #tpu.memory_space<vmem>> -> memref<1x8x128xi32, #tpu.memory_space<vmem>>
    %dma_start3A_15 = tpu.memref_squeeze %dma_start3A_14 : memref<1x8x128xi32, #tpu.memory_space<vmem>> -> memref<8x128xi32, #tpu.memory_space<vmem>>
    %dma_start3A_16 = arith.constant 0 : i32
    %dma_start3A_17 = arith.constant 0 : i32
    %dma_start3A_18 = tpu.memref_slice %arg3[%add3A, %dma_start3A, %dma_start3A_16, %dma_start3A_17] : memref<32x25x8x128xi32, #tpu.memory_space<hbm>> -> memref<1x1x8x128xi32, #tpu.memory_space<hbm>>
    %dma_start3A_19 = tpu.memref_squeeze %dma_start3A_18 : memref<1x1x8x128xi32, #tpu.memory_space<hbm>> -> memref<8x128xi32, #tpu.memory_space<hbm>>
    tpu.enqueue_dma source(%dma_start3A_19 : memref<8x128xi32, #tpu.memory_space<hbm>>) target(%dma_start3A_15 : memref<8x128xi32, #tpu.memory_space<vmem>>) target_semaphore(%arg11 : memref<!tpu.dma_semaphore, #tpu.memory_space<semaphore_mem>>)
    %dma_wait3A = arith.constant 0 : i32
    %dma_wait3A_20 = arith.constant 0 : i32
    %dma_wait3A_21 = arith.constant 0 : i32
    %dma_wait3A_22 = arith.constant 0 : i32
    %dma_wait3A_23 = tpu.memref_slice %arg7[%dma_wait3A_20, %dma_wait3A_21, %dma_wait3A_22] : memref<3x8x128xi32, #tpu.memory_space<vmem>> -> memref<1x8x128xi32, #tpu.memory_space<vmem>>
    %dma_wait3A_24 = tpu.memref_squeeze %dma_wait3A_23 : memref<1x8x128xi32, #tpu.memory_space<vmem>> -> memref<8x128xi32, #tpu.memory_space<vmem>>
    %dma_wait3A_25 = arith.constant 0 : i32
    %dma_wait3A_26 = arith.constant 0 : i32
    %dma_wait3A_27 = tpu.memref_slice %arg3[%add3A, %dma_wait3A, %dma_wait3A_25, %dma_wait3A_26] : memref<32x25x8x128xi32, #tpu.memory_space<hbm>> -> memref<1x1x8x128xi32, #tpu.memory_space<hbm>>
    %dma_wait3A_28 = tpu.memref_squeeze %dma_wait3A_27 : memref<1x1x8x128xi32, #tpu.memory_space<hbm>> -> memref<8x128xi32, #tpu.memory_space<hbm>>
    %dma_wait3A_29 = arith.constant 0 : i32
    %dma_wait3A_30 = arith.constant 0 : i32
    %dma_wait3A_31 = tpu.memref_slice %arg7[%dma_wait3A_20, %dma_wait3A_29, %dma_wait3A_30] : memref<3x8x128xi32, #tpu.memory_space<vmem>> -> memref<1x8x128xi32, #tpu.memory_space<vmem>>
    %dma_wait3A_32 = tpu.memref_squeeze %dma_wait3A_31 : memref<1x8x128xi32, #tpu.memory_space<vmem>> -> memref<8x128xi32, #tpu.memory_space<vmem>>
    %dma_wait3A_33 = arith.constant 0 : i32
    %dma_wait3A_34 = arith.constant 0 : i32
    %dma_wait3A_35 = tpu.memref_slice %arg3[%add3A, %dma_wait3A, %dma_wait3A_33, %dma_wait3A_34] : memref<32x25x8x128xi32, #tpu.memory_space<hbm>> -> memref<1x1x8x128xi32, #tpu.memory_space<hbm>>
    %dma_wait3A_36 = tpu.memref_squeeze %dma_wait3A_35 : memref<1x1x8x128xi32, #tpu.memory_space<hbm>> -> memref<8x128xi32, #tpu.memory_space<hbm>>
    tpu.wait_dma2 semaphore(%arg11 : memref<!tpu.dma_semaphore, #tpu.memory_space<semaphore_mem>>) src(%dma_wait3A_36 : memref<8x128xi32, #tpu.memory_space<hbm>>) dst(%dma_wait3A_32 : memref<8x128xi32, #tpu.memory_space<vmem>>)
    %dma_start3A_37 = arith.constant 0 : i32
    %dma_start3A_38 = arith.constant 0 : i32
    %dma_start3A_39 = arith.constant 0 : i32
    %dma_start3A_40 = arith.constant 0 : i32
    %dma_start3A_41 = tpu.memref_slice %arg8[%dma_start3A_38, %dma_start3A_39, %dma_start3A_40] : memref<3x8x128xi32, #tpu.memory_space<vmem>> -> memref<1x8x128xi32, #tpu.memory_space<vmem>>
    %dma_start3A_42 = tpu.memref_squeeze %dma_start3A_41 : memref<1x8x128xi32, #tpu.memory_space<vmem>> -> memref<8x128xi32, #tpu.memory_space<vmem>>
    %dma_start3A_43 = arith.constant 0 : i32
    %dma_start3A_44 = arith.constant 0 : i32
    %dma_start3A_45 = tpu.memref_slice %arg4[%add3A, %dma_start3A_37, %dma_start3A_43, %dma_start3A_44] : memref<32x25x8x128xi32, #tpu.memory_space<hbm>> -> memref<1x1x8x128xi32, #tpu.memory_space<hbm>>
    %dma_start3A_46 = tpu.memref_squeeze %dma_start3A_45 : memref<1x1x8x128xi32, #tpu.memory_space<hbm>> -> memref<8x128xi32, #tpu.memory_space<hbm>>
    %dma_start3A_47 = arith.constant 0 : i32
    %dma_start3A_48 = arith.constant 0 : i32
    %dma_start3A_49 = tpu.memref_slice %arg8[%dma_start3A_38, %dma_start3A_47, %dma_start3A_48] : memref<3x8x128xi32, #tpu.memory_space<vmem>> -> memref<1x8x128xi32, #tpu.memory_space<vmem>>
    %dma_start3A_50 = tpu.memref_squeeze %dma_start3A_49 : memref<1x8x128xi32, #tpu.memory_space<vmem>> -> memref<8x128xi32, #tpu.memory_space<vmem>>
    %dma_start3A_51 = arith.constant 0 : i32
    %dma_start3A_52 = arith.constant 0 : i32
    %dma_start3A_53 = tpu.memref_slice %arg4[%add3A, %dma_start3A_37, %dma_start3A_51, %dma_start3A_52] : memref<32x25x8x128xi32, #tpu.memory_space<hbm>> -> memref<1x1x8x128xi32, #tpu.memory_space<hbm>>
    %dma_start3A_54 = tpu.memref_squeeze %dma_start3A_53 : memref<1x1x8x128xi32, #tpu.memory_space<hbm>> -> memref<8x128xi32, #tpu.memory_space<hbm>>
    tpu.enqueue_dma source(%dma_start3A_54 : memref<8x128xi32, #tpu.memory_space<hbm>>) target(%dma_start3A_50 : memref<8x128xi32, #tpu.memory_space<vmem>>) target_semaphore(%arg11 : memref<!tpu.dma_semaphore, #tpu.memory_space<semaphore_mem>>)
    %dma_wait3A_55 = arith.constant 0 : i32
    %dma_wait3A_56 = arith.constant 0 : i32
    %dma_wait3A_57 = arith.constant 0 : i32
    %dma_wait3A_58 = arith.constant 0 : i32
    %dma_wait3A_59 = tpu.memref_slice %arg8[%dma_wait3A_56, %dma_wait3A_57, %dma_wait3A_58] : memref<3x8x128xi32, #tpu.memory_space<vmem>> -> memref<1x8x128xi32, #tpu.memory_space<vmem>>
    %dma_wait3A_60 = tpu.memref_squeeze %dma_wait3A_59 : memref<1x8x128xi32, #tpu.memory_space<vmem>> -> memref<8x128xi32, #tpu.memory_space<vmem>>
    %dma_wait3A_61 = arith.constant 0 : i32
    %dma_wait3A_62 = arith.constant 0 : i32
    %dma_wait3A_63 = tpu.memref_slice %arg4[%add3A, %dma_wait3A_55, %dma_wait3A_61, %dma_wait3A_62] : memref<32x25x8x128xi32, #tpu.memory_space<hbm>> -> memref<1x1x8x128xi32, #tpu.memory_space<hbm>>
    %dma_wait3A_64 = tpu.memref_squeeze %dma_wait3A_63 : memref<1x1x8x128xi32, #tpu.memory_space<hbm>> -> memref<8x128xi32, #tpu.memory_space<hbm>>
    %dma_wait3A_65 = arith.constant 0 : i32
    %dma_wait3A_66 = arith.constant 0 : i32
    %dma_wait3A_67 = tpu.memref_slice %arg8[%dma_wait3A_56, %dma_wait3A_65, %dma_wait3A_66] : memref<3x8x128xi32, #tpu.memory_space<vmem>> -> memref<1x8x128xi32, #tpu.memory_space<vmem>>
    %dma_wait3A_68 = tpu.memref_squeeze %dma_wait3A_67 : memref<1x8x128xi32, #tpu.memory_space<vmem>> -> memref<8x128xi32, #tpu.memory_space<vmem>>
    %dma_wait3A_69 = arith.constant 0 : i32
    %dma_wait3A_70 = arith.constant 0 : i32
    %dma_wait3A_71 = tpu.memref_slice %arg4[%add3A, %dma_wait3A_55, %dma_wait3A_69, %dma_wait3A_70] : memref<32x25x8x128xi32, #tpu.memory_space<hbm>> -> memref<1x1x8x128xi32, #tpu.memory_space<hbm>>
    %dma_wait3A_72 = tpu.memref_squeeze %dma_wait3A_71 : memref<1x1x8x128xi32, #tpu.memory_space<hbm>> -> memref<8x128xi32, #tpu.memory_space<hbm>>
    tpu.wait_dma2 semaphore(%arg11 : memref<!tpu.dma_semaphore, #tpu.memory_space<semaphore_mem>>) src(%dma_wait3A_72 : memref<8x128xi32, #tpu.memory_space<hbm>>) dst(%dma_wait3A_68 : memref<8x128xi32, #tpu.memory_space<vmem>>)
    %dma_start3A_73 = arith.constant 0 : i32
    %dma_start3A_74 = arith.constant 0 : i32
    %dma_start3A_75 = arith.constant 0 : i32
    %dma_start3A_76 = arith.constant 0 : i32
    %dma_start3A_77 = arith.constant 0 : i32
    %dma_start3A_78 = tpu.memref_slice %arg9[%dma_start3A_75, %dma_start3A_76, %dma_start3A_77] : memref<4x128x32xf32, #tpu.memory_space<vmem>> -> memref<1x128x32xf32, #tpu.memory_space<vmem>>
    %dma_start3A_79 = tpu.memref_squeeze %dma_start3A_78 : memref<1x128x32xf32, #tpu.memory_space<vmem>> -> memref<128x32xf32, #tpu.memory_space<vmem>>
    %dma_start3A_80 = arith.constant 0 : i32
    %dma_start3A_81 = tpu.memref_slice %arg7[%dma_start3A_73, %dma_start3A_74, %dma_start3A_80] : memref<3x8x128xi32, #tpu.memory_space<vmem>> -> memref<1x1x128xi32, #tpu.memory_space<vmem>>
    %dma_start3A_82 = tpu.memref_squeeze %dma_start3A_81 : memref<1x1x128xi32, #tpu.memory_space<vmem>> -> memref<128xi32, #tpu.memory_space<vmem>>
    %dma_start3A_83 = arith.constant 0 : i32
    %dma_start3A_84 = arith.constant 0 : i32
    %dma_start3A_85 = tpu.memref_slice %arg2[%dma_start3A_83, %dma_start3A_84] : memref<50000x32xf32, #tpu.memory_space<hbm>> -> memref<50000x32xf32, #tpu.memory_space<hbm>>
    tpu.enqueue_indirect_dma source(%dma_start3A_85 : memref<50000x32xf32, #tpu.memory_space<hbm>>) target(%dma_start3A_79 : memref<128x32xf32, #tpu.memory_space<vmem>>) offsets(%dma_start3A_82 : memref<128xi32, #tpu.memory_space<vmem>>) semaphore(%arg12 : memref<!tpu.dma_semaphore, #tpu.memory_space<semaphore_mem>>)
    %dma_start3A_86 = arith.constant 0 : i32
    %dma_start3A_87 = arith.constant 1 : i32
    %dma_start3A_88 = arith.constant 1 : i32
    %dma_start3A_89 = arith.constant 0 : i32
    %dma_start3A_90 = arith.constant 0 : i32
    %dma_start3A_91 = tpu.memref_slice %arg9[%dma_start3A_88, %dma_start3A_89, %dma_start3A_90] : memref<4x128x32xf32, #tpu.memory_space<vmem>> -> memref<1x128x32xf32, #tpu.memory_space<vmem>>
    %dma_start3A_92 = tpu.memref_squeeze %dma_start3A_91 : memref<1x128x32xf32, #tpu.memory_space<vmem>> -> memref<128x32xf32, #tpu.memory_space<vmem>>
    %dma_start3A_93 = arith.constant 0 : i32
    %dma_start3A_94 = tpu.memref_slice %arg7[%dma_start3A_86, %dma_start3A_87, %dma_start3A_93] : memref<3x8x128xi32, #tpu.memory_space<vmem>> -> memref<1x1x128xi32, #tpu.memory_space<vmem>>
    %dma_start3A_95 = tpu.memref_squeeze %dma_start3A_94 : memref<1x1x128xi32, #tpu.memory_space<vmem>> -> memref<128xi32, #tpu.memory_space<vmem>>
    %dma_start3A_96 = arith.constant 0 : i32
    %dma_start3A_97 = arith.constant 0 : i32
    %dma_start3A_98 = tpu.memref_slice %arg2[%dma_start3A_96, %dma_start3A_97] : memref<50000x32xf32, #tpu.memory_space<hbm>> -> memref<50000x32xf32, #tpu.memory_space<hbm>>
    tpu.enqueue_indirect_dma source(%dma_start3A_98 : memref<50000x32xf32, #tpu.memory_space<hbm>>) target(%dma_start3A_92 : memref<128x32xf32, #tpu.memory_space<vmem>>) offsets(%dma_start3A_95 : memref<128xi32, #tpu.memory_space<vmem>>) semaphore(%arg12 : memref<!tpu.dma_semaphore, #tpu.memory_space<semaphore_mem>>)
    %dma_start3A_99 = arith.constant 1 : i32
    %dma_start3A_100 = arith.constant 1 : i32
    %dma_start3A_101 = arith.constant 0 : i32
    %dma_start3A_102 = arith.constant 0 : i32
    %dma_start3A_103 = tpu.memref_slice %arg7[%dma_start3A_100, %dma_start3A_101, %dma_start3A_102] : memref<3x8x128xi32, #tpu.memory_space<vmem>> -> memref<1x8x128xi32, #tpu.memory_space<vmem>>
    %dma_start3A_104 = tpu.memref_squeeze %dma_start3A_103 : memref<1x8x128xi32, #tpu.memory_space<vmem>> -> memref<8x128xi32, #tpu.memory_space<vmem>>
    %dma_start3A_105 = arith.constant 0 : i32
    %dma_start3A_106 = arith.constant 0 : i32
    %dma_start3A_107 = tpu.memref_slice %arg3[%add3A, %dma_start3A_99, %dma_start3A_105, %dma_start3A_106] : memref<32x25x8x128xi32, #tpu.memory_space<hbm>> -> memref<1x1x8x128xi32, #tpu.memory_space<hbm>>
    %dma_start3A_108 = tpu.memref_squeeze %dma_start3A_107 : memref<1x1x8x128xi32, #tpu.memory_space<hbm>> -> memref<8x128xi32, #tpu.memory_space<hbm>>
    %dma_start3A_109 = arith.constant 0 : i32
    %dma_start3A_110 = arith.constant 0 : i32
    %dma_start3A_111 = tpu.memref_slice %arg7[%dma_start3A_100, %dma_start3A_109, %dma_start3A_110] : memref<3x8x128xi32, #tpu.memory_space<vmem>> -> memref<1x8x128xi32, #tpu.memory_space<vmem>>
    %dma_start3A_112 = tpu.memref_squeeze %dma_start3A_111 : memref<1x8x128xi32, #tpu.memory_space<vmem>> -> memref<8x128xi32, #tpu.memory_space<vmem>>
    %dma_start3A_113 = arith.constant 0 : i32
    %dma_start3A_114 = arith.constant 0 : i32
    %dma_start3A_115 = tpu.memref_slice %arg3[%add3A, %dma_start3A_99, %dma_start3A_113, %dma_start3A_114] : memref<32x25x8x128xi32, #tpu.memory_space<hbm>> -> memref<1x1x8x128xi32, #tpu.memory_space<hbm>>
    %dma_start3A_116 = tpu.memref_squeeze %dma_start3A_115 : memref<1x1x8x128xi32, #tpu.memory_space<hbm>> -> memref<8x128xi32, #tpu.memory_space<hbm>>
    tpu.enqueue_dma source(%dma_start3A_116 : memref<8x128xi32, #tpu.memory_space<hbm>>) target(%dma_start3A_112 : memref<8x128xi32, #tpu.memory_space<vmem>>) target_semaphore(%arg11 : memref<!tpu.dma_semaphore, #tpu.memory_space<semaphore_mem>>)
    %dma_start3A_117 = arith.constant 1 : i32
    %dma_start3A_118 = arith.constant 1 : i32
    %dma_start3A_119 = arith.constant 0 : i32
    %dma_start3A_120 = arith.constant 0 : i32
    %dma_start3A_121 = tpu.memref_slice %arg8[%dma_start3A_118, %dma_start3A_119, %dma_start3A_120] : memref<3x8x128xi32, #tpu.memory_space<vmem>> -> memref<1x8x128xi32, #tpu.memory_space<vmem>>
    %dma_start3A_122 = tpu.memref_squeeze %dma_start3A_121 : memref<1x8x128xi32, #tpu.memory_space<vmem>> -> memref<8x128xi32, #tpu.memory_space<vmem>>
    %dma_start3A_123 = arith.constant 0 : i32
    %dma_start3A_124 = arith.constant 0 : i32
    %dma_start3A_125 = tpu.memref_slice %arg4[%add3A, %dma_start3A_117, %dma_start3A_123, %dma_start3A_124] : memref<32x25x8x128xi32, #tpu.memory_space<hbm>> -> memref<1x1x8x128xi32, #tpu.memory_space<hbm>>
    %dma_start3A_126 = tpu.memref_squeeze %dma_start3A_125 : memref<1x1x8x128xi32, #tpu.memory_space<hbm>> -> memref<8x128xi32, #tpu.memory_space<hbm>>
    %dma_start3A_127 = arith.constant 0 : i32
    %dma_start3A_128 = arith.constant 0 : i32
    %dma_start3A_129 = tpu.memref_slice %arg8[%dma_start3A_118, %dma_start3A_127, %dma_start3A_128] : memref<3x8x128xi32, #tpu.memory_space<vmem>> -> memref<1x8x128xi32, #tpu.memory_space<vmem>>
    %dma_start3A_130 = tpu.memref_squeeze %dma_start3A_129 : memref<1x8x128xi32, #tpu.memory_space<vmem>> -> memref<8x128xi32, #tpu.memory_space<vmem>>
    %dma_start3A_131 = arith.constant 0 : i32
    %dma_start3A_132 = arith.constant 0 : i32
    %dma_start3A_133 = tpu.memref_slice %arg4[%add3A, %dma_start3A_117, %dma_start3A_131, %dma_start3A_132] : memref<32x25x8x128xi32, #tpu.memory_space<hbm>> -> memref<1x1x8x128xi32, #tpu.memory_space<hbm>>
    %dma_start3A_134 = tpu.memref_squeeze %dma_start3A_133 : memref<1x1x8x128xi32, #tpu.memory_space<hbm>> -> memref<8x128xi32, #tpu.memory_space<hbm>>
    tpu.enqueue_dma source(%dma_start3A_134 : memref<8x128xi32, #tpu.memory_space<hbm>>) target(%dma_start3A_130 : memref<8x128xi32, #tpu.memory_space<vmem>>) target_semaphore(%arg11 : memref<!tpu.dma_semaphore, #tpu.memory_space<semaphore_mem>>)
    %dma_start3A_135 = arith.constant 2 : i32
    %dma_start3A_136 = arith.constant 2 : i32
    %dma_start3A_137 = arith.constant 0 : i32
    %dma_start3A_138 = arith.constant 0 : i32
    %dma_start3A_139 = tpu.memref_slice %arg7[%dma_start3A_136, %dma_start3A_137, %dma_start3A_138] : memref<3x8x128xi32, #tpu.memory_space<vmem>> -> memref<1x8x128xi32, #tpu.memory_space<vmem>>
    %dma_start3A_140 = tpu.memref_squeeze %dma_start3A_139 : memref<1x8x128xi32, #tpu.memory_space<vmem>> -> memref<8x128xi32, #tpu.memory_space<vmem>>
    %dma_start3A_141 = arith.constant 0 : i32
    %dma_start3A_142 = arith.constant 0 : i32
    %dma_start3A_143 = tpu.memref_slice %arg3[%add3A, %dma_start3A_135, %dma_start3A_141, %dma_start3A_142] : memref<32x25x8x128xi32, #tpu.memory_space<hbm>> -> memref<1x1x8x128xi32, #tpu.memory_space<hbm>>
    %dma_start3A_144 = tpu.memref_squeeze %dma_start3A_143 : memref<1x1x8x128xi32, #tpu.memory_space<hbm>> -> memref<8x128xi32, #tpu.memory_space<hbm>>
    %dma_start3A_145 = arith.constant 0 : i32
    %dma_start3A_146 = arith.constant 0 : i32
    %dma_start3A_147 = tpu.memref_slice %arg7[%dma_start3A_136, %dma_start3A_145, %dma_start3A_146] : memref<3x8x128xi32, #tpu.memory_space<vmem>> -> memref<1x8x128xi32, #tpu.memory_space<vmem>>
    %dma_start3A_148 = tpu.memref_squeeze %dma_start3A_147 : memref<1x8x128xi32, #tpu.memory_space<vmem>> -> memref<8x128xi32, #tpu.memory_space<vmem>>
    %dma_start3A_149 = arith.constant 0 : i32
    %dma_start3A_150 = arith.constant 0 : i32
    %dma_start3A_151 = tpu.memref_slice %arg3[%add3A, %dma_start3A_135, %dma_start3A_149, %dma_start3A_150] : memref<32x25x8x128xi32, #tpu.memory_space<hbm>> -> memref<1x1x8x128xi32, #tpu.memory_space<hbm>>
    %dma_start3A_152 = tpu.memref_squeeze %dma_start3A_151 : memref<1x1x8x128xi32, #tpu.memory_space<hbm>> -> memref<8x128xi32, #tpu.memory_space<hbm>>
    tpu.enqueue_dma source(%dma_start3A_152 : memref<8x128xi32, #tpu.memory_space<hbm>>) target(%dma_start3A_148 : memref<8x128xi32, #tpu.memory_space<vmem>>) target_semaphore(%arg11 : memref<!tpu.dma_semaphore, #tpu.memory_space<semaphore_mem>>)
    %dma_start3A_153 = arith.constant 2 : i32
    %dma_start3A_154 = arith.constant 2 : i32
    %dma_start3A_155 = arith.constant 0 : i32
    %dma_start3A_156 = arith.constant 0 : i32
    %dma_start3A_157 = tpu.memref_slice %arg8[%dma_start3A_154, %dma_start3A_155, %dma_start3A_156] : memref<3x8x128xi32, #tpu.memory_space<vmem>> -> memref<1x8x128xi32, #tpu.memory_space<vmem>>
    %dma_start3A_158 = tpu.memref_squeeze %dma_start3A_157 : memref<1x8x128xi32, #tpu.memory_space<vmem>> -> memref<8x128xi32, #tpu.memory_space<vmem>>
    %dma_start3A_159 = arith.constant 0 : i32
    %dma_start3A_160 = arith.constant 0 : i32
    %dma_start3A_161 = tpu.memref_slice %arg4[%add3A, %dma_start3A_153, %dma_start3A_159, %dma_start3A_160] : memref<32x25x8x128xi32, #tpu.memory_space<hbm>> -> memref<1x1x8x128xi32, #tpu.memory_space<hbm>>
    %dma_start3A_162 = tpu.memref_squeeze %dma_start3A_161 : memref<1x1x8x128xi32, #tpu.memory_space<hbm>> -> memref<8x128xi32, #tpu.memory_space<hbm>>
    %dma_start3A_163 = arith.constant 0 : i32
    %dma_start3A_164 = arith.constant 0 : i32
    %dma_start3A_165 = tpu.memref_slice %arg8[%dma_start3A_154, %dma_start3A_163, %dma_start3A_164] : memref<3x8x128xi32, #tpu.memory_space<vmem>> -> memref<1x8x128xi32, #tpu.memory_space<vmem>>
    %dma_start3A_166 = tpu.memref_squeeze %dma_start3A_165 : memref<1x8x128xi32, #tpu.memory_space<vmem>> -> memref<8x128xi32, #tpu.memory_space<vmem>>
    %dma_start3A_167 = arith.constant 0 : i32
    %dma_start3A_168 = arith.constant 0 : i32
    %dma_start3A_169 = tpu.memref_slice %arg4[%add3A, %dma_start3A_153, %dma_start3A_167, %dma_start3A_168] : memref<32x25x8x128xi32, #tpu.memory_space<hbm>> -> memref<1x1x8x128xi32, #tpu.memory_space<hbm>>
    %dma_start3A_170 = tpu.memref_squeeze %dma_start3A_169 : memref<1x1x8x128xi32, #tpu.memory_space<hbm>> -> memref<8x128xi32, #tpu.memory_space<hbm>>
    tpu.enqueue_dma source(%dma_start3A_170 : memref<8x128xi32, #tpu.memory_space<hbm>>) target(%dma_start3A_166 : memref<8x128xi32, #tpu.memory_space<vmem>>) target_semaphore(%arg11 : memref<!tpu.dma_semaphore, #tpu.memory_space<semaphore_mem>>)
    %barrier3A = arith.constant 0 : index
    tpu.barrier barrier_id(%barrier3A)
    %scan3A = arith.constant 0 : i32
    %scan3A_171 = arith.constant 0 : i32
    %scan3A_172 = arith.constant 200 : i32
    %scan3A_173 = arith.addi %scan3A_171, %scan3A_172 : i32
    %scan3A_174 = arith.constant 1 : i32
    scf.for %scan3A_207 = %scan3A_171 to %scan3A_173 step %scan3A_174  : i32 {
      %jit3A = arith.constant 4 : i32
      %eq3A = arith.constant 0 : i32
      %eq3A_208 = arith.cmpi eq, %jit3A, %eq3A : i32
      %jit3A_209 = arith.constant 1 : i32
      %select_n3A = arith.select %eq3A_208, %jit3A_209, %jit3A : i32
      %rem3A = arith.remsi %scan3A_207, %select_n3A : i32
      %ne3A = arith.constant 0 : i32
      %ne3A_210 = arith.cmpi ne, %rem3A, %ne3A : i32
      %lt3A = arith.constant 0 : i32
      %lt3A_211 = arith.cmpi slt, %rem3A, %lt3A : i32
      %lt3A_212 = arith.constant 0 : i32
      %lt3A_213 = arith.cmpi slt, %select_n3A, %lt3A_212 : i32
      %ne3A_214 = arith.xori %lt3A_211, %lt3A_213 : i1
      %and3A = arith.andi %ne3A_214, %ne3A_210 : i1
      %add3A_215 = arith.addi %rem3A, %select_n3A : i32
      %select_n3A_216 = arith.select %and3A, %add3A_215, %rem3A : i32
      %jit3A_217 = arith.constant 8 : i32
      %div3A = arith.divsi %scan3A_207, %jit3A_217 : i32
      %sign3A = arith.constant 0 : i32
      %sign3A_218 = arith.cmpi sgt, %scan3A_207, %sign3A : i32
      %sign3A_219 = arith.extui %sign3A_218 : i1 to i32
      %sign3A_220 = arith.constant 0 : i32
      %sign3A_221 = arith.cmpi slt, %scan3A_207, %sign3A_220 : i32
      %sign3A_222 = arith.extui %sign3A_221 : i1 to i32
      %sign3A_223 = arith.subi %sign3A_219, %sign3A_222 : i32
      %sign3A_224 = arith.constant 0 : i32
      %sign3A_225 = arith.cmpi sgt, %jit3A_217, %sign3A_224 : i32
      %sign3A_226 = arith.extui %sign3A_225 : i1 to i32
      %sign3A_227 = arith.constant 0 : i32
      %sign3A_228 = arith.cmpi slt, %jit3A_217, %sign3A_227 : i32
      %sign3A_229 = arith.extui %sign3A_228 : i1 to i32
      %sign3A_230 = arith.subi %sign3A_226, %sign3A_229 : i32
      %ne3A_231 = arith.cmpi ne, %sign3A_223, %sign3A_230 : i32
      %rem3A_232 = arith.remsi %scan3A_207, %jit3A_217 : i32
      %ne3A_233 = arith.constant 0 : i32
      %ne3A_234 = arith.cmpi ne, %rem3A_232, %ne3A_233 : i32
      %and3A_235 = arith.andi %ne3A_231, %ne3A_234 : i1
      %sub3A = arith.constant 1 : i32
      %sub3A_236 = arith.subi %div3A, %sub3A : i32
      %select_n3A_237 = arith.select %and3A_235, %sub3A_236, %div3A : i32
      %jit3A_238 = arith.constant 3 : i32
      %eq3A_239 = arith.constant 0 : i32
      %eq3A_240 = arith.cmpi eq, %jit3A_238, %eq3A_239 : i32
      %jit3A_241 = arith.constant 1 : i32
      %select_n3A_242 = arith.select %eq3A_240, %jit3A_241, %jit3A_238 : i32
      %rem3A_243 = arith.remsi %select_n3A_237, %select_n3A_242 : i32
      %ne3A_244 = arith.constant 0 : i32
      %ne3A_245 = arith.cmpi ne, %rem3A_243, %ne3A_244 : i32
      %lt3A_246 = arith.constant 0 : i32
      %lt3A_247 = arith.cmpi slt, %rem3A_243, %lt3A_246 : i32
      %lt3A_248 = arith.constant 0 : i32
      %lt3A_249 = arith.cmpi slt, %select_n3A_242, %lt3A_248 : i32
      %ne3A_250 = arith.xori %lt3A_247, %lt3A_249 : i1
      %and3A_251 = arith.andi %ne3A_250, %ne3A_245 : i1
      %add3A_252 = arith.addi %rem3A_243, %select_n3A_242 : i32
      %select_n3A_253 = arith.select %and3A_251, %add3A_252, %rem3A_243 : i32
      %jit3A_254 = arith.constant 8 : i32
      %eq3A_255 = arith.constant 0 : i32
      %eq3A_256 = arith.cmpi eq, %jit3A_254, %eq3A_255 : i32
      %jit3A_257 = arith.constant 1 : i32
      %select_n3A_258 = arith.select %eq3A_256, %jit3A_257, %jit3A_254 : i32
      %rem3A_259 = arith.remsi %scan3A_207, %select_n3A_258 : i32
      %ne3A_260 = arith.constant 0 : i32
      %ne3A_261 = arith.cmpi ne, %rem3A_259, %ne3A_260 : i32
      %lt3A_262 = arith.constant 0 : i32
      %lt3A_263 = arith.cmpi slt, %rem3A_259, %lt3A_262 : i32
      %lt3A_264 = arith.constant 0 : i32
      %lt3A_265 = arith.cmpi slt, %select_n3A_258, %lt3A_264 : i32
      %ne3A_266 = arith.xori %lt3A_263, %lt3A_265 : i1
      %and3A_267 = arith.andi %ne3A_266, %ne3A_261 : i1
      %add3A_268 = arith.addi %rem3A_259, %select_n3A_258 : i32
      %select_n3A_269 = arith.select %and3A_267, %add3A_268, %rem3A_259 : i32
      %dma_wait3A_270 = arith.constant 0 : i32
      %dma_wait3A_271 = arith.constant 0 : i32
      %dma_wait3A_272 = tpu.memref_slice %arg9[%select_n3A_216, %dma_wait3A_270, %dma_wait3A_271] : memref<4x128x32xf32, #tpu.memory_space<vmem>> -> memref<1x128x32xf32, #tpu.memory_space<vmem>>
      %dma_wait3A_273 = tpu.memref_squeeze %dma_wait3A_272 : memref<1x128x32xf32, #tpu.memory_space<vmem>> -> memref<128x32xf32, #tpu.memory_space<vmem>>
      %dma_wait3A_274 = arith.constant 0 : i32
      %dma_wait3A_275 = tpu.memref_slice %arg7[%select_n3A_253, %select_n3A_269, %dma_wait3A_274] : memref<3x8x128xi32, #tpu.memory_space<vmem>> -> memref<1x1x128xi32, #tpu.memory_space<vmem>>
      %dma_wait3A_276 = tpu.memref_squeeze %dma_wait3A_275 : memref<1x1x128xi32, #tpu.memory_space<vmem>> -> memref<128xi32, #tpu.memory_space<vmem>>
      %dma_wait3A_277 = arith.constant 0 : i32
      %dma_wait3A_278 = arith.constant 0 : i32
      %dma_wait3A_279 = tpu.memref_slice %arg2[%dma_wait3A_277, %dma_wait3A_278] : memref<50000x32xf32, #tpu.memory_space<hbm>> -> memref<50000x32xf32, #tpu.memory_space<hbm>>
      tpu.wait_indirect_dma semaphore(%arg12 : memref<!tpu.dma_semaphore, #tpu.memory_space<semaphore_mem>>) src(%dma_wait3A_279 : memref<50000x32xf32, #tpu.memory_space<hbm>>) dst(%dma_wait3A_273 : memref<128x32xf32, #tpu.memory_space<vmem>>)
      %dma_start3A_280 = arith.constant 0 : i32
      %dma_start3A_281 = arith.constant 0 : i32
      %dma_start3A_282 = tpu.memref_slice %arg9[%select_n3A_216, %dma_start3A_280, %dma_start3A_281] : memref<4x128x32xf32, #tpu.memory_space<vmem>> -> memref<1x128x32xf32, #tpu.memory_space<vmem>>
      %dma_start3A_283 = tpu.memref_squeeze %dma_start3A_282 : memref<1x128x32xf32, #tpu.memory_space<vmem>> -> memref<128x32xf32, #tpu.memory_space<vmem>>
      %dma_start3A_284 = arith.constant 0 : i32
      %dma_start3A_285 = tpu.memref_slice %arg8[%select_n3A_253, %select_n3A_269, %dma_start3A_284] : memref<3x8x128xi32, #tpu.memory_space<vmem>> -> memref<1x1x128xi32, #tpu.memory_space<vmem>>
      %dma_start3A_286 = tpu.memref_squeeze %dma_start3A_285 : memref<1x1x128xi32, #tpu.memory_space<vmem>> -> memref<128xi32, #tpu.memory_space<vmem>>
      %dma_start3A_287 = arith.constant 0 : i32
      %dma_start3A_288 = arith.constant 0 : i32
      %dma_start3A_289 = tpu.memref_slice %arg10[%dma_start3A_287, %dma_start3A_288] : memref<50048x32xf32, #tpu.memory_space<vmem_shared>> -> memref<50048x32xf32, #tpu.memory_space<vmem_shared>>
      tpu.enqueue_indirect_dma source(%dma_start3A_283 : memref<128x32xf32, #tpu.memory_space<vmem>>) target(%dma_start3A_289 : memref<50048x32xf32, #tpu.memory_space<vmem_shared>>) offsets(%dma_start3A_286 : memref<128xi32, #tpu.memory_space<vmem>>) semaphore(%arg13 : memref<!tpu.dma_semaphore, #tpu.memory_space<semaphore_mem>>) {add = true}
      %ge3A = arith.constant 2 : i32
      %ge3A_290 = arith.cmpi sge, %scan3A_207, %ge3A : i32
      %convert_element_type3A = arith.extui %ge3A_290 : i1 to i32
      %cond3A = arith.constant 0 : i32
      %cond3A_291 = arith.cmpi ne, %convert_element_type3A, %cond3A : i32
      scf.if %cond3A_291 {
        %sub3A_323 = arith.constant 2 : i32
        %sub3A_324 = arith.subi %scan3A_207, %sub3A_323 : i32
        %jit3A_325 = arith.constant 4 : i32
        %eq3A_326 = arith.constant 0 : i32
        %eq3A_327 = arith.cmpi eq, %jit3A_325, %eq3A_326 : i32
        %jit3A_328 = arith.constant 1 : i32
        %select_n3A_329 = arith.select %eq3A_327, %jit3A_328, %jit3A_325 : i32
        %rem3A_330 = arith.remsi %sub3A_324, %select_n3A_329 : i32
        %ne3A_331 = arith.constant 0 : i32
        %ne3A_332 = arith.cmpi ne, %rem3A_330, %ne3A_331 : i32
        %lt3A_333 = arith.constant 0 : i32
        %lt3A_334 = arith.cmpi slt, %rem3A_330, %lt3A_333 : i32
        %lt3A_335 = arith.constant 0 : i32
        %lt3A_336 = arith.cmpi slt, %select_n3A_329, %lt3A_335 : i32
        %ne3A_337 = arith.xori %lt3A_334, %lt3A_336 : i1
        %and3A_338 = arith.andi %ne3A_337, %ne3A_332 : i1
        %add3A_339 = arith.addi %rem3A_330, %select_n3A_329 : i32
        %select_n3A_340 = arith.select %and3A_338, %add3A_339, %rem3A_330 : i32
        %jit3A_341 = arith.constant 8 : i32
        %div3A_342 = arith.divsi %sub3A_324, %jit3A_341 : i32
        %sign3A_343 = arith.constant 0 : i32
        %sign3A_344 = arith.cmpi sgt, %sub3A_324, %sign3A_343 : i32
        %sign3A_345 = arith.extui %sign3A_344 : i1 to i32
        %sign3A_346 = arith.constant 0 : i32
        %sign3A_347 = arith.cmpi slt, %sub3A_324, %sign3A_346 : i32
        %sign3A_348 = arith.extui %sign3A_347 : i1 to i32
        %sign3A_349 = arith.subi %sign3A_345, %sign3A_348 : i32
        %sign3A_350 = arith.constant 0 : i32
        %sign3A_351 = arith.cmpi sgt, %jit3A_341, %sign3A_350 : i32
        %sign3A_352 = arith.extui %sign3A_351 : i1 to i32
        %sign3A_353 = arith.constant 0 : i32
        %sign3A_354 = arith.cmpi slt, %jit3A_341, %sign3A_353 : i32
        %sign3A_355 = arith.extui %sign3A_354 : i1 to i32
        %sign3A_356 = arith.subi %sign3A_352, %sign3A_355 : i32
        %ne3A_357 = arith.cmpi ne, %sign3A_349, %sign3A_356 : i32
        %rem3A_358 = arith.remsi %sub3A_324, %jit3A_341 : i32
        %ne3A_359 = arith.constant 0 : i32
        %ne3A_360 = arith.cmpi ne, %rem3A_358, %ne3A_359 : i32
        %and3A_361 = arith.andi %ne3A_357, %ne3A_360 : i1
        %sub3A_362 = arith.constant 1 : i32
        %sub3A_363 = arith.subi %div3A_342, %sub3A_362 : i32
        %select_n3A_364 = arith.select %and3A_361, %sub3A_363, %div3A_342 : i32
        %jit3A_365 = arith.constant 3 : i32
        %eq3A_366 = arith.constant 0 : i32
        %eq3A_367 = arith.cmpi eq, %jit3A_365, %eq3A_366 : i32
        %jit3A_368 = arith.constant 1 : i32
        %select_n3A_369 = arith.select %eq3A_367, %jit3A_368, %jit3A_365 : i32
        %rem3A_370 = arith.remsi %select_n3A_364, %select_n3A_369 : i32
        %ne3A_371 = arith.constant 0 : i32
        %ne3A_372 = arith.cmpi ne, %rem3A_370, %ne3A_371 : i32
        %lt3A_373 = arith.constant 0 : i32
        %lt3A_374 = arith.cmpi slt, %rem3A_370, %lt3A_373 : i32
        %lt3A_375 = arith.constant 0 : i32
        %lt3A_376 = arith.cmpi slt, %select_n3A_369, %lt3A_375 : i32
        %ne3A_377 = arith.xori %lt3A_374, %lt3A_376 : i1
        %and3A_378 = arith.andi %ne3A_377, %ne3A_372 : i1
        %add3A_379 = arith.addi %rem3A_370, %select_n3A_369 : i32
        %select_n3A_380 = arith.select %and3A_378, %add3A_379, %rem3A_370 : i32
        %jit3A_381 = arith.constant 8 : i32
        %eq3A_382 = arith.constant 0 : i32
        %eq3A_383 = arith.cmpi eq, %jit3A_381, %eq3A_382 : i32
        %jit3A_384 = arith.constant 1 : i32
        %select_n3A_385 = arith.select %eq3A_383, %jit3A_384, %jit3A_381 : i32
        %rem3A_386 = arith.remsi %sub3A_324, %select_n3A_385 : i32
        %ne3A_387 = arith.constant 0 : i32
        %ne3A_388 = arith.cmpi ne, %rem3A_386, %ne3A_387 : i32
        %lt3A_389 = arith.constant 0 : i32
        %lt3A_390 = arith.cmpi slt, %rem3A_386, %lt3A_389 : i32
        %lt3A_391 = arith.constant 0 : i32
        %lt3A_392 = arith.cmpi slt, %select_n3A_385, %lt3A_391 : i32
        %ne3A_393 = arith.xori %lt3A_390, %lt3A_392 : i1
        %and3A_394 = arith.andi %ne3A_393, %ne3A_388 : i1
        %add3A_395 = arith.addi %rem3A_386, %select_n3A_385 : i32
        %select_n3A_396 = arith.select %and3A_394, %add3A_395, %rem3A_386 : i32
        %dma_wait3A_397 = arith.constant 0 : i32
        %dma_wait3A_398 = arith.constant 0 : i32
        %dma_wait3A_399 = tpu.memref_slice %arg9[%select_n3A_340, %dma_wait3A_397, %dma_wait3A_398] : memref<4x128x32xf32, #tpu.memory_space<vmem>> -> memref<1x128x32xf32, #tpu.memory_space<vmem>>
        %dma_wait3A_400 = tpu.memref_squeeze %dma_wait3A_399 : memref<1x128x32xf32, #tpu.memory_space<vmem>> -> memref<128x32xf32, #tpu.memory_space<vmem>>
        %dma_wait3A_401 = arith.constant 0 : i32
        %dma_wait3A_402 = tpu.memref_slice %arg8[%select_n3A_380, %select_n3A_396, %dma_wait3A_401] : memref<3x8x128xi32, #tpu.memory_space<vmem>> -> memref<1x1x128xi32, #tpu.memory_space<vmem>>
        %dma_wait3A_403 = tpu.memref_squeeze %dma_wait3A_402 : memref<1x1x128xi32, #tpu.memory_space<vmem>> -> memref<128xi32, #tpu.memory_space<vmem>>
        %dma_wait3A_404 = arith.constant 0 : i32
        %dma_wait3A_405 = arith.constant 0 : i32
        %dma_wait3A_406 = tpu.memref_slice %arg10[%dma_wait3A_404, %dma_wait3A_405] : memref<50048x32xf32, #tpu.memory_space<vmem_shared>> -> memref<50048x32xf32, #tpu.memory_space<vmem_shared>>
        tpu.wait_indirect_dma semaphore(%arg13 : memref<!tpu.dma_semaphore, #tpu.memory_space<semaphore_mem>>) src(%dma_wait3A_400 : memref<128x32xf32, #tpu.memory_space<vmem>>) dst(%dma_wait3A_406 : memref<50048x32xf32, #tpu.memory_space<vmem_shared>>)
      } else {
      }
      %le3A = arith.constant 197 : i32
      %le3A_292 = arith.cmpi sle, %scan3A_207, %le3A : i32
      %convert_element_type3A_293 = arith.extui %le3A_292 : i1 to i32
      %cond3A_294 = arith.constant 0 : i32
      %cond3A_295 = arith.cmpi ne, %convert_element_type3A_293, %cond3A_294 : i32
      scf.if %cond3A_295 {
        %add3A_323 = arith.constant 2 : i32
        %add3A_324 = arith.addi %scan3A_207, %add3A_323 : i32
        %jit3A_325 = arith.constant 4 : i32
        %eq3A_326 = arith.constant 0 : i32
        %eq3A_327 = arith.cmpi eq, %jit3A_325, %eq3A_326 : i32
        %jit3A_328 = arith.constant 1 : i32
        %select_n3A_329 = arith.select %eq3A_327, %jit3A_328, %jit3A_325 : i32
        %rem3A_330 = arith.remsi %add3A_324, %select_n3A_329 : i32
        %ne3A_331 = arith.constant 0 : i32
        %ne3A_332 = arith.cmpi ne, %rem3A_330, %ne3A_331 : i32
        %lt3A_333 = arith.constant 0 : i32
        %lt3A_334 = arith.cmpi slt, %rem3A_330, %lt3A_333 : i32
        %lt3A_335 = arith.constant 0 : i32
        %lt3A_336 = arith.cmpi slt, %select_n3A_329, %lt3A_335 : i32
        %ne3A_337 = arith.xori %lt3A_334, %lt3A_336 : i1
        %and3A_338 = arith.andi %ne3A_337, %ne3A_332 : i1
        %add3A_339 = arith.addi %rem3A_330, %select_n3A_329 : i32
        %select_n3A_340 = arith.select %and3A_338, %add3A_339, %rem3A_330 : i32
        %jit3A_341 = arith.constant 8 : i32
        %div3A_342 = arith.divsi %add3A_324, %jit3A_341 : i32
        %sign3A_343 = arith.constant 0 : i32
        %sign3A_344 = arith.cmpi sgt, %add3A_324, %sign3A_343 : i32
        %sign3A_345 = arith.extui %sign3A_344 : i1 to i32
        %sign3A_346 = arith.constant 0 : i32
        %sign3A_347 = arith.cmpi slt, %add3A_324, %sign3A_346 : i32
        %sign3A_348 = arith.extui %sign3A_347 : i1 to i32
        %sign3A_349 = arith.subi %sign3A_345, %sign3A_348 : i32
        %sign3A_350 = arith.constant 0 : i32
        %sign3A_351 = arith.cmpi sgt, %jit3A_341, %sign3A_350 : i32
        %sign3A_352 = arith.extui %sign3A_351 : i1 to i32
        %sign3A_353 = arith.constant 0 : i32
        %sign3A_354 = arith.cmpi slt, %jit3A_341, %sign3A_353 : i32
        %sign3A_355 = arith.extui %sign3A_354 : i1 to i32
        %sign3A_356 = arith.subi %sign3A_352, %sign3A_355 : i32
        %ne3A_357 = arith.cmpi ne, %sign3A_349, %sign3A_356 : i32
        %rem3A_358 = arith.remsi %add3A_324, %jit3A_341 : i32
        %ne3A_359 = arith.constant 0 : i32
        %ne3A_360 = arith.cmpi ne, %rem3A_358, %ne3A_359 : i32
        %and3A_361 = arith.andi %ne3A_357, %ne3A_360 : i1
        %sub3A_362 = arith.constant 1 : i32
        %sub3A_363 = arith.subi %div3A_342, %sub3A_362 : i32
        %select_n3A_364 = arith.select %and3A_361, %sub3A_363, %div3A_342 : i32
        %jit3A_365 = arith.constant 3 : i32
        %eq3A_366 = arith.constant 0 : i32
        %eq3A_367 = arith.cmpi eq, %jit3A_365, %eq3A_366 : i32
        %jit3A_368 = arith.constant 1 : i32
        %select_n3A_369 = arith.select %eq3A_367, %jit3A_368, %jit3A_365 : i32
        %rem3A_370 = arith.remsi %select_n3A_364, %select_n3A_369 : i32
        %ne3A_371 = arith.constant 0 : i32
        %ne3A_372 = arith.cmpi ne, %rem3A_370, %ne3A_371 : i32
        %lt3A_373 = arith.constant 0 : i32
        %lt3A_374 = arith.cmpi slt, %rem3A_370, %lt3A_373 : i32
        %lt3A_375 = arith.constant 0 : i32
        %lt3A_376 = arith.cmpi slt, %select_n3A_369, %lt3A_375 : i32
        %ne3A_377 = arith.xori %lt3A_374, %lt3A_376 : i1
        %and3A_378 = arith.andi %ne3A_377, %ne3A_372 : i1
        %add3A_379 = arith.addi %rem3A_370, %select_n3A_369 : i32
        %select_n3A_380 = arith.select %and3A_378, %add3A_379, %rem3A_370 : i32
        %jit3A_381 = arith.constant 8 : i32
        %eq3A_382 = arith.constant 0 : i32
        %eq3A_383 = arith.cmpi eq, %jit3A_381, %eq3A_382 : i32
        %jit3A_384 = arith.constant 1 : i32
        %select_n3A_385 = arith.select %eq3A_383, %jit3A_384, %jit3A_381 : i32
        %rem3A_386 = arith.remsi %add3A_324, %select_n3A_385 : i32
        %ne3A_387 = arith.constant 0 : i32
        %ne3A_388 = arith.cmpi ne, %rem3A_386, %ne3A_387 : i32
        %lt3A_389 = arith.constant 0 : i32
        %lt3A_390 = arith.cmpi slt, %rem3A_386, %lt3A_389 : i32
        %lt3A_391 = arith.constant 0 : i32
        %lt3A_392 = arith.cmpi slt, %select_n3A_385, %lt3A_391 : i32
        %ne3A_393 = arith.xori %lt3A_390, %lt3A_392 : i1
        %and3A_394 = arith.andi %ne3A_393, %ne3A_388 : i1
        %add3A_395 = arith.addi %rem3A_386, %select_n3A_385 : i32
        %select_n3A_396 = arith.select %and3A_394, %add3A_395, %rem3A_386 : i32
        %eq3A_397 = arith.constant 0 : i32
        %eq3A_398 = arith.cmpi eq, %select_n3A_396, %eq3A_397 : i32
        %convert_element_type3A_399 = arith.extui %eq3A_398 : i1 to i32
        %cond3A_400 = arith.constant 0 : i32
        %cond3A_401 = arith.cmpi ne, %convert_element_type3A_399, %cond3A_400 : i32
        scf.if %cond3A_401 {
          %add3A_412 = arith.constant 2 : i32
          %add3A_413 = arith.addi %scan3A_207, %add3A_412 : i32
          %jit3A_414 = arith.constant 8 : i32
          %div3A_415 = arith.divsi %add3A_413, %jit3A_414 : i32
          %sign3A_416 = arith.constant 0 : i32
          %sign3A_417 = arith.cmpi sgt, %add3A_413, %sign3A_416 : i32
          %sign3A_418 = arith.extui %sign3A_417 : i1 to i32
          %sign3A_419 = arith.constant 0 : i32
          %sign3A_420 = arith.cmpi slt, %add3A_413, %sign3A_419 : i32
          %sign3A_421 = arith.extui %sign3A_420 : i1 to i32
          %sign3A_422 = arith.subi %sign3A_418, %sign3A_421 : i32
          %sign3A_423 = arith.constant 0 : i32
          %sign3A_424 = arith.cmpi sgt, %jit3A_414, %sign3A_423 : i32
          %sign3A_425 = arith.extui %sign3A_424 : i1 to i32
          %sign3A_426 = arith.constant 0 : i32
          %sign3A_427 = arith.cmpi slt, %jit3A_414, %sign3A_426 : i32
          %sign3A_428 = arith.extui %sign3A_427 : i1 to i32
          %sign3A_429 = arith.subi %sign3A_425, %sign3A_428 : i32
          %ne3A_430 = arith.cmpi ne, %sign3A_422, %sign3A_429 : i32
          %rem3A_431 = arith.remsi %add3A_413, %jit3A_414 : i32
          %ne3A_432 = arith.constant 0 : i32
          %ne3A_433 = arith.cmpi ne, %rem3A_431, %ne3A_432 : i32
          %and3A_434 = arith.andi %ne3A_430, %ne3A_433 : i1
          %sub3A_435 = arith.constant 1 : i32
          %sub3A_436 = arith.subi %div3A_415, %sub3A_435 : i32
          %select_n3A_437 = arith.select %and3A_434, %sub3A_436, %div3A_415 : i32
          %dma_wait3A_438 = arith.constant 0 : i32
          %dma_wait3A_439 = arith.constant 0 : i32
          %dma_wait3A_440 = tpu.memref_slice %arg7[%select_n3A_380, %dma_wait3A_438, %dma_wait3A_439] : memref<3x8x128xi32, #tpu.memory_space<vmem>> -> memref<1x8x128xi32, #tpu.memory_space<vmem>>
          %dma_wait3A_441 = tpu.memref_squeeze %dma_wait3A_440 : memref<1x8x128xi32, #tpu.memory_space<vmem>> -> memref<8x128xi32, #tpu.memory_space<vmem>>
          %dma_wait3A_442 = arith.constant 0 : i32
          %dma_wait3A_443 = arith.constant 0 : i32
          %dma_wait3A_444 = tpu.memref_slice %arg3[%add3A, %select_n3A_437, %dma_wait3A_442, %dma_wait3A_443] : memref<32x25x8x128xi32, #tpu.memory_space<hbm>> -> memref<1x1x8x128xi32, #tpu.memory_space<hbm>>
          %dma_wait3A_445 = tpu.memref_squeeze %dma_wait3A_444 : memref<1x1x8x128xi32, #tpu.memory_space<hbm>> -> memref<8x128xi32, #tpu.memory_space<hbm>>
          %dma_wait3A_446 = arith.constant 0 : i32
          %dma_wait3A_447 = arith.constant 0 : i32
          %dma_wait3A_448 = tpu.memref_slice %arg7[%select_n3A_380, %dma_wait3A_446, %dma_wait3A_447] : memref<3x8x128xi32, #tpu.memory_space<vmem>> -> memref<1x8x128xi32, #tpu.memory_space<vmem>>
          %dma_wait3A_449 = tpu.memref_squeeze %dma_wait3A_448 : memref<1x8x128xi32, #tpu.memory_space<vmem>> -> memref<8x128xi32, #tpu.memory_space<vmem>>
          %dma_wait3A_450 = arith.constant 0 : i32
          %dma_wait3A_451 = arith.constant 0 : i32
          %dma_wait3A_452 = tpu.memref_slice %arg3[%add3A, %select_n3A_437, %dma_wait3A_450, %dma_wait3A_451] : memref<32x25x8x128xi32, #tpu.memory_space<hbm>> -> memref<1x1x8x128xi32, #tpu.memory_space<hbm>>
          %dma_wait3A_453 = tpu.memref_squeeze %dma_wait3A_452 : memref<1x1x8x128xi32, #tpu.memory_space<hbm>> -> memref<8x128xi32, #tpu.memory_space<hbm>>
          tpu.wait_dma2 semaphore(%arg11 : memref<!tpu.dma_semaphore, #tpu.memory_space<semaphore_mem>>) src(%dma_wait3A_453 : memref<8x128xi32, #tpu.memory_space<hbm>>) dst(%dma_wait3A_449 : memref<8x128xi32, #tpu.memory_space<vmem>>)
          %dma_wait3A_454 = arith.constant 0 : i32
          %dma_wait3A_455 = arith.constant 0 : i32
          %dma_wait3A_456 = tpu.memref_slice %arg8[%select_n3A_380, %dma_wait3A_454, %dma_wait3A_455] : memref<3x8x128xi32, #tpu.memory_space<vmem>> -> memref<1x8x128xi32, #tpu.memory_space<vmem>>
          %dma_wait3A_457 = tpu.memref_squeeze %dma_wait3A_456 : memref<1x8x128xi32, #tpu.memory_space<vmem>> -> memref<8x128xi32, #tpu.memory_space<vmem>>
          %dma_wait3A_458 = arith.constant 0 : i32
          %dma_wait3A_459 = arith.constant 0 : i32
          %dma_wait3A_460 = tpu.memref_slice %arg4[%add3A, %select_n3A_437, %dma_wait3A_458, %dma_wait3A_459] : memref<32x25x8x128xi32, #tpu.memory_space<hbm>> -> memref<1x1x8x128xi32, #tpu.memory_space<hbm>>
          %dma_wait3A_461 = tpu.memref_squeeze %dma_wait3A_460 : memref<1x1x8x128xi32, #tpu.memory_space<hbm>> -> memref<8x128xi32, #tpu.memory_space<hbm>>
          %dma_wait3A_462 = arith.constant 0 : i32
          %dma_wait3A_463 = arith.constant 0 : i32
          %dma_wait3A_464 = tpu.memref_slice %arg8[%select_n3A_380, %dma_wait3A_462, %dma_wait3A_463] : memref<3x8x128xi32, #tpu.memory_space<vmem>> -> memref<1x8x128xi32, #tpu.memory_space<vmem>>
          %dma_wait3A_465 = tpu.memref_squeeze %dma_wait3A_464 : memref<1x8x128xi32, #tpu.memory_space<vmem>> -> memref<8x128xi32, #tpu.memory_space<vmem>>
          %dma_wait3A_466 = arith.constant 0 : i32
          %dma_wait3A_467 = arith.constant 0 : i32
          %dma_wait3A_468 = tpu.memref_slice %arg4[%add3A, %select_n3A_437, %dma_wait3A_466, %dma_wait3A_467] : memref<32x25x8x128xi32, #tpu.memory_space<hbm>> -> memref<1x1x8x128xi32, #tpu.memory_space<hbm>>
          %dma_wait3A_469 = tpu.memref_squeeze %dma_wait3A_468 : memref<1x1x8x128xi32, #tpu.memory_space<hbm>> -> memref<8x128xi32, #tpu.memory_space<hbm>>
          tpu.wait_dma2 semaphore(%arg11 : memref<!tpu.dma_semaphore, #tpu.memory_space<semaphore_mem>>) src(%dma_wait3A_469 : memref<8x128xi32, #tpu.memory_space<hbm>>) dst(%dma_wait3A_465 : memref<8x128xi32, #tpu.memory_space<vmem>>)
        } else {
        }
        %dma_start3A_402 = arith.constant 0 : i32
        %dma_start3A_403 = arith.constant 0 : i32
        %dma_start3A_404 = tpu.memref_slice %arg9[%select_n3A_340, %dma_start3A_402, %dma_start3A_403] : memref<4x128x32xf32, #tpu.memory_space<vmem>> -> memref<1x128x32xf32, #tpu.memory_space<vmem>>
        %dma_start3A_405 = tpu.memref_squeeze %dma_start3A_404 : memref<1x128x32xf32, #tpu.memory_space<vmem>> -> memref<128x32xf32, #tpu.memory_space<vmem>>
        %dma_start3A_406 = arith.constant 0 : i32
        %dma_start3A_407 = tpu.memref_slice %arg7[%select_n3A_380, %select_n3A_396, %dma_start3A_406] : memref<3x8x128xi32, #tpu.memory_space<vmem>> -> memref<1x1x128xi32, #tpu.memory_space<vmem>>
        %dma_start3A_408 = tpu.memref_squeeze %dma_start3A_407 : memref<1x1x128xi32, #tpu.memory_space<vmem>> -> memref<128xi32, #tpu.memory_space<vmem>>
        %dma_start3A_409 = arith.constant 0 : i32
        %dma_start3A_410 = arith.constant 0 : i32
        %dma_start3A_411 = tpu.memref_slice %arg2[%dma_start3A_409, %dma_start3A_410] : memref<50000x32xf32, #tpu.memory_space<hbm>> -> memref<50000x32xf32, #tpu.memory_space<hbm>>
        tpu.enqueue_indirect_dma source(%dma_start3A_411 : memref<50000x32xf32, #tpu.memory_space<hbm>>) target(%dma_start3A_405 : memref<128x32xf32, #tpu.memory_space<vmem>>) offsets(%dma_start3A_408 : memref<128xi32, #tpu.memory_space<vmem>>) semaphore(%arg12 : memref<!tpu.dma_semaphore, #tpu.memory_space<semaphore_mem>>)
      } else {
      }
      %jit3A_296 = arith.constant 8 : i32
      %eq3A_297 = arith.constant 0 : i32
      %eq3A_298 = arith.cmpi eq, %jit3A_296, %eq3A_297 : i32
      %jit3A_299 = arith.constant 1 : i32
      %select_n3A_300 = arith.select %eq3A_298, %jit3A_299, %jit3A_296 : i32
      %rem3A_301 = arith.remsi %scan3A_207, %select_n3A_300 : i32
      %ne3A_302 = arith.constant 0 : i32
      %ne3A_303 = arith.cmpi ne, %rem3A_301, %ne3A_302 : i32
      %lt3A_304 = arith.constant 0 : i32
      %lt3A_305 = arith.cmpi slt, %rem3A_301, %lt3A_304 : i32
      %lt3A_306 = arith.constant 0 : i32
      %lt3A_307 = arith.cmpi slt, %select_n3A_300, %lt3A_306 : i32
      %ne3A_308 = arith.xori %lt3A_305, %lt3A_307 : i1
      %and3A_309 = arith.andi %ne3A_308, %ne3A_303 : i1
      %add3A_310 = arith.addi %rem3A_301, %select_n3A_300 : i32
      %select_n3A_311 = arith.select %and3A_309, %add3A_310, %rem3A_301 : i32
      %eq3A_312 = arith.constant 2 : i32
      %eq3A_313 = arith.cmpi eq, %select_n3A_311, %eq3A_312 : i32
      %ge3A_314 = arith.constant 10 : i32
      %ge3A_315 = arith.cmpi sge, %scan3A_207, %ge3A_314 : i32
      %and3A_316 = arith.andi %eq3A_313, %ge3A_315 : i1
      %le3A_317 = arith.constant 178 : i32
      %le3A_318 = arith.cmpi sle, %scan3A_207, %le3A_317 : i32
      %and3A_319 = arith.andi %and3A_316, %le3A_318 : i1
      %convert_element_type3A_320 = arith.extui %and3A_319 : i1 to i32
      %cond3A_321 = arith.constant 0 : i32
      %cond3A_322 = arith.cmpi ne, %convert_element_type3A_320, %cond3A_321 : i32
      scf.if %cond3A_322 {
        %jit3A_323 = arith.constant 8 : i32
        %div3A_324 = arith.divsi %scan3A_207, %jit3A_323 : i32
        %sign3A_325 = arith.constant 0 : i32
        %sign3A_326 = arith.cmpi sgt, %scan3A_207, %sign3A_325 : i32
        %sign3A_327 = arith.extui %sign3A_326 : i1 to i32
        %sign3A_328 = arith.constant 0 : i32
        %sign3A_329 = arith.cmpi slt, %scan3A_207, %sign3A_328 : i32
        %sign3A_330 = arith.extui %sign3A_329 : i1 to i32
        %sign3A_331 = arith.subi %sign3A_327, %sign3A_330 : i32
        %sign3A_332 = arith.constant 0 : i32
        %sign3A_333 = arith.cmpi sgt, %jit3A_323, %sign3A_332 : i32
        %sign3A_334 = arith.extui %sign3A_333 : i1 to i32
        %sign3A_335 = arith.constant 0 : i32
        %sign3A_336 = arith.cmpi slt, %jit3A_323, %sign3A_335 : i32
        %sign3A_337 = arith.extui %sign3A_336 : i1 to i32
        %sign3A_338 = arith.subi %sign3A_334, %sign3A_337 : i32
        %ne3A_339 = arith.cmpi ne, %sign3A_331, %sign3A_338 : i32
        %rem3A_340 = arith.remsi %scan3A_207, %jit3A_323 : i32
        %ne3A_341 = arith.constant 0 : i32
        %ne3A_342 = arith.cmpi ne, %rem3A_340, %ne3A_341 : i32
        %and3A_343 = arith.andi %ne3A_339, %ne3A_342 : i1
        %sub3A_344 = arith.constant 1 : i32
        %sub3A_345 = arith.subi %div3A_324, %sub3A_344 : i32
        %select_n3A_346 = arith.select %and3A_343, %sub3A_345, %div3A_324 : i32
        %add3A_347 = arith.constant 2 : i32
        %add3A_348 = arith.addi %select_n3A_346, %add3A_347 : i32
        %jit3A_349 = arith.constant 3 : i32
        %eq3A_350 = arith.constant 0 : i32
        %eq3A_351 = arith.cmpi eq, %jit3A_349, %eq3A_350 : i32
        %jit3A_352 = arith.constant 1 : i32
        %select_n3A_353 = arith.select %eq3A_351, %jit3A_352, %jit3A_349 : i32
        %rem3A_354 = arith.remsi %add3A_348, %select_n3A_353 : i32
        %ne3A_355 = arith.constant 0 : i32
        %ne3A_356 = arith.cmpi ne, %rem3A_354, %ne3A_355 : i32
        %lt3A_357 = arith.constant 0 : i32
        %lt3A_358 = arith.cmpi slt, %rem3A_354, %lt3A_357 : i32
        %lt3A_359 = arith.constant 0 : i32
        %lt3A_360 = arith.cmpi slt, %select_n3A_353, %lt3A_359 : i32
        %ne3A_361 = arith.xori %lt3A_358, %lt3A_360 : i1
        %and3A_362 = arith.andi %ne3A_361, %ne3A_356 : i1
        %add3A_363 = arith.addi %rem3A_354, %select_n3A_353 : i32
        %select_n3A_364 = arith.select %and3A_362, %add3A_363, %rem3A_354 : i32
        %dma_start3A_365 = arith.constant 0 : i32
        %dma_start3A_366 = arith.constant 0 : i32
        %dma_start3A_367 = tpu.memref_slice %arg7[%select_n3A_364, %dma_start3A_365, %dma_start3A_366] : memref<3x8x128xi32, #tpu.memory_space<vmem>> -> memref<1x8x128xi32, #tpu.memory_space<vmem>>
        %dma_start3A_368 = tpu.memref_squeeze %dma_start3A_367 : memref<1x8x128xi32, #tpu.memory_space<vmem>> -> memref<8x128xi32, #tpu.memory_space<vmem>>
        %dma_start3A_369 = arith.constant 0 : i32
        %dma_start3A_370 = arith.constant 0 : i32
        %dma_start3A_371 = tpu.memref_slice %arg3[%add3A, %add3A_348, %dma_start3A_369, %dma_start3A_370] : memref<32x25x8x128xi32, #tpu.memory_space<hbm>> -> memref<1x1x8x128xi32, #tpu.memory_space<hbm>>
        %dma_start3A_372 = tpu.memref_squeeze %dma_start3A_371 : memref<1x1x8x128xi32, #tpu.memory_space<hbm>> -> memref<8x128xi32, #tpu.memory_space<hbm>>
        %dma_start3A_373 = arith.constant 0 : i32
        %dma_start3A_374 = arith.constant 0 : i32
        %dma_start3A_375 = tpu.memref_slice %arg7[%select_n3A_364, %dma_start3A_373, %dma_start3A_374] : memref<3x8x128xi32, #tpu.memory_space<vmem>> -> memref<1x8x128xi32, #tpu.memory_space<vmem>>
        %dma_start3A_376 = tpu.memref_squeeze %dma_start3A_375 : memref<1x8x128xi32, #tpu.memory_space<vmem>> -> memref<8x128xi32, #tpu.memory_space<vmem>>
        %dma_start3A_377 = arith.constant 0 : i32
        %dma_start3A_378 = arith.constant 0 : i32
        %dma_start3A_379 = tpu.memref_slice %arg3[%add3A, %add3A_348, %dma_start3A_377, %dma_start3A_378] : memref<32x25x8x128xi32, #tpu.memory_space<hbm>> -> memref<1x1x8x128xi32, #tpu.memory_space<hbm>>
        %dma_start3A_380 = tpu.memref_squeeze %dma_start3A_379 : memref<1x1x8x128xi32, #tpu.memory_space<hbm>> -> memref<8x128xi32, #tpu.memory_space<hbm>>
        tpu.enqueue_dma source(%dma_start3A_380 : memref<8x128xi32, #tpu.memory_space<hbm>>) target(%dma_start3A_376 : memref<8x128xi32, #tpu.memory_space<vmem>>) target_semaphore(%arg11 : memref<!tpu.dma_semaphore, #tpu.memory_space<semaphore_mem>>)
        %dma_start3A_381 = arith.constant 0 : i32
        %dma_start3A_382 = arith.constant 0 : i32
        %dma_start3A_383 = tpu.memref_slice %arg8[%select_n3A_364, %dma_start3A_381, %dma_start3A_382] : memref<3x8x128xi32, #tpu.memory_space<vmem>> -> memref<1x8x128xi32, #tpu.memory_space<vmem>>
        %dma_start3A_384 = tpu.memref_squeeze %dma_start3A_383 : memref<1x8x128xi32, #tpu.memory_space<vmem>> -> memref<8x128xi32, #tpu.memory_space<vmem>>
        %dma_start3A_385 = arith.constant 0 : i32
        %dma_start3A_386 = arith.constant 0 : i32
        %dma_start3A_387 = tpu.memref_slice %arg4[%add3A, %add3A_348, %dma_start3A_385, %dma_start3A_386] : memref<32x25x8x128xi32, #tpu.memory_space<hbm>> -> memref<1x1x8x128xi32, #tpu.memory_space<hbm>>
        %dma_start3A_388 = tpu.memref_squeeze %dma_start3A_387 : memref<1x1x8x128xi32, #tpu.memory_space<hbm>> -> memref<8x128xi32, #tpu.memory_space<hbm>>
        %dma_start3A_389 = arith.constant 0 : i32
        %dma_start3A_390 = arith.constant 0 : i32
        %dma_start3A_391 = tpu.memref_slice %arg8[%select_n3A_364, %dma_start3A_389, %dma_start3A_390] : memref<3x8x128xi32, #tpu.memory_space<vmem>> -> memref<1x8x128xi32, #tpu.memory_space<vmem>>
        %dma_start3A_392 = tpu.memref_squeeze %dma_start3A_391 : memref<1x8x128xi32, #tpu.memory_space<vmem>> -> memref<8x128xi32, #tpu.memory_space<vmem>>
        %dma_start3A_393 = arith.constant 0 : i32
        %dma_start3A_394 = arith.constant 0 : i32
        %dma_start3A_395 = tpu.memref_slice %arg4[%add3A, %add3A_348, %dma_start3A_393, %dma_start3A_394] : memref<32x25x8x128xi32, #tpu.memory_space<hbm>> -> memref<1x1x8x128xi32, #tpu.memory_space<hbm>>
        %dma_start3A_396 = tpu.memref_squeeze %dma_start3A_395 : memref<1x1x8x128xi32, #tpu.memory_space<hbm>> -> memref<8x128xi32, #tpu.memory_space<hbm>>
        tpu.enqueue_dma source(%dma_start3A_396 : memref<8x128xi32, #tpu.memory_space<hbm>>) target(%dma_start3A_392 : memref<8x128xi32, #tpu.memory_space<vmem>>) target_semaphore(%arg11 : memref<!tpu.dma_semaphore, #tpu.memory_space<semaphore_mem>>)
      } else {
      }
    }
    %scan3A_175 = arith.constant 200 : i32
    %dma_wait3A_176 = arith.constant 2 : i32
    %dma_wait3A_177 = arith.constant 0 : i32
    %dma_wait3A_178 = arith.constant 6 : i32
    %dma_wait3A_179 = arith.constant 0 : i32
    %dma_wait3A_180 = arith.constant 0 : i32
    %dma_wait3A_181 = tpu.memref_slice %arg9[%dma_wait3A_176, %dma_wait3A_179, %dma_wait3A_180] : memref<4x128x32xf32, #tpu.memory_space<vmem>> -> memref<1x128x32xf32, #tpu.memory_space<vmem>>
    %dma_wait3A_182 = tpu.memref_squeeze %dma_wait3A_181 : memref<1x128x32xf32, #tpu.memory_space<vmem>> -> memref<128x32xf32, #tpu.memory_space<vmem>>
    %dma_wait3A_183 = arith.constant 0 : i32
    %dma_wait3A_184 = tpu.memref_slice %arg8[%dma_wait3A_177, %dma_wait3A_178, %dma_wait3A_183] : memref<3x8x128xi32, #tpu.memory_space<vmem>> -> memref<1x1x128xi32, #tpu.memory_space<vmem>>
    %dma_wait3A_185 = tpu.memref_squeeze %dma_wait3A_184 : memref<1x1x128xi32, #tpu.memory_space<vmem>> -> memref<128xi32, #tpu.memory_space<vmem>>
    %dma_wait3A_186 = arith.constant 0 : i32
    %dma_wait3A_187 = arith.constant 0 : i32
    %dma_wait3A_188 = tpu.memref_slice %arg10[%dma_wait3A_186, %dma_wait3A_187] : memref<50048x32xf32, #tpu.memory_space<vmem_shared>> -> memref<50048x32xf32, #tpu.memory_space<vmem_shared>>
    tpu.wait_indirect_dma semaphore(%arg13 : memref<!tpu.dma_semaphore, #tpu.memory_space<semaphore_mem>>) src(%dma_wait3A_182 : memref<128x32xf32, #tpu.memory_space<vmem>>) dst(%dma_wait3A_188 : memref<50048x32xf32, #tpu.memory_space<vmem_shared>>)
    %dma_wait3A_189 = arith.constant 3 : i32
    %dma_wait3A_190 = arith.constant 0 : i32
    %dma_wait3A_191 = arith.constant 7 : i32
    %dma_wait3A_192 = arith.constant 0 : i32
    %dma_wait3A_193 = arith.constant 0 : i32
    %dma_wait3A_194 = tpu.memref_slice %arg9[%dma_wait3A_189, %dma_wait3A_192, %dma_wait3A_193] : memref<4x128x32xf32, #tpu.memory_space<vmem>> -> memref<1x128x32xf32, #tpu.memory_space<vmem>>
    %dma_wait3A_195 = tpu.memref_squeeze %dma_wait3A_194 : memref<1x128x32xf32, #tpu.memory_space<vmem>> -> memref<128x32xf32, #tpu.memory_space<vmem>>
    %dma_wait3A_196 = arith.constant 0 : i32
    %dma_wait3A_197 = tpu.memref_slice %arg8[%dma_wait3A_190, %dma_wait3A_191, %dma_wait3A_196] : memref<3x8x128xi32, #tpu.memory_space<vmem>> -> memref<1x1x128xi32, #tpu.memory_space<vmem>>
    %dma_wait3A_198 = tpu.memref_squeeze %dma_wait3A_197 : memref<1x1x128xi32, #tpu.memory_space<vmem>> -> memref<128xi32, #tpu.memory_space<vmem>>
    %dma_wait3A_199 = arith.constant 0 : i32
    %dma_wait3A_200 = arith.constant 0 : i32
    %dma_wait3A_201 = tpu.memref_slice %arg10[%dma_wait3A_199, %dma_wait3A_200] : memref<50048x32xf32, #tpu.memory_space<vmem_shared>> -> memref<50048x32xf32, #tpu.memory_space<vmem_shared>>
    tpu.wait_indirect_dma semaphore(%arg13 : memref<!tpu.dma_semaphore, #tpu.memory_space<semaphore_mem>>) src(%dma_wait3A_195 : memref<128x32xf32, #tpu.memory_space<vmem>>) dst(%dma_wait3A_201 : memref<50048x32xf32, #tpu.memory_space<vmem_shared>>)
    %barrier3A_202 = arith.constant 0 : index
    tpu.barrier barrier_id(%barrier3A_202)
    %mul3A_203 = arith.constant 3128 : i32
    %mul3A_204 = arith.muli %arg1, %mul3A_203 : i32
    %mul3A_205 = arith.constant 3128 : i32
    %mul3A_206 = arith.muli %arg1, %mul3A_205 : i32
    "tpu.region"() ({
      %run_scoped3A = tpu.sem_alloc : memref<!tpu.dma_semaphore, #tpu.memory_space<semaphore_mem>>
      %dma_start3A_207 = arith.constant 0 : i32
      %dma_start3A_208 = tpu.memref_slice %arg6[%arg0, %mul3A_206, %dma_start3A_207] : memref<2x50048x32xf32, #tpu.memory_space<hbm>> -> memref<1x3128x32xf32, #tpu.memory_space<hbm>>
      %dma_start3A_209 = tpu.memref_squeeze %dma_start3A_208 : memref<1x3128x32xf32, #tpu.memory_space<hbm>> -> memref<3128x32xf32, #tpu.memory_space<hbm>>
      %dma_start3A_210 = arith.constant 0 : i32
      %dma_start3A_211 = tpu.memref_slice %arg10[%mul3A_204, %dma_start3A_210] : memref<50048x32xf32, #tpu.memory_space<vmem_shared>> -> memref<3128x32xf32, #tpu.memory_space<vmem_shared>>
      tpu.enqueue_dma source(%dma_start3A_211 : memref<3128x32xf32, #tpu.memory_space<vmem_shared>>) target(%dma_start3A_209 : memref<3128x32xf32, #tpu.memory_space<hbm>>) target_semaphore(%run_scoped3A : memref<!tpu.dma_semaphore, #tpu.memory_space<semaphore_mem>>)
      %dma_wait3A_212 = arith.constant 0 : i32
      %dma_wait3A_213 = tpu.memref_slice %arg6[%arg0, %mul3A_206, %dma_wait3A_212] : memref<2x50048x32xf32, #tpu.memory_space<hbm>> -> memref<1x3128x32xf32, #tpu.memory_space<hbm>>
      %dma_wait3A_214 = tpu.memref_squeeze %dma_wait3A_213 : memref<1x3128x32xf32, #tpu.memory_space<hbm>> -> memref<3128x32xf32, #tpu.memory_space<hbm>>
      %dma_wait3A_215 = arith.constant 0 : i32
      %dma_wait3A_216 = tpu.memref_slice %arg10[%mul3A_204, %dma_wait3A_215] : memref<50048x32xf32, #tpu.memory_space<vmem_shared>> -> memref<3128x32xf32, #tpu.memory_space<vmem_shared>>
      tpu.wait_dma2 semaphore(%run_scoped3A : memref<!tpu.dma_semaphore, #tpu.memory_space<semaphore_mem>>) src(%dma_wait3A_216 : memref<3128x32xf32, #tpu.memory_space<vmem_shared>>) dst(%dma_wait3A_214 : memref<3128x32xf32, #tpu.memory_space<hbm>>)
      tpu.yield
    }) : () -> ()
    return
  }
}

#map = affine_map<(d0, d1) -> (0, 0)>
#map1 = affine_map<(d0, d1) -> (0, 0, 0, 0)>
#map2 = affine_map<(d0, d1) -> (0, 0, 0)>
module attributes {stable_mosaic.version = 14 : i64} {
  func.func @body(%arg0: i32, %arg1: i32, %arg2: memref<50000x32xf32, #tpu.memory_space<hbm>>, %arg3: memref<32x25x8x128xi32, #tpu.memory_space<hbm>>, %arg4: memref<32x25x8x128xi32, #tpu.memory_space<hbm>>, %arg5: memref<3128x32xf32, #tpu.memory_space<hbm>>, %arg6: memref<2x50048x32xf32, #tpu.memory_space<hbm>>, %arg7: memref<3x8x128xi32, #tpu.memory_space<vmem>>, %arg8: memref<3x8x128xi32, #tpu.memory_space<vmem>>, %arg9: memref<4x128x32xf32, #tpu.memory_space<vmem>>, %arg10: memref<50048x32xf32, #tpu.memory_space<vmem_shared>>, %arg11: memref<!tpu.dma_semaphore, #tpu.memory_space<semaphore_mem>>, %arg12: memref<!tpu.dma_semaphore, #tpu.memory_space<semaphore_mem>>, %arg13: memref<!tpu.dma_semaphore, #tpu.memory_space<semaphore_mem>>) attributes {dimension_semantics = [#tpu.dimension_semantics<core_parallel>, #tpu.dimension_semantics<subcore_parallel>], iteration_bounds = array<i64: 2, 16>, scalar_prefetch = 0 : i64, scratch_operands = 7 : i64, tpu.core_type = #tpu.core_type<sc_vector_subcore>, window_params = [{transform_indices = #map}, {transform_indices = #map1}, {transform_indices = #map1}, {transform_indices = #map}, {transform_indices = #map2}]} {
    %mul3A = arith.constant 16 : i32
    %mul3A_0 = arith.muli %arg0, %mul3A : i32
    %add3A = arith.addi %mul3A_0, %arg1 : i32
    %mul3A_1 = arith.constant 3128 : i32
    %mul3A_2 = arith.muli %arg1, %mul3A_1 : i32
    "tpu.region"() ({
      %run_scoped3A = tpu.sem_alloc : memref<!tpu.dma_semaphore, #tpu.memory_space<semaphore_mem>>
      %dma_start3A_207 = arith.constant 0 : i32
      %dma_start3A_208 = tpu.memref_slice %arg10[%mul3A_2, %dma_start3A_207] : memref<50048x32xf32, #tpu.memory_space<vmem_shared>> -> memref<3128x32xf32, #tpu.memory_space<vmem_shared>>
      tpu.enqueue_dma source(%arg5 : memref<3128x32xf32, #tpu.memory_space<hbm>>) target(%dma_start3A_208 : memref<3128x32xf32, #tpu.memory_space<vmem_shared>>) target_semaphore(%run_scoped3A : memref<!tpu.dma_semaphore, #tpu.memory_space<semaphore_mem>>)
      %dma_wait3A_209 = arith.constant 0 : i32
      %dma_wait3A_210 = tpu.memref_slice %arg10[%mul3A_2, %dma_wait3A_209] : memref<50048x32xf32, #tpu.memory_space<vmem_shared>> -> memref<3128x32xf32, #tpu.memory_space<vmem_shared>>
      tpu.wait_dma2 semaphore(%run_scoped3A : memref<!tpu.dma_semaphore, #tpu.memory_space<semaphore_mem>>) src(%arg5 : memref<3128x32xf32, #tpu.memory_space<hbm>>) dst(%dma_wait3A_210 : memref<3128x32xf32, #tpu.memory_space<vmem_shared>>)
      tpu.yield
    }) : () -> ()
    %dma_start3A = arith.constant 0 : i32
    %dma_start3A_3 = arith.constant 0 : i32
    %dma_start3A_4 = arith.constant 0 : i32
    %dma_start3A_5 = arith.constant 0 : i32
    %dma_start3A_6 = tpu.memref_slice %arg7[%dma_start3A_3, %dma_start3A_4, %dma_start3A_5] : memref<3x8x128xi32, #tpu.memory_space<vmem>> -> memref<1x8x128xi32, #tpu.memory_space<vmem>>
    %dma_start3A_7 = tpu.memref_squeeze %dma_start3A_6 : memref<1x8x128xi32, #tpu.memory_space<vmem>> -> memref<8x128xi32, #tpu.memory_space<vmem>>
    %dma_start3A_8 = arith.constant 0 : i32
    %dma_start3A_9 = arith.constant 0 : i32
    %dma_start3A_10 = tpu.memref_slice %arg3[%add3A, %dma_start3A, %dma_start3A_8, %dma_start3A_9] : memref<32x25x8x128xi32, #tpu.memory_space<hbm>> -> memref<1x1x8x128xi32, #tpu.memory_space<hbm>>
    %dma_start3A_11 = tpu.memref_squeeze %dma_start3A_10 : memref<1x1x8x128xi32, #tpu.memory_space<hbm>> -> memref<8x128xi32, #tpu.memory_space<hbm>>
    %dma_start3A_12 = arith.constant 0 : i32
    %dma_start3A_13 = arith.constant 0 : i32
    %dma_start3A_14 = tpu.memref_slice %arg7[%dma_start3A_3, %dma_start3A_12, %dma_start3A_13] : memref<3x8x128xi32, #tpu.memory_space<vmem>> -> memref<1x8x128xi32, #tpu.memory_space<vmem>>
    %dma_start3A_15 = tpu.memref_squeeze %dma_start3A_14 : memref<1x8x128xi32, #tpu.memory_space<vmem>> -> memref<8x128xi32, #tpu.memory_space<vmem>>
    %dma_start3A_16 = arith.constant 0 : i32
    %dma_start3A_17 = arith.constant 0 : i32
    %dma_start3A_18 = tpu.memref_slice %arg3[%add3A, %dma_start3A, %dma_start3A_16, %dma_start3A_17] : memref<32x25x8x128xi32, #tpu.memory_space<hbm>> -> memref<1x1x8x128xi32, #tpu.memory_space<hbm>>
    %dma_start3A_19 = tpu.memref_squeeze %dma_start3A_18 : memref<1x1x8x128xi32, #tpu.memory_space<hbm>> -> memref<8x128xi32, #tpu.memory_space<hbm>>
    tpu.enqueue_dma source(%dma_start3A_19 : memref<8x128xi32, #tpu.memory_space<hbm>>) target(%dma_start3A_15 : memref<8x128xi32, #tpu.memory_space<vmem>>) target_semaphore(%arg11 : memref<!tpu.dma_semaphore, #tpu.memory_space<semaphore_mem>>)
    %dma_wait3A = arith.constant 0 : i32
    %dma_wait3A_20 = arith.constant 0 : i32
    %dma_wait3A_21 = arith.constant 0 : i32
    %dma_wait3A_22 = arith.constant 0 : i32
    %dma_wait3A_23 = tpu.memref_slice %arg7[%dma_wait3A_20, %dma_wait3A_21, %dma_wait3A_22] : memref<3x8x128xi32, #tpu.memory_space<vmem>> -> memref<1x8x128xi32, #tpu.memory_space<vmem>>
    %dma_wait3A_24 = tpu.memref_squeeze %dma_wait3A_23 : memref<1x8x128xi32, #tpu.memory_space<vmem>> -> memref<8x128xi32, #tpu.memory_space<vmem>>
    %dma_wait3A_25 = arith.constant 0 : i32
    %dma_wait3A_26 = arith.constant 0 : i32
    %dma_wait3A_27 = tpu.memref_slice %arg3[%add3A, %dma_wait3A, %dma_wait3A_25, %dma_wait3A_26] : memref<32x25x8x128xi32, #tpu.memory_space<hbm>> -> memref<1x1x8x128xi32, #tpu.memory_space<hbm>>
    %dma_wait3A_28 = tpu.memref_squeeze %dma_wait3A_27 : memref<1x1x8x128xi32, #tpu.memory_space<hbm>> -> memref<8x128xi32, #tpu.memory_space<hbm>>
    %dma_wait3A_29 = arith.constant 0 : i32
    %dma_wait3A_30 = arith.constant 0 : i32
    %dma_wait3A_31 = tpu.memref_slice %arg7[%dma_wait3A_20, %dma_wait3A_29, %dma_wait3A_30] : memref<3x8x128xi32, #tpu.memory_space<vmem>> -> memref<1x8x128xi32, #tpu.memory_space<vmem>>
    %dma_wait3A_32 = tpu.memref_squeeze %dma_wait3A_31 : memref<1x8x128xi32, #tpu.memory_space<vmem>> -> memref<8x128xi32, #tpu.memory_space<vmem>>
    %dma_wait3A_33 = arith.constant 0 : i32
    %dma_wait3A_34 = arith.constant 0 : i32
    %dma_wait3A_35 = tpu.memref_slice %arg3[%add3A, %dma_wait3A, %dma_wait3A_33, %dma_wait3A_34] : memref<32x25x8x128xi32, #tpu.memory_space<hbm>> -> memref<1x1x8x128xi32, #tpu.memory_space<hbm>>
    %dma_wait3A_36 = tpu.memref_squeeze %dma_wait3A_35 : memref<1x1x8x128xi32, #tpu.memory_space<hbm>> -> memref<8x128xi32, #tpu.memory_space<hbm>>
    tpu.wait_dma2 semaphore(%arg11 : memref<!tpu.dma_semaphore, #tpu.memory_space<semaphore_mem>>) src(%dma_wait3A_36 : memref<8x128xi32, #tpu.memory_space<hbm>>) dst(%dma_wait3A_32 : memref<8x128xi32, #tpu.memory_space<vmem>>)
    %dma_start3A_37 = arith.constant 0 : i32
    %dma_start3A_38 = arith.constant 0 : i32
    %dma_start3A_39 = arith.constant 0 : i32
    %dma_start3A_40 = arith.constant 0 : i32
    %dma_start3A_41 = tpu.memref_slice %arg8[%dma_start3A_38, %dma_start3A_39, %dma_start3A_40] : memref<3x8x128xi32, #tpu.memory_space<vmem>> -> memref<1x8x128xi32, #tpu.memory_space<vmem>>
    %dma_start3A_42 = tpu.memref_squeeze %dma_start3A_41 : memref<1x8x128xi32, #tpu.memory_space<vmem>> -> memref<8x128xi32, #tpu.memory_space<vmem>>
    %dma_start3A_43 = arith.constant 0 : i32
    %dma_start3A_44 = arith.constant 0 : i32
    %dma_start3A_45 = tpu.memref_slice %arg4[%add3A, %dma_start3A_37, %dma_start3A_43, %dma_start3A_44] : memref<32x25x8x128xi32, #tpu.memory_space<hbm>> -> memref<1x1x8x128xi32, #tpu.memory_space<hbm>>
    %dma_start3A_46 = tpu.memref_squeeze %dma_start3A_45 : memref<1x1x8x128xi32, #tpu.memory_space<hbm>> -> memref<8x128xi32, #tpu.memory_space<hbm>>
    %dma_start3A_47 = arith.constant 0 : i32
    %dma_start3A_48 = arith.constant 0 : i32
    %dma_start3A_49 = tpu.memref_slice %arg8[%dma_start3A_38, %dma_start3A_47, %dma_start3A_48] : memref<3x8x128xi32, #tpu.memory_space<vmem>> -> memref<1x8x128xi32, #tpu.memory_space<vmem>>
    %dma_start3A_50 = tpu.memref_squeeze %dma_start3A_49 : memref<1x8x128xi32, #tpu.memory_space<vmem>> -> memref<8x128xi32, #tpu.memory_space<vmem>>
    %dma_start3A_51 = arith.constant 0 : i32
    %dma_start3A_52 = arith.constant 0 : i32
    %dma_start3A_53 = tpu.memref_slice %arg4[%add3A, %dma_start3A_37, %dma_start3A_51, %dma_start3A_52] : memref<32x25x8x128xi32, #tpu.memory_space<hbm>> -> memref<1x1x8x128xi32, #tpu.memory_space<hbm>>
    %dma_start3A_54 = tpu.memref_squeeze %dma_start3A_53 : memref<1x1x8x128xi32, #tpu.memory_space<hbm>> -> memref<8x128xi32, #tpu.memory_space<hbm>>
    tpu.enqueue_dma source(%dma_start3A_54 : memref<8x128xi32, #tpu.memory_space<hbm>>) target(%dma_start3A_50 : memref<8x128xi32, #tpu.memory_space<vmem>>) target_semaphore(%arg11 : memref<!tpu.dma_semaphore, #tpu.memory_space<semaphore_mem>>)
    %dma_wait3A_55 = arith.constant 0 : i32
    %dma_wait3A_56 = arith.constant 0 : i32
    %dma_wait3A_57 = arith.constant 0 : i32
    %dma_wait3A_58 = arith.constant 0 : i32
    %dma_wait3A_59 = tpu.memref_slice %arg8[%dma_wait3A_56, %dma_wait3A_57, %dma_wait3A_58] : memref<3x8x128xi32, #tpu.memory_space<vmem>> -> memref<1x8x128xi32, #tpu.memory_space<vmem>>
    %dma_wait3A_60 = tpu.memref_squeeze %dma_wait3A_59 : memref<1x8x128xi32, #tpu.memory_space<vmem>> -> memref<8x128xi32, #tpu.memory_space<vmem>>
    %dma_wait3A_61 = arith.constant 0 : i32
    %dma_wait3A_62 = arith.constant 0 : i32
    %dma_wait3A_63 = tpu.memref_slice %arg4[%add3A, %dma_wait3A_55, %dma_wait3A_61, %dma_wait3A_62] : memref<32x25x8x128xi32, #tpu.memory_space<hbm>> -> memref<1x1x8x128xi32, #tpu.memory_space<hbm>>
    %dma_wait3A_64 = tpu.memref_squeeze %dma_wait3A_63 : memref<1x1x8x128xi32, #tpu.memory_space<hbm>> -> memref<8x128xi32, #tpu.memory_space<hbm>>
    %dma_wait3A_65 = arith.constant 0 : i32
    %dma_wait3A_66 = arith.constant 0 : i32
    %dma_wait3A_67 = tpu.memref_slice %arg8[%dma_wait3A_56, %dma_wait3A_65, %dma_wait3A_66] : memref<3x8x128xi32, #tpu.memory_space<vmem>> -> memref<1x8x128xi32, #tpu.memory_space<vmem>>
    %dma_wait3A_68 = tpu.memref_squeeze %dma_wait3A_67 : memref<1x8x128xi32, #tpu.memory_space<vmem>> -> memref<8x128xi32, #tpu.memory_space<vmem>>
    %dma_wait3A_69 = arith.constant 0 : i32
    %dma_wait3A_70 = arith.constant 0 : i32
    %dma_wait3A_71 = tpu.memref_slice %arg4[%add3A, %dma_wait3A_55, %dma_wait3A_69, %dma_wait3A_70] : memref<32x25x8x128xi32, #tpu.memory_space<hbm>> -> memref<1x1x8x128xi32, #tpu.memory_space<hbm>>
    %dma_wait3A_72 = tpu.memref_squeeze %dma_wait3A_71 : memref<1x1x8x128xi32, #tpu.memory_space<hbm>> -> memref<8x128xi32, #tpu.memory_space<hbm>>
    tpu.wait_dma2 semaphore(%arg11 : memref<!tpu.dma_semaphore, #tpu.memory_space<semaphore_mem>>) src(%dma_wait3A_72 : memref<8x128xi32, #tpu.memory_space<hbm>>) dst(%dma_wait3A_68 : memref<8x128xi32, #tpu.memory_space<vmem>>)
    %dma_start3A_73 = arith.constant 0 : i32
    %dma_start3A_74 = arith.constant 0 : i32
    %dma_start3A_75 = arith.constant 0 : i32
    %dma_start3A_76 = arith.constant 0 : i32
    %dma_start3A_77 = arith.constant 0 : i32
    %dma_start3A_78 = tpu.memref_slice %arg9[%dma_start3A_75, %dma_start3A_76, %dma_start3A_77] : memref<4x128x32xf32, #tpu.memory_space<vmem>> -> memref<1x128x32xf32, #tpu.memory_space<vmem>>
    %dma_start3A_79 = tpu.memref_squeeze %dma_start3A_78 : memref<1x128x32xf32, #tpu.memory_space<vmem>> -> memref<128x32xf32, #tpu.memory_space<vmem>>
    %dma_start3A_80 = arith.constant 0 : i32
    %dma_start3A_81 = tpu.memref_slice %arg7[%dma_start3A_73, %dma_start3A_74, %dma_start3A_80] : memref<3x8x128xi32, #tpu.memory_space<vmem>> -> memref<1x1x128xi32, #tpu.memory_space<vmem>>
    %dma_start3A_82 = tpu.memref_squeeze %dma_start3A_81 : memref<1x1x128xi32, #tpu.memory_space<vmem>> -> memref<128xi32, #tpu.memory_space<vmem>>
    %dma_start3A_83 = arith.constant 0 : i32
    %dma_start3A_84 = arith.constant 0 : i32
    %dma_start3A_85 = tpu.memref_slice %arg2[%dma_start3A_83, %dma_start3A_84] : memref<50000x32xf32, #tpu.memory_space<hbm>> -> memref<50000x32xf32, #tpu.memory_space<hbm>>
    tpu.enqueue_indirect_dma source(%dma_start3A_85 : memref<50000x32xf32, #tpu.memory_space<hbm>>) target(%dma_start3A_79 : memref<128x32xf32, #tpu.memory_space<vmem>>) offsets(%dma_start3A_82 : memref<128xi32, #tpu.memory_space<vmem>>) semaphore(%arg12 : memref<!tpu.dma_semaphore, #tpu.memory_space<semaphore_mem>>)
    %dma_start3A_86 = arith.constant 0 : i32
    %dma_start3A_87 = arith.constant 1 : i32
    %dma_start3A_88 = arith.constant 1 : i32
    %dma_start3A_89 = arith.constant 0 : i32
    %dma_start3A_90 = arith.constant 0 : i32
    %dma_start3A_91 = tpu.memref_slice %arg9[%dma_start3A_88, %dma_start3A_89, %dma_start3A_90] : memref<4x128x32xf32, #tpu.memory_space<vmem>> -> memref<1x128x32xf32, #tpu.memory_space<vmem>>
    %dma_start3A_92 = tpu.memref_squeeze %dma_start3A_91 : memref<1x128x32xf32, #tpu.memory_space<vmem>> -> memref<128x32xf32, #tpu.memory_space<vmem>>
    %dma_start3A_93 = arith.constant 0 : i32
    %dma_start3A_94 = tpu.memref_slice %arg7[%dma_start3A_86, %dma_start3A_87, %dma_start3A_93] : memref<3x8x128xi32, #tpu.memory_space<vmem>> -> memref<1x1x128xi32, #tpu.memory_space<vmem>>
    %dma_start3A_95 = tpu.memref_squeeze %dma_start3A_94 : memref<1x1x128xi32, #tpu.memory_space<vmem>> -> memref<128xi32, #tpu.memory_space<vmem>>
    %dma_start3A_96 = arith.constant 0 : i32
    %dma_start3A_97 = arith.constant 0 : i32
    %dma_start3A_98 = tpu.memref_slice %arg2[%dma_start3A_96, %dma_start3A_97] : memref<50000x32xf32, #tpu.memory_space<hbm>> -> memref<50000x32xf32, #tpu.memory_space<hbm>>
    tpu.enqueue_indirect_dma source(%dma_start3A_98 : memref<50000x32xf32, #tpu.memory_space<hbm>>) target(%dma_start3A_92 : memref<128x32xf32, #tpu.memory_space<vmem>>) offsets(%dma_start3A_95 : memref<128xi32, #tpu.memory_space<vmem>>) semaphore(%arg12 : memref<!tpu.dma_semaphore, #tpu.memory_space<semaphore_mem>>)
    %dma_start3A_99 = arith.constant 1 : i32
    %dma_start3A_100 = arith.constant 1 : i32
    %dma_start3A_101 = arith.constant 0 : i32
    %dma_start3A_102 = arith.constant 0 : i32
    %dma_start3A_103 = tpu.memref_slice %arg7[%dma_start3A_100, %dma_start3A_101, %dma_start3A_102] : memref<3x8x128xi32, #tpu.memory_space<vmem>> -> memref<1x8x128xi32, #tpu.memory_space<vmem>>
    %dma_start3A_104 = tpu.memref_squeeze %dma_start3A_103 : memref<1x8x128xi32, #tpu.memory_space<vmem>> -> memref<8x128xi32, #tpu.memory_space<vmem>>
    %dma_start3A_105 = arith.constant 0 : i32
    %dma_start3A_106 = arith.constant 0 : i32
    %dma_start3A_107 = tpu.memref_slice %arg3[%add3A, %dma_start3A_99, %dma_start3A_105, %dma_start3A_106] : memref<32x25x8x128xi32, #tpu.memory_space<hbm>> -> memref<1x1x8x128xi32, #tpu.memory_space<hbm>>
    %dma_start3A_108 = tpu.memref_squeeze %dma_start3A_107 : memref<1x1x8x128xi32, #tpu.memory_space<hbm>> -> memref<8x128xi32, #tpu.memory_space<hbm>>
    %dma_start3A_109 = arith.constant 0 : i32
    %dma_start3A_110 = arith.constant 0 : i32
    %dma_start3A_111 = tpu.memref_slice %arg7[%dma_start3A_100, %dma_start3A_109, %dma_start3A_110] : memref<3x8x128xi32, #tpu.memory_space<vmem>> -> memref<1x8x128xi32, #tpu.memory_space<vmem>>
    %dma_start3A_112 = tpu.memref_squeeze %dma_start3A_111 : memref<1x8x128xi32, #tpu.memory_space<vmem>> -> memref<8x128xi32, #tpu.memory_space<vmem>>
    %dma_start3A_113 = arith.constant 0 : i32
    %dma_start3A_114 = arith.constant 0 : i32
    %dma_start3A_115 = tpu.memref_slice %arg3[%add3A, %dma_start3A_99, %dma_start3A_113, %dma_start3A_114] : memref<32x25x8x128xi32, #tpu.memory_space<hbm>> -> memref<1x1x8x128xi32, #tpu.memory_space<hbm>>
    %dma_start3A_116 = tpu.memref_squeeze %dma_start3A_115 : memref<1x1x8x128xi32, #tpu.memory_space<hbm>> -> memref<8x128xi32, #tpu.memory_space<hbm>>
    tpu.enqueue_dma source(%dma_start3A_116 : memref<8x128xi32, #tpu.memory_space<hbm>>) target(%dma_start3A_112 : memref<8x128xi32, #tpu.memory_space<vmem>>) target_semaphore(%arg11 : memref<!tpu.dma_semaphore, #tpu.memory_space<semaphore_mem>>)
    %dma_start3A_117 = arith.constant 1 : i32
    %dma_start3A_118 = arith.constant 1 : i32
    %dma_start3A_119 = arith.constant 0 : i32
    %dma_start3A_120 = arith.constant 0 : i32
    %dma_start3A_121 = tpu.memref_slice %arg8[%dma_start3A_118, %dma_start3A_119, %dma_start3A_120] : memref<3x8x128xi32, #tpu.memory_space<vmem>> -> memref<1x8x128xi32, #tpu.memory_space<vmem>>
    %dma_start3A_122 = tpu.memref_squeeze %dma_start3A_121 : memref<1x8x128xi32, #tpu.memory_space<vmem>> -> memref<8x128xi32, #tpu.memory_space<vmem>>
    %dma_start3A_123 = arith.constant 0 : i32
    %dma_start3A_124 = arith.constant 0 : i32
    %dma_start3A_125 = tpu.memref_slice %arg4[%add3A, %dma_start3A_117, %dma_start3A_123, %dma_start3A_124] : memref<32x25x8x128xi32, #tpu.memory_space<hbm>> -> memref<1x1x8x128xi32, #tpu.memory_space<hbm>>
    %dma_start3A_126 = tpu.memref_squeeze %dma_start3A_125 : memref<1x1x8x128xi32, #tpu.memory_space<hbm>> -> memref<8x128xi32, #tpu.memory_space<hbm>>
    %dma_start3A_127 = arith.constant 0 : i32
    %dma_start3A_128 = arith.constant 0 : i32
    %dma_start3A_129 = tpu.memref_slice %arg8[%dma_start3A_118, %dma_start3A_127, %dma_start3A_128] : memref<3x8x128xi32, #tpu.memory_space<vmem>> -> memref<1x8x128xi32, #tpu.memory_space<vmem>>
    %dma_start3A_130 = tpu.memref_squeeze %dma_start3A_129 : memref<1x8x128xi32, #tpu.memory_space<vmem>> -> memref<8x128xi32, #tpu.memory_space<vmem>>
    %dma_start3A_131 = arith.constant 0 : i32
    %dma_start3A_132 = arith.constant 0 : i32
    %dma_start3A_133 = tpu.memref_slice %arg4[%add3A, %dma_start3A_117, %dma_start3A_131, %dma_start3A_132] : memref<32x25x8x128xi32, #tpu.memory_space<hbm>> -> memref<1x1x8x128xi32, #tpu.memory_space<hbm>>
    %dma_start3A_134 = tpu.memref_squeeze %dma_start3A_133 : memref<1x1x8x128xi32, #tpu.memory_space<hbm>> -> memref<8x128xi32, #tpu.memory_space<hbm>>
    tpu.enqueue_dma source(%dma_start3A_134 : memref<8x128xi32, #tpu.memory_space<hbm>>) target(%dma_start3A_130 : memref<8x128xi32, #tpu.memory_space<vmem>>) target_semaphore(%arg11 : memref<!tpu.dma_semaphore, #tpu.memory_space<semaphore_mem>>)
    %dma_start3A_135 = arith.constant 2 : i32
    %dma_start3A_136 = arith.constant 2 : i32
    %dma_start3A_137 = arith.constant 0 : i32
    %dma_start3A_138 = arith.constant 0 : i32
    %dma_start3A_139 = tpu.memref_slice %arg7[%dma_start3A_136, %dma_start3A_137, %dma_start3A_138] : memref<3x8x128xi32, #tpu.memory_space<vmem>> -> memref<1x8x128xi32, #tpu.memory_space<vmem>>
    %dma_start3A_140 = tpu.memref_squeeze %dma_start3A_139 : memref<1x8x128xi32, #tpu.memory_space<vmem>> -> memref<8x128xi32, #tpu.memory_space<vmem>>
    %dma_start3A_141 = arith.constant 0 : i32
    %dma_start3A_142 = arith.constant 0 : i32
    %dma_start3A_143 = tpu.memref_slice %arg3[%add3A, %dma_start3A_135, %dma_start3A_141, %dma_start3A_142] : memref<32x25x8x128xi32, #tpu.memory_space<hbm>> -> memref<1x1x8x128xi32, #tpu.memory_space<hbm>>
    %dma_start3A_144 = tpu.memref_squeeze %dma_start3A_143 : memref<1x1x8x128xi32, #tpu.memory_space<hbm>> -> memref<8x128xi32, #tpu.memory_space<hbm>>
    %dma_start3A_145 = arith.constant 0 : i32
    %dma_start3A_146 = arith.constant 0 : i32
    %dma_start3A_147 = tpu.memref_slice %arg7[%dma_start3A_136, %dma_start3A_145, %dma_start3A_146] : memref<3x8x128xi32, #tpu.memory_space<vmem>> -> memref<1x8x128xi32, #tpu.memory_space<vmem>>
    %dma_start3A_148 = tpu.memref_squeeze %dma_start3A_147 : memref<1x8x128xi32, #tpu.memory_space<vmem>> -> memref<8x128xi32, #tpu.memory_space<vmem>>
    %dma_start3A_149 = arith.constant 0 : i32
    %dma_start3A_150 = arith.constant 0 : i32
    %dma_start3A_151 = tpu.memref_slice %arg3[%add3A, %dma_start3A_135, %dma_start3A_149, %dma_start3A_150] : memref<32x25x8x128xi32, #tpu.memory_space<hbm>> -> memref<1x1x8x128xi32, #tpu.memory_space<hbm>>
    %dma_start3A_152 = tpu.memref_squeeze %dma_start3A_151 : memref<1x1x8x128xi32, #tpu.memory_space<hbm>> -> memref<8x128xi32, #tpu.memory_space<hbm>>
    tpu.enqueue_dma source(%dma_start3A_152 : memref<8x128xi32, #tpu.memory_space<hbm>>) target(%dma_start3A_148 : memref<8x128xi32, #tpu.memory_space<vmem>>) target_semaphore(%arg11 : memref<!tpu.dma_semaphore, #tpu.memory_space<semaphore_mem>>)
    %dma_start3A_153 = arith.constant 2 : i32
    %dma_start3A_154 = arith.constant 2 : i32
    %dma_start3A_155 = arith.constant 0 : i32
    %dma_start3A_156 = arith.constant 0 : i32
    %dma_start3A_157 = tpu.memref_slice %arg8[%dma_start3A_154, %dma_start3A_155, %dma_start3A_156] : memref<3x8x128xi32, #tpu.memory_space<vmem>> -> memref<1x8x128xi32, #tpu.memory_space<vmem>>
    %dma_start3A_158 = tpu.memref_squeeze %dma_start3A_157 : memref<1x8x128xi32, #tpu.memory_space<vmem>> -> memref<8x128xi32, #tpu.memory_space<vmem>>
    %dma_start3A_159 = arith.constant 0 : i32
    %dma_start3A_160 = arith.constant 0 : i32
    %dma_start3A_161 = tpu.memref_slice %arg4[%add3A, %dma_start3A_153, %dma_start3A_159, %dma_start3A_160] : memref<32x25x8x128xi32, #tpu.memory_space<hbm>> -> memref<1x1x8x128xi32, #tpu.memory_space<hbm>>
    %dma_start3A_162 = tpu.memref_squeeze %dma_start3A_161 : memref<1x1x8x128xi32, #tpu.memory_space<hbm>> -> memref<8x128xi32, #tpu.memory_space<hbm>>
    %dma_start3A_163 = arith.constant 0 : i32
    %dma_start3A_164 = arith.constant 0 : i32
    %dma_start3A_165 = tpu.memref_slice %arg8[%dma_start3A_154, %dma_start3A_163, %dma_start3A_164] : memref<3x8x128xi32, #tpu.memory_space<vmem>> -> memref<1x8x128xi32, #tpu.memory_space<vmem>>
    %dma_start3A_166 = tpu.memref_squeeze %dma_start3A_165 : memref<1x8x128xi32, #tpu.memory_space<vmem>> -> memref<8x128xi32, #tpu.memory_space<vmem>>
    %dma_start3A_167 = arith.constant 0 : i32
    %dma_start3A_168 = arith.constant 0 : i32
    %dma_start3A_169 = tpu.memref_slice %arg4[%add3A, %dma_start3A_153, %dma_start3A_167, %dma_start3A_168] : memref<32x25x8x128xi32, #tpu.memory_space<hbm>> -> memref<1x1x8x128xi32, #tpu.memory_space<hbm>>
    %dma_start3A_170 = tpu.memref_squeeze %dma_start3A_169 : memref<1x1x8x128xi32, #tpu.memory_space<hbm>> -> memref<8x128xi32, #tpu.memory_space<hbm>>
    tpu.enqueue_dma source(%dma_start3A_170 : memref<8x128xi32, #tpu.memory_space<hbm>>) target(%dma_start3A_166 : memref<8x128xi32, #tpu.memory_space<vmem>>) target_semaphore(%arg11 : memref<!tpu.dma_semaphore, #tpu.memory_space<semaphore_mem>>)
    %barrier3A = arith.constant 0 : index
    tpu.barrier barrier_id(%barrier3A)
    %scan3A = arith.constant 0 : i32
    %scan3A_171 = arith.constant 0 : i32
    %scan3A_172 = arith.constant 200 : i32
    %scan3A_173 = arith.addi %scan3A_171, %scan3A_172 : i32
    %scan3A_174 = arith.constant 1 : i32
    scf.for %scan3A_207 = %scan3A_171 to %scan3A_173 step %scan3A_174  : i32 {
      %jit3A = arith.constant 4 : i32
      %eq3A = arith.constant 0 : i32
      %eq3A_208 = arith.cmpi eq, %jit3A, %eq3A : i32
      %jit3A_209 = arith.constant 1 : i32
      %select_n3A = arith.select %eq3A_208, %jit3A_209, %jit3A : i32
      %rem3A = arith.remsi %scan3A_207, %select_n3A : i32
      %ne3A = arith.constant 0 : i32
      %ne3A_210 = arith.cmpi ne, %rem3A, %ne3A : i32
      %lt3A = arith.constant 0 : i32
      %lt3A_211 = arith.cmpi slt, %rem3A, %lt3A : i32
      %lt3A_212 = arith.constant 0 : i32
      %lt3A_213 = arith.cmpi slt, %select_n3A, %lt3A_212 : i32
      %ne3A_214 = arith.xori %lt3A_211, %lt3A_213 : i1
      %and3A = arith.andi %ne3A_214, %ne3A_210 : i1
      %add3A_215 = arith.addi %rem3A, %select_n3A : i32
      %select_n3A_216 = arith.select %and3A, %add3A_215, %rem3A : i32
      %jit3A_217 = arith.constant 8 : i32
      %div3A = arith.divsi %scan3A_207, %jit3A_217 : i32
      %sign3A = arith.constant 0 : i32
      %sign3A_218 = arith.cmpi sgt, %scan3A_207, %sign3A : i32
      %sign3A_219 = arith.extui %sign3A_218 : i1 to i32
      %sign3A_220 = arith.constant 0 : i32
      %sign3A_221 = arith.cmpi slt, %scan3A_207, %sign3A_220 : i32
      %sign3A_222 = arith.extui %sign3A_221 : i1 to i32
      %sign3A_223 = arith.subi %sign3A_219, %sign3A_222 : i32
      %sign3A_224 = arith.constant 0 : i32
      %sign3A_225 = arith.cmpi sgt, %jit3A_217, %sign3A_224 : i32
      %sign3A_226 = arith.extui %sign3A_225 : i1 to i32
      %sign3A_227 = arith.constant 0 : i32
      %sign3A_228 = arith.cmpi slt, %jit3A_217, %sign3A_227 : i32
      %sign3A_229 = arith.extui %sign3A_228 : i1 to i32
      %sign3A_230 = arith.subi %sign3A_226, %sign3A_229 : i32
      %ne3A_231 = arith.cmpi ne, %sign3A_223, %sign3A_230 : i32
      %rem3A_232 = arith.remsi %scan3A_207, %jit3A_217 : i32
      %ne3A_233 = arith.constant 0 : i32
      %ne3A_234 = arith.cmpi ne, %rem3A_232, %ne3A_233 : i32
      %and3A_235 = arith.andi %ne3A_231, %ne3A_234 : i1
      %sub3A = arith.constant 1 : i32
      %sub3A_236 = arith.subi %div3A, %sub3A : i32
      %select_n3A_237 = arith.select %and3A_235, %sub3A_236, %div3A : i32
      %jit3A_238 = arith.constant 3 : i32
      %eq3A_239 = arith.constant 0 : i32
      %eq3A_240 = arith.cmpi eq, %jit3A_238, %eq3A_239 : i32
      %jit3A_241 = arith.constant 1 : i32
      %select_n3A_242 = arith.select %eq3A_240, %jit3A_241, %jit3A_238 : i32
      %rem3A_243 = arith.remsi %select_n3A_237, %select_n3A_242 : i32
      %ne3A_244 = arith.constant 0 : i32
      %ne3A_245 = arith.cmpi ne, %rem3A_243, %ne3A_244 : i32
      %lt3A_246 = arith.constant 0 : i32
      %lt3A_247 = arith.cmpi slt, %rem3A_243, %lt3A_246 : i32
      %lt3A_248 = arith.constant 0 : i32
      %lt3A_249 = arith.cmpi slt, %select_n3A_242, %lt3A_248 : i32
      %ne3A_250 = arith.xori %lt3A_247, %lt3A_249 : i1
      %and3A_251 = arith.andi %ne3A_250, %ne3A_245 : i1
      %add3A_252 = arith.addi %rem3A_243, %select_n3A_242 : i32
      %select_n3A_253 = arith.select %and3A_251, %add3A_252, %rem3A_243 : i32
      %jit3A_254 = arith.constant 8 : i32
      %eq3A_255 = arith.constant 0 : i32
      %eq3A_256 = arith.cmpi eq, %jit3A_254, %eq3A_255 : i32
      %jit3A_257 = arith.constant 1 : i32
      %select_n3A_258 = arith.select %eq3A_256, %jit3A_257, %jit3A_254 : i32
      %rem3A_259 = arith.remsi %scan3A_207, %select_n3A_258 : i32
      %ne3A_260 = arith.constant 0 : i32
      %ne3A_261 = arith.cmpi ne, %rem3A_259, %ne3A_260 : i32
      %lt3A_262 = arith.constant 0 : i32
      %lt3A_263 = arith.cmpi slt, %rem3A_259, %lt3A_262 : i32
      %lt3A_264 = arith.constant 0 : i32
      %lt3A_265 = arith.cmpi slt, %select_n3A_258, %lt3A_264 : i32
      %ne3A_266 = arith.xori %lt3A_263, %lt3A_265 : i1
      %and3A_267 = arith.andi %ne3A_266, %ne3A_261 : i1
      %add3A_268 = arith.addi %rem3A_259, %select_n3A_258 : i32
      %select_n3A_269 = arith.select %and3A_267, %add3A_268, %rem3A_259 : i32
      %dma_wait3A_270 = arith.constant 0 : i32
      %dma_wait3A_271 = arith.constant 0 : i32
      %dma_wait3A_272 = tpu.memref_slice %arg9[%select_n3A_216, %dma_wait3A_270, %dma_wait3A_271] : memref<4x128x32xf32, #tpu.memory_space<vmem>> -> memref<1x128x32xf32, #tpu.memory_space<vmem>>
      %dma_wait3A_273 = tpu.memref_squeeze %dma_wait3A_272 : memref<1x128x32xf32, #tpu.memory_space<vmem>> -> memref<128x32xf32, #tpu.memory_space<vmem>>
      %dma_wait3A_274 = arith.constant 0 : i32
      %dma_wait3A_275 = tpu.memref_slice %arg7[%select_n3A_253, %select_n3A_269, %dma_wait3A_274] : memref<3x8x128xi32, #tpu.memory_space<vmem>> -> memref<1x1x128xi32, #tpu.memory_space<vmem>>
      %dma_wait3A_276 = tpu.memref_squeeze %dma_wait3A_275 : memref<1x1x128xi32, #tpu.memory_space<vmem>> -> memref<128xi32, #tpu.memory_space<vmem>>
      %dma_wait3A_277 = arith.constant 0 : i32
      %dma_wait3A_278 = arith.constant 0 : i32
      %dma_wait3A_279 = tpu.memref_slice %arg2[%dma_wait3A_277, %dma_wait3A_278] : memref<50000x32xf32, #tpu.memory_space<hbm>> -> memref<50000x32xf32, #tpu.memory_space<hbm>>
      tpu.wait_indirect_dma semaphore(%arg12 : memref<!tpu.dma_semaphore, #tpu.memory_space<semaphore_mem>>) src(%dma_wait3A_279 : memref<50000x32xf32, #tpu.memory_space<hbm>>) dst(%dma_wait3A_273 : memref<128x32xf32, #tpu.memory_space<vmem>>)
      %dma_start3A_280 = arith.constant 0 : i32
      %dma_start3A_281 = arith.constant 0 : i32
      %dma_start3A_282 = tpu.memref_slice %arg9[%select_n3A_216, %dma_start3A_280, %dma_start3A_281] : memref<4x128x32xf32, #tpu.memory_space<vmem>> -> memref<1x128x32xf32, #tpu.memory_space<vmem>>
      %dma_start3A_283 = tpu.memref_squeeze %dma_start3A_282 : memref<1x128x32xf32, #tpu.memory_space<vmem>> -> memref<128x32xf32, #tpu.memory_space<vmem>>
      %dma_start3A_284 = arith.constant 0 : i32
      %dma_start3A_285 = tpu.memref_slice %arg8[%select_n3A_253, %select_n3A_269, %dma_start3A_284] : memref<3x8x128xi32, #tpu.memory_space<vmem>> -> memref<1x1x128xi32, #tpu.memory_space<vmem>>
      %dma_start3A_286 = tpu.memref_squeeze %dma_start3A_285 : memref<1x1x128xi32, #tpu.memory_space<vmem>> -> memref<128xi32, #tpu.memory_space<vmem>>
      %dma_start3A_287 = arith.constant 0 : i32
      %dma_start3A_288 = arith.constant 0 : i32
      %dma_start3A_289 = tpu.memref_slice %arg10[%dma_start3A_287, %dma_start3A_288] : memref<50048x32xf32, #tpu.memory_space<vmem_shared>> -> memref<50048x32xf32, #tpu.memory_space<vmem_shared>>
      tpu.enqueue_indirect_dma source(%dma_start3A_283 : memref<128x32xf32, #tpu.memory_space<vmem>>) target(%dma_start3A_289 : memref<50048x32xf32, #tpu.memory_space<vmem_shared>>) offsets(%dma_start3A_286 : memref<128xi32, #tpu.memory_space<vmem>>) semaphore(%arg13 : memref<!tpu.dma_semaphore, #tpu.memory_space<semaphore_mem>>) {add = true}
      %ge3A = arith.constant 2 : i32
      %ge3A_290 = arith.cmpi sge, %scan3A_207, %ge3A : i32
      %convert_element_type3A = arith.extui %ge3A_290 : i1 to i32
      %cond3A = arith.constant 0 : i32
      %cond3A_291 = arith.cmpi ne, %convert_element_type3A, %cond3A : i32
      scf.if %cond3A_291 {
        %sub3A_323 = arith.constant 2 : i32
        %sub3A_324 = arith.subi %scan3A_207, %sub3A_323 : i32
        %jit3A_325 = arith.constant 4 : i32
        %eq3A_326 = arith.constant 0 : i32
        %eq3A_327 = arith.cmpi eq, %jit3A_325, %eq3A_326 : i32
        %jit3A_328 = arith.constant 1 : i32
        %select_n3A_329 = arith.select %eq3A_327, %jit3A_328, %jit3A_325 : i32
        %rem3A_330 = arith.remsi %sub3A_324, %select_n3A_329 : i32
        %ne3A_331 = arith.constant 0 : i32
        %ne3A_332 = arith.cmpi ne, %rem3A_330, %ne3A_331 : i32
        %lt3A_333 = arith.constant 0 : i32
        %lt3A_334 = arith.cmpi slt, %rem3A_330, %lt3A_333 : i32
        %lt3A_335 = arith.constant 0 : i32
        %lt3A_336 = arith.cmpi slt, %select_n3A_329, %lt3A_335 : i32
        %ne3A_337 = arith.xori %lt3A_334, %lt3A_336 : i1
        %and3A_338 = arith.andi %ne3A_337, %ne3A_332 : i1
        %add3A_339 = arith.addi %rem3A_330, %select_n3A_329 : i32
        %select_n3A_340 = arith.select %and3A_338, %add3A_339, %rem3A_330 : i32
        %jit3A_341 = arith.constant 8 : i32
        %div3A_342 = arith.divsi %sub3A_324, %jit3A_341 : i32
        %sign3A_343 = arith.constant 0 : i32
        %sign3A_344 = arith.cmpi sgt, %sub3A_324, %sign3A_343 : i32
        %sign3A_345 = arith.extui %sign3A_344 : i1 to i32
        %sign3A_346 = arith.constant 0 : i32
        %sign3A_347 = arith.cmpi slt, %sub3A_324, %sign3A_346 : i32
        %sign3A_348 = arith.extui %sign3A_347 : i1 to i32
        %sign3A_349 = arith.subi %sign3A_345, %sign3A_348 : i32
        %sign3A_350 = arith.constant 0 : i32
        %sign3A_351 = arith.cmpi sgt, %jit3A_341, %sign3A_350 : i32
        %sign3A_352 = arith.extui %sign3A_351 : i1 to i32
        %sign3A_353 = arith.constant 0 : i32
        %sign3A_354 = arith.cmpi slt, %jit3A_341, %sign3A_353 : i32
        %sign3A_355 = arith.extui %sign3A_354 : i1 to i32
        %sign3A_356 = arith.subi %sign3A_352, %sign3A_355 : i32
        %ne3A_357 = arith.cmpi ne, %sign3A_349, %sign3A_356 : i32
        %rem3A_358 = arith.remsi %sub3A_324, %jit3A_341 : i32
        %ne3A_359 = arith.constant 0 : i32
        %ne3A_360 = arith.cmpi ne, %rem3A_358, %ne3A_359 : i32
        %and3A_361 = arith.andi %ne3A_357, %ne3A_360 : i1
        %sub3A_362 = arith.constant 1 : i32
        %sub3A_363 = arith.subi %div3A_342, %sub3A_362 : i32
        %select_n3A_364 = arith.select %and3A_361, %sub3A_363, %div3A_342 : i32
        %jit3A_365 = arith.constant 3 : i32
        %eq3A_366 = arith.constant 0 : i32
        %eq3A_367 = arith.cmpi eq, %jit3A_365, %eq3A_366 : i32
        %jit3A_368 = arith.constant 1 : i32
        %select_n3A_369 = arith.select %eq3A_367, %jit3A_368, %jit3A_365 : i32
        %rem3A_370 = arith.remsi %select_n3A_364, %select_n3A_369 : i32
        %ne3A_371 = arith.constant 0 : i32
        %ne3A_372 = arith.cmpi ne, %rem3A_370, %ne3A_371 : i32
        %lt3A_373 = arith.constant 0 : i32
        %lt3A_374 = arith.cmpi slt, %rem3A_370, %lt3A_373 : i32
        %lt3A_375 = arith.constant 0 : i32
        %lt3A_376 = arith.cmpi slt, %select_n3A_369, %lt3A_375 : i32
        %ne3A_377 = arith.xori %lt3A_374, %lt3A_376 : i1
        %and3A_378 = arith.andi %ne3A_377, %ne3A_372 : i1
        %add3A_379 = arith.addi %rem3A_370, %select_n3A_369 : i32
        %select_n3A_380 = arith.select %and3A_378, %add3A_379, %rem3A_370 : i32
        %jit3A_381 = arith.constant 8 : i32
        %eq3A_382 = arith.constant 0 : i32
        %eq3A_383 = arith.cmpi eq, %jit3A_381, %eq3A_382 : i32
        %jit3A_384 = arith.constant 1 : i32
        %select_n3A_385 = arith.select %eq3A_383, %jit3A_384, %jit3A_381 : i32
        %rem3A_386 = arith.remsi %sub3A_324, %select_n3A_385 : i32
        %ne3A_387 = arith.constant 0 : i32
        %ne3A_388 = arith.cmpi ne, %rem3A_386, %ne3A_387 : i32
        %lt3A_389 = arith.constant 0 : i32
        %lt3A_390 = arith.cmpi slt, %rem3A_386, %lt3A_389 : i32
        %lt3A_391 = arith.constant 0 : i32
        %lt3A_392 = arith.cmpi slt, %select_n3A_385, %lt3A_391 : i32
        %ne3A_393 = arith.xori %lt3A_390, %lt3A_392 : i1
        %and3A_394 = arith.andi %ne3A_393, %ne3A_388 : i1
        %add3A_395 = arith.addi %rem3A_386, %select_n3A_385 : i32
        %select_n3A_396 = arith.select %and3A_394, %add3A_395, %rem3A_386 : i32
        %dma_wait3A_397 = arith.constant 0 : i32
        %dma_wait3A_398 = arith.constant 0 : i32
        %dma_wait3A_399 = tpu.memref_slice %arg9[%select_n3A_340, %dma_wait3A_397, %dma_wait3A_398] : memref<4x128x32xf32, #tpu.memory_space<vmem>> -> memref<1x128x32xf32, #tpu.memory_space<vmem>>
        %dma_wait3A_400 = tpu.memref_squeeze %dma_wait3A_399 : memref<1x128x32xf32, #tpu.memory_space<vmem>> -> memref<128x32xf32, #tpu.memory_space<vmem>>
        %dma_wait3A_401 = arith.constant 0 : i32
        %dma_wait3A_402 = tpu.memref_slice %arg8[%select_n3A_380, %select_n3A_396, %dma_wait3A_401] : memref<3x8x128xi32, #tpu.memory_space<vmem>> -> memref<1x1x128xi32, #tpu.memory_space<vmem>>
        %dma_wait3A_403 = tpu.memref_squeeze %dma_wait3A_402 : memref<1x1x128xi32, #tpu.memory_space<vmem>> -> memref<128xi32, #tpu.memory_space<vmem>>
        %dma_wait3A_404 = arith.constant 0 : i32
        %dma_wait3A_405 = arith.constant 0 : i32
        %dma_wait3A_406 = tpu.memref_slice %arg10[%dma_wait3A_404, %dma_wait3A_405] : memref<50048x32xf32, #tpu.memory_space<vmem_shared>> -> memref<50048x32xf32, #tpu.memory_space<vmem_shared>>
        tpu.wait_indirect_dma semaphore(%arg13 : memref<!tpu.dma_semaphore, #tpu.memory_space<semaphore_mem>>) src(%dma_wait3A_400 : memref<128x32xf32, #tpu.memory_space<vmem>>) dst(%dma_wait3A_406 : memref<50048x32xf32, #tpu.memory_space<vmem_shared>>)
      } else {
      }
      %le3A = arith.constant 197 : i32
      %le3A_292 = arith.cmpi sle, %scan3A_207, %le3A : i32
      %convert_element_type3A_293 = arith.extui %le3A_292 : i1 to i32
      %cond3A_294 = arith.constant 0 : i32
      %cond3A_295 = arith.cmpi ne, %convert_element_type3A_293, %cond3A_294 : i32
      scf.if %cond3A_295 {
        %add3A_323 = arith.constant 2 : i32
        %add3A_324 = arith.addi %scan3A_207, %add3A_323 : i32
        %jit3A_325 = arith.constant 4 : i32
        %eq3A_326 = arith.constant 0 : i32
        %eq3A_327 = arith.cmpi eq, %jit3A_325, %eq3A_326 : i32
        %jit3A_328 = arith.constant 1 : i32
        %select_n3A_329 = arith.select %eq3A_327, %jit3A_328, %jit3A_325 : i32
        %rem3A_330 = arith.remsi %add3A_324, %select_n3A_329 : i32
        %ne3A_331 = arith.constant 0 : i32
        %ne3A_332 = arith.cmpi ne, %rem3A_330, %ne3A_331 : i32
        %lt3A_333 = arith.constant 0 : i32
        %lt3A_334 = arith.cmpi slt, %rem3A_330, %lt3A_333 : i32
        %lt3A_335 = arith.constant 0 : i32
        %lt3A_336 = arith.cmpi slt, %select_n3A_329, %lt3A_335 : i32
        %ne3A_337 = arith.xori %lt3A_334, %lt3A_336 : i1
        %and3A_338 = arith.andi %ne3A_337, %ne3A_332 : i1
        %add3A_339 = arith.addi %rem3A_330, %select_n3A_329 : i32
        %select_n3A_340 = arith.select %and3A_338, %add3A_339, %rem3A_330 : i32
        %jit3A_341 = arith.constant 8 : i32
        %div3A_342 = arith.divsi %add3A_324, %jit3A_341 : i32
        %sign3A_343 = arith.constant 0 : i32
        %sign3A_344 = arith.cmpi sgt, %add3A_324, %sign3A_343 : i32
        %sign3A_345 = arith.extui %sign3A_344 : i1 to i32
        %sign3A_346 = arith.constant 0 : i32
        %sign3A_347 = arith.cmpi slt, %add3A_324, %sign3A_346 : i32
        %sign3A_348 = arith.extui %sign3A_347 : i1 to i32
        %sign3A_349 = arith.subi %sign3A_345, %sign3A_348 : i32
        %sign3A_350 = arith.constant 0 : i32
        %sign3A_351 = arith.cmpi sgt, %jit3A_341, %sign3A_350 : i32
        %sign3A_352 = arith.extui %sign3A_351 : i1 to i32
        %sign3A_353 = arith.constant 0 : i32
        %sign3A_354 = arith.cmpi slt, %jit3A_341, %sign3A_353 : i32
        %sign3A_355 = arith.extui %sign3A_354 : i1 to i32
        %sign3A_356 = arith.subi %sign3A_352, %sign3A_355 : i32
        %ne3A_357 = arith.cmpi ne, %sign3A_349, %sign3A_356 : i32
        %rem3A_358 = arith.remsi %add3A_324, %jit3A_341 : i32
        %ne3A_359 = arith.constant 0 : i32
        %ne3A_360 = arith.cmpi ne, %rem3A_358, %ne3A_359 : i32
        %and3A_361 = arith.andi %ne3A_357, %ne3A_360 : i1
        %sub3A_362 = arith.constant 1 : i32
        %sub3A_363 = arith.subi %div3A_342, %sub3A_362 : i32
        %select_n3A_364 = arith.select %and3A_361, %sub3A_363, %div3A_342 : i32
        %jit3A_365 = arith.constant 3 : i32
        %eq3A_366 = arith.constant 0 : i32
        %eq3A_367 = arith.cmpi eq, %jit3A_365, %eq3A_366 : i32
        %jit3A_368 = arith.constant 1 : i32
        %select_n3A_369 = arith.select %eq3A_367, %jit3A_368, %jit3A_365 : i32
        %rem3A_370 = arith.remsi %select_n3A_364, %select_n3A_369 : i32
        %ne3A_371 = arith.constant 0 : i32
        %ne3A_372 = arith.cmpi ne, %rem3A_370, %ne3A_371 : i32
        %lt3A_373 = arith.constant 0 : i32
        %lt3A_374 = arith.cmpi slt, %rem3A_370, %lt3A_373 : i32
        %lt3A_375 = arith.constant 0 : i32
        %lt3A_376 = arith.cmpi slt, %select_n3A_369, %lt3A_375 : i32
        %ne3A_377 = arith.xori %lt3A_374, %lt3A_376 : i1
        %and3A_378 = arith.andi %ne3A_377, %ne3A_372 : i1
        %add3A_379 = arith.addi %rem3A_370, %select_n3A_369 : i32
        %select_n3A_380 = arith.select %and3A_378, %add3A_379, %rem3A_370 : i32
        %jit3A_381 = arith.constant 8 : i32
        %eq3A_382 = arith.constant 0 : i32
        %eq3A_383 = arith.cmpi eq, %jit3A_381, %eq3A_382 : i32
        %jit3A_384 = arith.constant 1 : i32
        %select_n3A_385 = arith.select %eq3A_383, %jit3A_384, %jit3A_381 : i32
        %rem3A_386 = arith.remsi %add3A_324, %select_n3A_385 : i32
        %ne3A_387 = arith.constant 0 : i32
        %ne3A_388 = arith.cmpi ne, %rem3A_386, %ne3A_387 : i32
        %lt3A_389 = arith.constant 0 : i32
        %lt3A_390 = arith.cmpi slt, %rem3A_386, %lt3A_389 : i32
        %lt3A_391 = arith.constant 0 : i32
        %lt3A_392 = arith.cmpi slt, %select_n3A_385, %lt3A_391 : i32
        %ne3A_393 = arith.xori %lt3A_390, %lt3A_392 : i1
        %and3A_394 = arith.andi %ne3A_393, %ne3A_388 : i1
        %add3A_395 = arith.addi %rem3A_386, %select_n3A_385 : i32
        %select_n3A_396 = arith.select %and3A_394, %add3A_395, %rem3A_386 : i32
        %eq3A_397 = arith.constant 0 : i32
        %eq3A_398 = arith.cmpi eq, %select_n3A_396, %eq3A_397 : i32
        %convert_element_type3A_399 = arith.extui %eq3A_398 : i1 to i32
        %cond3A_400 = arith.constant 0 : i32
        %cond3A_401 = arith.cmpi ne, %convert_element_type3A_399, %cond3A_400 : i32
        scf.if %cond3A_401 {
          %add3A_412 = arith.constant 2 : i32
          %add3A_413 = arith.addi %scan3A_207, %add3A_412 : i32
          %jit3A_414 = arith.constant 8 : i32
          %div3A_415 = arith.divsi %add3A_413, %jit3A_414 : i32
          %sign3A_416 = arith.constant 0 : i32
          %sign3A_417 = arith.cmpi sgt, %add3A_413, %sign3A_416 : i32
          %sign3A_418 = arith.extui %sign3A_417 : i1 to i32
          %sign3A_419 = arith.constant 0 : i32
          %sign3A_420 = arith.cmpi slt, %add3A_413, %sign3A_419 : i32
          %sign3A_421 = arith.extui %sign3A_420 : i1 to i32
          %sign3A_422 = arith.subi %sign3A_418, %sign3A_421 : i32
          %sign3A_423 = arith.constant 0 : i32
          %sign3A_424 = arith.cmpi sgt, %jit3A_414, %sign3A_423 : i32
          %sign3A_425 = arith.extui %sign3A_424 : i1 to i32
          %sign3A_426 = arith.constant 0 : i32
          %sign3A_427 = arith.cmpi slt, %jit3A_414, %sign3A_426 : i32
          %sign3A_428 = arith.extui %sign3A_427 : i1 to i32
          %sign3A_429 = arith.subi %sign3A_425, %sign3A_428 : i32
          %ne3A_430 = arith.cmpi ne, %sign3A_422, %sign3A_429 : i32
          %rem3A_431 = arith.remsi %add3A_413, %jit3A_414 : i32
          %ne3A_432 = arith.constant 0 : i32
          %ne3A_433 = arith.cmpi ne, %rem3A_431, %ne3A_432 : i32
          %and3A_434 = arith.andi %ne3A_430, %ne3A_433 : i1
          %sub3A_435 = arith.constant 1 : i32
          %sub3A_436 = arith.subi %div3A_415, %sub3A_435 : i32
          %select_n3A_437 = arith.select %and3A_434, %sub3A_436, %div3A_415 : i32
          %dma_wait3A_438 = arith.constant 0 : i32
          %dma_wait3A_439 = arith.constant 0 : i32
          %dma_wait3A_440 = tpu.memref_slice %arg7[%select_n3A_380, %dma_wait3A_438, %dma_wait3A_439] : memref<3x8x128xi32, #tpu.memory_space<vmem>> -> memref<1x8x128xi32, #tpu.memory_space<vmem>>
          %dma_wait3A_441 = tpu.memref_squeeze %dma_wait3A_440 : memref<1x8x128xi32, #tpu.memory_space<vmem>> -> memref<8x128xi32, #tpu.memory_space<vmem>>
          %dma_wait3A_442 = arith.constant 0 : i32
          %dma_wait3A_443 = arith.constant 0 : i32
          %dma_wait3A_444 = tpu.memref_slice %arg3[%add3A, %select_n3A_437, %dma_wait3A_442, %dma_wait3A_443] : memref<32x25x8x128xi32, #tpu.memory_space<hbm>> -> memref<1x1x8x128xi32, #tpu.memory_space<hbm>>
          %dma_wait3A_445 = tpu.memref_squeeze %dma_wait3A_444 : memref<1x1x8x128xi32, #tpu.memory_space<hbm>> -> memref<8x128xi32, #tpu.memory_space<hbm>>
          %dma_wait3A_446 = arith.constant 0 : i32
          %dma_wait3A_447 = arith.constant 0 : i32
          %dma_wait3A_448 = tpu.memref_slice %arg7[%select_n3A_380, %dma_wait3A_446, %dma_wait3A_447] : memref<3x8x128xi32, #tpu.memory_space<vmem>> -> memref<1x8x128xi32, #tpu.memory_space<vmem>>
          %dma_wait3A_449 = tpu.memref_squeeze %dma_wait3A_448 : memref<1x8x128xi32, #tpu.memory_space<vmem>> -> memref<8x128xi32, #tpu.memory_space<vmem>>
          %dma_wait3A_450 = arith.constant 0 : i32
          %dma_wait3A_451 = arith.constant 0 : i32
          %dma_wait3A_452 = tpu.memref_slice %arg3[%add3A, %select_n3A_437, %dma_wait3A_450, %dma_wait3A_451] : memref<32x25x8x128xi32, #tpu.memory_space<hbm>> -> memref<1x1x8x128xi32, #tpu.memory_space<hbm>>
          %dma_wait3A_453 = tpu.memref_squeeze %dma_wait3A_452 : memref<1x1x8x128xi32, #tpu.memory_space<hbm>> -> memref<8x128xi32, #tpu.memory_space<hbm>>
          tpu.wait_dma2 semaphore(%arg11 : memref<!tpu.dma_semaphore, #tpu.memory_space<semaphore_mem>>) src(%dma_wait3A_453 : memref<8x128xi32, #tpu.memory_space<hbm>>) dst(%dma_wait3A_449 : memref<8x128xi32, #tpu.memory_space<vmem>>)
          %dma_wait3A_454 = arith.constant 0 : i32
          %dma_wait3A_455 = arith.constant 0 : i32
          %dma_wait3A_456 = tpu.memref_slice %arg8[%select_n3A_380, %dma_wait3A_454, %dma_wait3A_455] : memref<3x8x128xi32, #tpu.memory_space<vmem>> -> memref<1x8x128xi32, #tpu.memory_space<vmem>>
          %dma_wait3A_457 = tpu.memref_squeeze %dma_wait3A_456 : memref<1x8x128xi32, #tpu.memory_space<vmem>> -> memref<8x128xi32, #tpu.memory_space<vmem>>
          %dma_wait3A_458 = arith.constant 0 : i32
          %dma_wait3A_459 = arith.constant 0 : i32
          %dma_wait3A_460 = tpu.memref_slice %arg4[%add3A, %select_n3A_437, %dma_wait3A_458, %dma_wait3A_459] : memref<32x25x8x128xi32, #tpu.memory_space<hbm>> -> memref<1x1x8x128xi32, #tpu.memory_space<hbm>>
          %dma_wait3A_461 = tpu.memref_squeeze %dma_wait3A_460 : memref<1x1x8x128xi32, #tpu.memory_space<hbm>> -> memref<8x128xi32, #tpu.memory_space<hbm>>
          %dma_wait3A_462 = arith.constant 0 : i32
          %dma_wait3A_463 = arith.constant 0 : i32
          %dma_wait3A_464 = tpu.memref_slice %arg8[%select_n3A_380, %dma_wait3A_462, %dma_wait3A_463] : memref<3x8x128xi32, #tpu.memory_space<vmem>> -> memref<1x8x128xi32, #tpu.memory_space<vmem>>
          %dma_wait3A_465 = tpu.memref_squeeze %dma_wait3A_464 : memref<1x8x128xi32, #tpu.memory_space<vmem>> -> memref<8x128xi32, #tpu.memory_space<vmem>>
          %dma_wait3A_466 = arith.constant 0 : i32
          %dma_wait3A_467 = arith.constant 0 : i32
          %dma_wait3A_468 = tpu.memref_slice %arg4[%add3A, %select_n3A_437, %dma_wait3A_466, %dma_wait3A_467] : memref<32x25x8x128xi32, #tpu.memory_space<hbm>> -> memref<1x1x8x128xi32, #tpu.memory_space<hbm>>
          %dma_wait3A_469 = tpu.memref_squeeze %dma_wait3A_468 : memref<1x1x8x128xi32, #tpu.memory_space<hbm>> -> memref<8x128xi32, #tpu.memory_space<hbm>>
          tpu.wait_dma2 semaphore(%arg11 : memref<!tpu.dma_semaphore, #tpu.memory_space<semaphore_mem>>) src(%dma_wait3A_469 : memref<8x128xi32, #tpu.memory_space<hbm>>) dst(%dma_wait3A_465 : memref<8x128xi32, #tpu.memory_space<vmem>>)
        } else {
        }
        %dma_start3A_402 = arith.constant 0 : i32
        %dma_start3A_403 = arith.constant 0 : i32
        %dma_start3A_404 = tpu.memref_slice %arg9[%select_n3A_340, %dma_start3A_402, %dma_start3A_403] : memref<4x128x32xf32, #tpu.memory_space<vmem>> -> memref<1x128x32xf32, #tpu.memory_space<vmem>>
        %dma_start3A_405 = tpu.memref_squeeze %dma_start3A_404 : memref<1x128x32xf32, #tpu.memory_space<vmem>> -> memref<128x32xf32, #tpu.memory_space<vmem>>
        %dma_start3A_406 = arith.constant 0 : i32
        %dma_start3A_407 = tpu.memref_slice %arg7[%select_n3A_380, %select_n3A_396, %dma_start3A_406] : memref<3x8x128xi32, #tpu.memory_space<vmem>> -> memref<1x1x128xi32, #tpu.memory_space<vmem>>
        %dma_start3A_408 = tpu.memref_squeeze %dma_start3A_407 : memref<1x1x128xi32, #tpu.memory_space<vmem>> -> memref<128xi32, #tpu.memory_space<vmem>>
        %dma_start3A_409 = arith.constant 0 : i32
        %dma_start3A_410 = arith.constant 0 : i32
        %dma_start3A_411 = tpu.memref_slice %arg2[%dma_start3A_409, %dma_start3A_410] : memref<50000x32xf32, #tpu.memory_space<hbm>> -> memref<50000x32xf32, #tpu.memory_space<hbm>>
        tpu.enqueue_indirect_dma source(%dma_start3A_411 : memref<50000x32xf32, #tpu.memory_space<hbm>>) target(%dma_start3A_405 : memref<128x32xf32, #tpu.memory_space<vmem>>) offsets(%dma_start3A_408 : memref<128xi32, #tpu.memory_space<vmem>>) semaphore(%arg12 : memref<!tpu.dma_semaphore, #tpu.memory_space<semaphore_mem>>)
      } else {
      }
      %jit3A_296 = arith.constant 8 : i32
      %eq3A_297 = arith.constant 0 : i32
      %eq3A_298 = arith.cmpi eq, %jit3A_296, %eq3A_297 : i32
      %jit3A_299 = arith.constant 1 : i32
      %select_n3A_300 = arith.select %eq3A_298, %jit3A_299, %jit3A_296 : i32
      %rem3A_301 = arith.remsi %scan3A_207, %select_n3A_300 : i32
      %ne3A_302 = arith.constant 0 : i32
      %ne3A_303 = arith.cmpi ne, %rem3A_301, %ne3A_302 : i32
      %lt3A_304 = arith.constant 0 : i32
      %lt3A_305 = arith.cmpi slt, %rem3A_301, %lt3A_304 : i32
      %lt3A_306 = arith.constant 0 : i32
      %lt3A_307 = arith.cmpi slt, %select_n3A_300, %lt3A_306 : i32
      %ne3A_308 = arith.xori %lt3A_305, %lt3A_307 : i1
      %and3A_309 = arith.andi %ne3A_308, %ne3A_303 : i1
      %add3A_310 = arith.addi %rem3A_301, %select_n3A_300 : i32
      %select_n3A_311 = arith.select %and3A_309, %add3A_310, %rem3A_301 : i32
      %eq3A_312 = arith.constant 2 : i32
      %eq3A_313 = arith.cmpi eq, %select_n3A_311, %eq3A_312 : i32
      %ge3A_314 = arith.constant 10 : i32
      %ge3A_315 = arith.cmpi sge, %scan3A_207, %ge3A_314 : i32
      %and3A_316 = arith.andi %eq3A_313, %ge3A_315 : i1
      %le3A_317 = arith.constant 178 : i32
      %le3A_318 = arith.cmpi sle, %scan3A_207, %le3A_317 : i32
      %and3A_319 = arith.andi %and3A_316, %le3A_318 : i1
      %convert_element_type3A_320 = arith.extui %and3A_319 : i1 to i32
      %cond3A_321 = arith.constant 0 : i32
      %cond3A_322 = arith.cmpi ne, %convert_element_type3A_320, %cond3A_321 : i32
      scf.if %cond3A_322 {
        %jit3A_323 = arith.constant 8 : i32
        %div3A_324 = arith.divsi %scan3A_207, %jit3A_323 : i32
        %sign3A_325 = arith.constant 0 : i32
        %sign3A_326 = arith.cmpi sgt, %scan3A_207, %sign3A_325 : i32
        %sign3A_327 = arith.extui %sign3A_326 : i1 to i32
        %sign3A_328 = arith.constant 0 : i32
        %sign3A_329 = arith.cmpi slt, %scan3A_207, %sign3A_328 : i32
        %sign3A_330 = arith.extui %sign3A_329 : i1 to i32
        %sign3A_331 = arith.subi %sign3A_327, %sign3A_330 : i32
        %sign3A_332 = arith.constant 0 : i32
        %sign3A_333 = arith.cmpi sgt, %jit3A_323, %sign3A_332 : i32
        %sign3A_334 = arith.extui %sign3A_333 : i1 to i32
        %sign3A_335 = arith.constant 0 : i32
        %sign3A_336 = arith.cmpi slt, %jit3A_323, %sign3A_335 : i32
        %sign3A_337 = arith.extui %sign3A_336 : i1 to i32
        %sign3A_338 = arith.subi %sign3A_334, %sign3A_337 : i32
        %ne3A_339 = arith.cmpi ne, %sign3A_331, %sign3A_338 : i32
        %rem3A_340 = arith.remsi %scan3A_207, %jit3A_323 : i32
        %ne3A_341 = arith.constant 0 : i32
        %ne3A_342 = arith.cmpi ne, %rem3A_340, %ne3A_341 : i32
        %and3A_343 = arith.andi %ne3A_339, %ne3A_342 : i1
        %sub3A_344 = arith.constant 1 : i32
        %sub3A_345 = arith.subi %div3A_324, %sub3A_344 : i32
        %select_n3A_346 = arith.select %and3A_343, %sub3A_345, %div3A_324 : i32
        %add3A_347 = arith.constant 2 : i32
        %add3A_348 = arith.addi %select_n3A_346, %add3A_347 : i32
        %jit3A_349 = arith.constant 3 : i32
        %eq3A_350 = arith.constant 0 : i32
        %eq3A_351 = arith.cmpi eq, %jit3A_349, %eq3A_350 : i32
        %jit3A_352 = arith.constant 1 : i32
        %select_n3A_353 = arith.select %eq3A_351, %jit3A_352, %jit3A_349 : i32
        %rem3A_354 = arith.remsi %add3A_348, %select_n3A_353 : i32
        %ne3A_355 = arith.constant 0 : i32
        %ne3A_356 = arith.cmpi ne, %rem3A_354, %ne3A_355 : i32
        %lt3A_357 = arith.constant 0 : i32
        %lt3A_358 = arith.cmpi slt, %rem3A_354, %lt3A_357 : i32
        %lt3A_359 = arith.constant 0 : i32
        %lt3A_360 = arith.cmpi slt, %select_n3A_353, %lt3A_359 : i32
        %ne3A_361 = arith.xori %lt3A_358, %lt3A_360 : i1
        %and3A_362 = arith.andi %ne3A_361, %ne3A_356 : i1
        %add3A_363 = arith.addi %rem3A_354, %select_n3A_353 : i32
        %select_n3A_364 = arith.select %and3A_362, %add3A_363, %rem3A_354 : i32
        %dma_start3A_365 = arith.constant 0 : i32
        %dma_start3A_366 = arith.constant 0 : i32
        %dma_start3A_367 = tpu.memref_slice %arg7[%select_n3A_364, %dma_start3A_365, %dma_start3A_366] : memref<3x8x128xi32, #tpu.memory_space<vmem>> -> memref<1x8x128xi32, #tpu.memory_space<vmem>>
        %dma_start3A_368 = tpu.memref_squeeze %dma_start3A_367 : memref<1x8x128xi32, #tpu.memory_space<vmem>> -> memref<8x128xi32, #tpu.memory_space<vmem>>
        %dma_start3A_369 = arith.constant 0 : i32
        %dma_start3A_370 = arith.constant 0 : i32
        %dma_start3A_371 = tpu.memref_slice %arg3[%add3A, %add3A_348, %dma_start3A_369, %dma_start3A_370] : memref<32x25x8x128xi32, #tpu.memory_space<hbm>> -> memref<1x1x8x128xi32, #tpu.memory_space<hbm>>
        %dma_start3A_372 = tpu.memref_squeeze %dma_start3A_371 : memref<1x1x8x128xi32, #tpu.memory_space<hbm>> -> memref<8x128xi32, #tpu.memory_space<hbm>>
        %dma_start3A_373 = arith.constant 0 : i32
        %dma_start3A_374 = arith.constant 0 : i32
        %dma_start3A_375 = tpu.memref_slice %arg7[%select_n3A_364, %dma_start3A_373, %dma_start3A_374] : memref<3x8x128xi32, #tpu.memory_space<vmem>> -> memref<1x8x128xi32, #tpu.memory_space<vmem>>
        %dma_start3A_376 = tpu.memref_squeeze %dma_start3A_375 : memref<1x8x128xi32, #tpu.memory_space<vmem>> -> memref<8x128xi32, #tpu.memory_space<vmem>>
        %dma_start3A_377 = arith.constant 0 : i32
        %dma_start3A_378 = arith.constant 0 : i32
        %dma_start3A_379 = tpu.memref_slice %arg3[%add3A, %add3A_348, %dma_start3A_377, %dma_start3A_378] : memref<32x25x8x128xi32, #tpu.memory_space<hbm>> -> memref<1x1x8x128xi32, #tpu.memory_space<hbm>>
        %dma_start3A_380 = tpu.memref_squeeze %dma_start3A_379 : memref<1x1x8x128xi32, #tpu.memory_space<hbm>> -> memref<8x128xi32, #tpu.memory_space<hbm>>
        tpu.enqueue_dma source(%dma_start3A_380 : memref<8x128xi32, #tpu.memory_space<hbm>>) target(%dma_start3A_376 : memref<8x128xi32, #tpu.memory_space<vmem>>) target_semaphore(%arg11 : memref<!tpu.dma_semaphore, #tpu.memory_space<semaphore_mem>>)
        %dma_start3A_381 = arith.constant 0 : i32
        %dma_start3A_382 = arith.constant 0 : i32
        %dma_start3A_383 = tpu.memref_slice %arg8[%select_n3A_364, %dma_start3A_381, %dma_start3A_382] : memref<3x8x128xi32, #tpu.memory_space<vmem>> -> memref<1x8x128xi32, #tpu.memory_space<vmem>>
        %dma_start3A_384 = tpu.memref_squeeze %dma_start3A_383 : memref<1x8x128xi32, #tpu.memory_space<vmem>> -> memref<8x128xi32, #tpu.memory_space<vmem>>
        %dma_start3A_385 = arith.constant 0 : i32
        %dma_start3A_386 = arith.constant 0 : i32
        %dma_start3A_387 = tpu.memref_slice %arg4[%add3A, %add3A_348, %dma_start3A_385, %dma_start3A_386] : memref<32x25x8x128xi32, #tpu.memory_space<hbm>> -> memref<1x1x8x128xi32, #tpu.memory_space<hbm>>
        %dma_start3A_388 = tpu.memref_squeeze %dma_start3A_387 : memref<1x1x8x128xi32, #tpu.memory_space<hbm>> -> memref<8x128xi32, #tpu.memory_space<hbm>>
        %dma_start3A_389 = arith.constant 0 : i32
        %dma_start3A_390 = arith.constant 0 : i32
        %dma_start3A_391 = tpu.memref_slice %arg8[%select_n3A_364, %dma_start3A_389, %dma_start3A_390] : memref<3x8x128xi32, #tpu.memory_space<vmem>> -> memref<1x8x128xi32, #tpu.memory_space<vmem>>
        %dma_start3A_392 = tpu.memref_squeeze %dma_start3A_391 : memref<1x8x128xi32, #tpu.memory_space<vmem>> -> memref<8x128xi32, #tpu.memory_space<vmem>>
        %dma_start3A_393 = arith.constant 0 : i32
        %dma_start3A_394 = arith.constant 0 : i32
        %dma_start3A_395 = tpu.memref_slice %arg4[%add3A, %add3A_348, %dma_start3A_393, %dma_start3A_394] : memref<32x25x8x128xi32, #tpu.memory_space<hbm>> -> memref<1x1x8x128xi32, #tpu.memory_space<hbm>>
        %dma_start3A_396 = tpu.memref_squeeze %dma_start3A_395 : memref<1x1x8x128xi32, #tpu.memory_space<hbm>> -> memref<8x128xi32, #tpu.memory_space<hbm>>
        tpu.enqueue_dma source(%dma_start3A_396 : memref<8x128xi32, #tpu.memory_space<hbm>>) target(%dma_start3A_392 : memref<8x128xi32, #tpu.memory_space<vmem>>) target_semaphore(%arg11 : memref<!tpu.dma_semaphore, #tpu.memory_space<semaphore_mem>>)
      } else {
      }
    }
    %scan3A_175 = arith.constant 200 : i32
    %dma_wait3A_176 = arith.constant 2 : i32
    %dma_wait3A_177 = arith.constant 0 : i32
    %dma_wait3A_178 = arith.constant 6 : i32
    %dma_wait3A_179 = arith.constant 0 : i32
    %dma_wait3A_180 = arith.constant 0 : i32
    %dma_wait3A_181 = tpu.memref_slice %arg9[%dma_wait3A_176, %dma_wait3A_179, %dma_wait3A_180] : memref<4x128x32xf32, #tpu.memory_space<vmem>> -> memref<1x128x32xf32, #tpu.memory_space<vmem>>
    %dma_wait3A_182 = tpu.memref_squeeze %dma_wait3A_181 : memref<1x128x32xf32, #tpu.memory_space<vmem>> -> memref<128x32xf32, #tpu.memory_space<vmem>>
    %dma_wait3A_183 = arith.constant 0 : i32
    %dma_wait3A_184 = tpu.memref_slice %arg8[%dma_wait3A_177, %dma_wait3A_178, %dma_wait3A_183] : memref<3x8x128xi32, #tpu.memory_space<vmem>> -> memref<1x1x128xi32, #tpu.memory_space<vmem>>
    %dma_wait3A_185 = tpu.memref_squeeze %dma_wait3A_184 : memref<1x1x128xi32, #tpu.memory_space<vmem>> -> memref<128xi32, #tpu.memory_space<vmem>>
    %dma_wait3A_186 = arith.constant 0 : i32
    %dma_wait3A_187 = arith.constant 0 : i32
    %dma_wait3A_188 = tpu.memref_slice %arg10[%dma_wait3A_186, %dma_wait3A_187] : memref<50048x32xf32, #tpu.memory_space<vmem_shared>> -> memref<50048x32xf32, #tpu.memory_space<vmem_shared>>
    tpu.wait_indirect_dma semaphore(%arg13 : memref<!tpu.dma_semaphore, #tpu.memory_space<semaphore_mem>>) src(%dma_wait3A_182 : memref<128x32xf32, #tpu.memory_space<vmem>>) dst(%dma_wait3A_188 : memref<50048x32xf32, #tpu.memory_space<vmem_shared>>)
    %dma_wait3A_189 = arith.constant 3 : i32
    %dma_wait3A_190 = arith.constant 0 : i32
    %dma_wait3A_191 = arith.constant 7 : i32
    %dma_wait3A_192 = arith.constant 0 : i32
    %dma_wait3A_193 = arith.constant 0 : i32
    %dma_wait3A_194 = tpu.memref_slice %arg9[%dma_wait3A_189, %dma_wait3A_192, %dma_wait3A_193] : memref<4x128x32xf32, #tpu.memory_space<vmem>> -> memref<1x128x32xf32, #tpu.memory_space<vmem>>
    %dma_wait3A_195 = tpu.memref_squeeze %dma_wait3A_194 : memref<1x128x32xf32, #tpu.memory_space<vmem>> -> memref<128x32xf32, #tpu.memory_space<vmem>>
    %dma_wait3A_196 = arith.constant 0 : i32
    %dma_wait3A_197 = tpu.memref_slice %arg8[%dma_wait3A_190, %dma_wait3A_191, %dma_wait3A_196] : memref<3x8x128xi32, #tpu.memory_space<vmem>> -> memref<1x1x128xi32, #tpu.memory_space<vmem>>
    %dma_wait3A_198 = tpu.memref_squeeze %dma_wait3A_197 : memref<1x1x128xi32, #tpu.memory_space<vmem>> -> memref<128xi32, #tpu.memory_space<vmem>>
    %dma_wait3A_199 = arith.constant 0 : i32
    %dma_wait3A_200 = arith.constant 0 : i32
    %dma_wait3A_201 = tpu.memref_slice %arg10[%dma_wait3A_199, %dma_wait3A_200] : memref<50048x32xf32, #tpu.memory_space<vmem_shared>> -> memref<50048x32xf32, #tpu.memory_space<vmem_shared>>
    tpu.wait_indirect_dma semaphore(%arg13 : memref<!tpu.dma_semaphore, #tpu.memory_space<semaphore_mem>>) src(%dma_wait3A_195 : memref<128x32xf32, #tpu.memory_space<vmem>>) dst(%dma_wait3A_201 : memref<50048x32xf32, #tpu.memory_space<vmem_shared>>)
    %barrier3A_202 = arith.constant 0 : index
    tpu.barrier barrier_id(%barrier3A_202)
    %mul3A_203 = arith.constant 3128 : i32
    %mul3A_204 = arith.muli %arg1, %mul3A_203 : i32
    %mul3A_205 = arith.constant 3128 : i32
    %mul3A_206 = arith.muli %arg1, %mul3A_205 : i32
    "tpu.region"() ({
      %run_scoped3A = tpu.sem_alloc : memref<!tpu.dma_semaphore, #tpu.memory_space<semaphore_mem>>
      %dma_start3A_207 = arith.constant 0 : i32
      %dma_start3A_208 = tpu.memref_slice %arg6[%arg0, %mul3A_206, %dma_start3A_207] : memref<2x50048x32xf32, #tpu.memory_space<hbm>> -> memref<1x3128x32xf32, #tpu.memory_space<hbm>>
      %dma_start3A_209 = tpu.memref_squeeze %dma_start3A_208 : memref<1x3128x32xf32, #tpu.memory_space<hbm>> -> memref<3128x32xf32, #tpu.memory_space<hbm>>
      %dma_start3A_210 = arith.constant 0 : i32
      %dma_start3A_211 = tpu.memref_slice %arg10[%mul3A_204, %dma_start3A_210] : memref<50048x32xf32, #tpu.memory_space<vmem_shared>> -> memref<3128x32xf32, #tpu.memory_space<vmem_shared>>
      tpu.enqueue_dma source(%dma_start3A_211 : memref<3128x32xf32, #tpu.memory_space<vmem_shared>>) target(%dma_start3A_209 : memref<3128x32xf32, #tpu.memory_space<hbm>>) target_semaphore(%run_scoped3A : memref<!tpu.dma_semaphore, #tpu.memory_space<semaphore_mem>>)
      %dma_wait3A_212 = arith.constant 0 : i32
      %dma_wait3A_213 = tpu.memref_slice %arg6[%arg0, %mul3A_206, %dma_wait3A_212] : memref<2x50048x32xf32, #tpu.memory_space<hbm>> -> memref<1x3128x32xf32, #tpu.memory_space<hbm>>
      %dma_wait3A_214 = tpu.memref_squeeze %dma_wait3A_213 : memref<1x3128x32xf32, #tpu.memory_space<hbm>> -> memref<3128x32xf32, #tpu.memory_space<hbm>>
      %dma_wait3A_215 = arith.constant 0 : i32
      %dma_wait3A_216 = tpu.memref_slice %arg10[%mul3A_204, %dma_wait3A_215] : memref<50048x32xf32, #tpu.memory_space<vmem_shared>> -> memref<3128x32xf32, #tpu.memory_space<vmem_shared>>
      tpu.wait_dma2 semaphore(%run_scoped3A : memref<!tpu.dma_semaphore, #tpu.memory_space<semaphore_mem>>) src(%dma_wait3A_216 : memref<3128x32xf32, #tpu.memory_space<vmem_shared>>) dst(%dma_wait3A_214 : memref<3128x32xf32, #tpu.memory_space<hbm>>)
      tpu.yield
    }) : () -> ()
    return
  }
}

#map = affine_map<(d0, d1) -> (0, 0)>
#map1 = affine_map<(d0, d1) -> (0, 0, 0)>
module attributes {stable_mosaic.version = 14 : i64} {
  func.func @body(%arg0: i32, %arg1: i32, %arg2: memref<53248x32xf32, #tpu.memory_space<hbm>>, %arg3: memref<416x128xi32, #tpu.memory_space<hbm>>, %arg4: memref<3128x32xf32, #tpu.memory_space<hbm>>, %arg5: memref<2x640x32xf32, #tpu.memory_space<hbm>>, %arg6: memref<1664x32xf32, #tpu.memory_space<vmem>>, %arg7: memref<13x128xi32, #tpu.memory_space<vmem>>, %arg8: memref<640x32xf32, #tpu.memory_space<vmem_shared>>, %arg9: memref<!tpu.dma_semaphore, #tpu.memory_space<semaphore_mem>>) attributes {dimension_semantics = [#tpu.dimension_semantics<core_parallel>, #tpu.dimension_semantics<subcore_parallel>], iteration_bounds = array<i64: 2, 16>, scalar_prefetch = 0 : i64, scratch_operands = 4 : i64, tpu.core_type = #tpu.core_type<sc_vector_subcore>, window_params = [{transform_indices = #map}, {transform_indices = #map}, {transform_indices = #map}, {transform_indices = #map1}]} {
    %mul3A = arith.constant 16 : i32
    %mul3A_0 = arith.muli %arg0, %mul3A : i32
    %add3A = arith.addi %mul3A_0, %arg1 : i32
    %mul3A_1 = arith.constant 1664 : i32
    %mul3A_2 = arith.muli %add3A, %mul3A_1 : i32
    "tpu.region"() ({
      %run_scoped3A = tpu.sem_alloc : memref<!tpu.dma_semaphore, #tpu.memory_space<semaphore_mem>>
      %dma_start3A_270 = arith.constant 0 : i32
      %dma_start3A_271 = tpu.memref_slice %arg2[%mul3A_2, %dma_start3A_270] : memref<53248x32xf32, #tpu.memory_space<hbm>> -> memref<1664x32xf32, #tpu.memory_space<hbm>>
      %dma_start3A_272 = arith.constant 0 : i32
      %dma_start3A_273 = tpu.memref_slice %arg2[%mul3A_2, %dma_start3A_272] : memref<53248x32xf32, #tpu.memory_space<hbm>> -> memref<1664x32xf32, #tpu.memory_space<hbm>>
      tpu.enqueue_dma source(%dma_start3A_273 : memref<1664x32xf32, #tpu.memory_space<hbm>>) target(%arg6 : memref<1664x32xf32, #tpu.memory_space<vmem>>) target_semaphore(%run_scoped3A : memref<!tpu.dma_semaphore, #tpu.memory_space<semaphore_mem>>)
      %dma_wait3A_274 = arith.constant 0 : i32
      %dma_wait3A_275 = tpu.memref_slice %arg2[%mul3A_2, %dma_wait3A_274] : memref<53248x32xf32, #tpu.memory_space<hbm>> -> memref<1664x32xf32, #tpu.memory_space<hbm>>
      %dma_wait3A_276 = arith.constant 0 : i32
      %dma_wait3A_277 = tpu.memref_slice %arg2[%mul3A_2, %dma_wait3A_276] : memref<53248x32xf32, #tpu.memory_space<hbm>> -> memref<1664x32xf32, #tpu.memory_space<hbm>>
      tpu.wait_dma2 semaphore(%run_scoped3A : memref<!tpu.dma_semaphore, #tpu.memory_space<semaphore_mem>>) src(%dma_wait3A_277 : memref<1664x32xf32, #tpu.memory_space<hbm>>) dst(%arg6 : memref<1664x32xf32, #tpu.memory_space<vmem>>)
      tpu.yield
    }) : () -> ()
    %mul3A_3 = arith.constant 13 : i32
    %mul3A_4 = arith.muli %add3A, %mul3A_3 : i32
    "tpu.region"() ({
      %run_scoped3A = tpu.sem_alloc : memref<!tpu.dma_semaphore, #tpu.memory_space<semaphore_mem>>
      %dma_start3A_270 = arith.constant 0 : i32
      %dma_start3A_271 = tpu.memref_slice %arg3[%mul3A_4, %dma_start3A_270] : memref<416x128xi32, #tpu.memory_space<hbm>> -> memref<13x128xi32, #tpu.memory_space<hbm>>
      %dma_start3A_272 = arith.constant 0 : i32
      %dma_start3A_273 = tpu.memref_slice %arg3[%mul3A_4, %dma_start3A_272] : memref<416x128xi32, #tpu.memory_space<hbm>> -> memref<13x128xi32, #tpu.memory_space<hbm>>
      tpu.enqueue_dma source(%dma_start3A_273 : memref<13x128xi32, #tpu.memory_space<hbm>>) target(%arg7 : memref<13x128xi32, #tpu.memory_space<vmem>>) target_semaphore(%run_scoped3A : memref<!tpu.dma_semaphore, #tpu.memory_space<semaphore_mem>>)
      %dma_wait3A_274 = arith.constant 0 : i32
      %dma_wait3A_275 = tpu.memref_slice %arg3[%mul3A_4, %dma_wait3A_274] : memref<416x128xi32, #tpu.memory_space<hbm>> -> memref<13x128xi32, #tpu.memory_space<hbm>>
      %dma_wait3A_276 = arith.constant 0 : i32
      %dma_wait3A_277 = tpu.memref_slice %arg3[%mul3A_4, %dma_wait3A_276] : memref<416x128xi32, #tpu.memory_space<hbm>> -> memref<13x128xi32, #tpu.memory_space<hbm>>
      tpu.wait_dma2 semaphore(%run_scoped3A : memref<!tpu.dma_semaphore, #tpu.memory_space<semaphore_mem>>) src(%dma_wait3A_277 : memref<13x128xi32, #tpu.memory_space<hbm>>) dst(%arg7 : memref<13x128xi32, #tpu.memory_space<vmem>>)
      tpu.yield
    }) : () -> ()
    %mul3A_5 = arith.constant 40 : i32
    %mul3A_6 = arith.muli %arg1, %mul3A_5 : i32
    "tpu.region"() ({
      %run_scoped3A = tpu.sem_alloc : memref<!tpu.dma_semaphore, #tpu.memory_space<semaphore_mem>>
      %dma_start3A_270 = arith.constant 0 : i32
      %dma_start3A_271 = tpu.memref_slice %arg8[%mul3A_6, %dma_start3A_270] : memref<640x32xf32, #tpu.memory_space<vmem_shared>> -> memref<40x32xf32, #tpu.memory_space<vmem_shared>>
      %dma_start3A_272 = arith.constant 0 : i32
      %dma_start3A_273 = arith.constant 0 : i32
      %dma_start3A_274 = tpu.memref_slice %arg4[%dma_start3A_272, %dma_start3A_273] : memref<3128x32xf32, #tpu.memory_space<hbm>> -> memref<40x32xf32, #tpu.memory_space<hbm>>
      tpu.enqueue_dma source(%dma_start3A_274 : memref<40x32xf32, #tpu.memory_space<hbm>>) target(%dma_start3A_271 : memref<40x32xf32, #tpu.memory_space<vmem_shared>>) target_semaphore(%run_scoped3A : memref<!tpu.dma_semaphore, #tpu.memory_space<semaphore_mem>>)
      %dma_wait3A_275 = arith.constant 0 : i32
      %dma_wait3A_276 = tpu.memref_slice %arg8[%mul3A_6, %dma_wait3A_275] : memref<640x32xf32, #tpu.memory_space<vmem_shared>> -> memref<40x32xf32, #tpu.memory_space<vmem_shared>>
      %dma_wait3A_277 = arith.constant 0 : i32
      %dma_wait3A_278 = arith.constant 0 : i32
      %dma_wait3A_279 = tpu.memref_slice %arg4[%dma_wait3A_277, %dma_wait3A_278] : memref<3128x32xf32, #tpu.memory_space<hbm>> -> memref<40x32xf32, #tpu.memory_space<hbm>>
      tpu.wait_dma2 semaphore(%run_scoped3A : memref<!tpu.dma_semaphore, #tpu.memory_space<semaphore_mem>>) src(%dma_wait3A_279 : memref<40x32xf32, #tpu.memory_space<hbm>>) dst(%dma_wait3A_276 : memref<40x32xf32, #tpu.memory_space<vmem_shared>>)
      tpu.yield
    }) : () -> ()
    %barrier3A = arith.constant 0 : index
    tpu.barrier barrier_id(%barrier3A)
    %dma_start3A = arith.constant 0 : i32
    %dma_start3A_7 = arith.constant 0 : i32
    %dma_start3A_8 = arith.constant 0 : i32
    %dma_start3A_9 = tpu.memref_slice %arg6[%dma_start3A_7, %dma_start3A_8] : memref<1664x32xf32, #tpu.memory_space<vmem>> -> memref<128x32xf32, #tpu.memory_space<vmem>>
    %dma_start3A_10 = arith.constant 0 : i32
    %dma_start3A_11 = tpu.memref_slice %arg7[%dma_start3A, %dma_start3A_10] : memref<13x128xi32, #tpu.memory_space<vmem>> -> memref<1x128xi32, #tpu.memory_space<vmem>>
    %dma_start3A_12 = tpu.memref_squeeze %dma_start3A_11 : memref<1x128xi32, #tpu.memory_space<vmem>> -> memref<128xi32, #tpu.memory_space<vmem>>
    %dma_start3A_13 = arith.constant 0 : i32
    %dma_start3A_14 = arith.constant 0 : i32
    %dma_start3A_15 = tpu.memref_slice %arg8[%dma_start3A_13, %dma_start3A_14] : memref<640x32xf32, #tpu.memory_space<vmem_shared>> -> memref<640x32xf32, #tpu.memory_space<vmem_shared>>
    tpu.enqueue_indirect_dma source(%dma_start3A_9 : memref<128x32xf32, #tpu.memory_space<vmem>>) target(%dma_start3A_15 : memref<640x32xf32, #tpu.memory_space<vmem_shared>>) offsets(%dma_start3A_12 : memref<128xi32, #tpu.memory_space<vmem>>) semaphore(%arg9 : memref<!tpu.dma_semaphore, #tpu.memory_space<semaphore_mem>>) {add = true}
    %dma_start3A_16 = arith.constant 1 : i32
    %dma_start3A_17 = arith.constant 128 : i32
    %dma_start3A_18 = arith.constant 0 : i32
    %dma_start3A_19 = tpu.memref_slice %arg6[%dma_start3A_17, %dma_start3A_18] : memref<1664x32xf32, #tpu.memory_space<vmem>> -> memref<128x32xf32, #tpu.memory_space<vmem>>
    %dma_start3A_20 = arith.constant 0 : i32
    %dma_start3A_21 = tpu.memref_slice %arg7[%dma_start3A_16, %dma_start3A_20] : memref<13x128xi32, #tpu.memory_space<vmem>> -> memref<1x128xi32, #tpu.memory_space<vmem>>
    %dma_start3A_22 = tpu.memref_squeeze %dma_start3A_21 : memref<1x128xi32, #tpu.memory_space<vmem>> -> memref<128xi32, #tpu.memory_space<vmem>>
    %dma_start3A_23 = arith.constant 0 : i32
    %dma_start3A_24 = arith.constant 0 : i32
    %dma_start3A_25 = tpu.memref_slice %arg8[%dma_start3A_23, %dma_start3A_24] : memref<640x32xf32, #tpu.memory_space<vmem_shared>> -> memref<640x32xf32, #tpu.memory_space<vmem_shared>>
    tpu.enqueue_indirect_dma source(%dma_start3A_19 : memref<128x32xf32, #tpu.memory_space<vmem>>) target(%dma_start3A_25 : memref<640x32xf32, #tpu.memory_space<vmem_shared>>) offsets(%dma_start3A_22 : memref<128xi32, #tpu.memory_space<vmem>>) semaphore(%arg9 : memref<!tpu.dma_semaphore, #tpu.memory_space<semaphore_mem>>) {add = true}
    %dma_start3A_26 = arith.constant 2 : i32
    %dma_start3A_27 = arith.constant 256 : i32
    %dma_start3A_28 = arith.constant 0 : i32
    %dma_start3A_29 = tpu.memref_slice %arg6[%dma_start3A_27, %dma_start3A_28] : memref<1664x32xf32, #tpu.memory_space<vmem>> -> memref<128x32xf32, #tpu.memory_space<vmem>>
    %dma_start3A_30 = arith.constant 0 : i32
    %dma_start3A_31 = tpu.memref_slice %arg7[%dma_start3A_26, %dma_start3A_30] : memref<13x128xi32, #tpu.memory_space<vmem>> -> memref<1x128xi32, #tpu.memory_space<vmem>>
    %dma_start3A_32 = tpu.memref_squeeze %dma_start3A_31 : memref<1x128xi32, #tpu.memory_space<vmem>> -> memref<128xi32, #tpu.memory_space<vmem>>
    %dma_start3A_33 = arith.constant 0 : i32
    %dma_start3A_34 = arith.constant 0 : i32
    %dma_start3A_35 = tpu.memref_slice %arg8[%dma_start3A_33, %dma_start3A_34] : memref<640x32xf32, #tpu.memory_space<vmem_shared>> -> memref<640x32xf32, #tpu.memory_space<vmem_shared>>
    tpu.enqueue_indirect_dma source(%dma_start3A_29 : memref<128x32xf32, #tpu.memory_space<vmem>>) target(%dma_start3A_35 : memref<640x32xf32, #tpu.memory_space<vmem_shared>>) offsets(%dma_start3A_32 : memref<128xi32, #tpu.memory_space<vmem>>) semaphore(%arg9 : memref<!tpu.dma_semaphore, #tpu.memory_space<semaphore_mem>>) {add = true}
    %dma_start3A_36 = arith.constant 3 : i32
    %dma_start3A_37 = arith.constant 384 : i32
    %dma_start3A_38 = arith.constant 0 : i32
    %dma_start3A_39 = tpu.memref_slice %arg6[%dma_start3A_37, %dma_start3A_38] : memref<1664x32xf32, #tpu.memory_space<vmem>> -> memref<128x32xf32, #tpu.memory_space<vmem>>
    %dma_start3A_40 = arith.constant 0 : i32
    %dma_start3A_41 = tpu.memref_slice %arg7[%dma_start3A_36, %dma_start3A_40] : memref<13x128xi32, #tpu.memory_space<vmem>> -> memref<1x128xi32, #tpu.memory_space<vmem>>
    %dma_start3A_42 = tpu.memref_squeeze %dma_start3A_41 : memref<1x128xi32, #tpu.memory_space<vmem>> -> memref<128xi32, #tpu.memory_space<vmem>>
    %dma_start3A_43 = arith.constant 0 : i32
    %dma_start3A_44 = arith.constant 0 : i32
    %dma_start3A_45 = tpu.memref_slice %arg8[%dma_start3A_43, %dma_start3A_44] : memref<640x32xf32, #tpu.memory_space<vmem_shared>> -> memref<640x32xf32, #tpu.memory_space<vmem_shared>>
    tpu.enqueue_indirect_dma source(%dma_start3A_39 : memref<128x32xf32, #tpu.memory_space<vmem>>) target(%dma_start3A_45 : memref<640x32xf32, #tpu.memory_space<vmem_shared>>) offsets(%dma_start3A_42 : memref<128xi32, #tpu.memory_space<vmem>>) semaphore(%arg9 : memref<!tpu.dma_semaphore, #tpu.memory_space<semaphore_mem>>) {add = true}
    %dma_start3A_46 = arith.constant 4 : i32
    %dma_start3A_47 = arith.constant 512 : i32
    %dma_start3A_48 = arith.constant 0 : i32
    %dma_start3A_49 = tpu.memref_slice %arg6[%dma_start3A_47, %dma_start3A_48] : memref<1664x32xf32, #tpu.memory_space<vmem>> -> memref<128x32xf32, #tpu.memory_space<vmem>>
    %dma_start3A_50 = arith.constant 0 : i32
    %dma_start3A_51 = tpu.memref_slice %arg7[%dma_start3A_46, %dma_start3A_50] : memref<13x128xi32, #tpu.memory_space<vmem>> -> memref<1x128xi32, #tpu.memory_space<vmem>>
    %dma_start3A_52 = tpu.memref_squeeze %dma_start3A_51 : memref<1x128xi32, #tpu.memory_space<vmem>> -> memref<128xi32, #tpu.memory_space<vmem>>
    %dma_start3A_53 = arith.constant 0 : i32
    %dma_start3A_54 = arith.constant 0 : i32
    %dma_start3A_55 = tpu.memref_slice %arg8[%dma_start3A_53, %dma_start3A_54] : memref<640x32xf32, #tpu.memory_space<vmem_shared>> -> memref<640x32xf32, #tpu.memory_space<vmem_shared>>
    tpu.enqueue_indirect_dma source(%dma_start3A_49 : memref<128x32xf32, #tpu.memory_space<vmem>>) target(%dma_start3A_55 : memref<640x32xf32, #tpu.memory_space<vmem_shared>>) offsets(%dma_start3A_52 : memref<128xi32, #tpu.memory_space<vmem>>) semaphore(%arg9 : memref<!tpu.dma_semaphore, #tpu.memory_space<semaphore_mem>>) {add = true}
    %dma_start3A_56 = arith.constant 5 : i32
    %dma_start3A_57 = arith.constant 640 : i32
    %dma_start3A_58 = arith.constant 0 : i32
    %dma_start3A_59 = tpu.memref_slice %arg6[%dma_start3A_57, %dma_start3A_58] : memref<1664x32xf32, #tpu.memory_space<vmem>> -> memref<128x32xf32, #tpu.memory_space<vmem>>
    %dma_start3A_60 = arith.constant 0 : i32
    %dma_start3A_61 = tpu.memref_slice %arg7[%dma_start3A_56, %dma_start3A_60] : memref<13x128xi32, #tpu.memory_space<vmem>> -> memref<1x128xi32, #tpu.memory_space<vmem>>
    %dma_start3A_62 = tpu.memref_squeeze %dma_start3A_61 : memref<1x128xi32, #tpu.memory_space<vmem>> -> memref<128xi32, #tpu.memory_space<vmem>>
    %dma_start3A_63 = arith.constant 0 : i32
    %dma_start3A_64 = arith.constant 0 : i32
    %dma_start3A_65 = tpu.memref_slice %arg8[%dma_start3A_63, %dma_start3A_64] : memref<640x32xf32, #tpu.memory_space<vmem_shared>> -> memref<640x32xf32, #tpu.memory_space<vmem_shared>>
    tpu.enqueue_indirect_dma source(%dma_start3A_59 : memref<128x32xf32, #tpu.memory_space<vmem>>) target(%dma_start3A_65 : memref<640x32xf32, #tpu.memory_space<vmem_shared>>) offsets(%dma_start3A_62 : memref<128xi32, #tpu.memory_space<vmem>>) semaphore(%arg9 : memref<!tpu.dma_semaphore, #tpu.memory_space<semaphore_mem>>) {add = true}
    %dma_start3A_66 = arith.constant 6 : i32
    %dma_start3A_67 = arith.constant 768 : i32
    %dma_start3A_68 = arith.constant 0 : i32
    %dma_start3A_69 = tpu.memref_slice %arg6[%dma_start3A_67, %dma_start3A_68] : memref<1664x32xf32, #tpu.memory_space<vmem>> -> memref<128x32xf32, #tpu.memory_space<vmem>>
    %dma_start3A_70 = arith.constant 0 : i32
    %dma_start3A_71 = tpu.memref_slice %arg7[%dma_start3A_66, %dma_start3A_70] : memref<13x128xi32, #tpu.memory_space<vmem>> -> memref<1x128xi32, #tpu.memory_space<vmem>>
    %dma_start3A_72 = tpu.memref_squeeze %dma_start3A_71 : memref<1x128xi32, #tpu.memory_space<vmem>> -> memref<128xi32, #tpu.memory_space<vmem>>
    %dma_start3A_73 = arith.constant 0 : i32
    %dma_start3A_74 = arith.constant 0 : i32
    %dma_start3A_75 = tpu.memref_slice %arg8[%dma_start3A_73, %dma_start3A_74] : memref<640x32xf32, #tpu.memory_space<vmem_shared>> -> memref<640x32xf32, #tpu.memory_space<vmem_shared>>
    tpu.enqueue_indirect_dma source(%dma_start3A_69 : memref<128x32xf32, #tpu.memory_space<vmem>>) target(%dma_start3A_75 : memref<640x32xf32, #tpu.memory_space<vmem_shared>>) offsets(%dma_start3A_72 : memref<128xi32, #tpu.memory_space<vmem>>) semaphore(%arg9 : memref<!tpu.dma_semaphore, #tpu.memory_space<semaphore_mem>>) {add = true}
    %dma_start3A_76 = arith.constant 7 : i32
    %dma_start3A_77 = arith.constant 896 : i32
    %dma_start3A_78 = arith.constant 0 : i32
    %dma_start3A_79 = tpu.memref_slice %arg6[%dma_start3A_77, %dma_start3A_78] : memref<1664x32xf32, #tpu.memory_space<vmem>> -> memref<128x32xf32, #tpu.memory_space<vmem>>
    %dma_start3A_80 = arith.constant 0 : i32
    %dma_start3A_81 = tpu.memref_slice %arg7[%dma_start3A_76, %dma_start3A_80] : memref<13x128xi32, #tpu.memory_space<vmem>> -> memref<1x128xi32, #tpu.memory_space<vmem>>
    %dma_start3A_82 = tpu.memref_squeeze %dma_start3A_81 : memref<1x128xi32, #tpu.memory_space<vmem>> -> memref<128xi32, #tpu.memory_space<vmem>>
    %dma_start3A_83 = arith.constant 0 : i32
    %dma_start3A_84 = arith.constant 0 : i32
    %dma_start3A_85 = tpu.memref_slice %arg8[%dma_start3A_83, %dma_start3A_84] : memref<640x32xf32, #tpu.memory_space<vmem_shared>> -> memref<640x32xf32, #tpu.memory_space<vmem_shared>>
    tpu.enqueue_indirect_dma source(%dma_start3A_79 : memref<128x32xf32, #tpu.memory_space<vmem>>) target(%dma_start3A_85 : memref<640x32xf32, #tpu.memory_space<vmem_shared>>) offsets(%dma_start3A_82 : memref<128xi32, #tpu.memory_space<vmem>>) semaphore(%arg9 : memref<!tpu.dma_semaphore, #tpu.memory_space<semaphore_mem>>) {add = true}
    %dma_start3A_86 = arith.constant 8 : i32
    %dma_start3A_87 = arith.constant 1024 : i32
    %dma_start3A_88 = arith.constant 0 : i32
    %dma_start3A_89 = tpu.memref_slice %arg6[%dma_start3A_87, %dma_start3A_88] : memref<1664x32xf32, #tpu.memory_space<vmem>> -> memref<128x32xf32, #tpu.memory_space<vmem>>
    %dma_start3A_90 = arith.constant 0 : i32
    %dma_start3A_91 = tpu.memref_slice %arg7[%dma_start3A_86, %dma_start3A_90] : memref<13x128xi32, #tpu.memory_space<vmem>> -> memref<1x128xi32, #tpu.memory_space<vmem>>
    %dma_start3A_92 = tpu.memref_squeeze %dma_start3A_91 : memref<1x128xi32, #tpu.memory_space<vmem>> -> memref<128xi32, #tpu.memory_space<vmem>>
    %dma_start3A_93 = arith.constant 0 : i32
    %dma_start3A_94 = arith.constant 0 : i32
    %dma_start3A_95 = tpu.memref_slice %arg8[%dma_start3A_93, %dma_start3A_94] : memref<640x32xf32, #tpu.memory_space<vmem_shared>> -> memref<640x32xf32, #tpu.memory_space<vmem_shared>>
    tpu.enqueue_indirect_dma source(%dma_start3A_89 : memref<128x32xf32, #tpu.memory_space<vmem>>) target(%dma_start3A_95 : memref<640x32xf32, #tpu.memory_space<vmem_shared>>) offsets(%dma_start3A_92 : memref<128xi32, #tpu.memory_space<vmem>>) semaphore(%arg9 : memref<!tpu.dma_semaphore, #tpu.memory_space<semaphore_mem>>) {add = true}
    %dma_start3A_96 = arith.constant 9 : i32
    %dma_start3A_97 = arith.constant 1152 : i32
    %dma_start3A_98 = arith.constant 0 : i32
    %dma_start3A_99 = tpu.memref_slice %arg6[%dma_start3A_97, %dma_start3A_98] : memref<1664x32xf32, #tpu.memory_space<vmem>> -> memref<128x32xf32, #tpu.memory_space<vmem>>
    %dma_start3A_100 = arith.constant 0 : i32
    %dma_start3A_101 = tpu.memref_slice %arg7[%dma_start3A_96, %dma_start3A_100] : memref<13x128xi32, #tpu.memory_space<vmem>> -> memref<1x128xi32, #tpu.memory_space<vmem>>
    %dma_start3A_102 = tpu.memref_squeeze %dma_start3A_101 : memref<1x128xi32, #tpu.memory_space<vmem>> -> memref<128xi32, #tpu.memory_space<vmem>>
    %dma_start3A_103 = arith.constant 0 : i32
    %dma_start3A_104 = arith.constant 0 : i32
    %dma_start3A_105 = tpu.memref_slice %arg8[%dma_start3A_103, %dma_start3A_104] : memref<640x32xf32, #tpu.memory_space<vmem_shared>> -> memref<640x32xf32, #tpu.memory_space<vmem_shared>>
    tpu.enqueue_indirect_dma source(%dma_start3A_99 : memref<128x32xf32, #tpu.memory_space<vmem>>) target(%dma_start3A_105 : memref<640x32xf32, #tpu.memory_space<vmem_shared>>) offsets(%dma_start3A_102 : memref<128xi32, #tpu.memory_space<vmem>>) semaphore(%arg9 : memref<!tpu.dma_semaphore, #tpu.memory_space<semaphore_mem>>) {add = true}
    %dma_start3A_106 = arith.constant 10 : i32
    %dma_start3A_107 = arith.constant 1280 : i32
    %dma_start3A_108 = arith.constant 0 : i32
    %dma_start3A_109 = tpu.memref_slice %arg6[%dma_start3A_107, %dma_start3A_108] : memref<1664x32xf32, #tpu.memory_space<vmem>> -> memref<128x32xf32, #tpu.memory_space<vmem>>
    %dma_start3A_110 = arith.constant 0 : i32
    %dma_start3A_111 = tpu.memref_slice %arg7[%dma_start3A_106, %dma_start3A_110] : memref<13x128xi32, #tpu.memory_space<vmem>> -> memref<1x128xi32, #tpu.memory_space<vmem>>
    %dma_start3A_112 = tpu.memref_squeeze %dma_start3A_111 : memref<1x128xi32, #tpu.memory_space<vmem>> -> memref<128xi32, #tpu.memory_space<vmem>>
    %dma_start3A_113 = arith.constant 0 : i32
    %dma_start3A_114 = arith.constant 0 : i32
    %dma_start3A_115 = tpu.memref_slice %arg8[%dma_start3A_113, %dma_start3A_114] : memref<640x32xf32, #tpu.memory_space<vmem_shared>> -> memref<640x32xf32, #tpu.memory_space<vmem_shared>>
    tpu.enqueue_indirect_dma source(%dma_start3A_109 : memref<128x32xf32, #tpu.memory_space<vmem>>) target(%dma_start3A_115 : memref<640x32xf32, #tpu.memory_space<vmem_shared>>) offsets(%dma_start3A_112 : memref<128xi32, #tpu.memory_space<vmem>>) semaphore(%arg9 : memref<!tpu.dma_semaphore, #tpu.memory_space<semaphore_mem>>) {add = true}
    %dma_start3A_116 = arith.constant 11 : i32
    %dma_start3A_117 = arith.constant 1408 : i32
    %dma_start3A_118 = arith.constant 0 : i32
    %dma_start3A_119 = tpu.memref_slice %arg6[%dma_start3A_117, %dma_start3A_118] : memref<1664x32xf32, #tpu.memory_space<vmem>> -> memref<128x32xf32, #tpu.memory_space<vmem>>
    %dma_start3A_120 = arith.constant 0 : i32
    %dma_start3A_121 = tpu.memref_slice %arg7[%dma_start3A_116, %dma_start3A_120] : memref<13x128xi32, #tpu.memory_space<vmem>> -> memref<1x128xi32, #tpu.memory_space<vmem>>
    %dma_start3A_122 = tpu.memref_squeeze %dma_start3A_121 : memref<1x128xi32, #tpu.memory_space<vmem>> -> memref<128xi32, #tpu.memory_space<vmem>>
    %dma_start3A_123 = arith.constant 0 : i32
    %dma_start3A_124 = arith.constant 0 : i32
    %dma_start3A_125 = tpu.memref_slice %arg8[%dma_start3A_123, %dma_start3A_124] : memref<640x32xf32, #tpu.memory_space<vmem_shared>> -> memref<640x32xf32, #tpu.memory_space<vmem_shared>>
    tpu.enqueue_indirect_dma source(%dma_start3A_119 : memref<128x32xf32, #tpu.memory_space<vmem>>) target(%dma_start3A_125 : memref<640x32xf32, #tpu.memory_space<vmem_shared>>) offsets(%dma_start3A_122 : memref<128xi32, #tpu.memory_space<vmem>>) semaphore(%arg9 : memref<!tpu.dma_semaphore, #tpu.memory_space<semaphore_mem>>) {add = true}
    %dma_start3A_126 = arith.constant 12 : i32
    %dma_start3A_127 = arith.constant 1536 : i32
    %dma_start3A_128 = arith.constant 0 : i32
    %dma_start3A_129 = tpu.memref_slice %arg6[%dma_start3A_127, %dma_start3A_128] : memref<1664x32xf32, #tpu.memory_space<vmem>> -> memref<128x32xf32, #tpu.memory_space<vmem>>
    %dma_start3A_130 = arith.constant 0 : i32
    %dma_start3A_131 = tpu.memref_slice %arg7[%dma_start3A_126, %dma_start3A_130] : memref<13x128xi32, #tpu.memory_space<vmem>> -> memref<1x128xi32, #tpu.memory_space<vmem>>
    %dma_start3A_132 = tpu.memref_squeeze %dma_start3A_131 : memref<1x128xi32, #tpu.memory_space<vmem>> -> memref<128xi32, #tpu.memory_space<vmem>>
    %dma_start3A_133 = arith.constant 0 : i32
    %dma_start3A_134 = arith.constant 0 : i32
    %dma_start3A_135 = tpu.memref_slice %arg8[%dma_start3A_133, %dma_start3A_134] : memref<640x32xf32, #tpu.memory_space<vmem_shared>> -> memref<640x32xf32, #tpu.memory_space<vmem_shared>>
    tpu.enqueue_indirect_dma source(%dma_start3A_129 : memref<128x32xf32, #tpu.memory_space<vmem>>) target(%dma_start3A_135 : memref<640x32xf32, #tpu.memory_space<vmem_shared>>) offsets(%dma_start3A_132 : memref<128xi32, #tpu.memory_space<vmem>>) semaphore(%arg9 : memref<!tpu.dma_semaphore, #tpu.memory_space<semaphore_mem>>) {add = true}
    %dma_wait3A = arith.constant 0 : i32
    %dma_wait3A_136 = arith.constant 0 : i32
    %dma_wait3A_137 = arith.constant 0 : i32
    %dma_wait3A_138 = tpu.memref_slice %arg6[%dma_wait3A_136, %dma_wait3A_137] : memref<1664x32xf32, #tpu.memory_space<vmem>> -> memref<128x32xf32, #tpu.memory_space<vmem>>
    %dma_wait3A_139 = arith.constant 0 : i32
    %dma_wait3A_140 = tpu.memref_slice %arg7[%dma_wait3A, %dma_wait3A_139] : memref<13x128xi32, #tpu.memory_space<vmem>> -> memref<1x128xi32, #tpu.memory_space<vmem>>
    %dma_wait3A_141 = tpu.memref_squeeze %dma_wait3A_140 : memref<1x128xi32, #tpu.memory_space<vmem>> -> memref<128xi32, #tpu.memory_space<vmem>>
    %dma_wait3A_142 = arith.constant 0 : i32
    %dma_wait3A_143 = arith.constant 0 : i32
    %dma_wait3A_144 = tpu.memref_slice %arg8[%dma_wait3A_142, %dma_wait3A_143] : memref<640x32xf32, #tpu.memory_space<vmem_shared>> -> memref<640x32xf32, #tpu.memory_space<vmem_shared>>
    tpu.wait_indirect_dma semaphore(%arg9 : memref<!tpu.dma_semaphore, #tpu.memory_space<semaphore_mem>>) src(%dma_wait3A_138 : memref<128x32xf32, #tpu.memory_space<vmem>>) dst(%dma_wait3A_144 : memref<640x32xf32, #tpu.memory_space<vmem_shared>>)
    %dma_wait3A_145 = arith.constant 1 : i32
    %dma_wait3A_146 = arith.constant 128 : i32
    %dma_wait3A_147 = arith.constant 0 : i32
    %dma_wait3A_148 = tpu.memref_slice %arg6[%dma_wait3A_146, %dma_wait3A_147] : memref<1664x32xf32, #tpu.memory_space<vmem>> -> memref<128x32xf32, #tpu.memory_space<vmem>>
    %dma_wait3A_149 = arith.constant 0 : i32
    %dma_wait3A_150 = tpu.memref_slice %arg7[%dma_wait3A_145, %dma_wait3A_149] : memref<13x128xi32, #tpu.memory_space<vmem>> -> memref<1x128xi32, #tpu.memory_space<vmem>>
    %dma_wait3A_151 = tpu.memref_squeeze %dma_wait3A_150 : memref<1x128xi32, #tpu.memory_space<vmem>> -> memref<128xi32, #tpu.memory_space<vmem>>
    %dma_wait3A_152 = arith.constant 0 : i32
    %dma_wait3A_153 = arith.constant 0 : i32
    %dma_wait3A_154 = tpu.memref_slice %arg8[%dma_wait3A_152, %dma_wait3A_153] : memref<640x32xf32, #tpu.memory_space<vmem_shared>> -> memref<640x32xf32, #tpu.memory_space<vmem_shared>>
    tpu.wait_indirect_dma semaphore(%arg9 : memref<!tpu.dma_semaphore, #tpu.memory_space<semaphore_mem>>) src(%dma_wait3A_148 : memref<128x32xf32, #tpu.memory_space<vmem>>) dst(%dma_wait3A_154 : memref<640x32xf32, #tpu.memory_space<vmem_shared>>)
    %dma_wait3A_155 = arith.constant 2 : i32
    %dma_wait3A_156 = arith.constant 256 : i32
    %dma_wait3A_157 = arith.constant 0 : i32
    %dma_wait3A_158 = tpu.memref_slice %arg6[%dma_wait3A_156, %dma_wait3A_157] : memref<1664x32xf32, #tpu.memory_space<vmem>> -> memref<128x32xf32, #tpu.memory_space<vmem>>
    %dma_wait3A_159 = arith.constant 0 : i32
    %dma_wait3A_160 = tpu.memref_slice %arg7[%dma_wait3A_155, %dma_wait3A_159] : memref<13x128xi32, #tpu.memory_space<vmem>> -> memref<1x128xi32, #tpu.memory_space<vmem>>
    %dma_wait3A_161 = tpu.memref_squeeze %dma_wait3A_160 : memref<1x128xi32, #tpu.memory_space<vmem>> -> memref<128xi32, #tpu.memory_space<vmem>>
    %dma_wait3A_162 = arith.constant 0 : i32
    %dma_wait3A_163 = arith.constant 0 : i32
    %dma_wait3A_164 = tpu.memref_slice %arg8[%dma_wait3A_162, %dma_wait3A_163] : memref<640x32xf32, #tpu.memory_space<vmem_shared>> -> memref<640x32xf32, #tpu.memory_space<vmem_shared>>
    tpu.wait_indirect_dma semaphore(%arg9 : memref<!tpu.dma_semaphore, #tpu.memory_space<semaphore_mem>>) src(%dma_wait3A_158 : memref<128x32xf32, #tpu.memory_space<vmem>>) dst(%dma_wait3A_164 : memref<640x32xf32, #tpu.memory_space<vmem_shared>>)
    %dma_wait3A_165 = arith.constant 3 : i32
    %dma_wait3A_166 = arith.constant 384 : i32
    %dma_wait3A_167 = arith.constant 0 : i32
    %dma_wait3A_168 = tpu.memref_slice %arg6[%dma_wait3A_166, %dma_wait3A_167] : memref<1664x32xf32, #tpu.memory_space<vmem>> -> memref<128x32xf32, #tpu.memory_space<vmem>>
    %dma_wait3A_169 = arith.constant 0 : i32
    %dma_wait3A_170 = tpu.memref_slice %arg7[%dma_wait3A_165, %dma_wait3A_169] : memref<13x128xi32, #tpu.memory_space<vmem>> -> memref<1x128xi32, #tpu.memory_space<vmem>>
    %dma_wait3A_171 = tpu.memref_squeeze %dma_wait3A_170 : memref<1x128xi32, #tpu.memory_space<vmem>> -> memref<128xi32, #tpu.memory_space<vmem>>
    %dma_wait3A_172 = arith.constant 0 : i32
    %dma_wait3A_173 = arith.constant 0 : i32
    %dma_wait3A_174 = tpu.memref_slice %arg8[%dma_wait3A_172, %dma_wait3A_173] : memref<640x32xf32, #tpu.memory_space<vmem_shared>> -> memref<640x32xf32, #tpu.memory_space<vmem_shared>>
    tpu.wait_indirect_dma semaphore(%arg9 : memref<!tpu.dma_semaphore, #tpu.memory_space<semaphore_mem>>) src(%dma_wait3A_168 : memref<128x32xf32, #tpu.memory_space<vmem>>) dst(%dma_wait3A_174 : memref<640x32xf32, #tpu.memory_space<vmem_shared>>)
    %dma_wait3A_175 = arith.constant 4 : i32
    %dma_wait3A_176 = arith.constant 512 : i32
    %dma_wait3A_177 = arith.constant 0 : i32
    %dma_wait3A_178 = tpu.memref_slice %arg6[%dma_wait3A_176, %dma_wait3A_177] : memref<1664x32xf32, #tpu.memory_space<vmem>> -> memref<128x32xf32, #tpu.memory_space<vmem>>
    %dma_wait3A_179 = arith.constant 0 : i32
    %dma_wait3A_180 = tpu.memref_slice %arg7[%dma_wait3A_175, %dma_wait3A_179] : memref<13x128xi32, #tpu.memory_space<vmem>> -> memref<1x128xi32, #tpu.memory_space<vmem>>
    %dma_wait3A_181 = tpu.memref_squeeze %dma_wait3A_180 : memref<1x128xi32, #tpu.memory_space<vmem>> -> memref<128xi32, #tpu.memory_space<vmem>>
    %dma_wait3A_182 = arith.constant 0 : i32
    %dma_wait3A_183 = arith.constant 0 : i32
    %dma_wait3A_184 = tpu.memref_slice %arg8[%dma_wait3A_182, %dma_wait3A_183] : memref<640x32xf32, #tpu.memory_space<vmem_shared>> -> memref<640x32xf32, #tpu.memory_space<vmem_shared>>
    tpu.wait_indirect_dma semaphore(%arg9 : memref<!tpu.dma_semaphore, #tpu.memory_space<semaphore_mem>>) src(%dma_wait3A_178 : memref<128x32xf32, #tpu.memory_space<vmem>>) dst(%dma_wait3A_184 : memref<640x32xf32, #tpu.memory_space<vmem_shared>>)
    %dma_wait3A_185 = arith.constant 5 : i32
    %dma_wait3A_186 = arith.constant 640 : i32
    %dma_wait3A_187 = arith.constant 0 : i32
    %dma_wait3A_188 = tpu.memref_slice %arg6[%dma_wait3A_186, %dma_wait3A_187] : memref<1664x32xf32, #tpu.memory_space<vmem>> -> memref<128x32xf32, #tpu.memory_space<vmem>>
    %dma_wait3A_189 = arith.constant 0 : i32
    %dma_wait3A_190 = tpu.memref_slice %arg7[%dma_wait3A_185, %dma_wait3A_189] : memref<13x128xi32, #tpu.memory_space<vmem>> -> memref<1x128xi32, #tpu.memory_space<vmem>>
    %dma_wait3A_191 = tpu.memref_squeeze %dma_wait3A_190 : memref<1x128xi32, #tpu.memory_space<vmem>> -> memref<128xi32, #tpu.memory_space<vmem>>
    %dma_wait3A_192 = arith.constant 0 : i32
    %dma_wait3A_193 = arith.constant 0 : i32
    %dma_wait3A_194 = tpu.memref_slice %arg8[%dma_wait3A_192, %dma_wait3A_193] : memref<640x32xf32, #tpu.memory_space<vmem_shared>> -> memref<640x32xf32, #tpu.memory_space<vmem_shared>>
    tpu.wait_indirect_dma semaphore(%arg9 : memref<!tpu.dma_semaphore, #tpu.memory_space<semaphore_mem>>) src(%dma_wait3A_188 : memref<128x32xf32, #tpu.memory_space<vmem>>) dst(%dma_wait3A_194 : memref<640x32xf32, #tpu.memory_space<vmem_shared>>)
    %dma_wait3A_195 = arith.constant 6 : i32
    %dma_wait3A_196 = arith.constant 768 : i32
    %dma_wait3A_197 = arith.constant 0 : i32
    %dma_wait3A_198 = tpu.memref_slice %arg6[%dma_wait3A_196, %dma_wait3A_197] : memref<1664x32xf32, #tpu.memory_space<vmem>> -> memref<128x32xf32, #tpu.memory_space<vmem>>
    %dma_wait3A_199 = arith.constant 0 : i32
    %dma_wait3A_200 = tpu.memref_slice %arg7[%dma_wait3A_195, %dma_wait3A_199] : memref<13x128xi32, #tpu.memory_space<vmem>> -> memref<1x128xi32, #tpu.memory_space<vmem>>
    %dma_wait3A_201 = tpu.memref_squeeze %dma_wait3A_200 : memref<1x128xi32, #tpu.memory_space<vmem>> -> memref<128xi32, #tpu.memory_space<vmem>>
    %dma_wait3A_202 = arith.constant 0 : i32
    %dma_wait3A_203 = arith.constant 0 : i32
    %dma_wait3A_204 = tpu.memref_slice %arg8[%dma_wait3A_202, %dma_wait3A_203] : memref<640x32xf32, #tpu.memory_space<vmem_shared>> -> memref<640x32xf32, #tpu.memory_space<vmem_shared>>
    tpu.wait_indirect_dma semaphore(%arg9 : memref<!tpu.dma_semaphore, #tpu.memory_space<semaphore_mem>>) src(%dma_wait3A_198 : memref<128x32xf32, #tpu.memory_space<vmem>>) dst(%dma_wait3A_204 : memref<640x32xf32, #tpu.memory_space<vmem_shared>>)
    %dma_wait3A_205 = arith.constant 7 : i32
    %dma_wait3A_206 = arith.constant 896 : i32
    %dma_wait3A_207 = arith.constant 0 : i32
    %dma_wait3A_208 = tpu.memref_slice %arg6[%dma_wait3A_206, %dma_wait3A_207] : memref<1664x32xf32, #tpu.memory_space<vmem>> -> memref<128x32xf32, #tpu.memory_space<vmem>>
    %dma_wait3A_209 = arith.constant 0 : i32
    %dma_wait3A_210 = tpu.memref_slice %arg7[%dma_wait3A_205, %dma_wait3A_209] : memref<13x128xi32, #tpu.memory_space<vmem>> -> memref<1x128xi32, #tpu.memory_space<vmem>>
    %dma_wait3A_211 = tpu.memref_squeeze %dma_wait3A_210 : memref<1x128xi32, #tpu.memory_space<vmem>> -> memref<128xi32, #tpu.memory_space<vmem>>
    %dma_wait3A_212 = arith.constant 0 : i32
    %dma_wait3A_213 = arith.constant 0 : i32
    %dma_wait3A_214 = tpu.memref_slice %arg8[%dma_wait3A_212, %dma_wait3A_213] : memref<640x32xf32, #tpu.memory_space<vmem_shared>> -> memref<640x32xf32, #tpu.memory_space<vmem_shared>>
    tpu.wait_indirect_dma semaphore(%arg9 : memref<!tpu.dma_semaphore, #tpu.memory_space<semaphore_mem>>) src(%dma_wait3A_208 : memref<128x32xf32, #tpu.memory_space<vmem>>) dst(%dma_wait3A_214 : memref<640x32xf32, #tpu.memory_space<vmem_shared>>)
    %dma_wait3A_215 = arith.constant 8 : i32
    %dma_wait3A_216 = arith.constant 1024 : i32
    %dma_wait3A_217 = arith.constant 0 : i32
    %dma_wait3A_218 = tpu.memref_slice %arg6[%dma_wait3A_216, %dma_wait3A_217] : memref<1664x32xf32, #tpu.memory_space<vmem>> -> memref<128x32xf32, #tpu.memory_space<vmem>>
    %dma_wait3A_219 = arith.constant 0 : i32
    %dma_wait3A_220 = tpu.memref_slice %arg7[%dma_wait3A_215, %dma_wait3A_219] : memref<13x128xi32, #tpu.memory_space<vmem>> -> memref<1x128xi32, #tpu.memory_space<vmem>>
    %dma_wait3A_221 = tpu.memref_squeeze %dma_wait3A_220 : memref<1x128xi32, #tpu.memory_space<vmem>> -> memref<128xi32, #tpu.memory_space<vmem>>
    %dma_wait3A_222 = arith.constant 0 : i32
    %dma_wait3A_223 = arith.constant 0 : i32
    %dma_wait3A_224 = tpu.memref_slice %arg8[%dma_wait3A_222, %dma_wait3A_223] : memref<640x32xf32, #tpu.memory_space<vmem_shared>> -> memref<640x32xf32, #tpu.memory_space<vmem_shared>>
    tpu.wait_indirect_dma semaphore(%arg9 : memref<!tpu.dma_semaphore, #tpu.memory_space<semaphore_mem>>) src(%dma_wait3A_218 : memref<128x32xf32, #tpu.memory_space<vmem>>) dst(%dma_wait3A_224 : memref<640x32xf32, #tpu.memory_space<vmem_shared>>)
    %dma_wait3A_225 = arith.constant 9 : i32
    %dma_wait3A_226 = arith.constant 1152 : i32
    %dma_wait3A_227 = arith.constant 0 : i32
    %dma_wait3A_228 = tpu.memref_slice %arg6[%dma_wait3A_226, %dma_wait3A_227] : memref<1664x32xf32, #tpu.memory_space<vmem>> -> memref<128x32xf32, #tpu.memory_space<vmem>>
    %dma_wait3A_229 = arith.constant 0 : i32
    %dma_wait3A_230 = tpu.memref_slice %arg7[%dma_wait3A_225, %dma_wait3A_229] : memref<13x128xi32, #tpu.memory_space<vmem>> -> memref<1x128xi32, #tpu.memory_space<vmem>>
    %dma_wait3A_231 = tpu.memref_squeeze %dma_wait3A_230 : memref<1x128xi32, #tpu.memory_space<vmem>> -> memref<128xi32, #tpu.memory_space<vmem>>
    %dma_wait3A_232 = arith.constant 0 : i32
    %dma_wait3A_233 = arith.constant 0 : i32
    %dma_wait3A_234 = tpu.memref_slice %arg8[%dma_wait3A_232, %dma_wait3A_233] : memref<640x32xf32, #tpu.memory_space<vmem_shared>> -> memref<640x32xf32, #tpu.memory_space<vmem_shared>>
    tpu.wait_indirect_dma semaphore(%arg9 : memref<!tpu.dma_semaphore, #tpu.memory_space<semaphore_mem>>) src(%dma_wait3A_228 : memref<128x32xf32, #tpu.memory_space<vmem>>) dst(%dma_wait3A_234 : memref<640x32xf32, #tpu.memory_space<vmem_shared>>)
    %dma_wait3A_235 = arith.constant 10 : i32
    %dma_wait3A_236 = arith.constant 1280 : i32
    %dma_wait3A_237 = arith.constant 0 : i32
    %dma_wait3A_238 = tpu.memref_slice %arg6[%dma_wait3A_236, %dma_wait3A_237] : memref<1664x32xf32, #tpu.memory_space<vmem>> -> memref<128x32xf32, #tpu.memory_space<vmem>>
    %dma_wait3A_239 = arith.constant 0 : i32
    %dma_wait3A_240 = tpu.memref_slice %arg7[%dma_wait3A_235, %dma_wait3A_239] : memref<13x128xi32, #tpu.memory_space<vmem>> -> memref<1x128xi32, #tpu.memory_space<vmem>>
    %dma_wait3A_241 = tpu.memref_squeeze %dma_wait3A_240 : memref<1x128xi32, #tpu.memory_space<vmem>> -> memref<128xi32, #tpu.memory_space<vmem>>
    %dma_wait3A_242 = arith.constant 0 : i32
    %dma_wait3A_243 = arith.constant 0 : i32
    %dma_wait3A_244 = tpu.memref_slice %arg8[%dma_wait3A_242, %dma_wait3A_243] : memref<640x32xf32, #tpu.memory_space<vmem_shared>> -> memref<640x32xf32, #tpu.memory_space<vmem_shared>>
    tpu.wait_indirect_dma semaphore(%arg9 : memref<!tpu.dma_semaphore, #tpu.memory_space<semaphore_mem>>) src(%dma_wait3A_238 : memref<128x32xf32, #tpu.memory_space<vmem>>) dst(%dma_wait3A_244 : memref<640x32xf32, #tpu.memory_space<vmem_shared>>)
    %dma_wait3A_245 = arith.constant 11 : i32
    %dma_wait3A_246 = arith.constant 1408 : i32
    %dma_wait3A_247 = arith.constant 0 : i32
    %dma_wait3A_248 = tpu.memref_slice %arg6[%dma_wait3A_246, %dma_wait3A_247] : memref<1664x32xf32, #tpu.memory_space<vmem>> -> memref<128x32xf32, #tpu.memory_space<vmem>>
    %dma_wait3A_249 = arith.constant 0 : i32
    %dma_wait3A_250 = tpu.memref_slice %arg7[%dma_wait3A_245, %dma_wait3A_249] : memref<13x128xi32, #tpu.memory_space<vmem>> -> memref<1x128xi32, #tpu.memory_space<vmem>>
    %dma_wait3A_251 = tpu.memref_squeeze %dma_wait3A_250 : memref<1x128xi32, #tpu.memory_space<vmem>> -> memref<128xi32, #tpu.memory_space<vmem>>
    %dma_wait3A_252 = arith.constant 0 : i32
    %dma_wait3A_253 = arith.constant 0 : i32
    %dma_wait3A_254 = tpu.memref_slice %arg8[%dma_wait3A_252, %dma_wait3A_253] : memref<640x32xf32, #tpu.memory_space<vmem_shared>> -> memref<640x32xf32, #tpu.memory_space<vmem_shared>>
    tpu.wait_indirect_dma semaphore(%arg9 : memref<!tpu.dma_semaphore, #tpu.memory_space<semaphore_mem>>) src(%dma_wait3A_248 : memref<128x32xf32, #tpu.memory_space<vmem>>) dst(%dma_wait3A_254 : memref<640x32xf32, #tpu.memory_space<vmem_shared>>)
    %dma_wait3A_255 = arith.constant 12 : i32
    %dma_wait3A_256 = arith.constant 1536 : i32
    %dma_wait3A_257 = arith.constant 0 : i32
    %dma_wait3A_258 = tpu.memref_slice %arg6[%dma_wait3A_256, %dma_wait3A_257] : memref<1664x32xf32, #tpu.memory_space<vmem>> -> memref<128x32xf32, #tpu.memory_space<vmem>>
    %dma_wait3A_259 = arith.constant 0 : i32
    %dma_wait3A_260 = tpu.memref_slice %arg7[%dma_wait3A_255, %dma_wait3A_259] : memref<13x128xi32, #tpu.memory_space<vmem>> -> memref<1x128xi32, #tpu.memory_space<vmem>>
    %dma_wait3A_261 = tpu.memref_squeeze %dma_wait3A_260 : memref<1x128xi32, #tpu.memory_space<vmem>> -> memref<128xi32, #tpu.memory_space<vmem>>
    %dma_wait3A_262 = arith.constant 0 : i32
    %dma_wait3A_263 = arith.constant 0 : i32
    %dma_wait3A_264 = tpu.memref_slice %arg8[%dma_wait3A_262, %dma_wait3A_263] : memref<640x32xf32, #tpu.memory_space<vmem_shared>> -> memref<640x32xf32, #tpu.memory_space<vmem_shared>>
    tpu.wait_indirect_dma semaphore(%arg9 : memref<!tpu.dma_semaphore, #tpu.memory_space<semaphore_mem>>) src(%dma_wait3A_258 : memref<128x32xf32, #tpu.memory_space<vmem>>) dst(%dma_wait3A_264 : memref<640x32xf32, #tpu.memory_space<vmem_shared>>)
    %barrier3A_265 = arith.constant 0 : index
    tpu.barrier barrier_id(%barrier3A_265)
    %mul3A_266 = arith.constant 40 : i32
    %mul3A_267 = arith.muli %arg1, %mul3A_266 : i32
    %mul3A_268 = arith.constant 40 : i32
    %mul3A_269 = arith.muli %arg1, %mul3A_268 : i32
    "tpu.region"() ({
      %run_scoped3A = tpu.sem_alloc : memref<!tpu.dma_semaphore, #tpu.memory_space<semaphore_mem>>
      %dma_start3A_270 = arith.constant 0 : i32
      %dma_start3A_271 = tpu.memref_slice %arg5[%arg0, %mul3A_269, %dma_start3A_270] : memref<2x640x32xf32, #tpu.memory_space<hbm>> -> memref<1x40x32xf32, #tpu.memory_space<hbm>>
      %dma_start3A_272 = tpu.memref_squeeze %dma_start3A_271 : memref<1x40x32xf32, #tpu.memory_space<hbm>> -> memref<40x32xf32, #tpu.memory_space<hbm>>
      %dma_start3A_273 = arith.constant 0 : i32
      %dma_start3A_274 = tpu.memref_slice %arg8[%mul3A_267, %dma_start3A_273] : memref<640x32xf32, #tpu.memory_space<vmem_shared>> -> memref<40x32xf32, #tpu.memory_space<vmem_shared>>
      tpu.enqueue_dma source(%dma_start3A_274 : memref<40x32xf32, #tpu.memory_space<vmem_shared>>) target(%dma_start3A_272 : memref<40x32xf32, #tpu.memory_space<hbm>>) target_semaphore(%run_scoped3A : memref<!tpu.dma_semaphore, #tpu.memory_space<semaphore_mem>>)
      %dma_wait3A_275 = arith.constant 0 : i32
      %dma_wait3A_276 = tpu.memref_slice %arg5[%arg0, %mul3A_269, %dma_wait3A_275] : memref<2x640x32xf32, #tpu.memory_space<hbm>> -> memref<1x40x32xf32, #tpu.memory_space<hbm>>
      %dma_wait3A_277 = tpu.memref_squeeze %dma_wait3A_276 : memref<1x40x32xf32, #tpu.memory_space<hbm>> -> memref<40x32xf32, #tpu.memory_space<hbm>>
      %dma_wait3A_278 = arith.constant 0 : i32
      %dma_wait3A_279 = tpu.memref_slice %arg8[%mul3A_267, %dma_wait3A_278] : memref<640x32xf32, #tpu.memory_space<vmem_shared>> -> memref<40x32xf32, #tpu.memory_space<vmem_shared>>
      tpu.wait_dma2 semaphore(%run_scoped3A : memref<!tpu.dma_semaphore, #tpu.memory_space<semaphore_mem>>) src(%dma_wait3A_279 : memref<40x32xf32, #tpu.memory_space<vmem_shared>>) dst(%dma_wait3A_277 : memref<40x32xf32, #tpu.memory_space<hbm>>)
      tpu.yield
    }) : () -> ()
    return
  }
}

module attributes {stable_mosaic.version = 14 : i64} {
  func.func @_mm_body(%arg0: i32, %arg1: memref<512x312xf32, #tpu.memory_space<vmem>>, %arg2: memref<312x128xf32, #tpu.memory_space<vmem>>, %arg3: memref<512x128xf32, #tpu.memory_space<vmem>>) attributes {dimension_semantics = [#tpu.dimension_semantics<arbitrary>], iteration_bounds = array<i64: 25>, scalar_prefetch = 0 : i64, scratch_operands = 0 : i64, tpu.core_type = #tpu.core_type<tc>, window_params = [{transform_indices = @transform_0, window_bounds = array<i64: 512, 312>}, {pipeline_mode = #tpu.pipeline_mode<synchronous>, transform_indices = @transform_1, window_bounds = array<i64: 312, 128>}, {transform_indices = @transform_2, window_bounds = array<i64: 512, 128>}]} {
    %get3A = arith.constant 0 : index
    %get3A_0 = arith.constant 0 : index
    %get3A_1 = vector.load %arg1[%get3A, %get3A_0] : memref<512x312xf32, #tpu.memory_space<vmem>>, vector<512x312xf32>
    %get3A_2 = arith.constant 0 : index
    %get3A_3 = arith.constant 0 : index
    %get3A_4 = vector.load %arg2[%get3A_2, %get3A_3] : memref<312x128xf32, #tpu.memory_space<vmem>>, vector<312x128xf32>
    %dot_general3A = arith.constant dense<0.000000e+00> : vector<512x128xf32>
    %dot_general3A_5 = tpu.matmul %get3A_1, %get3A_4, %dot_general3A {dimension_numbers = #tpu.dot_dimension_numbers<[1], [0], [0], [1], [0, 0, 1, 1], [], []>, transpose_lhs_hint = false} : vector<512x312xf32>, vector<312x128xf32>, vector<512x128xf32> -> vector<512x128xf32>
    %swap3A = arith.constant 0 : index
    %swap3A_6 = arith.constant 0 : index
    %swap3A_7 = vector.load %arg3[%swap3A, %swap3A_6] : memref<512x128xf32, #tpu.memory_space<vmem>>, vector<512x128xf32>
    tpu.vector_store %arg3[%swap3A, %swap3A_6], %dot_general3A_5 {strides = array<i32>} : memref<512x128xf32, #tpu.memory_space<vmem>>, vector<512x128xf32>,
    return
  }
  func.func @transform_0(%arg0: i32) -> (i32, i32) {
    %c0_i32 = arith.constant 0 : i32
    %c0_i32_0 = arith.constant 0 : i32
    return %arg0, %c0_i32 : i32, i32
  }
  func.func @transform_1(%arg0: i32) -> (i32, i32) {
    %c0_i32 = arith.constant 0 : i32
    %c0_i32_0 = arith.constant 0 : i32
    %c0_i32_1 = arith.constant 0 : i32
    return %c0_i32, %c0_i32_0 : i32, i32
  }
  func.func @transform_2(%arg0: i32) -> (i32, i32) {
    %c0_i32 = arith.constant 0 : i32
    %c0_i32_0 = arith.constant 0 : i32
    return %arg0, %c0_i32 : i32, i32
  }
}

module attributes {stable_mosaic.version = 14 : i64} {
  func.func @_combine_body(%arg0: i32, %arg1: memref<1664x128xf32, #tpu.memory_space<vmem>>, %arg2: memref<2x1664x128xf32, #tpu.memory_space<vmem>>, %arg3: memref<128x128xf32, #tpu.memory_space<vmem>>, %arg4: memref<128x128xf32, #tpu.memory_space<vmem>>, %arg5: memref<4x128xf32, #tpu.memory_space<vmem>>, %arg6: memref<1664x128xf32, #tpu.memory_space<vmem>>) attributes {dimension_semantics = [#tpu.dimension_semantics<arbitrary>], iteration_bounds = array<i64: 8>, scalar_prefetch = 0 : i64, scratch_operands = 0 : i64, tpu.core_type = #tpu.core_type<tc>, window_params = [{transform_indices = @transform_0, window_bounds = array<i64: 1664, 128>}, {transform_indices = @transform_1, window_bounds = array<i64: 2, 1664, 128>}, {pipeline_mode = #tpu.pipeline_mode<synchronous>, transform_indices = @transform_2, window_bounds = array<i64: 128, 128>}, {pipeline_mode = #tpu.pipeline_mode<synchronous>, transform_indices = @transform_3, window_bounds = array<i64: 128, 128>}, {pipeline_mode = #tpu.pipeline_mode<synchronous>, transform_indices = @transform_4, window_bounds = array<i64: 4, 128>}, {transform_indices = @transform_5, window_bounds = array<i64: 1664, 128>}]} {
    %get3A = arith.constant 0 : index
    %get3A_0 = arith.constant 0 : index
    %get3A_1 = vector.load %arg5[%get3A, %get3A_0] : memref<4x128xf32, #tpu.memory_space<vmem>>, vector<4x128xf32>
    %get3A_2 = arith.constant 0 : index
    %get3A_3 = arith.constant 0 : index
    %get3A_4 = arith.constant 0 : index
    %get3A_5 = vector.load %arg2[%get3A_2, %get3A_3, %get3A_4] : memref<2x1664x128xf32, #tpu.memory_space<vmem>>, vector<2x1664x128xf32>
    %get3A_6 = arith.constant 0 : index
    %get3A_7 = arith.constant 0 : index
    %get3A_8 = vector.load %arg1[%get3A_6, %get3A_7] : memref<1664x128xf32, #tpu.memory_space<vmem>>, vector<1664x128xf32>
    %slice3A = vector.extract_strided_slice %get3A_5 {offsets = [0, 0, 0], sizes = [1, 1664, 128], strides = [1, 1, 1]} : vector<2x1664x128xf32> to vector<1x1664x128xf32>
    %squeeze3A = vector.shape_cast %slice3A : vector<1x1664x128xf32> to vector<1664x128xf32>
    %add3A = arith.addf %get3A_8, %squeeze3A : vector<1664x128xf32>
    %slice3A_9 = vector.extract_strided_slice %get3A_5 {offsets = [1, 0, 0], sizes = [1, 1664, 128], strides = [1, 1, 1]} : vector<2x1664x128xf32> to vector<1x1664x128xf32>
    %squeeze3A_10 = vector.shape_cast %slice3A_9 : vector<1x1664x128xf32> to vector<1664x128xf32>
    %add3A_11 = arith.addf %add3A, %squeeze3A_10 : vector<1664x128xf32>
    %slice3A_12 = vector.extract_strided_slice %get3A_1 {offsets = [0, 0], sizes = [1, 128], strides = [1, 1]} : vector<4x128xf32> to vector<1x128xf32>
    %add3A_13 = vector.broadcast %slice3A_12 : vector<1x128xf32> to vector<1664x128xf32>
    %add3A_14 = arith.addf %add3A_11, %add3A_13 : vector<1664x128xf32>
    %max3A = arith.constant 0.000000e+00 : f32
    %max3A_15 = vector.broadcast %max3A : f32 to vector<1664x128xf32>
    %max3A_16 = arith.maximumf %add3A_14, %max3A_15 : vector<1664x128xf32>
    %get3A_17 = arith.constant 0 : index
    %get3A_18 = arith.constant 0 : index
    %get3A_19 = vector.load %arg3[%get3A_17, %get3A_18] : memref<128x128xf32, #tpu.memory_space<vmem>>, vector<128x128xf32>
    %dot_general3A = arith.constant dense<0.000000e+00> : vector<1664x128xf32>
    %dot_general3A_20 = tpu.matmul %max3A_16, %get3A_19, %dot_general3A {dimension_numbers = #tpu.dot_dimension_numbers<[1], [0], [0], [1], [0, 0, 1, 1], [], []>, transpose_lhs_hint = false} : vector<1664x128xf32>, vector<128x128xf32>, vector<1664x128xf32> -> vector<1664x128xf32>
    %slice3A_21 = vector.extract_strided_slice %get3A_1 {offsets = [1, 0], sizes = [1, 128], strides = [1, 1]} : vector<4x128xf32> to vector<1x128xf32>
    %add3A_22 = vector.broadcast %slice3A_21 : vector<1x128xf32> to vector<1664x128xf32>
    %add3A_23 = arith.addf %dot_general3A_20, %add3A_22 : vector<1664x128xf32>
    %max3A_24 = arith.constant 0.000000e+00 : f32
    %max3A_25 = vector.broadcast %max3A_24 : f32 to vector<1664x128xf32>
    %max3A_26 = arith.maximumf %add3A_23, %max3A_25 : vector<1664x128xf32>
    %slice3A_27 = vector.extract_strided_slice %get3A_1 {offsets = [2, 0], sizes = [1, 128], strides = [1, 1]} : vector<4x128xf32> to vector<1x128xf32>
    %mul3A = vector.broadcast %slice3A_27 : vector<1x128xf32> to vector<1664x128xf32>
    %mul3A_28 = arith.mulf %max3A_26, %mul3A : vector<1664x128xf32>
    %slice3A_29 = vector.extract_strided_slice %get3A_1 {offsets = [3, 0], sizes = [1, 128], strides = [1, 1]} : vector<4x128xf32> to vector<1x128xf32>
    %add3A_30 = vector.broadcast %slice3A_29 : vector<1x128xf32> to vector<1664x128xf32>
    %add3A_31 = arith.addf %mul3A_28, %add3A_30 : vector<1664x128xf32>
    %get3A_32 = arith.constant 0 : index
    %get3A_33 = arith.constant 0 : index
    %get3A_34 = vector.load %arg4[%get3A_32, %get3A_33] : memref<128x128xf32, #tpu.memory_space<vmem>>, vector<128x128xf32>
    %dot_general3A_35 = arith.constant dense<0.000000e+00> : vector<1664x128xf32>
    %dot_general3A_36 = tpu.matmul %add3A_31, %get3A_34, %dot_general3A_35 {dimension_numbers = #tpu.dot_dimension_numbers<[1], [0], [0], [1], [0, 0, 1, 1], [], []>, transpose_lhs_hint = false} : vector<1664x128xf32>, vector<128x128xf32>, vector<1664x128xf32> -> vector<1664x128xf32>
    %swap3A = arith.constant 0 : index
    %swap3A_37 = arith.constant 0 : index
    %swap3A_38 = vector.load %arg6[%swap3A, %swap3A_37] : memref<1664x128xf32, #tpu.memory_space<vmem>>, vector<1664x128xf32>
    tpu.vector_store %arg6[%swap3A, %swap3A_37], %dot_general3A_36 {strides = array<i32>} : memref<1664x128xf32, #tpu.memory_space<vmem>>, vector<1664x128xf32>,
    return
  }
  func.func @transform_0(%arg0: i32) -> (i32, i32) {
    %c0_i32 = arith.constant 0 : i32
    %c0_i32_0 = arith.constant 0 : i32
    return %arg0, %c0_i32 : i32, i32
  }
  func.func @transform_1(%arg0: i32) -> (i32, i32, i32) {
    %c0_i32 = arith.constant 0 : i32
    %c0_i32_0 = arith.constant 0 : i32
    %c0_i32_1 = arith.constant 0 : i32
    return %c0_i32, %arg0, %c0_i32_0 : i32, i32, i32
  }
  func.func @transform_2(%arg0: i32) -> (i32, i32) {
    %c0_i32 = arith.constant 0 : i32
    %c0_i32_0 = arith.constant 0 : i32
    %c0_i32_1 = arith.constant 0 : i32
    return %c0_i32, %c0_i32_0 : i32, i32
  }
  func.func @transform_3(%arg0: i32) -> (i32, i32) {
    %c0_i32 = arith.constant 0 : i32
    %c0_i32_0 = arith.constant 0 : i32
    %c0_i32_1 = arith.constant 0 : i32
    return %c0_i32, %c0_i32_0 : i32, i32
  }
  func.func @transform_4(%arg0: i32) -> (i32, i32) {
    %c0_i32 = arith.constant 0 : i32
    %c0_i32_0 = arith.constant 0 : i32
    %c0_i32_1 = arith.constant 0 : i32
    return %c0_i32, %c0_i32_0 : i32, i32
  }
  func.func @transform_5(%arg0: i32) -> (i32, i32) {
    %c0_i32 = arith.constant 0 : i32
    %c0_i32_0 = arith.constant 0 : i32
    return %arg0, %c0_i32 : i32, i32
  }
}

module attributes {stable_mosaic.version = 14 : i64} {
  func.func @_final_layer_body(%arg0: i32, %arg1: memref<1664x128xf32, #tpu.memory_space<vmem>>, %arg2: memref<2x1664x128xf32, #tpu.memory_space<vmem>>, %arg3: memref<128x128xf32, #tpu.memory_space<vmem>>, %arg4: memref<4x128xf32, #tpu.memory_space<vmem>>, %arg5: memref<1664x128xf32, #tpu.memory_space<vmem>>) attributes {dimension_semantics = [#tpu.dimension_semantics<arbitrary>], iteration_bounds = array<i64: 8>, scalar_prefetch = 0 : i64, scratch_operands = 0 : i64, tpu.core_type = #tpu.core_type<tc>, window_params = [{transform_indices = @transform_0, window_bounds = array<i64: 1664, 128>}, {transform_indices = @transform_1, window_bounds = array<i64: 2, 1664, 128>}, {pipeline_mode = #tpu.pipeline_mode<synchronous>, transform_indices = @transform_2, window_bounds = array<i64: 128, 128>}, {pipeline_mode = #tpu.pipeline_mode<synchronous>, transform_indices = @transform_3, window_bounds = array<i64: 4, 128>}, {transform_indices = @transform_4, window_bounds = array<i64: 1664, 128>}]} {
    %get3A = arith.constant 0 : index
    %get3A_0 = arith.constant 0 : index
    %get3A_1 = vector.load %arg4[%get3A, %get3A_0] : memref<4x128xf32, #tpu.memory_space<vmem>>, vector<4x128xf32>
    %get3A_2 = arith.constant 0 : index
    %get3A_3 = arith.constant 0 : index
    %get3A_4 = arith.constant 0 : index
    %get3A_5 = vector.load %arg2[%get3A_2, %get3A_3, %get3A_4] : memref<2x1664x128xf32, #tpu.memory_space<vmem>>, vector<2x1664x128xf32>
    %get3A_6 = arith.constant 0 : index
    %get3A_7 = arith.constant 0 : index
    %get3A_8 = vector.load %arg1[%get3A_6, %get3A_7] : memref<1664x128xf32, #tpu.memory_space<vmem>>, vector<1664x128xf32>
    %slice3A = vector.extract_strided_slice %get3A_5 {offsets = [0, 0, 0], sizes = [1, 1664, 128], strides = [1, 1, 1]} : vector<2x1664x128xf32> to vector<1x1664x128xf32>
    %squeeze3A = vector.shape_cast %slice3A : vector<1x1664x128xf32> to vector<1664x128xf32>
    %add3A = arith.addf %get3A_8, %squeeze3A : vector<1664x128xf32>
    %slice3A_9 = vector.extract_strided_slice %get3A_5 {offsets = [1, 0, 0], sizes = [1, 1664, 128], strides = [1, 1, 1]} : vector<2x1664x128xf32> to vector<1x1664x128xf32>
    %squeeze3A_10 = vector.shape_cast %slice3A_9 : vector<1x1664x128xf32> to vector<1664x128xf32>
    %add3A_11 = arith.addf %add3A, %squeeze3A_10 : vector<1664x128xf32>
    %slice3A_12 = vector.extract_strided_slice %get3A_1 {offsets = [0, 0], sizes = [1, 128], strides = [1, 1]} : vector<4x128xf32> to vector<1x128xf32>
    %add3A_13 = vector.broadcast %slice3A_12 : vector<1x128xf32> to vector<1664x128xf32>
    %add3A_14 = arith.addf %add3A_11, %add3A_13 : vector<1664x128xf32>
    %max3A = arith.constant 0.000000e+00 : f32
    %max3A_15 = vector.broadcast %max3A : f32 to vector<1664x128xf32>
    %max3A_16 = arith.maximumf %add3A_14, %max3A_15 : vector<1664x128xf32>
    %get3A_17 = arith.constant 0 : index
    %get3A_18 = arith.constant 0 : index
    %get3A_19 = vector.load %arg3[%get3A_17, %get3A_18] : memref<128x128xf32, #tpu.memory_space<vmem>>, vector<128x128xf32>
    %dot_general3A = arith.constant dense<0.000000e+00> : vector<1664x128xf32>
    %dot_general3A_20 = tpu.matmul %max3A_16, %get3A_19, %dot_general3A {dimension_numbers = #tpu.dot_dimension_numbers<[1], [0], [0], [1], [0, 0, 1, 1], [], []>, transpose_lhs_hint = false} : vector<1664x128xf32>, vector<128x128xf32>, vector<1664x128xf32> -> vector<1664x128xf32>
    %slice3A_21 = vector.extract_strided_slice %get3A_1 {offsets = [1, 0], sizes = [1, 128], strides = [1, 1]} : vector<4x128xf32> to vector<1x128xf32>
    %add3A_22 = vector.broadcast %slice3A_21 : vector<1x128xf32> to vector<1664x128xf32>
    %add3A_23 = arith.addf %dot_general3A_20, %add3A_22 : vector<1664x128xf32>
    %max3A_24 = arith.constant 0.000000e+00 : f32
    %max3A_25 = vector.broadcast %max3A_24 : f32 to vector<1664x128xf32>
    %max3A_26 = arith.maximumf %add3A_23, %max3A_25 : vector<1664x128xf32>
    %slice3A_27 = vector.extract_strided_slice %get3A_1 {offsets = [2, 0], sizes = [1, 128], strides = [1, 1]} : vector<4x128xf32> to vector<1x128xf32>
    %mul3A = vector.broadcast %slice3A_27 : vector<1x128xf32> to vector<1664x128xf32>
    %mul3A_28 = arith.mulf %max3A_26, %mul3A : vector<1664x128xf32>
    %slice3A_29 = vector.extract_strided_slice %get3A_1 {offsets = [3, 0], sizes = [1, 128], strides = [1, 1]} : vector<4x128xf32> to vector<1x128xf32>
    %add3A_30 = vector.broadcast %slice3A_29 : vector<1x128xf32> to vector<1664x128xf32>
    %add3A_31 = arith.addf %mul3A_28, %add3A_30 : vector<1664x128xf32>
    %swap3A = arith.constant 0 : index
    %swap3A_32 = arith.constant 0 : index
    %swap3A_33 = vector.load %arg5[%swap3A, %swap3A_32] : memref<1664x128xf32, #tpu.memory_space<vmem>>, vector<1664x128xf32>
    tpu.vector_store %arg5[%swap3A, %swap3A_32], %add3A_31 {strides = array<i32>} : memref<1664x128xf32, #tpu.memory_space<vmem>>, vector<1664x128xf32>,
    return
  }
  func.func @transform_0(%arg0: i32) -> (i32, i32) {
    %c0_i32 = arith.constant 0 : i32
    %c0_i32_0 = arith.constant 0 : i32
    return %arg0, %c0_i32 : i32, i32
  }
  func.func @transform_1(%arg0: i32) -> (i32, i32, i32) {
    %c0_i32 = arith.constant 0 : i32
    %c0_i32_0 = arith.constant 0 : i32
    %c0_i32_1 = arith.constant 0 : i32
    return %c0_i32, %arg0, %c0_i32_0 : i32, i32, i32
  }
  func.func @transform_2(%arg0: i32) -> (i32, i32) {
    %c0_i32 = arith.constant 0 : i32
    %c0_i32_0 = arith.constant 0 : i32
    %c0_i32_1 = arith.constant 0 : i32
    return %c0_i32, %c0_i32_0 : i32, i32
  }
  func.func @transform_3(%arg0: i32) -> (i32, i32) {
    %c0_i32 = arith.constant 0 : i32
    %c0_i32_0 = arith.constant 0 : i32
    %c0_i32_1 = arith.constant 0 : i32
    return %c0_i32, %c0_i32_0 : i32, i32
  }
  func.func @transform_4(%arg0: i32) -> (i32, i32) {
    %c0_i32 = arith.constant 0 : i32
    %c0_i32_0 = arith.constant 0 : i32
    return %arg0, %c0_i32 : i32, i32
  }
}

module attributes {stable_mosaic.version = 14 : i64} {
  func.func @_q_body(%arg0: i32, %arg1: memref<512x1500xi32, #tpu.memory_space<vmem>>, %arg2: memref<1500x256xf32, #tpu.memory_space<vmem>>, %arg3: memref<1x512x256xf32, #tpu.memory_space<vmem>>) attributes {dimension_semantics = [#tpu.dimension_semantics<arbitrary>], iteration_bounds = array<i64: 26>, scalar_prefetch = 0 : i64, scratch_operands = 0 : i64, tpu.core_type = #tpu.core_type<tc>, window_params = [{pipeline_mode = #tpu.pipeline_mode<synchronous>, transform_indices = @transform_0, window_bounds = array<i64: 512, 1500>}, {pipeline_mode = #tpu.pipeline_mode<synchronous>, transform_indices = @transform_1, window_bounds = array<i64: 1500, 256>}, {transform_indices = @transform_2, window_bounds = array<i64: 1, 512, 256>}]} {
    %get3A = arith.constant 0 : index
    %get3A_0 = arith.constant 0 : index
    %get3A_1 = vector.load %arg1[%get3A, %get3A_0] : memref<512x1500xi32, #tpu.memory_space<vmem>>, vector<512x1500xi32>
    %eq3A = vector.broadcast %arg0 : i32 to vector<512x1500xi32>
    %eq3A_2 = arith.cmpi eq, %get3A_1, %eq3A : vector<512x1500xi32>
    %convert_element_type3A = arith.extui %eq3A_2 : vector<512x1500xi1> to vector<512x1500xi32>
    %convert_element_type3A_3 = arith.sitofp %convert_element_type3A : vector<512x1500xi32> to vector<512x1500xf32>
    %get3A_4 = arith.constant 0 : index
    %get3A_5 = arith.constant 0 : index
    %get3A_6 = vector.load %arg2[%get3A_4, %get3A_5] : memref<1500x256xf32, #tpu.memory_space<vmem>>, vector<1500x256xf32>
    %dot_general3A = arith.constant dense<0.000000e+00> : vector<512x256xf32>
    %dot_general3A_7 = tpu.matmul %convert_element_type3A_3, %get3A_6, %dot_general3A {dimension_numbers = #tpu.dot_dimension_numbers<[1], [0], [0], [1], [0, 0, 1, 1], [], []>, transpose_lhs_hint = false} : vector<512x1500xf32>, vector<1500x256xf32>, vector<512x256xf32> -> vector<512x256xf32>
    %broadcast_in_dim3A = vector.shape_cast %dot_general3A_7 : vector<512x256xf32> to vector<1x512x256xf32>
    %swap3A = arith.constant 0 : index
    %swap3A_8 = arith.constant 0 : index
    %swap3A_9 = arith.constant 0 : index
    %swap3A_10 = vector.load %arg3[%swap3A, %swap3A_8, %swap3A_9] : memref<1x512x256xf32, #tpu.memory_space<vmem>>, vector<1x512x256xf32>
    tpu.vector_store %arg3[%swap3A, %swap3A_8, %swap3A_9], %broadcast_in_dim3A {strides = array<i32>} : memref<1x512x256xf32, #tpu.memory_space<vmem>>, vector<1x512x256xf32>,
    return
  }
  func.func @transform_0(%arg0: i32) -> (i32, i32) {
    %c0_i32 = arith.constant 0 : i32
    %c0_i32_0 = arith.constant 0 : i32
    %c0_i32_1 = arith.constant 0 : i32
    return %c0_i32, %c0_i32_0 : i32, i32
  }
  func.func @transform_1(%arg0: i32) -> (i32, i32) {
    %c0_i32 = arith.constant 0 : i32
    %c0_i32_0 = arith.constant 0 : i32
    %c0_i32_1 = arith.constant 0 : i32
    return %c0_i32, %c0_i32_0 : i32, i32
  }
  func.func @transform_2(%arg0: i32) -> (i32, i32, i32) {
    %c0_i32 = arith.constant 0 : i32
    %c0_i32_0 = arith.constant 0 : i32
    %c0_i32_1 = arith.constant 0 : i32
    return %arg0, %c0_i32, %c0_i32_0 : i32, i32, i32
  }
}

module attributes {stable_mosaic.version = 14 : i64} {
  func.func @_conv2_body(%arg0: i32, %arg1: memref<2048x208xf32, #tpu.memory_space<vmem>>, %arg2: memref<208x121xf32, #tpu.memory_space<vmem>>, %arg3: memref<2048x1xf32, #tpu.memory_space<vmem>>, %arg4: memref<2048x121xf32, #tpu.memory_space<vmem>>) attributes {dimension_semantics = [#tpu.dimension_semantics<arbitrary>], iteration_bounds = array<i64: 8>, scalar_prefetch = 0 : i64, scratch_operands = 0 : i64, tpu.core_type = #tpu.core_type<tc>, window_params = [{transform_indices = @transform_0, window_bounds = array<i64: 2048, 208>}, {pipeline_mode = #tpu.pipeline_mode<synchronous>, transform_indices = @transform_1, window_bounds = array<i64: 208, 121>}, {pipeline_mode = #tpu.pipeline_mode<synchronous>, transform_indices = @transform_2, window_bounds = array<i64: 2048, 1>}, {transform_indices = @transform_3, window_bounds = array<i64: 2048, 121>}]} {
    %get3A = arith.constant 0 : index
    %get3A_0 = arith.constant 0 : index
    %get3A_1 = vector.load %arg1[%get3A, %get3A_0] : memref<2048x208xf32, #tpu.memory_space<vmem>>, vector<2048x208xf32>
    %get3A_2 = arith.constant 0 : index
    %get3A_3 = arith.constant 0 : index
    %get3A_4 = vector.load %arg2[%get3A_2, %get3A_3] : memref<208x121xf32, #tpu.memory_space<vmem>>, vector<208x121xf32>
    %dot_general3A = arith.constant dense<0.000000e+00> : vector<2048x121xf32>
    %dot_general3A_5 = tpu.matmul %get3A_1, %get3A_4, %dot_general3A {dimension_numbers = #tpu.dot_dimension_numbers<[1], [0], [0], [1], [0, 0, 1, 1], [], []>, transpose_lhs_hint = false} : vector<2048x208xf32>, vector<208x121xf32>, vector<2048x121xf32> -> vector<2048x121xf32>
    %get3A_6 = arith.constant 0 : index
    %get3A_7 = arith.constant 0 : index
    %get3A_8 = vector.load %arg3[%get3A_6, %get3A_7] : memref<2048x1xf32, #tpu.memory_space<vmem>>, vector<2048x1xf32>
    %add3A = vector.broadcast %get3A_8 : vector<2048x1xf32> to vector<2048x121xf32>
    %add3A_9 = arith.addf %dot_general3A_5, %add3A : vector<2048x121xf32>
    %swap3A = arith.constant 0 : index
    %swap3A_10 = arith.constant 0 : index
    %swap3A_11 = vector.load %arg4[%swap3A, %swap3A_10] : memref<2048x121xf32, #tpu.memory_space<vmem>>, vector<2048x121xf32>
    tpu.vector_store %arg4[%swap3A, %swap3A_10], %add3A_9 {strides = array<i32>} : memref<2048x121xf32, #tpu.memory_space<vmem>>, vector<2048x121xf32>,
    return
  }
  func.func @transform_0(%arg0: i32) -> (i32, i32) {
    %c0_i32 = arith.constant 0 : i32
    %c0_i32_0 = arith.constant 0 : i32
    return %arg0, %c0_i32 : i32, i32
  }
  func.func @transform_1(%arg0: i32) -> (i32, i32) {
    %c0_i32 = arith.constant 0 : i32
    %c0_i32_0 = arith.constant 0 : i32
    %c0_i32_1 = arith.constant 0 : i32
    return %c0_i32, %c0_i32_0 : i32, i32
  }
  func.func @transform_2(%arg0: i32) -> (i32, i32) {
    %c0_i32 = arith.constant 0 : i32
    %c0_i32_0 = arith.constant 0 : i32
    %c0_i32_1 = arith.constant 0 : i32
    return %c0_i32, %c0_i32_0 : i32, i32
  }
  func.func @transform_3(%arg0: i32) -> (i32, i32) {
    %c0_i32 = arith.constant 0 : i32
    %c0_i32_0 = arith.constant 0 : i32
    return %arg0, %c0_i32 : i32, i32
  }
}

module attributes {stable_mosaic.version = 14 : i64} {
  func.func @_xt_body(%arg0: memref<512x3872xf32, #tpu.memory_space<vmem>>, %arg1: memref<3872x128xf32, #tpu.memory_space<vmem>>, %arg2: memref<1x128xf32, #tpu.memory_space<vmem>>, %arg3: memref<512x128xf32, #tpu.memory_space<vmem>>) attributes {dimension_semantics = [], scalar_prefetch = 0 : i64, scratch_operands = 0 : i64, tpu.core_type = #tpu.core_type<tc>} {
    %get3A = arith.constant 0 : index
    %get3A_0 = arith.constant 0 : index
    %get3A_1 = vector.load %arg0[%get3A, %get3A_0] : memref<512x3872xf32, #tpu.memory_space<vmem>>, vector<512x3872xf32>
    %get3A_2 = arith.constant 0 : index
    %get3A_3 = arith.constant 0 : index
    %get3A_4 = vector.load %arg1[%get3A_2, %get3A_3] : memref<3872x128xf32, #tpu.memory_space<vmem>>, vector<3872x128xf32>
    %dot_general3A = arith.constant dense<0.000000e+00> : vector<512x128xf32>
    %dot_general3A_5 = tpu.matmul %get3A_1, %get3A_4, %dot_general3A {dimension_numbers = #tpu.dot_dimension_numbers<[1], [0], [0], [1], [0, 0, 1, 1], [], []>, transpose_lhs_hint = false} : vector<512x3872xf32>, vector<3872x128xf32>, vector<512x128xf32> -> vector<512x128xf32>
    %get3A_6 = arith.constant 0 : index
    %get3A_7 = arith.constant 0 : index
    %get3A_8 = vector.load %arg2[%get3A_6, %get3A_7] : memref<1x128xf32, #tpu.memory_space<vmem>>, vector<1x128xf32>
    %add3A = vector.broadcast %get3A_8 : vector<1x128xf32> to vector<512x128xf32>
    %add3A_9 = arith.addf %dot_general3A_5, %add3A : vector<512x128xf32>
    %swap3A = arith.constant 0 : index
    %swap3A_10 = arith.constant 0 : index
    %swap3A_11 = vector.load %arg3[%swap3A, %swap3A_10] : memref<512x128xf32, #tpu.memory_space<vmem>>, vector<512x128xf32>
    tpu.vector_store %arg3[%swap3A, %swap3A_10], %add3A_9 {strides = array<i32>} : memref<512x128xf32, #tpu.memory_space<vmem>>, vector<512x128xf32>,
    return
  }
}

module attributes {stable_mosaic.version = 14 : i64} {
  func.func @_head_body(%arg0: memref<2x640x32xf32, #tpu.memory_space<vmem>>, %arg1: memref<512x128xf32, #tpu.memory_space<vmem>>, %arg2: memref<32x128xf32, #tpu.memory_space<vmem>>, %arg3: memref<1x128xf32, #tpu.memory_space<vmem>>, %arg4: memref<128x1024xf32, #tpu.memory_space<vmem>>, %arg5: memref<128x1024xf32, #tpu.memory_space<vmem>>, %arg6: memref<1x1024xf32, #tpu.memory_space<vmem>>, %arg7: memref<1024x256xf32, #tpu.memory_space<vmem>>, %arg8: memref<1x256xf32, #tpu.memory_space<vmem>>, %arg9: memref<256x1xf32, #tpu.memory_space<vmem>>, %arg10: memref<1x1xf32, #tpu.memory_space<vmem>>, %arg11: memref<512x1xf32, #tpu.memory_space<vmem>>) attributes {dimension_semantics = [], scalar_prefetch = 0 : i64, scratch_operands = 0 : i64, tpu.core_type = #tpu.core_type<tc>} {
    %get3A = arith.constant 0 : index
    %get3A_0 = arith.constant 0 : index
    %get3A_1 = arith.constant 0 : index
    %get3A_2 = vector.load %arg0[%get3A, %get3A_0, %get3A_1] : memref<2x640x32xf32, #tpu.memory_space<vmem>>, vector<2x640x32xf32>
    %slice3A = vector.extract_strided_slice %get3A_2 {offsets = [0, 0, 0], sizes = [1, 512, 32], strides = [1, 1, 1]} : vector<2x640x32xf32> to vector<1x512x32xf32>
    %squeeze3A = vector.shape_cast %slice3A : vector<1x512x32xf32> to vector<512x32xf32>
    %slice3A_3 = vector.extract_strided_slice %get3A_2 {offsets = [1, 0, 0], sizes = [1, 512, 32], strides = [1, 1, 1]} : vector<2x640x32xf32> to vector<1x512x32xf32>
    %squeeze3A_4 = vector.shape_cast %slice3A_3 : vector<1x512x32xf32> to vector<512x32xf32>
    %add3A = arith.addf %squeeze3A, %squeeze3A_4 : vector<512x32xf32>
    %get3A_5 = arith.constant 0 : index
    %get3A_6 = arith.constant 0 : index
    %get3A_7 = vector.load %arg2[%get3A_5, %get3A_6] : memref<32x128xf32, #tpu.memory_space<vmem>>, vector<32x128xf32>
    %dot_general3A = arith.constant dense<0.000000e+00> : vector<512x128xf32>
    %dot_general3A_8 = tpu.matmul %add3A, %get3A_7, %dot_general3A {dimension_numbers = #tpu.dot_dimension_numbers<[1], [0], [0], [1], [0, 0, 1, 1], [], []>, transpose_lhs_hint = false} : vector<512x32xf32>, vector<32x128xf32>, vector<512x128xf32> -> vector<512x128xf32>
    %get3A_9 = arith.constant 0 : index
    %get3A_10 = arith.constant 0 : index
    %get3A_11 = vector.load %arg3[%get3A_9, %get3A_10] : memref<1x128xf32, #tpu.memory_space<vmem>>, vector<1x128xf32>
    %add3A_12 = vector.broadcast %get3A_11 : vector<1x128xf32> to vector<512x128xf32>
    %add3A_13 = arith.addf %dot_general3A_8, %add3A_12 : vector<512x128xf32>
    %max3A = arith.constant 0.000000e+00 : f32
    %max3A_14 = vector.broadcast %max3A : f32 to vector<512x128xf32>
    %max3A_15 = arith.maximumf %add3A_13, %max3A_14 : vector<512x128xf32>
    %get3A_16 = arith.constant 0 : index
    %get3A_17 = arith.constant 0 : index
    %get3A_18 = vector.load %arg4[%get3A_16, %get3A_17] : memref<128x1024xf32, #tpu.memory_space<vmem>>, vector<128x1024xf32>
    %dot_general3A_19 = arith.constant dense<0.000000e+00> : vector<512x1024xf32>
    %dot_general3A_20 = tpu.matmul %max3A_15, %get3A_18, %dot_general3A_19 {dimension_numbers = #tpu.dot_dimension_numbers<[1], [0], [0], [1], [0, 0, 1, 1], [], []>, transpose_lhs_hint = false} : vector<512x128xf32>, vector<128x1024xf32>, vector<512x1024xf32> -> vector<512x1024xf32>
    %get3A_21 = arith.constant 0 : index
    %get3A_22 = arith.constant 0 : index
    %get3A_23 = vector.load %arg1[%get3A_21, %get3A_22] : memref<512x128xf32, #tpu.memory_space<vmem>>, vector<512x128xf32>
    %get3A_24 = arith.constant 0 : index
    %get3A_25 = arith.constant 0 : index
    %get3A_26 = vector.load %arg5[%get3A_24, %get3A_25] : memref<128x1024xf32, #tpu.memory_space<vmem>>, vector<128x1024xf32>
    %dot_general3A_27 = arith.constant dense<0.000000e+00> : vector<512x1024xf32>
    %dot_general3A_28 = tpu.matmul %get3A_23, %get3A_26, %dot_general3A_27 {dimension_numbers = #tpu.dot_dimension_numbers<[1], [0], [0], [1], [0, 0, 1, 1], [], []>, transpose_lhs_hint = false} : vector<512x128xf32>, vector<128x1024xf32>, vector<512x1024xf32> -> vector<512x1024xf32>
    %add3A_29 = arith.addf %dot_general3A_20, %dot_general3A_28 : vector<512x1024xf32>
    %get3A_30 = arith.constant 0 : index
    %get3A_31 = arith.constant 0 : index
    %get3A_32 = vector.load %arg6[%get3A_30, %get3A_31] : memref<1x1024xf32, #tpu.memory_space<vmem>>, vector<1x1024xf32>
    %add3A_33 = vector.broadcast %get3A_32 : vector<1x1024xf32> to vector<512x1024xf32>
    %add3A_34 = arith.addf %add3A_29, %add3A_33 : vector<512x1024xf32>
    %max3A_35 = arith.constant 0.000000e+00 : f32
    %max3A_36 = vector.broadcast %max3A_35 : f32 to vector<512x1024xf32>
    %max3A_37 = arith.maximumf %add3A_34, %max3A_36 : vector<512x1024xf32>
    %get3A_38 = arith.constant 0 : index
    %get3A_39 = arith.constant 0 : index
    %get3A_40 = vector.load %arg7[%get3A_38, %get3A_39] : memref<1024x256xf32, #tpu.memory_space<vmem>>, vector<1024x256xf32>
    %dot_general3A_41 = arith.constant dense<0.000000e+00> : vector<512x256xf32>
    %dot_general3A_42 = tpu.matmul %max3A_37, %get3A_40, %dot_general3A_41 {dimension_numbers = #tpu.dot_dimension_numbers<[1], [0], [0], [1], [0, 0, 1, 1], [], []>, transpose_lhs_hint = false} : vector<512x1024xf32>, vector<1024x256xf32>, vector<512x256xf32> -> vector<512x256xf32>
    %get3A_43 = arith.constant 0 : index
    %get3A_44 = arith.constant 0 : index
    %get3A_45 = vector.load %arg8[%get3A_43, %get3A_44] : memref<1x256xf32, #tpu.memory_space<vmem>>, vector<1x256xf32>
    %add3A_46 = vector.broadcast %get3A_45 : vector<1x256xf32> to vector<512x256xf32>
    %add3A_47 = arith.addf %dot_general3A_42, %add3A_46 : vector<512x256xf32>
    %max3A_48 = arith.constant 0.000000e+00 : f32
    %max3A_49 = vector.broadcast %max3A_48 : f32 to vector<512x256xf32>
    %max3A_50 = arith.maximumf %add3A_47, %max3A_49 : vector<512x256xf32>
    %get3A_51 = arith.constant 0 : index
    %get3A_52 = arith.constant 0 : index
    %get3A_53 = vector.load %arg9[%get3A_51, %get3A_52] : memref<256x1xf32, #tpu.memory_space<vmem>>, vector<256x1xf32>
    %dot_general3A_54 = arith.constant dense<0.000000e+00> : vector<512x1xf32>
    %dot_general3A_55 = tpu.matmul %max3A_50, %get3A_53, %dot_general3A_54 {dimension_numbers = #tpu.dot_dimension_numbers<[1], [0], [0], [1], [0, 0, 1, 1], [], []>, transpose_lhs_hint = false} : vector<512x256xf32>, vector<256x1xf32>, vector<512x1xf32> -> vector<512x1xf32>
    %get3A_56 = arith.constant 0 : index
    %get3A_57 = arith.constant 0 : index
    %get3A_58 = vector.load %arg10[%get3A_56, %get3A_57] : memref<1x1xf32, #tpu.memory_space<vmem>>, vector<1x1xf32>
    %add3A_59 = vector.broadcast %get3A_58 : vector<1x1xf32> to vector<512x1xf32>
    %add3A_60 = arith.addf %dot_general3A_55, %add3A_59 : vector<512x1xf32>
    %swap3A = arith.constant 0 : index
    %swap3A_61 = arith.constant 0 : index
    %swap3A_62 = vector.load %arg11[%swap3A, %swap3A_61] : memref<512x1xf32, #tpu.memory_space<vmem>>, vector<512x1xf32>
    tpu.vector_store %arg11[%swap3A, %swap3A_61], %add3A_60 {strides = array<i32>} : memref<512x1xf32, #tpu.memory_space<vmem>>, vector<512x1xf32>,
    return
  }
}

</mosaic_0001>

<sc_bundles>
// kernel: kernel.18.cloned.1.call-start
scs
__scs_entry_jumppad:
0x0: {  	(pc) =	sbr.rel $0x88, $3  }
0x1: {  	(tag) =	ssettag $0x0;
	lr =	simm.s32 $0x1  }
0x2: {  	[smem:$0x3F72] =	sst lr;
	_ =	strace $0xD0000000  }
0x3: {  	_ = 	snop  }
0x4: {  	_ = 	snop  }
0x5: {  	_ = 	snop  }
0x6: {  	_ = 	snop  }
0x7: {  	_ = 	snop  }
__scs_overlays_trampoline_lowered:
0x8: {  	[smem:$0x3F81] =	sst s0  }
0x9: {  	[smem:$0x3F82] =	sst s1  }
0xa: {  	[smem:$0x3F83] =	sst s2  }
0xb: {  	[smem:$0x3F84] =	sst s3  }
0xc: {  	[smem:$0x3F85] =	sst s4  }
0xd: {  	[smem:$0x3F86] =	sst s5  }
0xe: {  	[smem:$0x3F87] =	sst s6  }
0xf: {  	[smem:$0x3F88] =	sst s7  }
0x10: {  	[smem:$0x3F89] =	sst s8  }
0x11: {  	[smem:$0x3F8A] =	sst s9;
	s0 =	simm.s32 @!p0 $0x0  }
0x12: {  	s1 =	sld [smem:$0x3F70];
	s0 =	simm.s32 @p0 $0x1  }
0x13: {  	[smem:$0x3F8B] =	sst s0;
	s0 =	simm.s32 @!p1 $0x0  }
0x14: {  	s2 =	sld [smem:$0x3F6F];
	s0 =	simm.s32 @p1 $0x1  }
0x15: {  	[smem:$0x3F8C] =	sst s0;
	s0 =	simm.s32 @!p2 $0x0  }
0x16: {  	s3 =	sld [smem:$0x3FDB];
	s0 =	simm.s32 @p2 $0x1  }
0x17: {  	s4 =	simm.s32 $0x1BF5;
	[smem:$0x3F8E] =	sst s0  }
0x18: {  	s0 =	sld [smem:$0x3F71];
	_ =	swait.ge [sflag:s4], $0x0  }
0x19: {  	s7 =	sld [smem:$0x3F72]  }
0x1a: {  	s8 =	sadd.s32 $0xFFFFE003, lr  }
0x1b: {  	s9 =	sadd.s32 $0xFFFFFEF7, lr;
	s5 =	simm.s32 $0xFFFFFFFF;
	p2 =	slt.u32 s8, $0xFFFFF086  }
0x1c: {  	p1 =	slt.u32 s9, $0xF7A;
	s5 =	simm.s32 @!p2 $0x0  }
0x1d: {  	s5 =	simm.s32 @p1 $0x1;
	p0 =	seq.s32 s7, s2  }
0x1e: {  	s7 =	smul.u32 @!p0 $0xF7A, s2;
	p2 =	seq.s32 @!p0 s5, $0x0  }
0x1f: {  	s9 =	smul.u32 $0xF7A, s1;
	s8 =	simm.s32 @!p0 $0x1BF5;
	p2 =	por !p2, p0  }
0x20: {  	[sflag:s8] =	ssyncset.s32 @!p0 $0xFFFFF086;
	s6 =	sadd.s32 @!p0 s3, s7;
	s7 =	simm.s32 @!p0 $0x108  }
0x21: {  	s3 =	sadd.s32 s3, s9;
	s6 =	sadd.s32 @!p0 $0x88, s6;
	s7 =	simm.s32 @p2 $0x1082  }
0x22: {  	[simem:s7], [sflag:s8] =	dma.local @!p0 [hbm:s6], $0xF7A  }
0x23: {  	s9 =	sor.u32 $0xD0000000, s2;
	s6 =	simm.s32 $0x108;
	_ =	swait.ge @!p0 [sflag:s8], $0x0  }
0x24: {  	s3 =	sadd.s32 $0x88, s3;
	s6 =	simm.s32 @!p1 $0x1082;
	[sflag:s4] =	ssyncset.s32 $0xFFFFF086  }
0x25: {  	[simem:s6], [sflag:s4] =	dma.local [hbm:s3], $0xF7A  }
0x26: {  	[smem:$0x3F72] =	sst s1;
	(tag) =	ssettag s2;
	_ =	strace s9  }
0x27: {  	s1 =	sld [smem:$0x3F82]  }
0x28: {  	s2 =	sld [smem:$0x3F83]  }
0x29: {  	s4 =	sld [smem:$0x3F85]  }
0x2a: {  	p0 =	seq.s32 s5, $0x0;
	s5 =	sld [smem:$0x3F86]  }
0x2b: {  	s6 =	sld [smem:$0x3F87]  }
0x2c: {  	s7 =	sld [smem:$0x3F88]  }
0x2d: {  	s3 =	simm.s32 $0x108;
	s8 =	sld [smem:$0x3F89]  }
0x2e: {  	s3 =	simm.s32 @!p0 $0x1082;
	s9 =	sld [smem:$0x3F8A]  }
0x2f: {  	lr =	sadd.s32 s0, s3;
	s0 =	sld [smem:$0x3F81]  }
0x30: {  	s3 =	sld [smem:$0x3F84]  }
0x31: {  	[smem:$0x3F8D] =	sst s10  }
0x32: {  	s10 =	sld [smem:$0x3F8B];
	_ =	sdelay $0x3  }
0x33: {  	p0 =	seq.s32 s10, $0x1;
	s10 =	sld [smem:$0x3F8D];
	_ =	sdelay $0x3  }
0x34: {  	[smem:$0x3F8D] =	sst s10  }
0x35: {  	s10 =	sld [smem:$0x3F8C];
	_ =	sdelay $0x3  }
0x36: {  	p1 =	seq.s32 s10, $0x1;
	s10 =	sld [smem:$0x3F8D];
	_ =	sdelay $0x3  }
0x37: {  	[smem:$0x3F8D] =	sst s10  }
0x38: {  	s10 =	sld [smem:$0x3F8E]  }
0x39: {  	_ = 	snop;
	(pc) =	sbr.ind lr, $3  }
0x3a: {  	_ = 	snop  }
0x3b: {  	_ = 	snop  }
0x3c: {  	p2 =	seq.s32 s10, $0x1;
	s10 =	sld [smem:$0x3F8D]  }
0x3d: {  	_ =	shalt  }
0x3e: {  	_ =	shalt  }
0x3f: {  	_ =	shalt  }
0x40: {  	_ =	shalt  }
0x41: {  	_ =	shalt  }
0x42: {  	_ =	shalt  }
0x43: {  	_ =	shalt  }
0x44: {  	_ =	shalt  }
0x45: {  	_ =	shalt  }
0x46: {  	_ =	shalt  }
0x47: {  	_ =	shalt  }
0x48: {  	_ =	shalt  }
0x49: {  	_ =	shalt  }
0x4a: {  	_ =	shalt  }
0x4b: {  	_ =	shalt  }
0x4c: {  	_ =	shalt  }
0x4d: {  	_ =	shalt  }
0x4e: {  	_ =	shalt  }
0x4f: {  	_ =	shalt  }
0x50: {  	_ =	shalt  }
0x51: {  	_ =	shalt  }
0x52: {  	_ =	shalt  }
0x53: {  	_ =	shalt  }
0x54: {  	_ =	shalt  }
0x55: {  	_ =	shalt  }
0x56: {  	_ =	shalt  }
0x57: {  	_ =	shalt  }
0x58: {  	_ =	shalt  }
0x59: {  	_ =	shalt  }
0x5a: {  	_ =	shalt  }
0x5b: {  	_ =	shalt  }
0x5c: {  	_ =	shalt  }
0x5d: {  	_ =	shalt  }
0x5e: {  	_ =	shalt  }
0x5f: {  	_ =	shalt  }
0x60: {  	_ =	shalt  }
0x61: {  	_ =	shalt  }
0x62: {  	_ =	shalt  }
0x63: {  	_ =	shalt  }
0x64: {  	_ =	shalt  }
0x65: {  	_ =	shalt  }
0x66: {  	_ =	shalt  }
0x67: {  	_ =	shalt  }
0x68: {  	_ =	shalt  }
0x69: {  	_ =	shalt  }
0x6a: {  	_ =	shalt  }
0x6b: {  	_ =	shalt  }
0x6c: {  	_ =	shalt  }
0x6d: {  	_ =	shalt  }
0x6e: {  	_ =	shalt  }
0x6f: {  	_ =	shalt  }
0x70: {  	_ =	shalt  }
0x71: {  	_ =	shalt  }
0x72: {  	_ =	shalt  }
0x73: {  	_ =	shalt  }
0x74: {  	_ =	shalt  }
0x75: {  	_ =	shalt  }
0x76: {  	_ =	shalt  }
0x77: {  	_ =	shalt  }
0x78: {  	_ =	shalt  }
0x79: {  	_ =	shalt  }
0x7a: {  	_ =	shalt  }
0x7b: {  	_ =	shalt  }
0x7c: {  	_ =	shalt  }
0x7d: {  	_ =	shalt  }
0x7e: {  	_ =	shalt  }
0x7f: {  	_ =	shalt  }
0x80: {  	_ =	shalt  }
0x81: {  	_ =	shalt  }
0x82: {  	_ =	shalt  }
0x83: {  	_ =	shalt  }
0x84: {  	_ =	shalt  }
0x85: {  	_ =	shalt  }
0x86: {  	_ =	shalt  }
0x87: {  	_ =	shalt  }
.Lfunc_end0:
.L_simem_size_0:
called_computation_lowered:
.L_overlay_start_0:
0x88: {  	s2 =	sld [smem:$0x3FD9]  }
0x89: {  	s3 =	sld [smem:$0x3FFE];
	_ =	sdelay $0x1  }
0x8a: {  	s1 =	srdreg.scid  }
0x8b: {  	s0 =	sand.u32 $0x1, s1  }
0x8c: {  	s16 =	sshll.u32 s0, $0xA;
	s2 =	sadd.s32 s3, s2  }
0x8d: {  	s2 =	sadd.s32 s2, s16  }
0x8e: {  	[smem:$0x3F99] =	sst s2  }
0x8f: {  	_ = 	snop  }
0x90: {  	(tm) =	ssettm $0x1  }
0x91: {  	s17 =	sld [smem:$0x3FFB];
	_ =	sdelay $0x3  }
0x92: {  	_ =	strace s17  }
0x93: {  	s2 =	sld [smem:$0x3FFC];
	_ =	sdelay $0x3  }
0x94: {  	_ =	strace s2  }
0x95: {  	s2 =	sld [smem:$0x3FFD];
	_ =	sdelay $0x3  }
0x96: {  	_ =	strace s2  }
0x97: {  	_ =	strace $0x8FFFFFFF  }
0x98: {  	s18 =	sld [smem:$0x3FDB];
	_ =	sdelay $0x1  }
0x99: {  	s19 =	simm.s32 $_scs_section_size  }
0x9a: {  	s4 =	simm.s32 $_size__tile_overlayer_lowered;
	s5 =	simm.s32 $_tile_overlayer_lowered  }
0x9b: {  	s22 =	simm.s32 $0x1BFF;
	s21 =	sshll.u32 s5, $0x1;
	s2 =	sadd.s32 s19, s18  }
0x9c: {  	s6 =	simm.s32 $0x0;
	s20 =	sshll.u32 s4, $0x1;
	s4 =	sadd.s32 s21, s2  }
0x9d: {  	[timem:s6], [sflag:s22] =	dma.local [hbm:s4], s20  }
0x9e: {  	_ =	swait.ge [sflag:s22], s20  }
0x9f: {  	s3 =	ssub.s32 $0x0, s20;
	[sflag:s22] =	ssyncset.done $0x0  }
0xa0: {  	[sflag:s22] =	ssyncadd.s32 s3;
	_ =	sdelay $0x1  }
0xa1: {  	s23 =	simm.s32 $0x1B8B  }
0xa2: {  	_ =	swait.ge [sflag:s23], $0x1  }
0xa3: {  	[sflag:s23] =	ssyncset.done $0x0  }
0xa4: {  	s25 =	simm.s32 $0x1B8E;
	s24 =	sld [smem:$0x3FFE];
	[sflag:s23] =	ssyncadd.s32 $0xFFFFFFFF  }
0xa5: {  	s26 =	simm.s32 $execute0_lowered;
	[smem:$0x3FD2] =	sst s25  }
0xa6: {  	s4 =	sshll.u32 s26, $0x1;
	_ =	strace $0x80000046;
	[dreg:$0x1] =	wrdreg $0xFFFFFFFF  }
0xa7: {  	s28 =	simm.s32 $_size_execute0_lowered;
	s2 =	sadd.s32 s2, s4;
	[dreg:$0x0] =	wrdreg $0x0  }
0xa8: {  	s4 =	sshll.u32 s28, $0x1;
	[dreg:$0x2] =	wrdreg s2  }
0xa9: {  	[dreg:$0x3] =	wrdreg s4  }
0xaa: {  	[dreg:$0x4] =	wrdreg $0xC0  }
0xab: {  	_ =	task [dreg:s6], $0x5FFFF  }
0xac: {  	[dreg:$0x1] =	wrdreg $0xFFFFFFFF  }
0xad: {  	[dreg:$0x0] =	wrdreg $0x60  }
0xae: {  	[dreg:$0x2] =	wrdreg s24  }
0xaf: {  	[dreg:$0x3] =	wrdreg $0x58000  }
0xb0: {  	[dreg:$0x4] =	wrdreg $0x9  }
0xb1: {  	_ =	task.clear_ibuf [dreg:s6], $0x5FFFF;
	_ =	strace $0x90000046  }
0xb2: {  	s29 =	simm.s32 $0x9;
	_ =	strace $0x80000048  }
0xb3: {  	_ =	swait.ge [sflag:s29], $0x1  }
0xb4: {  	[sflag:s29] =	ssyncadd.s32 $0xFFFFFFFF  }
0xb5: {  	_ =	strace $0x90000048  }
0xb6: {  	_ =	sfence  }
0xb7: {  	s30 =	sld [smem:$0x0];
	_ =	sdelay $0x2  }
0xb8: {  	s31 =	sshll.u32 s1, $0xD;
	s1 =	sshrl.u32 s1, $0x2  }
0xb9: {  	s3 =	sand.u32 $0x4000, s31;
	s1 =	sadd.s32 s1, s30  }
0xba: {  	s0 =	sor.u32 s3, s0;
	s1 =	sshll.u32 s1, $0x11  }
0xbb: {  	s0 =	sor.u32 s1, s0  }
0xbc: {  	s0 =	sadd.s32 $0x8F2B, s0  }
0xbd: {  	[sflag:s0] =	ssyncadd.remote.s32 $0x1  }
0xbe: {  	_ =	sfence.sel $0xFFFF  }
0xbf: {  	[dreg:$0x0] =	wrdreg $0xFFFFFFFF;
	(pc) =	sbr.abs _section_cstart, $3  }
0xc0: {  	[dreg:$0x1] =	wrdreg $0xFFFFFFFF  }
0xc1: {  	_ =	task.clear_ibuf [dreg:s6], $0x2FFFF;
	_ =	strace $0x9FFFFFFF  }
0xc2: {  	(tm) =	ssettm $0x7FFFFFFF  }
0xc3: {  	_ =	shalt  }
tec
execute0_lowered:
.L_overlay_start_1:
0x0: {  	(tag) =	ssettag $0x1  }
0x1: {  	s0 =	rddreg [dreg:$0x0]  }
0x2: {  	s1 =	rddreg [dreg:$0x1];
	s3 =	simm.s32 $0x0  }
0x3: {  	s2 =	srdreg.scid;
	s13 =	stileid.u32;
	s19 =	simm.s32 $0x4  }
0x4: {  	s20 =	simm.s32 $0x1;
	s22 =	simm.s32 $0x80;
	s30 =	simm.s32 $0x2  }
0x5: {  	s31 =	simm.s32 $0x3;
	[smem:$0x7FF] =	sst s3;
	s2 =	sand.u32 $0x1, s2  }
0x6: {  	s9 =	smul.u32 $0x18700, s13;
	s4 =	sadd.s32 $0x9200, s0;
	s5 =	sadd.s32 $0x3A000, s0  }
0x7: {  	s6 =	sadd.s32 $0x53000, s0;
	s7 =	sadd.s32 $0x6C000, s0;
	s28 =	sshll.u32 s13, $0x6  }
0x8: {  	s8 =	smul.u32 $0x187000, s2;
	s10 =	sshll.u32 s2, $0x4;
	s2 =	ssub.s32 $0x2, s2  }
0x9: {  	_ =	strace $0x80000047;
	s10 =	sor.u32 s13, s10;
	s12 =	sshrl.u32 s2, $0x1  }
0xa: {  	s18 =	sadd.s32 s9, s1;
	s8 =	sadd.s32 s9, s8;
	s2 =	ssub.s32 s2, s12  }
0xb: {  	s9 =	sor.u32 $0x1C04, s28;
	s11 =	sshrl.u32 s8, $0x3;
	s8 =	smul.u32 $0x6400, s10  }
.Ltmp0:
0xc: {  	s18 =	sshrl.u32 s18, $0x3;
	s0 =	sadd.s32 s11, s0;
	(pc) =	sbr.rel .LBB2_1-.Ltmp0, $4  }
0xd: {  	s17 =	smax.u32 s2, $0x1;
	s14 =	sshrl.u32 s8, $0x3;
	s16 =	sadd.s32 $0x6F200, s0  }
0xe: {  	s0 =	simm.s32 $0x0;
	s10 =	sadd.s32 s5, s14;
	s29 =	sadd.s32 $0x80, s14  }
0xf: {  	s11 =	sadd.s32 s6, s14;
	s15 =	sadd.s32 $0x100, s14;
	s12 =	sadd.s32 s5, s29  }
0x10: {  	s13 =	sadd.s32 s6, s29;
	s14 =	sadd.s32 s5, s15;
	s15 =	sadd.s32 s6, s15  }
.LBB2_5:
0x11: {  	_ =	swait.ge [sflag:s31], $0x1000  }
0x12: {  	[sflag:s31] =	ssyncset.done $0x0  }
0x13: {  	[sflag:s31] =	ssyncadd.s32 $0xFFFFF000  }
0x14: {  	_ =	swait.ge [sflag:s31], $0x1000  }
0x15: {  	s0 =	sadd.s32 $0x1, s0;
	[sflag:s31] =	ssyncset.done $0x0  }
0x16: {  	p0 =	sne.s32 s0, s17;
	[sflag:s31] =	ssyncadd.s32 $0xFFFFF000  }
.Ltmp1:
0x17: {  	[bflag:$0x0] =	sbarrier.arrive $0xFFFF;
	(pc) =	sbr.rel @!p0 .LBB2_6-.Ltmp1, $4  }
0x18: {  	[hbm:s16], [sflag:s9] =	dma.local [spmem:s18], $0x30E0  }
0x19: {  	_ =	swait.ge [sflag:s19], $0x30E0  }
0x1a: {  	[sflag:s19] =	ssyncset.done $0x0  }
0x1b: {  	[sflag:s19] =	ssyncadd.s32 $0xFFFFCF20  }
.LBB2_1:
0x1c: {  	[spmem:s18], [sflag:s9] =	dma.local [hbm:s7], $0x30E0  }
0x1d: {  	_ =	swait.ge [sflag:s19], $0x30E0  }
0x1e: {  	[sflag:s19] =	ssyncset.done $0x0  }
0x1f: {  	[sflag:s19] =	ssyncadd.s32 $0xFFFFCF20  }
0x20: {  	[tilespmem:s3], [sflag:$0x1] =	stream.linear.gather [hbm4b:s10+s3], $0x400, $0x38;
	[tilespmem:$0x1DF00] =	vst v63  }
0x21: {  	_ =	swait.ge [sflag:s20], $0x400  }
0x22: {  	[sflag:s20] =	ssyncset.done $0x0  }
0x23: {  	s2 =	simm.s32 $0xC00;
	[sflag:s20] =	ssyncadd.s32 $0xFFFFFC00  }
0x24: {  	[tilespmem:s2], [sflag:$0x1] =	stream.linear.gather [hbm4b:s11+s3], $0x400, $0x38;
	[tilespmem:$0x1DF00] =	vst v63  }
0x25: {  	_ =	swait.ge [sflag:s20], $0x400  }
0x26: {  	[sflag:s20] =	ssyncset.done $0x0  }
0x27: {  	s23 =	simm.s32 $0x1800;
	[sflag:s20] =	ssyncadd.s32 $0xFFFFFC00  }
0x28: {  	[tilespmem:s23], [sflag:$0x2] =	stream.indirect.gather [hbm4b:s4+s22], $0x20, s3, s22, $0xb8;
	[tilespmem:$0x1DF00] =	vst v63  }
0x29: {  	s24 =	simm.s32 $0x2800  }
0x2a: {  	[tilespmem:s24], [sflag:$0x2] =	stream.indirect.gather [hbm4b:s4+s22], $0x20, s22, s22, $0xb8;
	[tilespmem:$0x1DF00] =	vst v63  }
0x2b: {  	s25 =	simm.s32 $0x400  }
0x2c: {  	[tilespmem:s25], [sflag:$0x1] =	stream.linear.gather [hbm4b:s12+s3], $0x400, $0x38;
	[tilespmem:$0x1DF00] =	vst v63  }
0x2d: {  	s26 =	simm.s32 $0x1000  }
0x2e: {  	[tilespmem:s26], [sflag:$0x1] =	stream.linear.gather [hbm4b:s13+s3], $0x400, $0x38;
	[tilespmem:$0x1DF00] =	vst v63  }
0x2f: {  	s28 =	simm.s32 $0x800  }
0x30: {  	[tilespmem:s28], [sflag:$0x1] =	stream.linear.gather [hbm4b:s14+s3], $0x400, $0x38;
	[tilespmem:$0x1DF00] =	vst v63  }
.Ltmp2:
0x31: {  	_ = 	snop;
	(pc) =	sbr.rel .LBB2_2-.Ltmp2, $4  }
0x32: {  	s29 =	simm.s32 $0x1400  }
0x33: {  	[tilespmem:s29], [sflag:$0x1] =	stream.linear.gather [hbm4b:s15+s3], $0x400, $0x38;
	[tilespmem:$0x1DF00] =	vst v63  }
0x34: {  	[bflag:$0x0] =	sbarrier.arrive $0xFFFF  }
0x35: {  	s21 =	simm.s32 $0x0;
	s2 =	simm.s32 $0x0  }
.LBB2_4:
0x36: {  	s21 =	sadd.s32 $0x1, s21  }
0x37: {  	p0 =	sne.s32 s21, $0xC8  }
.Ltmp3:
0x38: {  	_ = 	snop;
	(pc) =	sbr.rel @!p0 .LBB2_5-.Ltmp3, $2  }
0x39: {  	_ =	sdelay $0x2  }
0x3a: {  	s2 =	sadd.s32 $0x1000, s2  }
.LBB2_2:
0x3b: {  	s23 =	sshrl.u32 s21, $0x3  }
0x3c: {  	s24 =	smul.u32 $0xAB, s23;
	_ =	sdelay $0x1  }
0x3d: {  	s24 =	sshrl.u32 s24, $0x9  }
0x3e: {  	s24 =	sand.u32 $0x7F, s24  }
0x3f: {  	s24 =	smul.u32 $0x3, s24;
	_ =	sdelay $0x1  }
0x40: {  	_ =	swait.ge [sflag:s30], $0x1000;
	s28 =	sand.u32 $0x3000, s2;
	s25 =	ssub.s32 s23, s24  }
0x41: {  	p0 =	slt.u32 s21, $0x2;
	s24 =	sand.u32 $0x7, s21;
	s25 =	sand.u32 $0xFF, s25  }
0x42: {  	[sflag:s30] =	ssyncset.done $0x0;
	s26 =	sshll.u32 s24, $0x7;
	s25 =	sshll.u32 s25, $0xA  }
0x43: {  	s29 =	sadd.s32 $0x1800, s28;
	p1 =	sgt.u32 @!p0 s21, $0xC5;
	s25 =	sor.u32 s26, s25  }
0x44: {  	[sflag:s30] =	ssyncadd.s32 $0xFFFFF000;
	p1 =	por p0, !p1;
	s25 =	sadd.s32 $0xC00, s25  }
0x45: {  	[spmem:s1] =	stream.indirect.scatter.add.f32 [tilespmem:s29], [sflag:$0x3], $0x20, s25, s22, $0xb8;
	[tilespmem:$0x1DF00] =	vst v63  }
.Ltmp4:
0x46: {  	_ = 	snop;
	(pc) =	sbr.rel @!p1 .LBB2_4-.Ltmp4, $4  }
0x47: {  	s25 =	simm.s32 @!p0 $0x3  }
0x48: {  	_ =	swait.ge @!p0 [sflag:s25], $0x1000  }
0x49: {  	[sflag:s25] =	ssyncset.done @!p0 $0x0  }
0x4a: {  	[sflag:s25] =	ssyncadd.s32 @!p0 $0xFFFFF000  }
0x4b: {  	s25 =	sadd.s32 $0x2, s21  }
0x4c: {  	s26 =	sshrl.u32 s25, $0x3;
	s25 =	sand.u32 $0x7, s25  }
0x4d: {  	p0 =	sne.s32 s25, $0x0  }
0x4e: {  	s28 =	smul.u32 $0xAB, s26;
	s29 =	simm.s32 @!p0 $0x1  }
0x4f: {  	_ =	swait.ge @!p0 [sflag:s29], $0x400  }
0x50: {  	s28 =	sshrl.u32 s28, $0x9;
	[sflag:s29] =	ssyncset.done @!p0 $0x0  }
0x51: {  	s28 =	sand.u32 $0x7F, s28;
	[sflag:s29] =	ssyncadd.s32 @!p0 $0xFFFFFC00  }
0x52: {  	p1 =	sne.s32 s24, $0x2;
	s28 =	smul.u32 $0x3, s28;
	_ =	swait.ge @!p0 [sflag:s29], $0x400  }
0x53: {  	s24 =	sadd.s32 $0xFFFFFFF6, s21;
	s25 =	sshll.u32 s25, $0x7;
	[sflag:s29] =	ssyncset.done @!p0 $0x0  }
0x54: {  	s26 =	ssub.s32 s26, s28;
	[sflag:s29] =	ssyncadd.s32 @!p0 $0xFFFFFC00;
	p0 =	sgt.u32 @!p1 s24, $0xA8  }
0x55: {  	s29 =	sadd.s32 $0x2000, s2;
	s26 =	sand.u32 $0xFF, s26;
	p0 =	por p0, p1  }
0x56: {  	s29 =	sand.u32 $0x3000, s29;
	s24 =	sshll.u32 s26, $0xA;
	s23 =	sadd.s32 @!p0 $0x2, s23  }
0x57: {  	s26 =	sadd.s32 $0x1800, s29;
	s24 =	sor.u32 s25, s24;
	s25 =	smul.u32 @!p0 $0xAB, s23  }
0x58: {  	[tilespmem:s26], [sflag:$0x2] =	stream.indirect.gather [hbm4b:s4+s22], $0x20, s24, s22, $0xb8;
	[tilespmem:$0x1DF00] =	vst v63  }
0x59: {  	s24 =	sshrl.u32 @!p0 s25, $0x9  }
0x5a: {  	s24 =	sand.u32 @!p0 $0x7F, s24  }
0x5b: {  	s24 =	smul.u32 @!p0 $0x3, s24  }
0x5c: {  	s25 =	sshll.u32 @!p0 s23, $0xA  }
0x5d: {  	s25 =	sadd.s32 @!p0 s8, s25;
	s23 =	ssub.s32 @!p0 s23, s24  }
.Ltmp5:
0x5e: {  	s24 =	sshrl.u32 @!p0 s25, $0x3;
	s23 =	sand.u32 @!p0 $0xFF, s23;
	(pc) =	sbr.rel .LBB2_4-.Ltmp5, $4  }
0x5f: {  	s26 =	simm.s32 @!p0 $0x0;
	s25 =	sadd.s32 @!p0 s5, s24;
	s23 =	sshll.u32 @!p0 s23, $0xA  }
0x60: {  	[tilespmem:s23], [sflag:$0x1] =	stream.linear.gather @!p0 [hbm4b:s25+s26], $0x400, $0x38;
	[tilespmem:$0x1DF00] =	vst v63  }
0x61: {  	s24 =	sadd.s32 @!p0 s6, s24;
	s23 =	sadd.s32 @!p0 $0xC00, s23  }
0x62: {  	[tilespmem:s23], [sflag:$0x1] =	stream.linear.gather @!p0 [hbm4b:s24+s26], $0x400, $0x38;
	[tilespmem:$0x1DF00] =	vst v63  }
.LBB2_6:
0x63: {  	_ =	sfence.sel $0x180000  }
0x64: {  	[bflag:$0x0] =	sbarrier.arrive $0xFFFF  }
0x65: {  	_ =	strace $0x90000047  }
0x66: {  	s0 =	stileid.u32;
	[bflag:$0x2] =	sbarrier.arrive $0xFFFF  }
0x67: {  	p0 =	sne.s32 s0, $0x0;
	s0 =	rddreg [dreg:$0x2]  }
0x68: {  	s0 =	sadd.s32 @!p0 $0x100000, s0  }
0x69: {  	[sflag:s0] =	ssyncadd.tile.s32 @!p0 $0x1;
	_ =	shalt  }
.Lfunc_end2:
_tile_overlayer_lowered:
.L_overlay_start_2:
0x6a: {  	(tag) =	ssettag $0x2  }
0x6b: {  	s0 =	rddreg [dreg:$0x0];
	s2 =	stileid.u32  }
0x6c: {  	s1 =	rddreg [dreg:$0x1];
	p0 =	sne.s32 s2, $0x0  }
0x6d: {  	s3 =	rddreg [dreg:$0x2];
	[bflag:$0x3] =	sbarrier.arrive $0xFFFF;
	s2 =	simm.s32 @!p0 $0x1C04  }
0x6e: {  	[timem:s3], [sflag:s2] =	dma.local @!p0 [hbm:s0], s1  }
0x6f: {  	s0 =	simm.s32 @!p0 $0x4  }
0x70: {  	_ =	swait.ge @!p0 [sflag:s0], s1  }
0x71: {  	s1 =	ssub.s32 @!p0 $0x0, s1;
	[sflag:s0] =	ssyncset.done @!p0 $0x0  }
0x72: {  	[sflag:s0] =	ssyncadd.s32 @!p0 s1  }
0x73: {  	[bflag:$0x3] =	sbarrier.arrive $0xFFFF  }
0x74: {  	_ =	shalt  }

// kernel: kernel.21.cloned.1.call-start
scs
__scs_entry_jumppad:
0x0: {  	(pc) =	sbr.rel $0x88, $3  }
0x1: {  	(tag) =	ssettag $0x0;
	lr =	simm.s32 $0x1  }
0x2: {  	[smem:$0x3F72] =	sst lr;
	_ =	strace $0xD0000000  }
0x3: {  	_ = 	snop  }
0x4: {  	_ = 	snop  }
0x5: {  	_ = 	snop  }
0x6: {  	_ = 	snop  }
0x7: {  	_ = 	snop  }
__scs_overlays_trampoline_lowered:
0x8: {  	[smem:$0x3F81] =	sst s0  }
0x9: {  	[smem:$0x3F82] =	sst s1  }
0xa: {  	[smem:$0x3F83] =	sst s2  }
0xb: {  	[smem:$0x3F84] =	sst s3  }
0xc: {  	[smem:$0x3F85] =	sst s4  }
0xd: {  	[smem:$0x3F86] =	sst s5  }
0xe: {  	[smem:$0x3F87] =	sst s6  }
0xf: {  	[smem:$0x3F88] =	sst s7  }
0x10: {  	[smem:$0x3F89] =	sst s8  }
0x11: {  	[smem:$0x3F8A] =	sst s9;
	s0 =	simm.s32 @!p0 $0x0  }
0x12: {  	s1 =	sld [smem:$0x3F70];
	s0 =	simm.s32 @p0 $0x1  }
0x13: {  	[smem:$0x3F8B] =	sst s0;
	s0 =	simm.s32 @!p1 $0x0  }
0x14: {  	s2 =	sld [smem:$0x3F6F];
	s0 =	simm.s32 @p1 $0x1  }
0x15: {  	[smem:$0x3F8C] =	sst s0;
	s0 =	simm.s32 @!p2 $0x0  }
0x16: {  	s3 =	sld [smem:$0x3FDB];
	s0 =	simm.s32 @p2 $0x1  }
0x17: {  	s4 =	simm.s32 $0x1BF5;
	[smem:$0x3F8E] =	sst s0  }
0x18: {  	s0 =	sld [smem:$0x3F71];
	_ =	swait.ge [sflag:s4], $0x0  }
0x19: {  	s7 =	sld [smem:$0x3F72]  }
0x1a: {  	s8 =	sadd.s32 $0xFFFFE003, lr  }
0x1b: {  	s9 =	sadd.s32 $0xFFFFFEF7, lr;
	s5 =	simm.s32 $0xFFFFFFFF;
	p2 =	slt.u32 s8, $0xFFFFF086  }
0x1c: {  	p1 =	slt.u32 s9, $0xF7A;
	s5 =	simm.s32 @!p2 $0x0  }
0x1d: {  	s5 =	simm.s32 @p1 $0x1;
	p0 =	seq.s32 s7, s2  }
0x1e: {  	s7 =	smul.u32 @!p0 $0xF7A, s2;
	p2 =	seq.s32 @!p0 s5, $0x0  }
0x1f: {  	s9 =	smul.u32 $0xF7A, s1;
	s8 =	simm.s32 @!p0 $0x1BF5;
	p2 =	por !p2, p0  }
0x20: {  	[sflag:s8] =	ssyncset.s32 @!p0 $0xFFFFF086;
	s6 =	sadd.s32 @!p0 s3, s7;
	s7 =	simm.s32 @!p0 $0x108  }
0x21: {  	s3 =	sadd.s32 s3, s9;
	s6 =	sadd.s32 @!p0 $0x88, s6;
	s7 =	simm.s32 @p2 $0x1082  }
0x22: {  	[simem:s7], [sflag:s8] =	dma.local @!p0 [hbm:s6], $0xF7A  }
0x23: {  	s9 =	sor.u32 $0xD0000000, s2;
	s6 =	simm.s32 $0x108;
	_ =	swait.ge @!p0 [sflag:s8], $0x0  }
0x24: {  	s3 =	sadd.s32 $0x88, s3;
	s6 =	simm.s32 @!p1 $0x1082;
	[sflag:s4] =	ssyncset.s32 $0xFFFFF086  }
0x25: {  	[simem:s6], [sflag:s4] =	dma.local [hbm:s3], $0xF7A  }
0x26: {  	[smem:$0x3F72] =	sst s1;
	(tag) =	ssettag s2;
	_ =	strace s9  }
0x27: {  	s1 =	sld [smem:$0x3F82]  }
0x28: {  	s2 =	sld [smem:$0x3F83]  }
0x29: {  	s4 =	sld [smem:$0x3F85]  }
0x2a: {  	p0 =	seq.s32 s5, $0x0;
	s5 =	sld [smem:$0x3F86]  }
0x2b: {  	s6 =	sld [smem:$0x3F87]  }
0x2c: {  	s7 =	sld [smem:$0x3F88]  }
0x2d: {  	s3 =	simm.s32 $0x108;
	s8 =	sld [smem:$0x3F89]  }
0x2e: {  	s3 =	simm.s32 @!p0 $0x1082;
	s9 =	sld [smem:$0x3F8A]  }
0x2f: {  	lr =	sadd.s32 s0, s3;
	s0 =	sld [smem:$0x3F81]  }
0x30: {  	s3 =	sld [smem:$0x3F84]  }
0x31: {  	[smem:$0x3F8D] =	sst s10  }
0x32: {  	s10 =	sld [smem:$0x3F8B];
	_ =	sdelay $0x3  }
0x33: {  	p0 =	seq.s32 s10, $0x1;
	s10 =	sld [smem:$0x3F8D];
	_ =	sdelay $0x3  }
0x34: {  	[smem:$0x3F8D] =	sst s10  }
0x35: {  	s10 =	sld [smem:$0x3F8C];
	_ =	sdelay $0x3  }
0x36: {  	p1 =	seq.s32 s10, $0x1;
	s10 =	sld [smem:$0x3F8D];
	_ =	sdelay $0x3  }
0x37: {  	[smem:$0x3F8D] =	sst s10  }
0x38: {  	s10 =	sld [smem:$0x3F8E]  }
0x39: {  	_ = 	snop;
	(pc) =	sbr.ind lr, $3  }
0x3a: {  	_ = 	snop  }
0x3b: {  	_ = 	snop  }
0x3c: {  	p2 =	seq.s32 s10, $0x1;
	s10 =	sld [smem:$0x3F8D]  }
0x3d: {  	_ =	shalt  }
0x3e: {  	_ =	shalt  }
0x3f: {  	_ =	shalt  }
0x40: {  	_ =	shalt  }
0x41: {  	_ =	shalt  }
0x42: {  	_ =	shalt  }
0x43: {  	_ =	shalt  }
0x44: {  	_ =	shalt  }
0x45: {  	_ =	shalt  }
0x46: {  	_ =	shalt  }
0x47: {  	_ =	shalt  }
0x48: {  	_ =	shalt  }
0x49: {  	_ =	shalt  }
0x4a: {  	_ =	shalt  }
0x4b: {  	_ =	shalt  }
0x4c: {  	_ =	shalt  }
0x4d: {  	_ =	shalt  }
0x4e: {  	_ =	shalt  }
0x4f: {  	_ =	shalt  }
0x50: {  	_ =	shalt  }
0x51: {  	_ =	shalt  }
0x52: {  	_ =	shalt  }
0x53: {  	_ =	shalt  }
0x54: {  	_ =	shalt  }
0x55: {  	_ =	shalt  }
0x56: {  	_ =	shalt  }
0x57: {  	_ =	shalt  }
0x58: {  	_ =	shalt  }
0x59: {  	_ =	shalt  }
0x5a: {  	_ =	shalt  }
0x5b: {  	_ =	shalt  }
0x5c: {  	_ =	shalt  }
0x5d: {  	_ =	shalt  }
0x5e: {  	_ =	shalt  }
0x5f: {  	_ =	shalt  }
0x60: {  	_ =	shalt  }
0x61: {  	_ =	shalt  }
0x62: {  	_ =	shalt  }
0x63: {  	_ =	shalt  }
0x64: {  	_ =	shalt  }
0x65: {  	_ =	shalt  }
0x66: {  	_ =	shalt  }
0x67: {  	_ =	shalt  }
0x68: {  	_ =	shalt  }
0x69: {  	_ =	shalt  }
0x6a: {  	_ =	shalt  }
0x6b: {  	_ =	shalt  }
0x6c: {  	_ =	shalt  }
0x6d: {  	_ =	shalt  }
0x6e: {  	_ =	shalt  }
0x6f: {  	_ =	shalt  }
0x70: {  	_ =	shalt  }
0x71: {  	_ =	shalt  }
0x72: {  	_ =	shalt  }
0x73: {  	_ =	shalt  }
0x74: {  	_ =	shalt  }
0x75: {  	_ =	shalt  }
0x76: {  	_ =	shalt  }
0x77: {  	_ =	shalt  }
0x78: {  	_ =	shalt  }
0x79: {  	_ =	shalt  }
0x7a: {  	_ =	shalt  }
0x7b: {  	_ =	shalt  }
0x7c: {  	_ =	shalt  }
0x7d: {  	_ =	shalt  }
0x7e: {  	_ =	shalt  }
0x7f: {  	_ =	shalt  }
0x80: {  	_ =	shalt  }
0x81: {  	_ =	shalt  }
0x82: {  	_ =	shalt  }
0x83: {  	_ =	shalt  }
0x84: {  	_ =	shalt  }
0x85: {  	_ =	shalt  }
0x86: {  	_ =	shalt  }
0x87: {  	_ =	shalt  }
.Lfunc_end0:
.L_simem_size_0:
called_computation.1_lowered:
.L_overlay_start_0:
0x88: {  	s2 =	sld [smem:$0x3FD9]  }
0x89: {  	s3 =	sld [smem:$0x3FFE];
	_ =	sdelay $0x1  }
0x8a: {  	s1 =	srdreg.scid  }
0x8b: {  	s0 =	sand.u32 $0x1, s1  }
0x8c: {  	s16 =	sshll.u32 s0, $0xA;
	s2 =	sadd.s32 s3, s2  }
0x8d: {  	s2 =	sadd.s32 s2, s16  }
0x8e: {  	[smem:$0x3F99] =	sst s2  }
0x8f: {  	_ = 	snop  }
0x90: {  	(tm) =	ssettm $0x1  }
0x91: {  	s17 =	sld [smem:$0x3FFB];
	_ =	sdelay $0x3  }
0x92: {  	_ =	strace s17  }
0x93: {  	s2 =	sld [smem:$0x3FFC];
	_ =	sdelay $0x3  }
0x94: {  	_ =	strace s2  }
0x95: {  	s2 =	sld [smem:$0x3FFD];
	_ =	sdelay $0x3  }
0x96: {  	_ =	strace s2  }
0x97: {  	_ =	strace $0x8FFFFFFF  }
0x98: {  	s18 =	sld [smem:$0x3FDB];
	_ =	sdelay $0x1  }
0x99: {  	s19 =	simm.s32 $_scs_section_size  }
0x9a: {  	s4 =	simm.s32 $_size__tile_overlayer_lowered;
	s5 =	simm.s32 $_tile_overlayer_lowered  }
0x9b: {  	s22 =	simm.s32 $0x1BFF;
	s21 =	sshll.u32 s5, $0x1;
	s2 =	sadd.s32 s19, s18  }
0x9c: {  	s6 =	simm.s32 $0x0;
	s20 =	sshll.u32 s4, $0x1;
	s4 =	sadd.s32 s21, s2  }
0x9d: {  	[timem:s6], [sflag:s22] =	dma.local [hbm:s4], s20  }
0x9e: {  	_ =	swait.ge [sflag:s22], s20  }
0x9f: {  	s3 =	ssub.s32 $0x0, s20;
	[sflag:s22] =	ssyncset.done $0x0  }
0xa0: {  	[sflag:s22] =	ssyncadd.s32 s3;
	_ =	sdelay $0x1  }
0xa1: {  	s23 =	simm.s32 $0x1B8B  }
0xa2: {  	_ =	swait.ge [sflag:s23], $0x1  }
0xa3: {  	[sflag:s23] =	ssyncset.done $0x0  }
0xa4: {  	s25 =	simm.s32 $0x1B8E;
	s24 =	sld [smem:$0x3FFE];
	[sflag:s23] =	ssyncadd.s32 $0xFFFFFFFF  }
0xa5: {  	s26 =	simm.s32 $execute0_lowered;
	[smem:$0x3FD2] =	sst s25  }
0xa6: {  	s4 =	sshll.u32 s26, $0x1;
	_ =	strace $0x80000049;
	[dreg:$0x1] =	wrdreg $0xFFFFFFFF  }
0xa7: {  	s28 =	simm.s32 $_size_execute0_lowered;
	s2 =	sadd.s32 s2, s4;
	[dreg:$0x0] =	wrdreg $0x0  }
0xa8: {  	s4 =	sshll.u32 s28, $0x1;
	[dreg:$0x2] =	wrdreg s2  }
0xa9: {  	[dreg:$0x3] =	wrdreg s4  }
0xaa: {  	[dreg:$0x4] =	wrdreg $0xC0  }
0xab: {  	_ =	task [dreg:s6], $0x5FFFF  }
0xac: {  	[dreg:$0x1] =	wrdreg $0xFFFFFFFF  }
0xad: {  	[dreg:$0x0] =	wrdreg $0x60  }
0xae: {  	[dreg:$0x2] =	wrdreg s24  }
0xaf: {  	[dreg:$0x3] =	wrdreg $0x58000  }
0xb0: {  	[dreg:$0x4] =	wrdreg $0x9  }
0xb1: {  	_ =	task.clear_ibuf [dreg:s6], $0x5FFFF;
	_ =	strace $0x90000049  }
0xb2: {  	s29 =	simm.s32 $0x9;
	_ =	strace $0x8000004B  }
0xb3: {  	_ =	swait.ge [sflag:s29], $0x1  }
0xb4: {  	[sflag:s29] =	ssyncadd.s32 $0xFFFFFFFF  }
0xb5: {  	_ =	strace $0x9000004B  }
0xb6: {  	_ =	sfence  }
0xb7: {  	s30 =	sld [smem:$0x0];
	_ =	sdelay $0x2  }
0xb8: {  	s31 =	sshll.u32 s1, $0xD;
	s1 =	sshrl.u32 s1, $0x2  }
0xb9: {  	s3 =	sand.u32 $0x4000, s31;
	s1 =	sadd.s32 s1, s30  }
0xba: {  	s0 =	sor.u32 s3, s0;
	s1 =	sshll.u32 s1, $0x11  }
0xbb: {  	s0 =	sor.u32 s1, s0  }
0xbc: {  	s0 =	sadd.s32 $0x8F2B, s0  }
0xbd: {  	[sflag:s0] =	ssyncadd.remote.s32 $0x1  }
0xbe: {  	_ =	sfence.sel $0xFFFF  }
0xbf: {  	[dreg:$0x0] =	wrdreg $0xFFFFFFFF;
	(pc) =	sbr.abs _section_cstart, $3  }
0xc0: {  	[dreg:$0x1] =	wrdreg $0xFFFFFFFF  }
0xc1: {  	_ =	task.clear_ibuf [dreg:s6], $0x2FFFF;
	_ =	strace $0x9FFFFFFF  }
0xc2: {  	(tm) =	ssettm $0x7FFFFFFF  }
0xc3: {  	_ =	shalt  }
tec
execute0_lowered:
.L_overlay_start_1:
0x0: {  	(tag) =	ssettag $0x1  }
0x1: {  	s0 =	rddreg [dreg:$0x0]  }
0x2: {  	s1 =	rddreg [dreg:$0x1];
	s3 =	simm.s32 $0x0  }
0x3: {  	s2 =	srdreg.scid;
	s13 =	stileid.u32;
	s19 =	simm.s32 $0x4  }
0x4: {  	s20 =	simm.s32 $0x1;
	s22 =	simm.s32 $0x80;
	s30 =	simm.s32 $0x2  }
0x5: {  	s31 =	simm.s32 $0x3;
	[smem:$0x7FF] =	sst s3;
	s2 =	sand.u32 $0x1, s2  }
0x6: {  	s9 =	smul.u32 $0x18700, s13;
	s4 =	sadd.s32 $0x9200, s0;
	s5 =	sadd.s32 $0x3A000, s0  }
0x7: {  	s6 =	sadd.s32 $0x53000, s0;
	s7 =	sadd.s32 $0x6C000, s0;
	s28 =	sshll.u32 s13, $0x6  }
0x8: {  	s8 =	smul.u32 $0x187000, s2;
	s10 =	sshll.u32 s2, $0x4;
	s2 =	ssub.s32 $0x2, s2  }
0x9: {  	_ =	strace $0x8000004A;
	s10 =	sor.u32 s13, s10;
	s12 =	sshrl.u32 s2, $0x1  }
0xa: {  	s18 =	sadd.s32 s9, s1;
	s8 =	sadd.s32 s9, s8;
	s2 =	ssub.s32 s2, s12  }
0xb: {  	s9 =	sor.u32 $0x1C04, s28;
	s11 =	sshrl.u32 s8, $0x3;
	s8 =	smul.u32 $0x6400, s10  }
.Ltmp0:
0xc: {  	s18 =	sshrl.u32 s18, $0x3;
	s0 =	sadd.s32 s11, s0;
	(pc) =	sbr.rel .LBB2_1-.Ltmp0, $4  }
0xd: {  	s17 =	smax.u32 s2, $0x1;
	s14 =	sshrl.u32 s8, $0x3;
	s16 =	sadd.s32 $0x6F200, s0  }
0xe: {  	s0 =	simm.s32 $0x0;
	s10 =	sadd.s32 s5, s14;
	s29 =	sadd.s32 $0x80, s14  }
0xf: {  	s11 =	sadd.s32 s6, s14;
	s15 =	sadd.s32 $0x100, s14;
	s12 =	sadd.s32 s5, s29  }
0x10: {  	s13 =	sadd.s32 s6, s29;
	s14 =	sadd.s32 s5, s15;
	s15 =	sadd.s32 s6, s15  }
.LBB2_5:
0x11: {  	_ =	swait.ge [sflag:s31], $0x1000  }
0x12: {  	[sflag:s31] =	ssyncset.done $0x0  }
0x13: {  	[sflag:s31] =	ssyncadd.s32 $0xFFFFF000  }
0x14: {  	_ =	swait.ge [sflag:s31], $0x1000  }
0x15: {  	s0 =	sadd.s32 $0x1, s0;
	[sflag:s31] =	ssyncset.done $0x0  }
0x16: {  	p0 =	sne.s32 s0, s17;
	[sflag:s31] =	ssyncadd.s32 $0xFFFFF000  }
.Ltmp1:
0x17: {  	[bflag:$0x0] =	sbarrier.arrive $0xFFFF;
	(pc) =	sbr.rel @!p0 .LBB2_6-.Ltmp1, $4  }
0x18: {  	[hbm:s16], [sflag:s9] =	dma.local [spmem:s18], $0x30E0  }
0x19: {  	_ =	swait.ge [sflag:s19], $0x30E0  }
0x1a: {  	[sflag:s19] =	ssyncset.done $0x0  }
0x1b: {  	[sflag:s19] =	ssyncadd.s32 $0xFFFFCF20  }
.LBB2_1:
0x1c: {  	[spmem:s18], [sflag:s9] =	dma.local [hbm:s7], $0x30E0  }
0x1d: {  	_ =	swait.ge [sflag:s19], $0x30E0  }
0x1e: {  	[sflag:s19] =	ssyncset.done $0x0  }
0x1f: {  	[sflag:s19] =	ssyncadd.s32 $0xFFFFCF20  }
0x20: {  	[tilespmem:s3], [sflag:$0x1] =	stream.linear.gather [hbm4b:s10+s3], $0x400, $0x38;
	[tilespmem:$0x1DF00] =	vst v63  }
0x21: {  	_ =	swait.ge [sflag:s20], $0x400  }
0x22: {  	[sflag:s20] =	ssyncset.done $0x0  }
0x23: {  	s2 =	simm.s32 $0xC00;
	[sflag:s20] =	ssyncadd.s32 $0xFFFFFC00  }
0x24: {  	[tilespmem:s2], [sflag:$0x1] =	stream.linear.gather [hbm4b:s11+s3], $0x400, $0x38;
	[tilespmem:$0x1DF00] =	vst v63  }
0x25: {  	_ =	swait.ge [sflag:s20], $0x400  }
0x26: {  	[sflag:s20] =	ssyncset.done $0x0  }
0x27: {  	s23 =	simm.s32 $0x1800;
	[sflag:s20] =	ssyncadd.s32 $0xFFFFFC00  }
0x28: {  	[tilespmem:s23], [sflag:$0x2] =	stream.indirect.gather [hbm4b:s4+s22], $0x20, s3, s22, $0xb8;
	[tilespmem:$0x1DF00] =	vst v63  }
0x29: {  	s24 =	simm.s32 $0x2800  }
0x2a: {  	[tilespmem:s24], [sflag:$0x2] =	stream.indirect.gather [hbm4b:s4+s22], $0x20, s22, s22, $0xb8;
	[tilespmem:$0x1DF00] =	vst v63  }
0x2b: {  	s25 =	simm.s32 $0x400  }
0x2c: {  	[tilespmem:s25], [sflag:$0x1] =	stream.linear.gather [hbm4b:s12+s3], $0x400, $0x38;
	[tilespmem:$0x1DF00] =	vst v63  }
0x2d: {  	s26 =	simm.s32 $0x1000  }
0x2e: {  	[tilespmem:s26], [sflag:$0x1] =	stream.linear.gather [hbm4b:s13+s3], $0x400, $0x38;
	[tilespmem:$0x1DF00] =	vst v63  }
0x2f: {  	s28 =	simm.s32 $0x800  }
0x30: {  	[tilespmem:s28], [sflag:$0x1] =	stream.linear.gather [hbm4b:s14+s3], $0x400, $0x38;
	[tilespmem:$0x1DF00] =	vst v63  }
.Ltmp2:
0x31: {  	_ = 	snop;
	(pc) =	sbr.rel .LBB2_2-.Ltmp2, $4  }
0x32: {  	s29 =	simm.s32 $0x1400  }
0x33: {  	[tilespmem:s29], [sflag:$0x1] =	stream.linear.gather [hbm4b:s15+s3], $0x400, $0x38;
	[tilespmem:$0x1DF00] =	vst v63  }
0x34: {  	[bflag:$0x0] =	sbarrier.arrive $0xFFFF  }
0x35: {  	s21 =	simm.s32 $0x0;
	s2 =	simm.s32 $0x0  }
.LBB2_4:
0x36: {  	s21 =	sadd.s32 $0x1, s21  }
0x37: {  	p0 =	sne.s32 s21, $0xC8  }
.Ltmp3:
0x38: {  	_ = 	snop;
	(pc) =	sbr.rel @!p0 .LBB2_5-.Ltmp3, $2  }
0x39: {  	_ =	sdelay $0x2  }
0x3a: {  	s2 =	sadd.s32 $0x1000, s2  }
.LBB2_2:
0x3b: {  	s23 =	sshrl.u32 s21, $0x3  }
0x3c: {  	s24 =	smul.u32 $0xAB, s23;
	_ =	sdelay $0x1  }
0x3d: {  	s24 =	sshrl.u32 s24, $0x9  }
0x3e: {  	s24 =	sand.u32 $0x7F, s24  }
0x3f: {  	s24 =	smul.u32 $0x3, s24;
	_ =	sdelay $0x1  }
0x40: {  	_ =	swait.ge [sflag:s30], $0x1000;
	s28 =	sand.u32 $0x3000, s2;
	s25 =	ssub.s32 s23, s24  }
0x41: {  	p0 =	slt.u32 s21, $0x2;
	s24 =	sand.u32 $0x7, s21;
	s25 =	sand.u32 $0xFF, s25  }
0x42: {  	[sflag:s30] =	ssyncset.done $0x0;
	s26 =	sshll.u32 s24, $0x7;
	s25 =	sshll.u32 s25, $0xA  }
0x43: {  	s29 =	sadd.s32 $0x1800, s28;
	p1 =	sgt.u32 @!p0 s21, $0xC5;
	s25 =	sor.u32 s26, s25  }
0x44: {  	[sflag:s30] =	ssyncadd.s32 $0xFFFFF000;
	p1 =	por p0, !p1;
	s25 =	sadd.s32 $0xC00, s25  }
0x45: {  	[spmem:s1] =	stream.indirect.scatter.add.f32 [tilespmem:s29], [sflag:$0x3], $0x20, s25, s22, $0xb8;
	[tilespmem:$0x1DF00] =	vst v63  }
.Ltmp4:
0x46: {  	_ = 	snop;
	(pc) =	sbr.rel @!p1 .LBB2_4-.Ltmp4, $4  }
0x47: {  	s25 =	simm.s32 @!p0 $0x3  }
0x48: {  	_ =	swait.ge @!p0 [sflag:s25], $0x1000  }
0x49: {  	[sflag:s25] =	ssyncset.done @!p0 $0x0  }
0x4a: {  	[sflag:s25] =	ssyncadd.s32 @!p0 $0xFFFFF000  }
0x4b: {  	s25 =	sadd.s32 $0x2, s21  }
0x4c: {  	s26 =	sshrl.u32 s25, $0x3;
	s25 =	sand.u32 $0x7, s25  }
0x4d: {  	p0 =	sne.s32 s25, $0x0  }
0x4e: {  	s28 =	smul.u32 $0xAB, s26;
	s29 =	simm.s32 @!p0 $0x1  }
0x4f: {  	_ =	swait.ge @!p0 [sflag:s29], $0x400  }
0x50: {  	s28 =	sshrl.u32 s28, $0x9;
	[sflag:s29] =	ssyncset.done @!p0 $0x0  }
0x51: {  	s28 =	sand.u32 $0x7F, s28;
	[sflag:s29] =	ssyncadd.s32 @!p0 $0xFFFFFC00  }
0x52: {  	p1 =	sne.s32 s24, $0x2;
	s28 =	smul.u32 $0x3, s28;
	_ =	swait.ge @!p0 [sflag:s29], $0x400  }
0x53: {  	s24 =	sadd.s32 $0xFFFFFFF6, s21;
	s25 =	sshll.u32 s25, $0x7;
	[sflag:s29] =	ssyncset.done @!p0 $0x0  }
0x54: {  	s26 =	ssub.s32 s26, s28;
	[sflag:s29] =	ssyncadd.s32 @!p0 $0xFFFFFC00;
	p0 =	sgt.u32 @!p1 s24, $0xA8  }
0x55: {  	s29 =	sadd.s32 $0x2000, s2;
	s26 =	sand.u32 $0xFF, s26;
	p0 =	por p0, p1  }
0x56: {  	s29 =	sand.u32 $0x3000, s29;
	s24 =	sshll.u32 s26, $0xA;
	s23 =	sadd.s32 @!p0 $0x2, s23  }
0x57: {  	s26 =	sadd.s32 $0x1800, s29;
	s24 =	sor.u32 s25, s24;
	s25 =	smul.u32 @!p0 $0xAB, s23  }
0x58: {  	[tilespmem:s26], [sflag:$0x2] =	stream.indirect.gather [hbm4b:s4+s22], $0x20, s24, s22, $0xb8;
	[tilespmem:$0x1DF00] =	vst v63  }
0x59: {  	s24 =	sshrl.u32 @!p0 s25, $0x9  }
0x5a: {  	s24 =	sand.u32 @!p0 $0x7F, s24  }
0x5b: {  	s24 =	smul.u32 @!p0 $0x3, s24  }
0x5c: {  	s25 =	sshll.u32 @!p0 s23, $0xA  }
0x5d: {  	s25 =	sadd.s32 @!p0 s8, s25;
	s23 =	ssub.s32 @!p0 s23, s24  }
.Ltmp5:
0x5e: {  	s24 =	sshrl.u32 @!p0 s25, $0x3;
	s23 =	sand.u32 @!p0 $0xFF, s23;
	(pc) =	sbr.rel .LBB2_4-.Ltmp5, $4  }
0x5f: {  	s26 =	simm.s32 @!p0 $0x0;
	s25 =	sadd.s32 @!p0 s5, s24;
	s23 =	sshll.u32 @!p0 s23, $0xA  }
0x60: {  	[tilespmem:s23], [sflag:$0x1] =	stream.linear.gather @!p0 [hbm4b:s25+s26], $0x400, $0x38;
	[tilespmem:$0x1DF00] =	vst v63  }
0x61: {  	s24 =	sadd.s32 @!p0 s6, s24;
	s23 =	sadd.s32 @!p0 $0xC00, s23  }
0x62: {  	[tilespmem:s23], [sflag:$0x1] =	stream.linear.gather @!p0 [hbm4b:s24+s26], $0x400, $0x38;
	[tilespmem:$0x1DF00] =	vst v63  }
.LBB2_6:
0x63: {  	_ =	sfence.sel $0x180000  }
0x64: {  	[bflag:$0x0] =	sbarrier.arrive $0xFFFF  }
0x65: {  	_ =	strace $0x9000004A  }
0x66: {  	s0 =	stileid.u32;
	[bflag:$0x2] =	sbarrier.arrive $0xFFFF  }
0x67: {  	p0 =	sne.s32 s0, $0x0;
	s0 =	rddreg [dreg:$0x2]  }
0x68: {  	s0 =	sadd.s32 @!p0 $0x100000, s0  }
0x69: {  	[sflag:s0] =	ssyncadd.tile.s32 @!p0 $0x1;
	_ =	shalt  }
.Lfunc_end2:
_tile_overlayer_lowered:
.L_overlay_start_2:
0x6a: {  	(tag) =	ssettag $0x2  }
0x6b: {  	s0 =	rddreg [dreg:$0x0];
	s2 =	stileid.u32  }
0x6c: {  	s1 =	rddreg [dreg:$0x1];
	p0 =	sne.s32 s2, $0x0  }
0x6d: {  	s3 =	rddreg [dreg:$0x2];
	[bflag:$0x3] =	sbarrier.arrive $0xFFFF;
	s2 =	simm.s32 @!p0 $0x1C04  }
0x6e: {  	[timem:s3], [sflag:s2] =	dma.local @!p0 [hbm:s0], s1  }
0x6f: {  	s0 =	simm.s32 @!p0 $0x4  }
0x70: {  	_ =	swait.ge @!p0 [sflag:s0], s1  }
0x71: {  	s1 =	ssub.s32 @!p0 $0x0, s1;
	[sflag:s0] =	ssyncset.done @!p0 $0x0  }
0x72: {  	[sflag:s0] =	ssyncadd.s32 @!p0 s1  }
0x73: {  	[bflag:$0x3] =	sbarrier.arrive $0xFFFF  }
0x74: {  	_ =	shalt  }

// kernel: kernel.24.cloned.1.call-start
scs
__scs_entry_jumppad:
0x0: {  	(pc) =	sbr.rel $0x88, $3  }
0x1: {  	(tag) =	ssettag $0x0;
	lr =	simm.s32 $0x1  }
0x2: {  	[smem:$0x3F72] =	sst lr;
	_ =	strace $0xD0000000  }
0x3: {  	_ = 	snop  }
0x4: {  	_ = 	snop  }
0x5: {  	_ = 	snop  }
0x6: {  	_ = 	snop  }
0x7: {  	_ = 	snop  }
__scs_overlays_trampoline_lowered:
0x8: {  	[smem:$0x3F81] =	sst s0  }
0x9: {  	[smem:$0x3F82] =	sst s1  }
0xa: {  	[smem:$0x3F83] =	sst s2  }
0xb: {  	[smem:$0x3F84] =	sst s3  }
0xc: {  	[smem:$0x3F85] =	sst s4  }
0xd: {  	[smem:$0x3F86] =	sst s5  }
0xe: {  	[smem:$0x3F87] =	sst s6  }
0xf: {  	[smem:$0x3F88] =	sst s7  }
0x10: {  	[smem:$0x3F89] =	sst s8  }
0x11: {  	[smem:$0x3F8A] =	sst s9;
	s0 =	simm.s32 @!p0 $0x0  }
0x12: {  	s1 =	sld [smem:$0x3F70];
	s0 =	simm.s32 @p0 $0x1  }
0x13: {  	[smem:$0x3F8B] =	sst s0;
	s0 =	simm.s32 @!p1 $0x0  }
0x14: {  	s2 =	sld [smem:$0x3F6F];
	s0 =	simm.s32 @p1 $0x1  }
0x15: {  	[smem:$0x3F8C] =	sst s0;
	s0 =	simm.s32 @!p2 $0x0  }
0x16: {  	s3 =	sld [smem:$0x3FDB];
	s0 =	simm.s32 @p2 $0x1  }
0x17: {  	s4 =	simm.s32 $0x1BF5;
	[smem:$0x3F8E] =	sst s0  }
0x18: {  	s0 =	sld [smem:$0x3F71];
	_ =	swait.ge [sflag:s4], $0x0  }
0x19: {  	s7 =	sld [smem:$0x3F72]  }
0x1a: {  	s8 =	sadd.s32 $0xFFFFE003, lr  }
0x1b: {  	s9 =	sadd.s32 $0xFFFFFEF7, lr;
	s5 =	simm.s32 $0xFFFFFFFF;
	p2 =	slt.u32 s8, $0xFFFFF086  }
0x1c: {  	p1 =	slt.u32 s9, $0xF7A;
	s5 =	simm.s32 @!p2 $0x0  }
0x1d: {  	s5 =	simm.s32 @p1 $0x1;
	p0 =	seq.s32 s7, s2  }
0x1e: {  	s7 =	smul.u32 @!p0 $0xF7A, s2;
	p2 =	seq.s32 @!p0 s5, $0x0  }
0x1f: {  	s9 =	smul.u32 $0xF7A, s1;
	s8 =	simm.s32 @!p0 $0x1BF5;
	p2 =	por !p2, p0  }
0x20: {  	[sflag:s8] =	ssyncset.s32 @!p0 $0xFFFFF086;
	s6 =	sadd.s32 @!p0 s3, s7;
	s7 =	simm.s32 @!p0 $0x108  }
0x21: {  	s3 =	sadd.s32 s3, s9;
	s6 =	sadd.s32 @!p0 $0x88, s6;
	s7 =	simm.s32 @p2 $0x1082  }
0x22: {  	[simem:s7], [sflag:s8] =	dma.local @!p0 [hbm:s6], $0xF7A  }
0x23: {  	s9 =	sor.u32 $0xD0000000, s2;
	s6 =	simm.s32 $0x108;
	_ =	swait.ge @!p0 [sflag:s8], $0x0  }
0x24: {  	s3 =	sadd.s32 $0x88, s3;
	s6 =	simm.s32 @!p1 $0x1082;
	[sflag:s4] =	ssyncset.s32 $0xFFFFF086  }
0x25: {  	[simem:s6], [sflag:s4] =	dma.local [hbm:s3], $0xF7A  }
0x26: {  	[smem:$0x3F72] =	sst s1;
	(tag) =	ssettag s2;
	_ =	strace s9  }
0x27: {  	s1 =	sld [smem:$0x3F82]  }
0x28: {  	s2 =	sld [smem:$0x3F83]  }
0x29: {  	s4 =	sld [smem:$0x3F85]  }
0x2a: {  	p0 =	seq.s32 s5, $0x0;
	s5 =	sld [smem:$0x3F86]  }
0x2b: {  	s6 =	sld [smem:$0x3F87]  }
0x2c: {  	s7 =	sld [smem:$0x3F88]  }
0x2d: {  	s3 =	simm.s32 $0x108;
	s8 =	sld [smem:$0x3F89]  }
0x2e: {  	s3 =	simm.s32 @!p0 $0x1082;
	s9 =	sld [smem:$0x3F8A]  }
0x2f: {  	lr =	sadd.s32 s0, s3;
	s0 =	sld [smem:$0x3F81]  }
0x30: {  	s3 =	sld [smem:$0x3F84]  }
0x31: {  	[smem:$0x3F8D] =	sst s10  }
0x32: {  	s10 =	sld [smem:$0x3F8B];
	_ =	sdelay $0x3  }
0x33: {  	p0 =	seq.s32 s10, $0x1;
	s10 =	sld [smem:$0x3F8D];
	_ =	sdelay $0x3  }
0x34: {  	[smem:$0x3F8D] =	sst s10  }
0x35: {  	s10 =	sld [smem:$0x3F8C];
	_ =	sdelay $0x3  }
0x36: {  	p1 =	seq.s32 s10, $0x1;
	s10 =	sld [smem:$0x3F8D];
	_ =	sdelay $0x3  }
0x37: {  	[smem:$0x3F8D] =	sst s10  }
0x38: {  	s10 =	sld [smem:$0x3F8E]  }
0x39: {  	_ = 	snop;
	(pc) =	sbr.ind lr, $3  }
0x3a: {  	_ = 	snop  }
0x3b: {  	_ = 	snop  }
0x3c: {  	p2 =	seq.s32 s10, $0x1;
	s10 =	sld [smem:$0x3F8D]  }
0x3d: {  	_ =	shalt  }
0x3e: {  	_ =	shalt  }
0x3f: {  	_ =	shalt  }
0x40: {  	_ =	shalt  }
0x41: {  	_ =	shalt  }
0x42: {  	_ =	shalt  }
0x43: {  	_ =	shalt  }
0x44: {  	_ =	shalt  }
0x45: {  	_ =	shalt  }
0x46: {  	_ =	shalt  }
0x47: {  	_ =	shalt  }
0x48: {  	_ =	shalt  }
0x49: {  	_ =	shalt  }
0x4a: {  	_ =	shalt  }
0x4b: {  	_ =	shalt  }
0x4c: {  	_ =	shalt  }
0x4d: {  	_ =	shalt  }
0x4e: {  	_ =	shalt  }
0x4f: {  	_ =	shalt  }
0x50: {  	_ =	shalt  }
0x51: {  	_ =	shalt  }
0x52: {  	_ =	shalt  }
0x53: {  	_ =	shalt  }
0x54: {  	_ =	shalt  }
0x55: {  	_ =	shalt  }
0x56: {  	_ =	shalt  }
0x57: {  	_ =	shalt  }
0x58: {  	_ =	shalt  }
0x59: {  	_ =	shalt  }
0x5a: {  	_ =	shalt  }
0x5b: {  	_ =	shalt  }
0x5c: {  	_ =	shalt  }
0x5d: {  	_ =	shalt  }
0x5e: {  	_ =	shalt  }
0x5f: {  	_ =	shalt  }
0x60: {  	_ =	shalt  }
0x61: {  	_ =	shalt  }
0x62: {  	_ =	shalt  }
0x63: {  	_ =	shalt  }
0x64: {  	_ =	shalt  }
0x65: {  	_ =	shalt  }
0x66: {  	_ =	shalt  }
0x67: {  	_ =	shalt  }
0x68: {  	_ =	shalt  }
0x69: {  	_ =	shalt  }
0x6a: {  	_ =	shalt  }
0x6b: {  	_ =	shalt  }
0x6c: {  	_ =	shalt  }
0x6d: {  	_ =	shalt  }
0x6e: {  	_ =	shalt  }
0x6f: {  	_ =	shalt  }
0x70: {  	_ =	shalt  }
0x71: {  	_ =	shalt  }
0x72: {  	_ =	shalt  }
0x73: {  	_ =	shalt  }
0x74: {  	_ =	shalt  }
0x75: {  	_ =	shalt  }
0x76: {  	_ =	shalt  }
0x77: {  	_ =	shalt  }
0x78: {  	_ =	shalt  }
0x79: {  	_ =	shalt  }
0x7a: {  	_ =	shalt  }
0x7b: {  	_ =	shalt  }
0x7c: {  	_ =	shalt  }
0x7d: {  	_ =	shalt  }
0x7e: {  	_ =	shalt  }
0x7f: {  	_ =	shalt  }
0x80: {  	_ =	shalt  }
0x81: {  	_ =	shalt  }
0x82: {  	_ =	shalt  }
0x83: {  	_ =	shalt  }
0x84: {  	_ =	shalt  }
0x85: {  	_ =	shalt  }
0x86: {  	_ =	shalt  }
0x87: {  	_ =	shalt  }
.Lfunc_end0:
.L_simem_size_0:
called_computation.2_lowered:
.L_overlay_start_0:
0x88: {  	s2 =	sld [smem:$0x3FD9]  }
0x89: {  	s3 =	sld [smem:$0x3FFE];
	_ =	sdelay $0x1  }
0x8a: {  	s1 =	srdreg.scid  }
0x8b: {  	s0 =	sand.u32 $0x1, s1  }
0x8c: {  	s16 =	sshll.u32 s0, $0xA;
	s2 =	sadd.s32 s3, s2  }
0x8d: {  	s2 =	sadd.s32 s2, s16  }
0x8e: {  	[smem:$0x3F99] =	sst s2  }
0x8f: {  	_ = 	snop  }
0x90: {  	(tm) =	ssettm $0x1  }
0x91: {  	s17 =	sld [smem:$0x3FFB];
	_ =	sdelay $0x3  }
0x92: {  	_ =	strace s17  }
0x93: {  	s2 =	sld [smem:$0x3FFC];
	_ =	sdelay $0x3  }
0x94: {  	_ =	strace s2  }
0x95: {  	s2 =	sld [smem:$0x3FFD];
	_ =	sdelay $0x3  }
0x96: {  	_ =	strace s2  }
0x97: {  	_ =	strace $0x8FFFFFFF  }
0x98: {  	s18 =	sld [smem:$0x3FDB];
	_ =	sdelay $0x1  }
0x99: {  	s19 =	simm.s32 $_scs_section_size  }
0x9a: {  	s4 =	simm.s32 $_size__tile_overlayer_lowered;
	s5 =	simm.s32 $_tile_overlayer_lowered  }
0x9b: {  	s22 =	simm.s32 $0x1BFF;
	s21 =	sshll.u32 s5, $0x1;
	s2 =	sadd.s32 s19, s18  }
0x9c: {  	s6 =	simm.s32 $0x0;
	s20 =	sshll.u32 s4, $0x1;
	s4 =	sadd.s32 s21, s2  }
0x9d: {  	[timem:s6], [sflag:s22] =	dma.local [hbm:s4], s20  }
0x9e: {  	_ =	swait.ge [sflag:s22], s20  }
0x9f: {  	s3 =	ssub.s32 $0x0, s20;
	[sflag:s22] =	ssyncset.done $0x0  }
0xa0: {  	[sflag:s22] =	ssyncadd.s32 s3;
	_ =	sdelay $0x1  }
0xa1: {  	s23 =	simm.s32 $0x1B8B  }
0xa2: {  	_ =	swait.ge [sflag:s23], $0x1  }
0xa3: {  	[sflag:s23] =	ssyncset.done $0x0  }
0xa4: {  	s25 =	simm.s32 $0x1B8E;
	s24 =	sld [smem:$0x3FFE];
	[sflag:s23] =	ssyncadd.s32 $0xFFFFFFFF  }
0xa5: {  	s26 =	simm.s32 $execute0_lowered;
	[smem:$0x3FD2] =	sst s25  }
0xa6: {  	s4 =	sshll.u32 s26, $0x1;
	_ =	strace $0x8000004C;
	[dreg:$0x1] =	wrdreg $0xFFFFFFFF  }
0xa7: {  	s28 =	simm.s32 $_size_execute0_lowered;
	s2 =	sadd.s32 s2, s4;
	[dreg:$0x0] =	wrdreg $0x0  }
0xa8: {  	s4 =	sshll.u32 s28, $0x1;
	[dreg:$0x2] =	wrdreg s2  }
0xa9: {  	[dreg:$0x3] =	wrdreg s4  }
0xaa: {  	[dreg:$0x4] =	wrdreg $0xC0  }
0xab: {  	_ =	task [dreg:s6], $0x5FFFF  }
0xac: {  	[dreg:$0x1] =	wrdreg $0xFFFFFFFF  }
0xad: {  	[dreg:$0x0] =	wrdreg $0x60  }
0xae: {  	[dreg:$0x2] =	wrdreg s24  }
0xaf: {  	[dreg:$0x3] =	wrdreg $0x58000  }
0xb0: {  	[dreg:$0x4] =	wrdreg $0x9  }
0xb1: {  	_ =	task.clear_ibuf [dreg:s6], $0x5FFFF;
	_ =	strace $0x9000004C  }
0xb2: {  	s29 =	simm.s32 $0x9;
	_ =	strace $0x8000004E  }
0xb3: {  	_ =	swait.ge [sflag:s29], $0x1  }
0xb4: {  	[sflag:s29] =	ssyncadd.s32 $0xFFFFFFFF  }
0xb5: {  	_ =	strace $0x9000004E  }
0xb6: {  	_ =	sfence  }
0xb7: {  	s30 =	sld [smem:$0x0];
	_ =	sdelay $0x2  }
0xb8: {  	s31 =	sshll.u32 s1, $0xD;
	s1 =	sshrl.u32 s1, $0x2  }
0xb9: {  	s3 =	sand.u32 $0x4000, s31;
	s1 =	sadd.s32 s1, s30  }
0xba: {  	s0 =	sor.u32 s3, s0;
	s1 =	sshll.u32 s1, $0x11  }
0xbb: {  	s0 =	sor.u32 s1, s0  }
0xbc: {  	s0 =	sadd.s32 $0x8F2B, s0  }
0xbd: {  	[sflag:s0] =	ssyncadd.remote.s32 $0x1  }
0xbe: {  	_ =	sfence.sel $0xFFFF  }
0xbf: {  	[dreg:$0x0] =	wrdreg $0xFFFFFFFF;
	(pc) =	sbr.abs _section_cstart, $3  }
0xc0: {  	[dreg:$0x1] =	wrdreg $0xFFFFFFFF  }
0xc1: {  	_ =	task.clear_ibuf [dreg:s6], $0x2FFFF;
	_ =	strace $0x9FFFFFFF  }
0xc2: {  	(tm) =	ssettm $0x7FFFFFFF  }
0xc3: {  	_ =	shalt  }
tec
execute0_lowered:
.L_overlay_start_1:
0x0: {  	(tag) =	ssettag $0x1  }
0x1: {  	s0 =	rddreg [dreg:$0x0]  }
0x2: {  	s1 =	rddreg [dreg:$0x1];
	s3 =	simm.s32 $0x0  }
0x3: {  	s2 =	srdreg.scid;
	s13 =	stileid.u32;
	s19 =	simm.s32 $0x4  }
0x4: {  	s20 =	simm.s32 $0x1;
	s22 =	simm.s32 $0x80;
	s30 =	simm.s32 $0x2  }
0x5: {  	s31 =	simm.s32 $0x3;
	[smem:$0x7FF] =	sst s3;
	s2 =	sand.u32 $0x1, s2  }
0x6: {  	s9 =	smul.u32 $0x18700, s13;
	s4 =	sadd.s32 $0x9200, s0;
	s5 =	sadd.s32 $0x3A000, s0  }
0x7: {  	s6 =	sadd.s32 $0x53000, s0;
	s7 =	sadd.s32 $0x6C000, s0;
	s28 =	sshll.u32 s13, $0x6  }
0x8: {  	s8 =	smul.u32 $0x187000, s2;
	s10 =	sshll.u32 s2, $0x4;
	s2 =	ssub.s32 $0x2, s2  }
0x9: {  	_ =	strace $0x8000004D;
	s10 =	sor.u32 s13, s10;
	s12 =	sshrl.u32 s2, $0x1  }
0xa: {  	s18 =	sadd.s32 s9, s1;
	s8 =	sadd.s32 s9, s8;
	s2 =	ssub.s32 s2, s12  }
0xb: {  	s9 =	sor.u32 $0x1C04, s28;
	s11 =	sshrl.u32 s8, $0x3;
	s8 =	smul.u32 $0x6400, s10  }
.Ltmp0:
0xc: {  	s18 =	sshrl.u32 s18, $0x3;
	s0 =	sadd.s32 s11, s0;
	(pc) =	sbr.rel .LBB2_1-.Ltmp0, $4  }
0xd: {  	s17 =	smax.u32 s2, $0x1;
	s14 =	sshrl.u32 s8, $0x3;
	s16 =	sadd.s32 $0x6F200, s0  }
0xe: {  	s0 =	simm.s32 $0x0;
	s10 =	sadd.s32 s5, s14;
	s29 =	sadd.s32 $0x80, s14  }
0xf: {  	s11 =	sadd.s32 s6, s14;
	s15 =	sadd.s32 $0x100, s14;
	s12 =	sadd.s32 s5, s29  }
0x10: {  	s13 =	sadd.s32 s6, s29;
	s14 =	sadd.s32 s5, s15;
	s15 =	sadd.s32 s6, s15  }
.LBB2_5:
0x11: {  	_ =	swait.ge [sflag:s31], $0x1000  }
0x12: {  	[sflag:s31] =	ssyncset.done $0x0  }
0x13: {  	[sflag:s31] =	ssyncadd.s32 $0xFFFFF000  }
0x14: {  	_ =	swait.ge [sflag:s31], $0x1000  }
0x15: {  	s0 =	sadd.s32 $0x1, s0;
	[sflag:s31] =	ssyncset.done $0x0  }
0x16: {  	p0 =	sne.s32 s0, s17;
	[sflag:s31] =	ssyncadd.s32 $0xFFFFF000  }
.Ltmp1:
0x17: {  	[bflag:$0x0] =	sbarrier.arrive $0xFFFF;
	(pc) =	sbr.rel @!p0 .LBB2_6-.Ltmp1, $4  }
0x18: {  	[hbm:s16], [sflag:s9] =	dma.local [spmem:s18], $0x30E0  }
0x19: {  	_ =	swait.ge [sflag:s19], $0x30E0  }
0x1a: {  	[sflag:s19] =	ssyncset.done $0x0  }
0x1b: {  	[sflag:s19] =	ssyncadd.s32 $0xFFFFCF20  }
.LBB2_1:
0x1c: {  	[spmem:s18], [sflag:s9] =	dma.local [hbm:s7], $0x30E0  }
0x1d: {  	_ =	swait.ge [sflag:s19], $0x30E0  }
0x1e: {  	[sflag:s19] =	ssyncset.done $0x0  }
0x1f: {  	[sflag:s19] =	ssyncadd.s32 $0xFFFFCF20  }
0x20: {  	[tilespmem:s3], [sflag:$0x1] =	stream.linear.gather [hbm4b:s10+s3], $0x400, $0x38;
	[tilespmem:$0x1DF00] =	vst v63  }
0x21: {  	_ =	swait.ge [sflag:s20], $0x400  }
0x22: {  	[sflag:s20] =	ssyncset.done $0x0  }
0x23: {  	s2 =	simm.s32 $0xC00;
	[sflag:s20] =	ssyncadd.s32 $0xFFFFFC00  }
0x24: {  	[tilespmem:s2], [sflag:$0x1] =	stream.linear.gather [hbm4b:s11+s3], $0x400, $0x38;
	[tilespmem:$0x1DF00] =	vst v63  }
0x25: {  	_ =	swait.ge [sflag:s20], $0x400  }
0x26: {  	[sflag:s20] =	ssyncset.done $0x0  }
0x27: {  	s23 =	simm.s32 $0x1800;
	[sflag:s20] =	ssyncadd.s32 $0xFFFFFC00  }
0x28: {  	[tilespmem:s23], [sflag:$0x2] =	stream.indirect.gather [hbm4b:s4+s22], $0x20, s3, s22, $0xb8;
	[tilespmem:$0x1DF00] =	vst v63  }
0x29: {  	s24 =	simm.s32 $0x2800  }
0x2a: {  	[tilespmem:s24], [sflag:$0x2] =	stream.indirect.gather [hbm4b:s4+s22], $0x20, s22, s22, $0xb8;
	[tilespmem:$0x1DF00] =	vst v63  }
0x2b: {  	s25 =	simm.s32 $0x400  }
0x2c: {  	[tilespmem:s25], [sflag:$0x1] =	stream.linear.gather [hbm4b:s12+s3], $0x400, $0x38;
	[tilespmem:$0x1DF00] =	vst v63  }
0x2d: {  	s26 =	simm.s32 $0x1000  }
0x2e: {  	[tilespmem:s26], [sflag:$0x1] =	stream.linear.gather [hbm4b:s13+s3], $0x400, $0x38;
	[tilespmem:$0x1DF00] =	vst v63  }
0x2f: {  	s28 =	simm.s32 $0x800  }
0x30: {  	[tilespmem:s28], [sflag:$0x1] =	stream.linear.gather [hbm4b:s14+s3], $0x400, $0x38;
	[tilespmem:$0x1DF00] =	vst v63  }
.Ltmp2:
0x31: {  	_ = 	snop;
	(pc) =	sbr.rel .LBB2_2-.Ltmp2, $4  }
0x32: {  	s29 =	simm.s32 $0x1400  }
0x33: {  	[tilespmem:s29], [sflag:$0x1] =	stream.linear.gather [hbm4b:s15+s3], $0x400, $0x38;
	[tilespmem:$0x1DF00] =	vst v63  }
0x34: {  	[bflag:$0x0] =	sbarrier.arrive $0xFFFF  }
0x35: {  	s21 =	simm.s32 $0x0;
	s2 =	simm.s32 $0x0  }
.LBB2_4:
0x36: {  	s21 =	sadd.s32 $0x1, s21  }
0x37: {  	p0 =	sne.s32 s21, $0xC8  }
.Ltmp3:
0x38: {  	_ = 	snop;
	(pc) =	sbr.rel @!p0 .LBB2_5-.Ltmp3, $2  }
0x39: {  	_ =	sdelay $0x2  }
0x3a: {  	s2 =	sadd.s32 $0x1000, s2  }
.LBB2_2:
0x3b: {  	s23 =	sshrl.u32 s21, $0x3  }
0x3c: {  	s24 =	smul.u32 $0xAB, s23;
	_ =	sdelay $0x1  }
0x3d: {  	s24 =	sshrl.u32 s24, $0x9  }
0x3e: {  	s24 =	sand.u32 $0x7F, s24  }
0x3f: {  	s24 =	smul.u32 $0x3, s24;
	_ =	sdelay $0x1  }
0x40: {  	_ =	swait.ge [sflag:s30], $0x1000;
	s28 =	sand.u32 $0x3000, s2;
	s25 =	ssub.s32 s23, s24  }
0x41: {  	p0 =	slt.u32 s21, $0x2;
	s24 =	sand.u32 $0x7, s21;
	s25 =	sand.u32 $0xFF, s25  }
0x42: {  	[sflag:s30] =	ssyncset.done $0x0;
	s26 =	sshll.u32 s24, $0x7;
	s25 =	sshll.u32 s25, $0xA  }
0x43: {  	s29 =	sadd.s32 $0x1800, s28;
	p1 =	sgt.u32 @!p0 s21, $0xC5;
	s25 =	sor.u32 s26, s25  }
0x44: {  	[sflag:s30] =	ssyncadd.s32 $0xFFFFF000;
	p1 =	por p0, !p1;
	s25 =	sadd.s32 $0xC00, s25  }
0x45: {  	[spmem:s1] =	stream.indirect.scatter.add.f32 [tilespmem:s29], [sflag:$0x3], $0x20, s25, s22, $0xb8;
	[tilespmem:$0x1DF00] =	vst v63  }
.Ltmp4:
0x46: {  	_ = 	snop;
	(pc) =	sbr.rel @!p1 .LBB2_4-.Ltmp4, $4  }
0x47: {  	s25 =	simm.s32 @!p0 $0x3  }
0x48: {  	_ =	swait.ge @!p0 [sflag:s25], $0x1000  }
0x49: {  	[sflag:s25] =	ssyncset.done @!p0 $0x0  }
0x4a: {  	[sflag:s25] =	ssyncadd.s32 @!p0 $0xFFFFF000  }
0x4b: {  	s25 =	sadd.s32 $0x2, s21  }
0x4c: {  	s26 =	sshrl.u32 s25, $0x3;
	s25 =	sand.u32 $0x7, s25  }
0x4d: {  	p0 =	sne.s32 s25, $0x0  }
0x4e: {  	s28 =	smul.u32 $0xAB, s26;
	s29 =	simm.s32 @!p0 $0x1  }
0x4f: {  	_ =	swait.ge @!p0 [sflag:s29], $0x400  }
0x50: {  	s28 =	sshrl.u32 s28, $0x9;
	[sflag:s29] =	ssyncset.done @!p0 $0x0  }
0x51: {  	s28 =	sand.u32 $0x7F, s28;
	[sflag:s29] =	ssyncadd.s32 @!p0 $0xFFFFFC00  }
0x52: {  	p1 =	sne.s32 s24, $0x2;
	s28 =	smul.u32 $0x3, s28;
	_ =	swait.ge @!p0 [sflag:s29], $0x400  }
0x53: {  	s24 =	sadd.s32 $0xFFFFFFF6, s21;
	s25 =	sshll.u32 s25, $0x7;
	[sflag:s29] =	ssyncset.done @!p0 $0x0  }
0x54: {  	s26 =	ssub.s32 s26, s28;
	[sflag:s29] =	ssyncadd.s32 @!p0 $0xFFFFFC00;
	p0 =	sgt.u32 @!p1 s24, $0xA8  }
0x55: {  	s29 =	sadd.s32 $0x2000, s2;
	s26 =	sand.u32 $0xFF, s26;
	p0 =	por p0, p1  }
0x56: {  	s29 =	sand.u32 $0x3000, s29;
	s24 =	sshll.u32 s26, $0xA;
	s23 =	sadd.s32 @!p0 $0x2, s23  }
0x57: {  	s26 =	sadd.s32 $0x1800, s29;
	s24 =	sor.u32 s25, s24;
	s25 =	smul.u32 @!p0 $0xAB, s23  }
0x58: {  	[tilespmem:s26], [sflag:$0x2] =	stream.indirect.gather [hbm4b:s4+s22], $0x20, s24, s22, $0xb8;
	[tilespmem:$0x1DF00] =	vst v63  }
0x59: {  	s24 =	sshrl.u32 @!p0 s25, $0x9  }
0x5a: {  	s24 =	sand.u32 @!p0 $0x7F, s24  }
0x5b: {  	s24 =	smul.u32 @!p0 $0x3, s24  }
0x5c: {  	s25 =	sshll.u32 @!p0 s23, $0xA  }
0x5d: {  	s25 =	sadd.s32 @!p0 s8, s25;
	s23 =	ssub.s32 @!p0 s23, s24  }
.Ltmp5:
0x5e: {  	s24 =	sshrl.u32 @!p0 s25, $0x3;
	s23 =	sand.u32 @!p0 $0xFF, s23;
	(pc) =	sbr.rel .LBB2_4-.Ltmp5, $4  }
0x5f: {  	s26 =	simm.s32 @!p0 $0x0;
	s25 =	sadd.s32 @!p0 s5, s24;
	s23 =	sshll.u32 @!p0 s23, $0xA  }
0x60: {  	[tilespmem:s23], [sflag:$0x1] =	stream.linear.gather @!p0 [hbm4b:s25+s26], $0x400, $0x38;
	[tilespmem:$0x1DF00] =	vst v63  }
0x61: {  	s24 =	sadd.s32 @!p0 s6, s24;
	s23 =	sadd.s32 @!p0 $0xC00, s23  }
0x62: {  	[tilespmem:s23], [sflag:$0x1] =	stream.linear.gather @!p0 [hbm4b:s24+s26], $0x400, $0x38;
	[tilespmem:$0x1DF00] =	vst v63  }
.LBB2_6:
0x63: {  	_ =	sfence.sel $0x180000  }
0x64: {  	[bflag:$0x0] =	sbarrier.arrive $0xFFFF  }
0x65: {  	_ =	strace $0x9000004D  }
0x66: {  	s0 =	stileid.u32;
	[bflag:$0x2] =	sbarrier.arrive $0xFFFF  }
0x67: {  	p0 =	sne.s32 s0, $0x0;
	s0 =	rddreg [dreg:$0x2]  }
0x68: {  	s0 =	sadd.s32 @!p0 $0x100000, s0  }
0x69: {  	[sflag:s0] =	ssyncadd.tile.s32 @!p0 $0x1;
	_ =	shalt  }
.Lfunc_end2:
_tile_overlayer_lowered:
.L_overlay_start_2:
0x6a: {  	(tag) =	ssettag $0x2  }
0x6b: {  	s0 =	rddreg [dreg:$0x0];
	s2 =	stileid.u32  }
0x6c: {  	s1 =	rddreg [dreg:$0x1];
	p0 =	sne.s32 s2, $0x0  }
0x6d: {  	s3 =	rddreg [dreg:$0x2];
	[bflag:$0x3] =	sbarrier.arrive $0xFFFF;
	s2 =	simm.s32 @!p0 $0x1C04  }
0x6e: {  	[timem:s3], [sflag:s2] =	dma.local @!p0 [hbm:s0], s1  }
0x6f: {  	s0 =	simm.s32 @!p0 $0x4  }
0x70: {  	_ =	swait.ge @!p0 [sflag:s0], s1  }
0x71: {  	s1 =	ssub.s32 @!p0 $0x0, s1;
	[sflag:s0] =	ssyncset.done @!p0 $0x0  }
0x72: {  	[sflag:s0] =	ssyncadd.s32 @!p0 s1  }
0x73: {  	[bflag:$0x3] =	sbarrier.arrive $0xFFFF  }
0x74: {  	_ =	shalt  }

// kernel: kernel.27.cloned.1.call-start
scs
__scs_entry_jumppad:
0x0: {  	(pc) =	sbr.rel $0x88, $3  }
0x1: {  	(tag) =	ssettag $0x0;
	lr =	simm.s32 $0x1  }
0x2: {  	[smem:$0x3F72] =	sst lr;
	_ =	strace $0xD0000000  }
0x3: {  	_ = 	snop  }
0x4: {  	_ = 	snop  }
0x5: {  	_ = 	snop  }
0x6: {  	_ = 	snop  }
0x7: {  	_ = 	snop  }
__scs_overlays_trampoline_lowered:
0x8: {  	[smem:$0x3F81] =	sst s0  }
0x9: {  	[smem:$0x3F82] =	sst s1  }
0xa: {  	[smem:$0x3F83] =	sst s2  }
0xb: {  	[smem:$0x3F84] =	sst s3  }
0xc: {  	[smem:$0x3F85] =	sst s4  }
0xd: {  	[smem:$0x3F86] =	sst s5  }
0xe: {  	[smem:$0x3F87] =	sst s6  }
0xf: {  	[smem:$0x3F88] =	sst s7  }
0x10: {  	[smem:$0x3F89] =	sst s8  }
0x11: {  	[smem:$0x3F8A] =	sst s9;
	s0 =	simm.s32 @!p0 $0x0  }
0x12: {  	s1 =	sld [smem:$0x3F70];
	s0 =	simm.s32 @p0 $0x1  }
0x13: {  	[smem:$0x3F8B] =	sst s0;
	s0 =	simm.s32 @!p1 $0x0  }
0x14: {  	s2 =	sld [smem:$0x3F6F];
	s0 =	simm.s32 @p1 $0x1  }
0x15: {  	[smem:$0x3F8C] =	sst s0;
	s0 =	simm.s32 @!p2 $0x0  }
0x16: {  	s3 =	sld [smem:$0x3FDB];
	s0 =	simm.s32 @p2 $0x1  }
0x17: {  	s4 =	simm.s32 $0x1BF5;
	[smem:$0x3F8E] =	sst s0  }
0x18: {  	s0 =	sld [smem:$0x3F71];
	_ =	swait.ge [sflag:s4], $0x0  }
0x19: {  	s7 =	sld [smem:$0x3F72]  }
0x1a: {  	s8 =	sadd.s32 $0xFFFFE003, lr  }
0x1b: {  	s9 =	sadd.s32 $0xFFFFFEF7, lr;
	s5 =	simm.s32 $0xFFFFFFFF;
	p2 =	slt.u32 s8, $0xFFFFF086  }
0x1c: {  	p1 =	slt.u32 s9, $0xF7A;
	s5 =	simm.s32 @!p2 $0x0  }
0x1d: {  	s5 =	simm.s32 @p1 $0x1;
	p0 =	seq.s32 s7, s2  }
0x1e: {  	s7 =	smul.u32 @!p0 $0xF7A, s2;
	p2 =	seq.s32 @!p0 s5, $0x0  }
0x1f: {  	s9 =	smul.u32 $0xF7A, s1;
	s8 =	simm.s32 @!p0 $0x1BF5;
	p2 =	por !p2, p0  }
0x20: {  	[sflag:s8] =	ssyncset.s32 @!p0 $0xFFFFF086;
	s6 =	sadd.s32 @!p0 s3, s7;
	s7 =	simm.s32 @!p0 $0x108  }
0x21: {  	s3 =	sadd.s32 s3, s9;
	s6 =	sadd.s32 @!p0 $0x88, s6;
	s7 =	simm.s32 @p2 $0x1082  }
0x22: {  	[simem:s7], [sflag:s8] =	dma.local @!p0 [hbm:s6], $0xF7A  }
0x23: {  	s9 =	sor.u32 $0xD0000000, s2;
	s6 =	simm.s32 $0x108;
	_ =	swait.ge @!p0 [sflag:s8], $0x0  }
0x24: {  	s3 =	sadd.s32 $0x88, s3;
	s6 =	simm.s32 @!p1 $0x1082;
	[sflag:s4] =	ssyncset.s32 $0xFFFFF086  }
0x25: {  	[simem:s6], [sflag:s4] =	dma.local [hbm:s3], $0xF7A  }
0x26: {  	[smem:$0x3F72] =	sst s1;
	(tag) =	ssettag s2;
	_ =	strace s9  }
0x27: {  	s1 =	sld [smem:$0x3F82]  }
0x28: {  	s2 =	sld [smem:$0x3F83]  }
0x29: {  	s4 =	sld [smem:$0x3F85]  }
0x2a: {  	p0 =	seq.s32 s5, $0x0;
	s5 =	sld [smem:$0x3F86]  }
0x2b: {  	s6 =	sld [smem:$0x3F87]  }
0x2c: {  	s7 =	sld [smem:$0x3F88]  }
0x2d: {  	s3 =	simm.s32 $0x108;
	s8 =	sld [smem:$0x3F89]  }
0x2e: {  	s3 =	simm.s32 @!p0 $0x1082;
	s9 =	sld [smem:$0x3F8A]  }
0x2f: {  	lr =	sadd.s32 s0, s3;
	s0 =	sld [smem:$0x3F81]  }
0x30: {  	s3 =	sld [smem:$0x3F84]  }
0x31: {  	[smem:$0x3F8D] =	sst s10  }
0x32: {  	s10 =	sld [smem:$0x3F8B];
	_ =	sdelay $0x3  }
0x33: {  	p0 =	seq.s32 s10, $0x1;
	s10 =	sld [smem:$0x3F8D];
	_ =	sdelay $0x3  }
0x34: {  	[smem:$0x3F8D] =	sst s10  }
0x35: {  	s10 =	sld [smem:$0x3F8C];
	_ =	sdelay $0x3  }
0x36: {  	p1 =	seq.s32 s10, $0x1;
	s10 =	sld [smem:$0x3F8D];
	_ =	sdelay $0x3  }
0x37: {  	[smem:$0x3F8D] =	sst s10  }
0x38: {  	s10 =	sld [smem:$0x3F8E]  }
0x39: {  	_ = 	snop;
	(pc) =	sbr.ind lr, $3  }
0x3a: {  	_ = 	snop  }
0x3b: {  	_ = 	snop  }
0x3c: {  	p2 =	seq.s32 s10, $0x1;
	s10 =	sld [smem:$0x3F8D]  }
0x3d: {  	_ =	shalt  }
0x3e: {  	_ =	shalt  }
0x3f: {  	_ =	shalt  }
0x40: {  	_ =	shalt  }
0x41: {  	_ =	shalt  }
0x42: {  	_ =	shalt  }
0x43: {  	_ =	shalt  }
0x44: {  	_ =	shalt  }
0x45: {  	_ =	shalt  }
0x46: {  	_ =	shalt  }
0x47: {  	_ =	shalt  }
0x48: {  	_ =	shalt  }
0x49: {  	_ =	shalt  }
0x4a: {  	_ =	shalt  }
0x4b: {  	_ =	shalt  }
0x4c: {  	_ =	shalt  }
0x4d: {  	_ =	shalt  }
0x4e: {  	_ =	shalt  }
0x4f: {  	_ =	shalt  }
0x50: {  	_ =	shalt  }
0x51: {  	_ =	shalt  }
0x52: {  	_ =	shalt  }
0x53: {  	_ =	shalt  }
0x54: {  	_ =	shalt  }
0x55: {  	_ =	shalt  }
0x56: {  	_ =	shalt  }
0x57: {  	_ =	shalt  }
0x58: {  	_ =	shalt  }
0x59: {  	_ =	shalt  }
0x5a: {  	_ =	shalt  }
0x5b: {  	_ =	shalt  }
0x5c: {  	_ =	shalt  }
0x5d: {  	_ =	shalt  }
0x5e: {  	_ =	shalt  }
0x5f: {  	_ =	shalt  }
0x60: {  	_ =	shalt  }
0x61: {  	_ =	shalt  }
0x62: {  	_ =	shalt  }
0x63: {  	_ =	shalt  }
0x64: {  	_ =	shalt  }
0x65: {  	_ =	shalt  }
0x66: {  	_ =	shalt  }
0x67: {  	_ =	shalt  }
0x68: {  	_ =	shalt  }
0x69: {  	_ =	shalt  }
0x6a: {  	_ =	shalt  }
0x6b: {  	_ =	shalt  }
0x6c: {  	_ =	shalt  }
0x6d: {  	_ =	shalt  }
0x6e: {  	_ =	shalt  }
0x6f: {  	_ =	shalt  }
0x70: {  	_ =	shalt  }
0x71: {  	_ =	shalt  }
0x72: {  	_ =	shalt  }
0x73: {  	_ =	shalt  }
0x74: {  	_ =	shalt  }
0x75: {  	_ =	shalt  }
0x76: {  	_ =	shalt  }
0x77: {  	_ =	shalt  }
0x78: {  	_ =	shalt  }
0x79: {  	_ =	shalt  }
0x7a: {  	_ =	shalt  }
0x7b: {  	_ =	shalt  }
0x7c: {  	_ =	shalt  }
0x7d: {  	_ =	shalt  }
0x7e: {  	_ =	shalt  }
0x7f: {  	_ =	shalt  }
0x80: {  	_ =	shalt  }
0x81: {  	_ =	shalt  }
0x82: {  	_ =	shalt  }
0x83: {  	_ =	shalt  }
0x84: {  	_ =	shalt  }
0x85: {  	_ =	shalt  }
0x86: {  	_ =	shalt  }
0x87: {  	_ =	shalt  }
.Lfunc_end0:
.L_simem_size_0:
called_computation.3_lowered:
.L_overlay_start_0:
0x88: {  	s2 =	sld [smem:$0x3FD9]  }
0x89: {  	s3 =	sld [smem:$0x3FFE];
	_ =	sdelay $0x1  }
0x8a: {  	s1 =	srdreg.scid  }
0x8b: {  	s0 =	sand.u32 $0x1, s1  }
0x8c: {  	s16 =	sshll.u32 s0, $0xA;
	s2 =	sadd.s32 s3, s2  }
0x8d: {  	s2 =	sadd.s32 s2, s16  }
0x8e: {  	[smem:$0x3F99] =	sst s2  }
0x8f: {  	_ = 	snop  }
0x90: {  	(tm) =	ssettm $0x1  }
0x91: {  	s17 =	sld [smem:$0x3FFB];
	_ =	sdelay $0x3  }
0x92: {  	_ =	strace s17  }
0x93: {  	s2 =	sld [smem:$0x3FFC];
	_ =	sdelay $0x3  }
0x94: {  	_ =	strace s2  }
0x95: {  	s2 =	sld [smem:$0x3FFD];
	_ =	sdelay $0x3  }
0x96: {  	_ =	strace s2  }
0x97: {  	_ =	strace $0x8FFFFFFF  }
0x98: {  	s18 =	sld [smem:$0x3FDB];
	_ =	sdelay $0x1  }
0x99: {  	s19 =	simm.s32 $_scs_section_size  }
0x9a: {  	s4 =	simm.s32 $_size__tile_overlayer_lowered;
	s5 =	simm.s32 $_tile_overlayer_lowered  }
0x9b: {  	s22 =	simm.s32 $0x1BFF;
	s21 =	sshll.u32 s5, $0x1;
	s2 =	sadd.s32 s19, s18  }
0x9c: {  	s6 =	simm.s32 $0x0;
	s20 =	sshll.u32 s4, $0x1;
	s4 =	sadd.s32 s21, s2  }
0x9d: {  	[timem:s6], [sflag:s22] =	dma.local [hbm:s4], s20  }
0x9e: {  	_ =	swait.ge [sflag:s22], s20  }
0x9f: {  	s3 =	ssub.s32 $0x0, s20;
	[sflag:s22] =	ssyncset.done $0x0  }
0xa0: {  	[sflag:s22] =	ssyncadd.s32 s3;
	_ =	sdelay $0x1  }
0xa1: {  	s23 =	simm.s32 $0x1B8B  }
0xa2: {  	_ =	swait.ge [sflag:s23], $0x1  }
0xa3: {  	[sflag:s23] =	ssyncset.done $0x0  }
0xa4: {  	s25 =	simm.s32 $0x1B8E;
	s24 =	sld [smem:$0x3FFE];
	[sflag:s23] =	ssyncadd.s32 $0xFFFFFFFF  }
0xa5: {  	s26 =	simm.s32 $execute0_lowered;
	[smem:$0x3FD2] =	sst s25  }
0xa6: {  	s4 =	sshll.u32 s26, $0x1;
	_ =	strace $0x8000004F;
	[dreg:$0x1] =	wrdreg $0xFFFFFFFF  }
0xa7: {  	s28 =	simm.s32 $_size_execute0_lowered;
	s2 =	sadd.s32 s2, s4;
	[dreg:$0x0] =	wrdreg $0x0  }
0xa8: {  	s4 =	sshll.u32 s28, $0x1;
	[dreg:$0x2] =	wrdreg s2  }
0xa9: {  	[dreg:$0x3] =	wrdreg s4  }
0xaa: {  	[dreg:$0x4] =	wrdreg $0xC0  }
0xab: {  	_ =	task [dreg:s6], $0x5FFFF  }
0xac: {  	[dreg:$0x1] =	wrdreg $0xFFFFFFFF  }
0xad: {  	[dreg:$0x0] =	wrdreg $0x60  }
0xae: {  	[dreg:$0x2] =	wrdreg s24  }
0xaf: {  	[dreg:$0x3] =	wrdreg $0x58000  }
0xb0: {  	[dreg:$0x4] =	wrdreg $0x9  }
0xb1: {  	_ =	task.clear_ibuf [dreg:s6], $0x5FFFF;
	_ =	strace $0x9000004F  }
0xb2: {  	s29 =	simm.s32 $0x9;
	_ =	strace $0x80000051  }
0xb3: {  	_ =	swait.ge [sflag:s29], $0x1  }
0xb4: {  	[sflag:s29] =	ssyncadd.s32 $0xFFFFFFFF  }
0xb5: {  	_ =	strace $0x90000051  }
0xb6: {  	_ =	sfence  }
0xb7: {  	s30 =	sld [smem:$0x0];
	_ =	sdelay $0x2  }
0xb8: {  	s31 =	sshll.u32 s1, $0xD;
	s1 =	sshrl.u32 s1, $0x2  }
0xb9: {  	s3 =	sand.u32 $0x4000, s31;
	s1 =	sadd.s32 s1, s30  }
0xba: {  	s0 =	sor.u32 s3, s0;
	s1 =	sshll.u32 s1, $0x11  }
0xbb: {  	s0 =	sor.u32 s1, s0  }
0xbc: {  	s0 =	sadd.s32 $0x8F2B, s0  }
0xbd: {  	[sflag:s0] =	ssyncadd.remote.s32 $0x1  }
0xbe: {  	_ =	sfence.sel $0xFFFF  }
0xbf: {  	[dreg:$0x0] =	wrdreg $0xFFFFFFFF;
	(pc) =	sbr.abs _section_cstart, $3  }
0xc0: {  	[dreg:$0x1] =	wrdreg $0xFFFFFFFF  }
0xc1: {  	_ =	task.clear_ibuf [dreg:s6], $0x2FFFF;
	_ =	strace $0x9FFFFFFF  }
0xc2: {  	(tm) =	ssettm $0x7FFFFFFF  }
0xc3: {  	_ =	shalt  }
tec
execute0_lowered:
.L_overlay_start_1:
0x0: {  	(tag) =	ssettag $0x1  }
0x1: {  	s0 =	rddreg [dreg:$0x0]  }
0x2: {  	s1 =	rddreg [dreg:$0x1];
	s3 =	simm.s32 $0x0  }
0x3: {  	s2 =	srdreg.scid;
	s13 =	stileid.u32;
	s19 =	simm.s32 $0x4  }
0x4: {  	s20 =	simm.s32 $0x1;
	s22 =	simm.s32 $0x80;
	s30 =	simm.s32 $0x2  }
0x5: {  	s31 =	simm.s32 $0x3;
	[smem:$0x7FF] =	sst s3;
	s2 =	sand.u32 $0x1, s2  }
0x6: {  	s9 =	smul.u32 $0x18700, s13;
	s4 =	sadd.s32 $0x9200, s0;
	s5 =	sadd.s32 $0x3A000, s0  }
0x7: {  	s6 =	sadd.s32 $0x53000, s0;
	s7 =	sadd.s32 $0x6C000, s0;
	s28 =	sshll.u32 s13, $0x6  }
0x8: {  	s8 =	smul.u32 $0x187000, s2;
	s10 =	sshll.u32 s2, $0x4;
	s2 =	ssub.s32 $0x2, s2  }
0x9: {  	_ =	strace $0x80000050;
	s10 =	sor.u32 s13, s10;
	s12 =	sshrl.u32 s2, $0x1  }
0xa: {  	s18 =	sadd.s32 s9, s1;
	s8 =	sadd.s32 s9, s8;
	s2 =	ssub.s32 s2, s12  }
0xb: {  	s9 =	sor.u32 $0x1C04, s28;
	s11 =	sshrl.u32 s8, $0x3;
	s8 =	smul.u32 $0x6400, s10  }
.Ltmp0:
0xc: {  	s18 =	sshrl.u32 s18, $0x3;
	s0 =	sadd.s32 s11, s0;
	(pc) =	sbr.rel .LBB2_1-.Ltmp0, $4  }
0xd: {  	s17 =	smax.u32 s2, $0x1;
	s14 =	sshrl.u32 s8, $0x3;
	s16 =	sadd.s32 $0x6F200, s0  }
0xe: {  	s0 =	simm.s32 $0x0;
	s10 =	sadd.s32 s5, s14;
	s29 =	sadd.s32 $0x80, s14  }
0xf: {  	s11 =	sadd.s32 s6, s14;
	s15 =	sadd.s32 $0x100, s14;
	s12 =	sadd.s32 s5, s29  }
0x10: {  	s13 =	sadd.s32 s6, s29;
	s14 =	sadd.s32 s5, s15;
	s15 =	sadd.s32 s6, s15  }
.LBB2_5:
0x11: {  	_ =	swait.ge [sflag:s31], $0x1000  }
0x12: {  	[sflag:s31] =	ssyncset.done $0x0  }
0x13: {  	[sflag:s31] =	ssyncadd.s32 $0xFFFFF000  }
0x14: {  	_ =	swait.ge [sflag:s31], $0x1000  }
0x15: {  	s0 =	sadd.s32 $0x1, s0;
	[sflag:s31] =	ssyncset.done $0x0  }
0x16: {  	p0 =	sne.s32 s0, s17;
	[sflag:s31] =	ssyncadd.s32 $0xFFFFF000  }
.Ltmp1:
0x17: {  	[bflag:$0x0] =	sbarrier.arrive $0xFFFF;
	(pc) =	sbr.rel @!p0 .LBB2_6-.Ltmp1, $4  }
0x18: {  	[hbm:s16], [sflag:s9] =	dma.local [spmem:s18], $0x30E0  }
0x19: {  	_ =	swait.ge [sflag:s19], $0x30E0  }
0x1a: {  	[sflag:s19] =	ssyncset.done $0x0  }
0x1b: {  	[sflag:s19] =	ssyncadd.s32 $0xFFFFCF20  }
.LBB2_1:
0x1c: {  	[spmem:s18], [sflag:s9] =	dma.local [hbm:s7], $0x30E0  }
0x1d: {  	_ =	swait.ge [sflag:s19], $0x30E0  }
0x1e: {  	[sflag:s19] =	ssyncset.done $0x0  }
0x1f: {  	[sflag:s19] =	ssyncadd.s32 $0xFFFFCF20  }
0x20: {  	[tilespmem:s3], [sflag:$0x1] =	stream.linear.gather [hbm4b:s10+s3], $0x400, $0x38;
	[tilespmem:$0x1DF00] =	vst v63  }
0x21: {  	_ =	swait.ge [sflag:s20], $0x400  }
0x22: {  	[sflag:s20] =	ssyncset.done $0x0  }
0x23: {  	s2 =	simm.s32 $0xC00;
	[sflag:s20] =	ssyncadd.s32 $0xFFFFFC00  }
0x24: {  	[tilespmem:s2], [sflag:$0x1] =	stream.linear.gather [hbm4b:s11+s3], $0x400, $0x38;
	[tilespmem:$0x1DF00] =	vst v63  }
0x25: {  	_ =	swait.ge [sflag:s20], $0x400  }
0x26: {  	[sflag:s20] =	ssyncset.done $0x0  }
0x27: {  	s23 =	simm.s32 $0x1800;
	[sflag:s20] =	ssyncadd.s32 $0xFFFFFC00  }
0x28: {  	[tilespmem:s23], [sflag:$0x2] =	stream.indirect.gather [hbm4b:s4+s22], $0x20, s3, s22, $0xb8;
	[tilespmem:$0x1DF00] =	vst v63  }
0x29: {  	s24 =	simm.s32 $0x2800  }
0x2a: {  	[tilespmem:s24], [sflag:$0x2] =	stream.indirect.gather [hbm4b:s4+s22], $0x20, s22, s22, $0xb8;
	[tilespmem:$0x1DF00] =	vst v63  }
0x2b: {  	s25 =	simm.s32 $0x400  }
0x2c: {  	[tilespmem:s25], [sflag:$0x1] =	stream.linear.gather [hbm4b:s12+s3], $0x400, $0x38;
	[tilespmem:$0x1DF00] =	vst v63  }
0x2d: {  	s26 =	simm.s32 $0x1000  }
0x2e: {  	[tilespmem:s26], [sflag:$0x1] =	stream.linear.gather [hbm4b:s13+s3], $0x400, $0x38;
	[tilespmem:$0x1DF00] =	vst v63  }
0x2f: {  	s28 =	simm.s32 $0x800  }
0x30: {  	[tilespmem:s28], [sflag:$0x1] =	stream.linear.gather [hbm4b:s14+s3], $0x400, $0x38;
	[tilespmem:$0x1DF00] =	vst v63  }
.Ltmp2:
0x31: {  	_ = 	snop;
	(pc) =	sbr.rel .LBB2_2-.Ltmp2, $4  }
0x32: {  	s29 =	simm.s32 $0x1400  }
0x33: {  	[tilespmem:s29], [sflag:$0x1] =	stream.linear.gather [hbm4b:s15+s3], $0x400, $0x38;
	[tilespmem:$0x1DF00] =	vst v63  }
0x34: {  	[bflag:$0x0] =	sbarrier.arrive $0xFFFF  }
0x35: {  	s21 =	simm.s32 $0x0;
	s2 =	simm.s32 $0x0  }
.LBB2_4:
0x36: {  	s21 =	sadd.s32 $0x1, s21  }
0x37: {  	p0 =	sne.s32 s21, $0xC8  }
.Ltmp3:
0x38: {  	_ = 	snop;
	(pc) =	sbr.rel @!p0 .LBB2_5-.Ltmp3, $2  }
0x39: {  	_ =	sdelay $0x2  }
0x3a: {  	s2 =	sadd.s32 $0x1000, s2  }
.LBB2_2:
0x3b: {  	s23 =	sshrl.u32 s21, $0x3  }
0x3c: {  	s24 =	smul.u32 $0xAB, s23;
	_ =	sdelay $0x1  }
0x3d: {  	s24 =	sshrl.u32 s24, $0x9  }
0x3e: {  	s24 =	sand.u32 $0x7F, s24  }
0x3f: {  	s24 =	smul.u32 $0x3, s24;
	_ =	sdelay $0x1  }
0x40: {  	_ =	swait.ge [sflag:s30], $0x1000;
	s28 =	sand.u32 $0x3000, s2;
	s25 =	ssub.s32 s23, s24  }
0x41: {  	p0 =	slt.u32 s21, $0x2;
	s24 =	sand.u32 $0x7, s21;
	s25 =	sand.u32 $0xFF, s25  }
0x42: {  	[sflag:s30] =	ssyncset.done $0x0;
	s26 =	sshll.u32 s24, $0x7;
	s25 =	sshll.u32 s25, $0xA  }
0x43: {  	s29 =	sadd.s32 $0x1800, s28;
	p1 =	sgt.u32 @!p0 s21, $0xC5;
	s25 =	sor.u32 s26, s25  }
0x44: {  	[sflag:s30] =	ssyncadd.s32 $0xFFFFF000;
	p1 =	por p0, !p1;
	s25 =	sadd.s32 $0xC00, s25  }
0x45: {  	[spmem:s1] =	stream.indirect.scatter.add.f32 [tilespmem:s29], [sflag:$0x3], $0x20, s25, s22, $0xb8;
	[tilespmem:$0x1DF00] =	vst v63  }
.Ltmp4:
0x46: {  	_ = 	snop;
	(pc) =	sbr.rel @!p1 .LBB2_4-.Ltmp4, $4  }
0x47: {  	s25 =	simm.s32 @!p0 $0x3  }
0x48: {  	_ =	swait.ge @!p0 [sflag:s25], $0x1000  }
0x49: {  	[sflag:s25] =	ssyncset.done @!p0 $0x0  }
0x4a: {  	[sflag:s25] =	ssyncadd.s32 @!p0 $0xFFFFF000  }
0x4b: {  	s25 =	sadd.s32 $0x2, s21  }
0x4c: {  	s26 =	sshrl.u32 s25, $0x3;
	s25 =	sand.u32 $0x7, s25  }
0x4d: {  	p0 =	sne.s32 s25, $0x0  }
0x4e: {  	s28 =	smul.u32 $0xAB, s26;
	s29 =	simm.s32 @!p0 $0x1  }
0x4f: {  	_ =	swait.ge @!p0 [sflag:s29], $0x400  }
0x50: {  	s28 =	sshrl.u32 s28, $0x9;
	[sflag:s29] =	ssyncset.done @!p0 $0x0  }
0x51: {  	s28 =	sand.u32 $0x7F, s28;
	[sflag:s29] =	ssyncadd.s32 @!p0 $0xFFFFFC00  }
0x52: {  	p1 =	sne.s32 s24, $0x2;
	s28 =	smul.u32 $0x3, s28;
	_ =	swait.ge @!p0 [sflag:s29], $0x400  }
0x53: {  	s24 =	sadd.s32 $0xFFFFFFF6, s21;
	s25 =	sshll.u32 s25, $0x7;
	[sflag:s29] =	ssyncset.done @!p0 $0x0  }
0x54: {  	s26 =	ssub.s32 s26, s28;
	[sflag:s29] =	ssyncadd.s32 @!p0 $0xFFFFFC00;
	p0 =	sgt.u32 @!p1 s24, $0xA8  }
0x55: {  	s29 =	sadd.s32 $0x2000, s2;
	s26 =	sand.u32 $0xFF, s26;
	p0 =	por p0, p1  }
0x56: {  	s29 =	sand.u32 $0x3000, s29;
	s24 =	sshll.u32 s26, $0xA;
	s23 =	sadd.s32 @!p0 $0x2, s23  }
0x57: {  	s26 =	sadd.s32 $0x1800, s29;
	s24 =	sor.u32 s25, s24;
	s25 =	smul.u32 @!p0 $0xAB, s23  }
0x58: {  	[tilespmem:s26], [sflag:$0x2] =	stream.indirect.gather [hbm4b:s4+s22], $0x20, s24, s22, $0xb8;
	[tilespmem:$0x1DF00] =	vst v63  }
0x59: {  	s24 =	sshrl.u32 @!p0 s25, $0x9  }
0x5a: {  	s24 =	sand.u32 @!p0 $0x7F, s24  }
0x5b: {  	s24 =	smul.u32 @!p0 $0x3, s24  }
0x5c: {  	s25 =	sshll.u32 @!p0 s23, $0xA  }
0x5d: {  	s25 =	sadd.s32 @!p0 s8, s25;
	s23 =	ssub.s32 @!p0 s23, s24  }
.Ltmp5:
0x5e: {  	s24 =	sshrl.u32 @!p0 s25, $0x3;
	s23 =	sand.u32 @!p0 $0xFF, s23;
	(pc) =	sbr.rel .LBB2_4-.Ltmp5, $4  }
0x5f: {  	s26 =	simm.s32 @!p0 $0x0;
	s25 =	sadd.s32 @!p0 s5, s24;
	s23 =	sshll.u32 @!p0 s23, $0xA  }
0x60: {  	[tilespmem:s23], [sflag:$0x1] =	stream.linear.gather @!p0 [hbm4b:s25+s26], $0x400, $0x38;
	[tilespmem:$0x1DF00] =	vst v63  }
0x61: {  	s24 =	sadd.s32 @!p0 s6, s24;
	s23 =	sadd.s32 @!p0 $0xC00, s23  }
0x62: {  	[tilespmem:s23], [sflag:$0x1] =	stream.linear.gather @!p0 [hbm4b:s24+s26], $0x400, $0x38;
	[tilespmem:$0x1DF00] =	vst v63  }
.LBB2_6:
0x63: {  	_ =	sfence.sel $0x180000  }
0x64: {  	[bflag:$0x0] =	sbarrier.arrive $0xFFFF  }
0x65: {  	_ =	strace $0x90000050  }
0x66: {  	s0 =	stileid.u32;
	[bflag:$0x2] =	sbarrier.arrive $0xFFFF  }
0x67: {  	p0 =	sne.s32 s0, $0x0;
	s0 =	rddreg [dreg:$0x2]  }
0x68: {  	s0 =	sadd.s32 @!p0 $0x100000, s0  }
0x69: {  	[sflag:s0] =	ssyncadd.tile.s32 @!p0 $0x1;
	_ =	shalt  }
.Lfunc_end2:
_tile_overlayer_lowered:
.L_overlay_start_2:
0x6a: {  	(tag) =	ssettag $0x2  }
0x6b: {  	s0 =	rddreg [dreg:$0x0];
	s2 =	stileid.u32  }
0x6c: {  	s1 =	rddreg [dreg:$0x1];
	p0 =	sne.s32 s2, $0x0  }
0x6d: {  	s3 =	rddreg [dreg:$0x2];
	[bflag:$0x3] =	sbarrier.arrive $0xFFFF;
	s2 =	simm.s32 @!p0 $0x1C04  }
0x6e: {  	[timem:s3], [sflag:s2] =	dma.local @!p0 [hbm:s0], s1  }
0x6f: {  	s0 =	simm.s32 @!p0 $0x4  }
0x70: {  	_ =	swait.ge @!p0 [sflag:s0], s1  }
0x71: {  	s1 =	ssub.s32 @!p0 $0x0, s1;
	[sflag:s0] =	ssyncset.done @!p0 $0x0  }
0x72: {  	[sflag:s0] =	ssyncadd.s32 @!p0 s1  }
0x73: {  	[bflag:$0x3] =	sbarrier.arrive $0xFFFF  }
0x74: {  	_ =	shalt  }

// kernel: kernel.30.cloned.1.call-start
scs
__scs_entry_jumppad:
0x0: {  	(pc) =	sbr.rel $0x88, $3  }
0x1: {  	(tag) =	ssettag $0x0;
	lr =	simm.s32 $0x1  }
0x2: {  	[smem:$0x3F72] =	sst lr;
	_ =	strace $0xD0000000  }
0x3: {  	_ = 	snop  }
0x4: {  	_ = 	snop  }
0x5: {  	_ = 	snop  }
0x6: {  	_ = 	snop  }
0x7: {  	_ = 	snop  }
__scs_overlays_trampoline_lowered:
0x8: {  	[smem:$0x3F81] =	sst s0  }
0x9: {  	[smem:$0x3F82] =	sst s1  }
0xa: {  	[smem:$0x3F83] =	sst s2  }
0xb: {  	[smem:$0x3F84] =	sst s3  }
0xc: {  	[smem:$0x3F85] =	sst s4  }
0xd: {  	[smem:$0x3F86] =	sst s5  }
0xe: {  	[smem:$0x3F87] =	sst s6  }
0xf: {  	[smem:$0x3F88] =	sst s7  }
0x10: {  	[smem:$0x3F89] =	sst s8  }
0x11: {  	[smem:$0x3F8A] =	sst s9;
	s0 =	simm.s32 @!p0 $0x0  }
0x12: {  	s1 =	sld [smem:$0x3F70];
	s0 =	simm.s32 @p0 $0x1  }
0x13: {  	[smem:$0x3F8B] =	sst s0;
	s0 =	simm.s32 @!p1 $0x0  }
0x14: {  	s2 =	sld [smem:$0x3F6F];
	s0 =	simm.s32 @p1 $0x1  }
0x15: {  	[smem:$0x3F8C] =	sst s0;
	s0 =	simm.s32 @!p2 $0x0  }
0x16: {  	s3 =	sld [smem:$0x3FDB];
	s0 =	simm.s32 @p2 $0x1  }
0x17: {  	s4 =	simm.s32 $0x1BF5;
	[smem:$0x3F8E] =	sst s0  }
0x18: {  	s0 =	sld [smem:$0x3F71];
	_ =	swait.ge [sflag:s4], $0x0  }
0x19: {  	s7 =	sld [smem:$0x3F72]  }
0x1a: {  	s8 =	sadd.s32 $0xFFFFE003, lr  }
0x1b: {  	s9 =	sadd.s32 $0xFFFFFEF7, lr;
	s5 =	simm.s32 $0xFFFFFFFF;
	p2 =	slt.u32 s8, $0xFFFFF086  }
0x1c: {  	p1 =	slt.u32 s9, $0xF7A;
	s5 =	simm.s32 @!p2 $0x0  }
0x1d: {  	s5 =	simm.s32 @p1 $0x1;
	p0 =	seq.s32 s7, s2  }
0x1e: {  	s7 =	smul.u32 @!p0 $0xF7A, s2;
	p2 =	seq.s32 @!p0 s5, $0x0  }
0x1f: {  	s9 =	smul.u32 $0xF7A, s1;
	s8 =	simm.s32 @!p0 $0x1BF5;
	p2 =	por !p2, p0  }
0x20: {  	[sflag:s8] =	ssyncset.s32 @!p0 $0xFFFFF086;
	s6 =	sadd.s32 @!p0 s3, s7;
	s7 =	simm.s32 @!p0 $0x108  }
0x21: {  	s3 =	sadd.s32 s3, s9;
	s6 =	sadd.s32 @!p0 $0x88, s6;
	s7 =	simm.s32 @p2 $0x1082  }
0x22: {  	[simem:s7], [sflag:s8] =	dma.local @!p0 [hbm:s6], $0xF7A  }
0x23: {  	s9 =	sor.u32 $0xD0000000, s2;
	s6 =	simm.s32 $0x108;
	_ =	swait.ge @!p0 [sflag:s8], $0x0  }
0x24: {  	s3 =	sadd.s32 $0x88, s3;
	s6 =	simm.s32 @!p1 $0x1082;
	[sflag:s4] =	ssyncset.s32 $0xFFFFF086  }
0x25: {  	[simem:s6], [sflag:s4] =	dma.local [hbm:s3], $0xF7A  }
0x26: {  	[smem:$0x3F72] =	sst s1;
	(tag) =	ssettag s2;
	_ =	strace s9  }
0x27: {  	s1 =	sld [smem:$0x3F82]  }
0x28: {  	s2 =	sld [smem:$0x3F83]  }
0x29: {  	s4 =	sld [smem:$0x3F85]  }
0x2a: {  	p0 =	seq.s32 s5, $0x0;
	s5 =	sld [smem:$0x3F86]  }
0x2b: {  	s6 =	sld [smem:$0x3F87]  }
0x2c: {  	s7 =	sld [smem:$0x3F88]  }
0x2d: {  	s3 =	simm.s32 $0x108;
	s8 =	sld [smem:$0x3F89]  }
0x2e: {  	s3 =	simm.s32 @!p0 $0x1082;
	s9 =	sld [smem:$0x3F8A]  }
0x2f: {  	lr =	sadd.s32 s0, s3;
	s0 =	sld [smem:$0x3F81]  }
0x30: {  	s3 =	sld [smem:$0x3F84]  }
0x31: {  	[smem:$0x3F8D] =	sst s10  }
0x32: {  	s10 =	sld [smem:$0x3F8B];
	_ =	sdelay $0x3  }
0x33: {  	p0 =	seq.s32 s10, $0x1;
	s10 =	sld [smem:$0x3F8D];
	_ =	sdelay $0x3  }
0x34: {  	[smem:$0x3F8D] =	sst s10  }
0x35: {  	s10 =	sld [smem:$0x3F8C];
	_ =	sdelay $0x3  }
0x36: {  	p1 =	seq.s32 s10, $0x1;
	s10 =	sld [smem:$0x3F8D];
	_ =	sdelay $0x3  }
0x37: {  	[smem:$0x3F8D] =	sst s10  }
0x38: {  	s10 =	sld [smem:$0x3F8E]  }
0x39: {  	_ = 	snop;
	(pc) =	sbr.ind lr, $3  }
0x3a: {  	_ = 	snop  }
0x3b: {  	_ = 	snop  }
0x3c: {  	p2 =	seq.s32 s10, $0x1;
	s10 =	sld [smem:$0x3F8D]  }
0x3d: {  	_ =	shalt  }
0x3e: {  	_ =	shalt  }
0x3f: {  	_ =	shalt  }
0x40: {  	_ =	shalt  }
0x41: {  	_ =	shalt  }
0x42: {  	_ =	shalt  }
0x43: {  	_ =	shalt  }
0x44: {  	_ =	shalt  }
0x45: {  	_ =	shalt  }
0x46: {  	_ =	shalt  }
0x47: {  	_ =	shalt  }
0x48: {  	_ =	shalt  }
0x49: {  	_ =	shalt  }
0x4a: {  	_ =	shalt  }
0x4b: {  	_ =	shalt  }
0x4c: {  	_ =	shalt  }
0x4d: {  	_ =	shalt  }
0x4e: {  	_ =	shalt  }
0x4f: {  	_ =	shalt  }
0x50: {  	_ =	shalt  }
0x51: {  	_ =	shalt  }
0x52: {  	_ =	shalt  }
0x53: {  	_ =	shalt  }
0x54: {  	_ =	shalt  }
0x55: {  	_ =	shalt  }
0x56: {  	_ =	shalt  }
0x57: {  	_ =	shalt  }
0x58: {  	_ =	shalt  }
0x59: {  	_ =	shalt  }
0x5a: {  	_ =	shalt  }
0x5b: {  	_ =	shalt  }
0x5c: {  	_ =	shalt  }
0x5d: {  	_ =	shalt  }
0x5e: {  	_ =	shalt  }
0x5f: {  	_ =	shalt  }
0x60: {  	_ =	shalt  }
0x61: {  	_ =	shalt  }
0x62: {  	_ =	shalt  }
0x63: {  	_ =	shalt  }
0x64: {  	_ =	shalt  }
0x65: {  	_ =	shalt  }
0x66: {  	_ =	shalt  }
0x67: {  	_ =	shalt  }
0x68: {  	_ =	shalt  }
0x69: {  	_ =	shalt  }
0x6a: {  	_ =	shalt  }
0x6b: {  	_ =	shalt  }
0x6c: {  	_ =	shalt  }
0x6d: {  	_ =	shalt  }
0x6e: {  	_ =	shalt  }
0x6f: {  	_ =	shalt  }
0x70: {  	_ =	shalt  }
0x71: {  	_ =	shalt  }
0x72: {  	_ =	shalt  }
0x73: {  	_ =	shalt  }
0x74: {  	_ =	shalt  }
0x75: {  	_ =	shalt  }
0x76: {  	_ =	shalt  }
0x77: {  	_ =	shalt  }
0x78: {  	_ =	shalt  }
0x79: {  	_ =	shalt  }
0x7a: {  	_ =	shalt  }
0x7b: {  	_ =	shalt  }
0x7c: {  	_ =	shalt  }
0x7d: {  	_ =	shalt  }
0x7e: {  	_ =	shalt  }
0x7f: {  	_ =	shalt  }
0x80: {  	_ =	shalt  }
0x81: {  	_ =	shalt  }
0x82: {  	_ =	shalt  }
0x83: {  	_ =	shalt  }
0x84: {  	_ =	shalt  }
0x85: {  	_ =	shalt  }
0x86: {  	_ =	shalt  }
0x87: {  	_ =	shalt  }
.Lfunc_end0:
.L_simem_size_0:
called_computation.4_lowered:
.L_overlay_start_0:
0x88: {  	s2 =	sld [smem:$0x3FD9]  }
0x89: {  	s3 =	sld [smem:$0x3FFE];
	_ =	sdelay $0x1  }
0x8a: {  	s1 =	srdreg.scid  }
0x8b: {  	s0 =	sand.u32 $0x1, s1  }
0x8c: {  	s16 =	sshll.u32 s0, $0xA;
	s2 =	sadd.s32 s3, s2  }
0x8d: {  	s2 =	sadd.s32 s2, s16  }
0x8e: {  	[smem:$0x3F99] =	sst s2  }
0x8f: {  	_ = 	snop  }
0x90: {  	(tm) =	ssettm $0x1  }
0x91: {  	s17 =	sld [smem:$0x3FFB];
	_ =	sdelay $0x3  }
0x92: {  	_ =	strace s17  }
0x93: {  	s2 =	sld [smem:$0x3FFC];
	_ =	sdelay $0x3  }
0x94: {  	_ =	strace s2  }
0x95: {  	s2 =	sld [smem:$0x3FFD];
	_ =	sdelay $0x3  }
0x96: {  	_ =	strace s2  }
0x97: {  	_ =	strace $0x8FFFFFFF  }
0x98: {  	s18 =	sld [smem:$0x3FDB];
	_ =	sdelay $0x1  }
0x99: {  	s19 =	simm.s32 $_scs_section_size  }
0x9a: {  	s4 =	simm.s32 $_size__tile_overlayer_lowered;
	s5 =	simm.s32 $_tile_overlayer_lowered  }
0x9b: {  	s22 =	simm.s32 $0x1BFF;
	s21 =	sshll.u32 s5, $0x1;
	s2 =	sadd.s32 s19, s18  }
0x9c: {  	s6 =	simm.s32 $0x0;
	s20 =	sshll.u32 s4, $0x1;
	s4 =	sadd.s32 s21, s2  }
0x9d: {  	[timem:s6], [sflag:s22] =	dma.local [hbm:s4], s20  }
0x9e: {  	_ =	swait.ge [sflag:s22], s20  }
0x9f: {  	s3 =	ssub.s32 $0x0, s20;
	[sflag:s22] =	ssyncset.done $0x0  }
0xa0: {  	[sflag:s22] =	ssyncadd.s32 s3;
	_ =	sdelay $0x1  }
0xa1: {  	s23 =	simm.s32 $0x1B8B  }
0xa2: {  	_ =	swait.ge [sflag:s23], $0x1  }
0xa3: {  	[sflag:s23] =	ssyncset.done $0x0  }
0xa4: {  	s25 =	simm.s32 $0x1B8E;
	s24 =	sld [smem:$0x3FFE];
	[sflag:s23] =	ssyncadd.s32 $0xFFFFFFFF  }
0xa5: {  	s26 =	simm.s32 $execute0_lowered;
	[smem:$0x3FD2] =	sst s25  }
0xa6: {  	s4 =	sshll.u32 s26, $0x1;
	_ =	strace $0x80000052;
	[dreg:$0x1] =	wrdreg $0xFFFFFFFF  }
0xa7: {  	s28 =	simm.s32 $_size_execute0_lowered;
	s2 =	sadd.s32 s2, s4;
	[dreg:$0x0] =	wrdreg $0x0  }
0xa8: {  	s4 =	sshll.u32 s28, $0x1;
	[dreg:$0x2] =	wrdreg s2  }
0xa9: {  	[dreg:$0x3] =	wrdreg s4  }
0xaa: {  	[dreg:$0x4] =	wrdreg $0xC0  }
0xab: {  	_ =	task [dreg:s6], $0x5FFFF  }
0xac: {  	[dreg:$0x1] =	wrdreg $0xFFFFFFFF  }
0xad: {  	[dreg:$0x0] =	wrdreg $0x60  }
0xae: {  	[dreg:$0x2] =	wrdreg s24  }
0xaf: {  	[dreg:$0x3] =	wrdreg $0x58000  }
0xb0: {  	[dreg:$0x4] =	wrdreg $0x9  }
0xb1: {  	_ =	task.clear_ibuf [dreg:s6], $0x5FFFF;
	_ =	strace $0x90000052  }
0xb2: {  	s29 =	simm.s32 $0x9;
	_ =	strace $0x80000054  }
0xb3: {  	_ =	swait.ge [sflag:s29], $0x1  }
0xb4: {  	[sflag:s29] =	ssyncadd.s32 $0xFFFFFFFF  }
0xb5: {  	_ =	strace $0x90000054  }
0xb6: {  	_ =	sfence  }
0xb7: {  	s30 =	sld [smem:$0x0];
	_ =	sdelay $0x2  }
0xb8: {  	s31 =	sshll.u32 s1, $0xD;
	s1 =	sshrl.u32 s1, $0x2  }
0xb9: {  	s3 =	sand.u32 $0x4000, s31;
	s1 =	sadd.s32 s1, s30  }
0xba: {  	s0 =	sor.u32 s3, s0;
	s1 =	sshll.u32 s1, $0x11  }
0xbb: {  	s0 =	sor.u32 s1, s0  }
0xbc: {  	s0 =	sadd.s32 $0x8F2B, s0  }
0xbd: {  	[sflag:s0] =	ssyncadd.remote.s32 $0x1  }
0xbe: {  	_ =	sfence.sel $0xFFFF  }
0xbf: {  	[dreg:$0x0] =	wrdreg $0xFFFFFFFF;
	(pc) =	sbr.abs _section_cstart, $3  }
0xc0: {  	[dreg:$0x1] =	wrdreg $0xFFFFFFFF  }
0xc1: {  	_ =	task.clear_ibuf [dreg:s6], $0x2FFFF;
	_ =	strace $0x9FFFFFFF  }
0xc2: {  	(tm) =	ssettm $0x7FFFFFFF  }
0xc3: {  	_ =	shalt  }
tec
execute0_lowered:
.L_overlay_start_1:
0x0: {  	(tag) =	ssettag $0x1  }
0x1: {  	s0 =	rddreg [dreg:$0x0]  }
0x2: {  	s1 =	rddreg [dreg:$0x1];
	s3 =	simm.s32 $0x0  }
0x3: {  	s2 =	srdreg.scid;
	s13 =	stileid.u32;
	s19 =	simm.s32 $0x4  }
0x4: {  	s20 =	simm.s32 $0x1;
	s22 =	simm.s32 $0x80;
	s30 =	simm.s32 $0x2  }
0x5: {  	s31 =	simm.s32 $0x3;
	[smem:$0x7FF] =	sst s3;
	s2 =	sand.u32 $0x1, s2  }
0x6: {  	s9 =	smul.u32 $0x18700, s13;
	s4 =	sadd.s32 $0x9200, s0;
	s5 =	sadd.s32 $0x3A000, s0  }
0x7: {  	s6 =	sadd.s32 $0x53000, s0;
	s7 =	sadd.s32 $0x6C000, s0;
	s28 =	sshll.u32 s13, $0x6  }
0x8: {  	s8 =	smul.u32 $0x187000, s2;
	s10 =	sshll.u32 s2, $0x4;
	s2 =	ssub.s32 $0x2, s2  }
0x9: {  	_ =	strace $0x80000053;
	s10 =	sor.u32 s13, s10;
	s12 =	sshrl.u32 s2, $0x1  }
0xa: {  	s18 =	sadd.s32 s9, s1;
	s8 =	sadd.s32 s9, s8;
	s2 =	ssub.s32 s2, s12  }
0xb: {  	s9 =	sor.u32 $0x1C04, s28;
	s11 =	sshrl.u32 s8, $0x3;
	s8 =	smul.u32 $0x6400, s10  }
.Ltmp0:
0xc: {  	s18 =	sshrl.u32 s18, $0x3;
	s0 =	sadd.s32 s11, s0;
	(pc) =	sbr.rel .LBB2_1-.Ltmp0, $4  }
0xd: {  	s17 =	smax.u32 s2, $0x1;
	s14 =	sshrl.u32 s8, $0x3;
	s16 =	sadd.s32 $0x6F200, s0  }
0xe: {  	s0 =	simm.s32 $0x0;
	s10 =	sadd.s32 s5, s14;
	s29 =	sadd.s32 $0x80, s14  }
0xf: {  	s11 =	sadd.s32 s6, s14;
	s15 =	sadd.s32 $0x100, s14;
	s12 =	sadd.s32 s5, s29  }
0x10: {  	s13 =	sadd.s32 s6, s29;
	s14 =	sadd.s32 s5, s15;
	s15 =	sadd.s32 s6, s15  }
.LBB2_5:
0x11: {  	_ =	swait.ge [sflag:s31], $0x1000  }
0x12: {  	[sflag:s31] =	ssyncset.done $0x0  }
0x13: {  	[sflag:s31] =	ssyncadd.s32 $0xFFFFF000  }
0x14: {  	_ =	swait.ge [sflag:s31], $0x1000  }
0x15: {  	s0 =	sadd.s32 $0x1, s0;
	[sflag:s31] =	ssyncset.done $0x0  }
0x16: {  	p0 =	sne.s32 s0, s17;
	[sflag:s31] =	ssyncadd.s32 $0xFFFFF000  }
.Ltmp1:
0x17: {  	[bflag:$0x0] =	sbarrier.arrive $0xFFFF;
	(pc) =	sbr.rel @!p0 .LBB2_6-.Ltmp1, $4  }
0x18: {  	[hbm:s16], [sflag:s9] =	dma.local [spmem:s18], $0x30E0  }
0x19: {  	_ =	swait.ge [sflag:s19], $0x30E0  }
0x1a: {  	[sflag:s19] =	ssyncset.done $0x0  }
0x1b: {  	[sflag:s19] =	ssyncadd.s32 $0xFFFFCF20  }
.LBB2_1:
0x1c: {  	[spmem:s18], [sflag:s9] =	dma.local [hbm:s7], $0x30E0  }
0x1d: {  	_ =	swait.ge [sflag:s19], $0x30E0  }
0x1e: {  	[sflag:s19] =	ssyncset.done $0x0  }
0x1f: {  	[sflag:s19] =	ssyncadd.s32 $0xFFFFCF20  }
0x20: {  	[tilespmem:s3], [sflag:$0x1] =	stream.linear.gather [hbm4b:s10+s3], $0x400, $0x38;
	[tilespmem:$0x1DF00] =	vst v63  }
0x21: {  	_ =	swait.ge [sflag:s20], $0x400  }
0x22: {  	[sflag:s20] =	ssyncset.done $0x0  }
0x23: {  	s2 =	simm.s32 $0xC00;
	[sflag:s20] =	ssyncadd.s32 $0xFFFFFC00  }
0x24: {  	[tilespmem:s2], [sflag:$0x1] =	stream.linear.gather [hbm4b:s11+s3], $0x400, $0x38;
	[tilespmem:$0x1DF00] =	vst v63  }
0x25: {  	_ =	swait.ge [sflag:s20], $0x400  }
0x26: {  	[sflag:s20] =	ssyncset.done $0x0  }
0x27: {  	s23 =	simm.s32 $0x1800;
	[sflag:s20] =	ssyncadd.s32 $0xFFFFFC00  }
0x28: {  	[tilespmem:s23], [sflag:$0x2] =	stream.indirect.gather [hbm4b:s4+s22], $0x20, s3, s22, $0xb8;
	[tilespmem:$0x1DF00] =	vst v63  }
0x29: {  	s24 =	simm.s32 $0x2800  }
0x2a: {  	[tilespmem:s24], [sflag:$0x2] =	stream.indirect.gather [hbm4b:s4+s22], $0x20, s22, s22, $0xb8;
	[tilespmem:$0x1DF00] =	vst v63  }
0x2b: {  	s25 =	simm.s32 $0x400  }
0x2c: {  	[tilespmem:s25], [sflag:$0x1] =	stream.linear.gather [hbm4b:s12+s3], $0x400, $0x38;
	[tilespmem:$0x1DF00] =	vst v63  }
0x2d: {  	s26 =	simm.s32 $0x1000  }
0x2e: {  	[tilespmem:s26], [sflag:$0x1] =	stream.linear.gather [hbm4b:s13+s3], $0x400, $0x38;
	[tilespmem:$0x1DF00] =	vst v63  }
0x2f: {  	s28 =	simm.s32 $0x800  }
0x30: {  	[tilespmem:s28], [sflag:$0x1] =	stream.linear.gather [hbm4b:s14+s3], $0x400, $0x38;
	[tilespmem:$0x1DF00] =	vst v63  }
.Ltmp2:
0x31: {  	_ = 	snop;
	(pc) =	sbr.rel .LBB2_2-.Ltmp2, $4  }
0x32: {  	s29 =	simm.s32 $0x1400  }
0x33: {  	[tilespmem:s29], [sflag:$0x1] =	stream.linear.gather [hbm4b:s15+s3], $0x400, $0x38;
	[tilespmem:$0x1DF00] =	vst v63  }
0x34: {  	[bflag:$0x0] =	sbarrier.arrive $0xFFFF  }
0x35: {  	s21 =	simm.s32 $0x0;
	s2 =	simm.s32 $0x0  }
.LBB2_4:
0x36: {  	s21 =	sadd.s32 $0x1, s21  }
0x37: {  	p0 =	sne.s32 s21, $0xC8  }
.Ltmp3:
0x38: {  	_ = 	snop;
	(pc) =	sbr.rel @!p0 .LBB2_5-.Ltmp3, $2  }
0x39: {  	_ =	sdelay $0x2  }
0x3a: {  	s2 =	sadd.s32 $0x1000, s2  }
.LBB2_2:
0x3b: {  	s23 =	sshrl.u32 s21, $0x3  }
0x3c: {  	s24 =	smul.u32 $0xAB, s23;
	_ =	sdelay $0x1  }
0x3d: {  	s24 =	sshrl.u32 s24, $0x9  }
0x3e: {  	s24 =	sand.u32 $0x7F, s24  }
0x3f: {  	s24 =	smul.u32 $0x3, s24;
	_ =	sdelay $0x1  }
0x40: {  	_ =	swait.ge [sflag:s30], $0x1000;
	s28 =	sand.u32 $0x3000, s2;
	s25 =	ssub.s32 s23, s24  }
0x41: {  	p0 =	slt.u32 s21, $0x2;
	s24 =	sand.u32 $0x7, s21;
	s25 =	sand.u32 $0xFF, s25  }
0x42: {  	[sflag:s30] =	ssyncset.done $0x0;
	s26 =	sshll.u32 s24, $0x7;
	s25 =	sshll.u32 s25, $0xA  }
0x43: {  	s29 =	sadd.s32 $0x1800, s28;
	p1 =	sgt.u32 @!p0 s21, $0xC5;
	s25 =	sor.u32 s26, s25  }
0x44: {  	[sflag:s30] =	ssyncadd.s32 $0xFFFFF000;
	p1 =	por p0, !p1;
	s25 =	sadd.s32 $0xC00, s25  }
0x45: {  	[spmem:s1] =	stream.indirect.scatter.add.f32 [tilespmem:s29], [sflag:$0x3], $0x20, s25, s22, $0xb8;
	[tilespmem:$0x1DF00] =	vst v63  }
.Ltmp4:
0x46: {  	_ = 	snop;
	(pc) =	sbr.rel @!p1 .LBB2_4-.Ltmp4, $4  }
0x47: {  	s25 =	simm.s32 @!p0 $0x3  }
0x48: {  	_ =	swait.ge @!p0 [sflag:s25], $0x1000  }
0x49: {  	[sflag:s25] =	ssyncset.done @!p0 $0x0  }
0x4a: {  	[sflag:s25] =	ssyncadd.s32 @!p0 $0xFFFFF000  }
0x4b: {  	s25 =	sadd.s32 $0x2, s21  }
0x4c: {  	s26 =	sshrl.u32 s25, $0x3;
	s25 =	sand.u32 $0x7, s25  }
0x4d: {  	p0 =	sne.s32 s25, $0x0  }
0x4e: {  	s28 =	smul.u32 $0xAB, s26;
	s29 =	simm.s32 @!p0 $0x1  }
0x4f: {  	_ =	swait.ge @!p0 [sflag:s29], $0x400  }
0x50: {  	s28 =	sshrl.u32 s28, $0x9;
	[sflag:s29] =	ssyncset.done @!p0 $0x0  }
0x51: {  	s28 =	sand.u32 $0x7F, s28;
	[sflag:s29] =	ssyncadd.s32 @!p0 $0xFFFFFC00  }
0x52: {  	p1 =	sne.s32 s24, $0x2;
	s28 =	smul.u32 $0x3, s28;
	_ =	swait.ge @!p0 [sflag:s29], $0x400  }
0x53: {  	s24 =	sadd.s32 $0xFFFFFFF6, s21;
	s25 =	sshll.u32 s25, $0x7;
	[sflag:s29] =	ssyncset.done @!p0 $0x0  }
0x54: {  	s26 =	ssub.s32 s26, s28;
	[sflag:s29] =	ssyncadd.s32 @!p0 $0xFFFFFC00;
	p0 =	sgt.u32 @!p1 s24, $0xA8  }
0x55: {  	s29 =	sadd.s32 $0x2000, s2;
	s26 =	sand.u32 $0xFF, s26;
	p0 =	por p0, p1  }
0x56: {  	s29 =	sand.u32 $0x3000, s29;
	s24 =	sshll.u32 s26, $0xA;
	s23 =	sadd.s32 @!p0 $0x2, s23  }
0x57: {  	s26 =	sadd.s32 $0x1800, s29;
	s24 =	sor.u32 s25, s24;
	s25 =	smul.u32 @!p0 $0xAB, s23  }
0x58: {  	[tilespmem:s26], [sflag:$0x2] =	stream.indirect.gather [hbm4b:s4+s22], $0x20, s24, s22, $0xb8;
	[tilespmem:$0x1DF00] =	vst v63  }
0x59: {  	s24 =	sshrl.u32 @!p0 s25, $0x9  }
0x5a: {  	s24 =	sand.u32 @!p0 $0x7F, s24  }
0x5b: {  	s24 =	smul.u32 @!p0 $0x3, s24  }
0x5c: {  	s25 =	sshll.u32 @!p0 s23, $0xA  }
0x5d: {  	s25 =	sadd.s32 @!p0 s8, s25;
	s23 =	ssub.s32 @!p0 s23, s24  }
.Ltmp5:
0x5e: {  	s24 =	sshrl.u32 @!p0 s25, $0x3;
	s23 =	sand.u32 @!p0 $0xFF, s23;
	(pc) =	sbr.rel .LBB2_4-.Ltmp5, $4  }
0x5f: {  	s26 =	simm.s32 @!p0 $0x0;
	s25 =	sadd.s32 @!p0 s5, s24;
	s23 =	sshll.u32 @!p0 s23, $0xA  }
0x60: {  	[tilespmem:s23], [sflag:$0x1] =	stream.linear.gather @!p0 [hbm4b:s25+s26], $0x400, $0x38;
	[tilespmem:$0x1DF00] =	vst v63  }
0x61: {  	s24 =	sadd.s32 @!p0 s6, s24;
	s23 =	sadd.s32 @!p0 $0xC00, s23  }
0x62: {  	[tilespmem:s23], [sflag:$0x1] =	stream.linear.gather @!p0 [hbm4b:s24+s26], $0x400, $0x38;
	[tilespmem:$0x1DF00] =	vst v63  }
.LBB2_6:
0x63: {  	_ =	sfence.sel $0x180000  }
0x64: {  	[bflag:$0x0] =	sbarrier.arrive $0xFFFF  }
0x65: {  	_ =	strace $0x90000053  }
0x66: {  	s0 =	stileid.u32;
	[bflag:$0x2] =	sbarrier.arrive $0xFFFF  }
0x67: {  	p0 =	sne.s32 s0, $0x0;
	s0 =	rddreg [dreg:$0x2]  }
0x68: {  	s0 =	sadd.s32 @!p0 $0x100000, s0  }
0x69: {  	[sflag:s0] =	ssyncadd.tile.s32 @!p0 $0x1;
	_ =	shalt  }
.Lfunc_end2:
_tile_overlayer_lowered:
.L_overlay_start_2:
0x6a: {  	(tag) =	ssettag $0x2  }
0x6b: {  	s0 =	rddreg [dreg:$0x0];
	s2 =	stileid.u32  }
0x6c: {  	s1 =	rddreg [dreg:$0x1];
	p0 =	sne.s32 s2, $0x0  }
0x6d: {  	s3 =	rddreg [dreg:$0x2];
	[bflag:$0x3] =	sbarrier.arrive $0xFFFF;
	s2 =	simm.s32 @!p0 $0x1C04  }
0x6e: {  	[timem:s3], [sflag:s2] =	dma.local @!p0 [hbm:s0], s1  }
0x6f: {  	s0 =	simm.s32 @!p0 $0x4  }
0x70: {  	_ =	swait.ge @!p0 [sflag:s0], s1  }
0x71: {  	s1 =	ssub.s32 @!p0 $0x0, s1;
	[sflag:s0] =	ssyncset.done @!p0 $0x0  }
0x72: {  	[sflag:s0] =	ssyncadd.s32 @!p0 s1  }
0x73: {  	[bflag:$0x3] =	sbarrier.arrive $0xFFFF  }
0x74: {  	_ =	shalt  }

// kernel: kernel.33.cloned.1.call-start
scs
__scs_entry_jumppad:
0x0: {  	(pc) =	sbr.rel $0x88, $3  }
0x1: {  	(tag) =	ssettag $0x0;
	lr =	simm.s32 $0x1  }
0x2: {  	[smem:$0x3F72] =	sst lr;
	_ =	strace $0xD0000000  }
0x3: {  	_ = 	snop  }
0x4: {  	_ = 	snop  }
0x5: {  	_ = 	snop  }
0x6: {  	_ = 	snop  }
0x7: {  	_ = 	snop  }
__scs_overlays_trampoline_lowered:
0x8: {  	[smem:$0x3F81] =	sst s0  }
0x9: {  	[smem:$0x3F82] =	sst s1  }
0xa: {  	[smem:$0x3F83] =	sst s2  }
0xb: {  	[smem:$0x3F84] =	sst s3  }
0xc: {  	[smem:$0x3F85] =	sst s4  }
0xd: {  	[smem:$0x3F86] =	sst s5  }
0xe: {  	[smem:$0x3F87] =	sst s6  }
0xf: {  	[smem:$0x3F88] =	sst s7  }
0x10: {  	[smem:$0x3F89] =	sst s8  }
0x11: {  	[smem:$0x3F8A] =	sst s9;
	s0 =	simm.s32 @!p0 $0x0  }
0x12: {  	s1 =	sld [smem:$0x3F70];
	s0 =	simm.s32 @p0 $0x1  }
0x13: {  	[smem:$0x3F8B] =	sst s0;
	s0 =	simm.s32 @!p1 $0x0  }
0x14: {  	s2 =	sld [smem:$0x3F6F];
	s0 =	simm.s32 @p1 $0x1  }
0x15: {  	[smem:$0x3F8C] =	sst s0;
	s0 =	simm.s32 @!p2 $0x0  }
0x16: {  	s3 =	sld [smem:$0x3FDB];
	s0 =	simm.s32 @p2 $0x1  }
0x17: {  	s4 =	simm.s32 $0x1BF5;
	[smem:$0x3F8E] =	sst s0  }
0x18: {  	s0 =	sld [smem:$0x3F71];
	_ =	swait.ge [sflag:s4], $0x0  }
0x19: {  	s7 =	sld [smem:$0x3F72]  }
0x1a: {  	s8 =	sadd.s32 $0xFFFFE003, lr  }
0x1b: {  	s9 =	sadd.s32 $0xFFFFFEF7, lr;
	s5 =	simm.s32 $0xFFFFFFFF;
	p2 =	slt.u32 s8, $0xFFFFF086  }
0x1c: {  	p1 =	slt.u32 s9, $0xF7A;
	s5 =	simm.s32 @!p2 $0x0  }
0x1d: {  	s5 =	simm.s32 @p1 $0x1;
	p0 =	seq.s32 s7, s2  }
0x1e: {  	s7 =	smul.u32 @!p0 $0xF7A, s2;
	p2 =	seq.s32 @!p0 s5, $0x0  }
0x1f: {  	s9 =	smul.u32 $0xF7A, s1;
	s8 =	simm.s32 @!p0 $0x1BF5;
	p2 =	por !p2, p0  }
0x20: {  	[sflag:s8] =	ssyncset.s32 @!p0 $0xFFFFF086;
	s6 =	sadd.s32 @!p0 s3, s7;
	s7 =	simm.s32 @!p0 $0x108  }
0x21: {  	s3 =	sadd.s32 s3, s9;
	s6 =	sadd.s32 @!p0 $0x88, s6;
	s7 =	simm.s32 @p2 $0x1082  }
0x22: {  	[simem:s7], [sflag:s8] =	dma.local @!p0 [hbm:s6], $0xF7A  }
0x23: {  	s9 =	sor.u32 $0xD0000000, s2;
	s6 =	simm.s32 $0x108;
	_ =	swait.ge @!p0 [sflag:s8], $0x0  }
0x24: {  	s3 =	sadd.s32 $0x88, s3;
	s6 =	simm.s32 @!p1 $0x1082;
	[sflag:s4] =	ssyncset.s32 $0xFFFFF086  }
0x25: {  	[simem:s6], [sflag:s4] =	dma.local [hbm:s3], $0xF7A  }
0x26: {  	[smem:$0x3F72] =	sst s1;
	(tag) =	ssettag s2;
	_ =	strace s9  }
0x27: {  	s1 =	sld [smem:$0x3F82]  }
0x28: {  	s2 =	sld [smem:$0x3F83]  }
0x29: {  	s4 =	sld [smem:$0x3F85]  }
0x2a: {  	p0 =	seq.s32 s5, $0x0;
	s5 =	sld [smem:$0x3F86]  }
0x2b: {  	s6 =	sld [smem:$0x3F87]  }
0x2c: {  	s7 =	sld [smem:$0x3F88]  }
0x2d: {  	s3 =	simm.s32 $0x108;
	s8 =	sld [smem:$0x3F89]  }
0x2e: {  	s3 =	simm.s32 @!p0 $0x1082;
	s9 =	sld [smem:$0x3F8A]  }
0x2f: {  	lr =	sadd.s32 s0, s3;
	s0 =	sld [smem:$0x3F81]  }
0x30: {  	s3 =	sld [smem:$0x3F84]  }
0x31: {  	[smem:$0x3F8D] =	sst s10  }
0x32: {  	s10 =	sld [smem:$0x3F8B];
	_ =	sdelay $0x3  }
0x33: {  	p0 =	seq.s32 s10, $0x1;
	s10 =	sld [smem:$0x3F8D];
	_ =	sdelay $0x3  }
0x34: {  	[smem:$0x3F8D] =	sst s10  }
0x35: {  	s10 =	sld [smem:$0x3F8C];
	_ =	sdelay $0x3  }
0x36: {  	p1 =	seq.s32 s10, $0x1;
	s10 =	sld [smem:$0x3F8D];
	_ =	sdelay $0x3  }
0x37: {  	[smem:$0x3F8D] =	sst s10  }
0x38: {  	s10 =	sld [smem:$0x3F8E]  }
0x39: {  	_ = 	snop;
	(pc) =	sbr.ind lr, $3  }
0x3a: {  	_ = 	snop  }
0x3b: {  	_ = 	snop  }
0x3c: {  	p2 =	seq.s32 s10, $0x1;
	s10 =	sld [smem:$0x3F8D]  }
0x3d: {  	_ =	shalt  }
0x3e: {  	_ =	shalt  }
0x3f: {  	_ =	shalt  }
0x40: {  	_ =	shalt  }
0x41: {  	_ =	shalt  }
0x42: {  	_ =	shalt  }
0x43: {  	_ =	shalt  }
0x44: {  	_ =	shalt  }
0x45: {  	_ =	shalt  }
0x46: {  	_ =	shalt  }
0x47: {  	_ =	shalt  }
0x48: {  	_ =	shalt  }
0x49: {  	_ =	shalt  }
0x4a: {  	_ =	shalt  }
0x4b: {  	_ =	shalt  }
0x4c: {  	_ =	shalt  }
0x4d: {  	_ =	shalt  }
0x4e: {  	_ =	shalt  }
0x4f: {  	_ =	shalt  }
0x50: {  	_ =	shalt  }
0x51: {  	_ =	shalt  }
0x52: {  	_ =	shalt  }
0x53: {  	_ =	shalt  }
0x54: {  	_ =	shalt  }
0x55: {  	_ =	shalt  }
0x56: {  	_ =	shalt  }
0x57: {  	_ =	shalt  }
0x58: {  	_ =	shalt  }
0x59: {  	_ =	shalt  }
0x5a: {  	_ =	shalt  }
0x5b: {  	_ =	shalt  }
0x5c: {  	_ =	shalt  }
0x5d: {  	_ =	shalt  }
0x5e: {  	_ =	shalt  }
0x5f: {  	_ =	shalt  }
0x60: {  	_ =	shalt  }
0x61: {  	_ =	shalt  }
0x62: {  	_ =	shalt  }
0x63: {  	_ =	shalt  }
0x64: {  	_ =	shalt  }
0x65: {  	_ =	shalt  }
0x66: {  	_ =	shalt  }
0x67: {  	_ =	shalt  }
0x68: {  	_ =	shalt  }
0x69: {  	_ =	shalt  }
0x6a: {  	_ =	shalt  }
0x6b: {  	_ =	shalt  }
0x6c: {  	_ =	shalt  }
0x6d: {  	_ =	shalt  }
0x6e: {  	_ =	shalt  }
0x6f: {  	_ =	shalt  }
0x70: {  	_ =	shalt  }
0x71: {  	_ =	shalt  }
0x72: {  	_ =	shalt  }
0x73: {  	_ =	shalt  }
0x74: {  	_ =	shalt  }
0x75: {  	_ =	shalt  }
0x76: {  	_ =	shalt  }
0x77: {  	_ =	shalt  }
0x78: {  	_ =	shalt  }
0x79: {  	_ =	shalt  }
0x7a: {  	_ =	shalt  }
0x7b: {  	_ =	shalt  }
0x7c: {  	_ =	shalt  }
0x7d: {  	_ =	shalt  }
0x7e: {  	_ =	shalt  }
0x7f: {  	_ =	shalt  }
0x80: {  	_ =	shalt  }
0x81: {  	_ =	shalt  }
0x82: {  	_ =	shalt  }
0x83: {  	_ =	shalt  }
0x84: {  	_ =	shalt  }
0x85: {  	_ =	shalt  }
0x86: {  	_ =	shalt  }
0x87: {  	_ =	shalt  }
.Lfunc_end0:
.L_simem_size_0:
called_computation.5_lowered:
.L_overlay_start_0:
0x88: {  	s2 =	sld [smem:$0x3FD9]  }
0x89: {  	s3 =	sld [smem:$0x3FFE];
	_ =	sdelay $0x1  }
0x8a: {  	s1 =	srdreg.scid  }
0x8b: {  	s0 =	sand.u32 $0x1, s1  }
0x8c: {  	s16 =	sshll.u32 s0, $0xA;
	s2 =	sadd.s32 s3, s2  }
0x8d: {  	s2 =	sadd.s32 s2, s16  }
0x8e: {  	[smem:$0x3F99] =	sst s2  }
0x8f: {  	_ = 	snop  }
0x90: {  	(tm) =	ssettm $0x1  }
0x91: {  	s17 =	sld [smem:$0x3FFB];
	_ =	sdelay $0x3  }
0x92: {  	_ =	strace s17  }
0x93: {  	s2 =	sld [smem:$0x3FFC];
	_ =	sdelay $0x3  }
0x94: {  	_ =	strace s2  }
0x95: {  	s2 =	sld [smem:$0x3FFD];
	_ =	sdelay $0x3  }
0x96: {  	_ =	strace s2  }
0x97: {  	_ =	strace $0x8FFFFFFF  }
0x98: {  	s18 =	sld [smem:$0x3FDB];
	_ =	sdelay $0x1  }
0x99: {  	s19 =	simm.s32 $_scs_section_size  }
0x9a: {  	s4 =	simm.s32 $_size__tile_overlayer_lowered;
	s5 =	simm.s32 $_tile_overlayer_lowered  }
0x9b: {  	s22 =	simm.s32 $0x1BFF;
	s21 =	sshll.u32 s5, $0x1;
	s2 =	sadd.s32 s19, s18  }
0x9c: {  	s6 =	simm.s32 $0x0;
	s20 =	sshll.u32 s4, $0x1;
	s4 =	sadd.s32 s21, s2  }
0x9d: {  	[timem:s6], [sflag:s22] =	dma.local [hbm:s4], s20  }
0x9e: {  	_ =	swait.ge [sflag:s22], s20  }
0x9f: {  	s3 =	ssub.s32 $0x0, s20;
	[sflag:s22] =	ssyncset.done $0x0  }
0xa0: {  	[sflag:s22] =	ssyncadd.s32 s3;
	_ =	sdelay $0x1  }
0xa1: {  	s23 =	simm.s32 $0x1B8B  }
0xa2: {  	_ =	swait.ge [sflag:s23], $0x1  }
0xa3: {  	[sflag:s23] =	ssyncset.done $0x0  }
0xa4: {  	s25 =	simm.s32 $0x1B8E;
	s24 =	sld [smem:$0x3FFE];
	[sflag:s23] =	ssyncadd.s32 $0xFFFFFFFF  }
0xa5: {  	s26 =	simm.s32 $execute0_lowered;
	[smem:$0x3FD2] =	sst s25  }
0xa6: {  	s4 =	sshll.u32 s26, $0x1;
	_ =	strace $0x80000055;
	[dreg:$0x1] =	wrdreg $0xFFFFFFFF  }
0xa7: {  	s28 =	simm.s32 $_size_execute0_lowered;
	s2 =	sadd.s32 s2, s4;
	[dreg:$0x0] =	wrdreg $0x0  }
0xa8: {  	s4 =	sshll.u32 s28, $0x1;
	[dreg:$0x2] =	wrdreg s2  }
0xa9: {  	[dreg:$0x3] =	wrdreg s4  }
0xaa: {  	[dreg:$0x4] =	wrdreg $0xC0  }
0xab: {  	_ =	task [dreg:s6], $0x5FFFF  }
0xac: {  	[dreg:$0x1] =	wrdreg $0xFFFFFFFF  }
0xad: {  	[dreg:$0x0] =	wrdreg $0x60  }
0xae: {  	[dreg:$0x2] =	wrdreg s24  }
0xaf: {  	[dreg:$0x3] =	wrdreg $0xD6800  }
0xb0: {  	[dreg:$0x4] =	wrdreg $0x9  }
0xb1: {  	_ =	task.clear_ibuf [dreg:s6], $0x5FFFF;
	_ =	strace $0x90000055  }
0xb2: {  	s29 =	simm.s32 $0x9;
	_ =	strace $0x80000057  }
0xb3: {  	_ =	swait.ge [sflag:s29], $0x1  }
0xb4: {  	[sflag:s29] =	ssyncadd.s32 $0xFFFFFFFF  }
0xb5: {  	_ =	strace $0x90000057  }
0xb6: {  	_ =	sfence  }
0xb7: {  	s30 =	sld [smem:$0x0];
	_ =	sdelay $0x2  }
0xb8: {  	s31 =	sshll.u32 s1, $0xD;
	s1 =	sshrl.u32 s1, $0x2  }
0xb9: {  	s3 =	sand.u32 $0x4000, s31;
	s1 =	sadd.s32 s1, s30  }
0xba: {  	s0 =	sor.u32 s3, s0;
	s1 =	sshll.u32 s1, $0x11  }
0xbb: {  	s0 =	sor.u32 s1, s0  }
0xbc: {  	s0 =	sadd.s32 $0x8F2B, s0  }
0xbd: {  	[sflag:s0] =	ssyncadd.remote.s32 $0x1  }
0xbe: {  	_ =	sfence.sel $0xFFFF  }
0xbf: {  	[dreg:$0x0] =	wrdreg $0xFFFFFFFF;
	(pc) =	sbr.abs _section_cstart, $3  }
0xc0: {  	[dreg:$0x1] =	wrdreg $0xFFFFFFFF  }
0xc1: {  	_ =	task.clear_ibuf [dreg:s6], $0x2FFFF;
	_ =	strace $0x9FFFFFFF  }
0xc2: {  	(tm) =	ssettm $0x7FFFFFFF  }
0xc3: {  	_ =	shalt  }
tec
execute0_lowered:
.L_overlay_start_1:
0x0: {  	(tag) =	ssettag $0x1  }
0x1: {  	s0 =	srdreg.scid  }
0x2: {  	s1 =	sand.u32 $0x1, s0  }
0x3: {  	s14 =	stileid.u32;
	s2 =	sshll.u32 s1, $0x4  }
0x4: {  	s7 =	smul.u32 $0x500, s14;
	s3 =	sor.u32 s14, s2  }
0x5: {  	s4 =	rddreg [dreg:$0x0];
	s16 =	simm.s32 $0xD080;
	s5 =	smul.u32 $0x1A00, s3  }
0x6: {  	s2 =	rddreg [dreg:$0x1];
	s6 =	smul.u32 $0xD0, s3;
	s3 =	simm.s32 $0x0  }
0x7: {  	s9 =	sadd.s32 $0x6C000, s4;
	s8 =	smul.u32 $0x5000, s1;
	[smem:$0x7FF] =	sst s3  }
0x8: {  	s17 =	simm.s32 $0x1000;
	_ =	strace $0x80000056;
	[dreg:$0x3] =	wrdreg s9  }
0x9: {  	s19 =	simm.s32 $0xD100;
	s8 =	sadd.s32 s7, s8;
	[dreg:$0x7] =	wrdreg s16  }
0xa: {  	s8 =	sshrl.u32 s8, $0x3;
	s5 =	sadd.s32 s5, s4;
	[dreg:$0x8] =	wrdreg s17  }
0xb: {  	s6 =	sadd.s32 s6, s4;
	[dreg:$0x9] =	wrdreg s19;
	s5 =	sadd.s32 $0x6F200, s5  }
0xc: {  	s4 =	sadd.s32 s8, s4;
	s15 =	sadd.s32 $0xD0E00, s6;
	[dreg:$0x4] =	wrdreg s5  }
0xd: {  	s4 =	sadd.s32 $0xA3200, s4;
	[dreg:$0x5] =	wrdreg s15  }
0xe: {  	[dreg:$0x6] =	wrdreg s4  }
0xf: {  	s4 =	simm.s32 $0x2;
	s18 =	rddreg [dreg:$0x4]  }
0x10: {  	[tilespmem:s3], [sflag:$0x2] =	stream.linear.gather [hbm4b:s18+s3], $0xD000, $0x38;
	[tilespmem:$0xDB80] =	vst v63  }
0x11: {  	_ =	swait.ge [sflag:s4], $0xD000  }
0x12: {  	[sflag:s4] =	ssyncset.done $0x0  }
0x13: {  	s5 =	simm.s32 $0xD000;
	s20 =	rddreg [dreg:$0x5];
	[sflag:s4] =	ssyncadd.s32 $0xFFFF3000  }
0x14: {  	[tilespmem:s5], [sflag:$0x2] =	stream.linear.gather [hbm4b:s20+s3], $0x680, $0x38;
	[tilespmem:$0xDB80] =	vst v63  }
0x15: {  	s7 =	sadd.s32 s7, s2;
	_ =	swait.ge [sflag:s4], $0x680  }
0x16: {  	s22 =	sshll.u32 s14, $0x6;
	s7 =	sshrl.u32 s7, $0x3;
	[sflag:s4] =	ssyncset.done $0x0  }
0x17: {  	s6 =	sor.u32 $0x1C02, s22;
	s21 =	rddreg [dreg:$0x3];
	[sflag:s4] =	ssyncadd.s32 $0xFFFFF980  }
0x18: {  	[spmem:s7], [sflag:s6] =	dma.local [hbm:s21], $0xA0  }
0x19: {  	_ =	swait.ge [sflag:s4], $0xA0  }
0x1a: {  	[sflag:s4] =	ssyncset.done $0x0  }
0x1b: {  	[sflag:s4] =	ssyncadd.s32 $0xFFFFFF60  }
0x1c: {  	[bflag:$0x0] =	sbarrier.arrive $0xFFFF  }
0x1d: {  	s8 =	simm.s32 $0x80;
	s23 =	rddreg [dreg:$0x7]  }
0x1e: {  	[spmem:s2] =	stream.indirect.scatter.add.f32 [tilespmem:s3], [sflag:$0x1], $0x20, s5, s8, $0xb8;
	[tilespmem:$0xDB80] =	vst v63  }
0x1f: {  	s10 =	rddreg [dreg:$0x8]  }
0x20: {  	[spmem:s2] =	stream.indirect.scatter.add.f32 [tilespmem:s10], [sflag:$0x1], $0x20, s23, s8, $0xb8;
	[tilespmem:$0xDB80] =	vst v63  }
0x21: {  	s24 =	simm.s32 $0x2000;
	s11 =	rddreg [dreg:$0x9]  }
0x22: {  	[spmem:s2] =	stream.indirect.scatter.add.f32 [tilespmem:s24], [sflag:$0x1], $0x20, s11, s8, $0xb8;
	[tilespmem:$0xDB80] =	vst v63  }
0x23: {  	s25 =	simm.s32 $0xD180;
	s26 =	simm.s32 $0x3000  }
0x24: {  	[spmem:s2] =	stream.indirect.scatter.add.f32 [tilespmem:s26], [sflag:$0x1], $0x20, s25, s8, $0xb8;
	[tilespmem:$0xDB80] =	vst v63  }
0x25: {  	s12 =	simm.s32 $0xD200;
	s13 =	simm.s32 $0x4000  }
0x26: {  	[spmem:s2] =	stream.indirect.scatter.add.f32 [tilespmem:s13], [sflag:$0x1], $0x20, s12, s8, $0xb8;
	[tilespmem:$0xDB80] =	vst v63  }
0x27: {  	s14 =	simm.s32 $0xD280;
	s15 =	simm.s32 $0x5000  }
0x28: {  	[spmem:s2] =	stream.indirect.scatter.add.f32 [tilespmem:s15], [sflag:$0x1], $0x20, s14, s8, $0xb8;
	[tilespmem:$0xDB80] =	vst v63  }
0x29: {  	s16 =	simm.s32 $0xD300;
	s17 =	simm.s32 $0x6000  }
0x2a: {  	[spmem:s2] =	stream.indirect.scatter.add.f32 [tilespmem:s17], [sflag:$0x1], $0x20, s16, s8, $0xb8;
	[tilespmem:$0xDB80] =	vst v63  }
0x2b: {  	s19 =	simm.s32 $0x7000;
	s18 =	simm.s32 $0xD380  }
0x2c: {  	[spmem:s2] =	stream.indirect.scatter.add.f32 [tilespmem:s19], [sflag:$0x1], $0x20, s18, s8, $0xb8;
	[tilespmem:$0xDB80] =	vst v63  }
0x2d: {  	s20 =	simm.s32 $0xD400;
	s21 =	simm.s32 $0x8000  }
0x2e: {  	[spmem:s2] =	stream.indirect.scatter.add.f32 [tilespmem:s21], [sflag:$0x1], $0x20, s20, s8, $0xb8;
	[tilespmem:$0xDB80] =	vst v63  }
0x2f: {  	s22 =	simm.s32 $0xD480;
	s23 =	simm.s32 $0x9000  }
0x30: {  	[spmem:s2] =	stream.indirect.scatter.add.f32 [tilespmem:s23], [sflag:$0x1], $0x20, s22, s8, $0xb8;
	[tilespmem:$0xDB80] =	vst v63  }
0x31: {  	s24 =	simm.s32 $0xD500;
	s25 =	simm.s32 $0xA000  }
0x32: {  	[spmem:s2] =	stream.indirect.scatter.add.f32 [tilespmem:s25], [sflag:$0x1], $0x20, s24, s8, $0xb8;
	[tilespmem:$0xDB80] =	vst v63  }
0x33: {  	s28 =	simm.s32 $0xB000;
	s26 =	simm.s32 $0xD580  }
0x34: {  	[spmem:s2] =	stream.indirect.scatter.add.f32 [tilespmem:s28], [sflag:$0x1], $0x20, s26, s8, $0xb8;
	[tilespmem:$0xDB80] =	vst v63  }
0x35: {  	s29 =	simm.s32 $0xD600;
	s30 =	simm.s32 $0xC000;
	s31 =	simm.s32 $0x1  }
0x36: {  	[spmem:s2] =	stream.indirect.scatter.add.f32 [tilespmem:s30], [sflag:$0x1], $0x20, s29, s8, $0xb8;
	[tilespmem:$0xDB80] =	vst v63  }
0x37: {  	_ =	swait.ge [sflag:s31], $0x1000  }
0x38: {  	[sflag:s31] =	ssyncset.done $0x0  }
0x39: {  	[sflag:s31] =	ssyncadd.s32 $0xFFFFF000  }
0x3a: {  	_ =	swait.ge [sflag:s31], $0x1000  }
0x3b: {  	[sflag:s31] =	ssyncset.done $0x0  }
0x3c: {  	[sflag:s31] =	ssyncadd.s32 $0xFFFFF000  }
0x3d: {  	_ =	swait.ge [sflag:s31], $0x1000  }
0x3e: {  	[sflag:s31] =	ssyncset.done $0x0  }
0x3f: {  	[sflag:s31] =	ssyncadd.s32 $0xFFFFF000  }
0x40: {  	_ =	swait.ge [sflag:s31], $0x1000  }
0x41: {  	[sflag:s31] =	ssyncset.done $0x0  }
0x42: {  	[sflag:s31] =	ssyncadd.s32 $0xFFFFF000  }
0x43: {  	_ =	swait.ge [sflag:s31], $0x1000  }
0x44: {  	[sflag:s31] =	ssyncset.done $0x0  }
0x45: {  	[sflag:s31] =	ssyncadd.s32 $0xFFFFF000  }
0x46: {  	_ =	swait.ge [sflag:s31], $0x1000  }
0x47: {  	[sflag:s31] =	ssyncset.done $0x0  }
0x48: {  	[sflag:s31] =	ssyncadd.s32 $0xFFFFF000  }
0x49: {  	_ =	swait.ge [sflag:s31], $0x1000  }
0x4a: {  	[sflag:s31] =	ssyncset.done $0x0  }
0x4b: {  	[sflag:s31] =	ssyncadd.s32 $0xFFFFF000  }
0x4c: {  	_ =	swait.ge [sflag:s31], $0x1000  }
0x4d: {  	[sflag:s31] =	ssyncset.done $0x0  }
0x4e: {  	[sflag:s31] =	ssyncadd.s32 $0xFFFFF000  }
0x4f: {  	_ =	swait.ge [sflag:s31], $0x1000  }
0x50: {  	[sflag:s31] =	ssyncset.done $0x0  }
0x51: {  	[sflag:s31] =	ssyncadd.s32 $0xFFFFF000  }
0x52: {  	_ =	swait.ge [sflag:s31], $0x1000  }
0x53: {  	[sflag:s31] =	ssyncset.done $0x0  }
0x54: {  	[sflag:s31] =	ssyncadd.s32 $0xFFFFF000  }
0x55: {  	_ =	swait.ge [sflag:s31], $0x1000  }
0x56: {  	[sflag:s31] =	ssyncset.done $0x0  }
0x57: {  	s1 =	ssub.s32 $0x2, s1;
	[sflag:s31] =	ssyncadd.s32 $0xFFFFF000  }
0x58: {  	s10 =	sshrl.u32 s1, $0x1;
	_ =	swait.ge [sflag:s31], $0x1000  }
0x59: {  	s0 =	ssub.s32 s1, s10;
	[sflag:s31] =	ssyncset.done $0x0  }
0x5a: {  	s0 =	smax.u32 s0, $0x1;
	[sflag:s31] =	ssyncadd.s32 $0xFFFFF000  }
0x5b: {  	p0 =	sne.s32 s0, $0x1;
	_ =	swait.ge [sflag:s31], $0x1000  }
.Ltmp0:
0x5c: {  	[sflag:s31] =	ssyncset.done $0x0;
	(pc) =	sbr.rel @!p0 .LBB2_2-.Ltmp0, $4  }
0x5d: {  	[sflag:s31] =	ssyncadd.s32 $0xFFFFF000  }
0x5e: {  	[bflag:$0x0] =	sbarrier.arrive $0xFFFF  }
0x5f: {  	s11 =	simm.s32 $0x3000;
	s1 =	sadd.s32 $0xFFFFFFFF, s0;
	s9 =	rddreg [dreg:$0x6]  }
0x60: {  	[hbm:s9], [sflag:s6] =	dma.local [spmem:s7], $0xA0  }
.LBB2_1:
0x61: {  	_ =	swait.ge [sflag:s4], $0xA0  }
0x62: {  	[sflag:s4] =	ssyncset.done $0x0  }
0x63: {  	s0 =	rddreg [dreg:$0x4];
	[sflag:s4] =	ssyncadd.s32 $0xFFFFFF60  }
0x64: {  	[tilespmem:s3], [sflag:$0x2] =	stream.linear.gather [hbm4b:s0+s3], $0xD000, $0x38;
	[tilespmem:$0xDB80] =	vst v63  }
0x65: {  	_ =	swait.ge [sflag:s4], $0xD000  }
0x66: {  	[sflag:s4] =	ssyncset.done $0x0  }
0x67: {  	s9 =	rddreg [dreg:$0x5];
	[sflag:s4] =	ssyncadd.s32 $0xFFFF3000  }
0x68: {  	[tilespmem:s5], [sflag:$0x2] =	stream.linear.gather [hbm4b:s9+s3], $0x680, $0x38;
	[tilespmem:$0xDB80] =	vst v63  }
0x69: {  	_ =	swait.ge [sflag:s4], $0x680  }
0x6a: {  	[sflag:s4] =	ssyncset.done $0x0  }
0x6b: {  	s10 =	rddreg [dreg:$0x3];
	[sflag:s4] =	ssyncadd.s32 $0xFFFFF980  }
0x6c: {  	[spmem:s7], [sflag:s6] =	dma.local [hbm:s10], $0xA0  }
0x6d: {  	_ =	swait.ge [sflag:s4], $0xA0  }
0x6e: {  	[sflag:s4] =	ssyncset.done $0x0  }
0x6f: {  	[sflag:s4] =	ssyncadd.s32 $0xFFFFFF60  }
0x70: {  	[bflag:$0x0] =	sbarrier.arrive $0xFFFF  }
0x71: {  	[spmem:s2] =	stream.indirect.scatter.add.f32 [tilespmem:s3], [sflag:$0x1], $0x20, s5, s8, $0xb8;
	[tilespmem:$0xDB80] =	vst v63  }
0x72: {  	s0 =	rddreg [dreg:$0x7]  }
0x73: {  	s9 =	rddreg [dreg:$0x8]  }
0x74: {  	[spmem:s2] =	stream.indirect.scatter.add.f32 [tilespmem:s9], [sflag:$0x1], $0x20, s0, s8, $0xb8;
	[tilespmem:$0xDB80] =	vst v63  }
0x75: {  	s10 =	rddreg [dreg:$0x9];
	s9 =	simm.s32 $0x2000  }
0x76: {  	[spmem:s2] =	stream.indirect.scatter.add.f32 [tilespmem:s9], [sflag:$0x1], $0x20, s10, s8, $0xb8;
	[tilespmem:$0xDB80] =	vst v63  }
0x77: {  	s9 =	simm.s32 $0xD180  }
0x78: {  	[spmem:s2] =	stream.indirect.scatter.add.f32 [tilespmem:s11], [sflag:$0x1], $0x20, s9, s8, $0xb8;
	[tilespmem:$0xDB80] =	vst v63  }
0x79: {  	_ = 	snop  }
0x7a: {  	[spmem:s2] =	stream.indirect.scatter.add.f32 [tilespmem:s13], [sflag:$0x1], $0x20, s12, s8, $0xb8;
	[tilespmem:$0xDB80] =	vst v63  }
0x7b: {  	_ = 	snop  }
0x7c: {  	[spmem:s2] =	stream.indirect.scatter.add.f32 [tilespmem:s15], [sflag:$0x1], $0x20, s14, s8, $0xb8;
	[tilespmem:$0xDB80] =	vst v63  }
0x7d: {  	_ = 	snop  }
0x7e: {  	[spmem:s2] =	stream.indirect.scatter.add.f32 [tilespmem:s17], [sflag:$0x1], $0x20, s16, s8, $0xb8;
	[tilespmem:$0xDB80] =	vst v63  }
0x7f: {  	_ = 	snop  }
0x80: {  	[spmem:s2] =	stream.indirect.scatter.add.f32 [tilespmem:s19], [sflag:$0x1], $0x20, s18, s8, $0xb8;
	[tilespmem:$0xDB80] =	vst v63  }
0x81: {  	_ = 	snop  }
0x82: {  	[spmem:s2] =	stream.indirect.scatter.add.f32 [tilespmem:s21], [sflag:$0x1], $0x20, s20, s8, $0xb8;
	[tilespmem:$0xDB80] =	vst v63  }
0x83: {  	_ = 	snop  }
0x84: {  	[spmem:s2] =	stream.indirect.scatter.add.f32 [tilespmem:s23], [sflag:$0x1], $0x20, s22, s8, $0xb8;
	[tilespmem:$0xDB80] =	vst v63  }
0x85: {  	_ = 	snop  }
0x86: {  	[spmem:s2] =	stream.indirect.scatter.add.f32 [tilespmem:s25], [sflag:$0x1], $0x20, s24, s8, $0xb8;
	[tilespmem:$0xDB80] =	vst v63  }
0x87: {  	_ = 	snop  }
0x88: {  	[spmem:s2] =	stream.indirect.scatter.add.f32 [tilespmem:s28], [sflag:$0x1], $0x20, s26, s8, $0xb8;
	[tilespmem:$0xDB80] =	vst v63  }
0x89: {  	_ = 	snop  }
0x8a: {  	[spmem:s2] =	stream.indirect.scatter.add.f32 [tilespmem:s30], [sflag:$0x1], $0x20, s29, s8, $0xb8;
	[tilespmem:$0xDB80] =	vst v63  }
0x8b: {  	_ =	swait.ge [sflag:s31], $0x1000  }
0x8c: {  	[sflag:s31] =	ssyncset.done $0x0  }
0x8d: {  	[sflag:s31] =	ssyncadd.s32 $0xFFFFF000  }
0x8e: {  	_ =	swait.ge [sflag:s31], $0x1000  }
0x8f: {  	[sflag:s31] =	ssyncset.done $0x0  }
0x90: {  	[sflag:s31] =	ssyncadd.s32 $0xFFFFF000  }
0x91: {  	_ =	swait.ge [sflag:s31], $0x1000  }
0x92: {  	[sflag:s31] =	ssyncset.done $0x0  }
0x93: {  	[sflag:s31] =	ssyncadd.s32 $0xFFFFF000  }
0x94: {  	_ =	swait.ge [sflag:s31], $0x1000  }
0x95: {  	[sflag:s31] =	ssyncset.done $0x0  }
0x96: {  	[sflag:s31] =	ssyncadd.s32 $0xFFFFF000  }
0x97: {  	_ =	swait.ge [sflag:s31], $0x1000  }
0x98: {  	[sflag:s31] =	ssyncset.done $0x0  }
0x99: {  	[sflag:s31] =	ssyncadd.s32 $0xFFFFF000  }
0x9a: {  	_ =	swait.ge [sflag:s31], $0x1000  }
0x9b: {  	[sflag:s31] =	ssyncset.done $0x0  }
0x9c: {  	[sflag:s31] =	ssyncadd.s32 $0xFFFFF000  }
0x9d: {  	_ =	swait.ge [sflag:s31], $0x1000  }
0x9e: {  	[sflag:s31] =	ssyncset.done $0x0  }
0x9f: {  	[sflag:s31] =	ssyncadd.s32 $0xFFFFF000  }
0xa0: {  	_ =	swait.ge [sflag:s31], $0x1000  }
0xa1: {  	[sflag:s31] =	ssyncset.done $0x0  }
0xa2: {  	[sflag:s31] =	ssyncadd.s32 $0xFFFFF000  }
0xa3: {  	_ =	swait.ge [sflag:s31], $0x1000  }
0xa4: {  	[sflag:s31] =	ssyncset.done $0x0  }
0xa5: {  	[sflag:s31] =	ssyncadd.s32 $0xFFFFF000  }
0xa6: {  	_ =	swait.ge [sflag:s31], $0x1000  }
0xa7: {  	[sflag:s31] =	ssyncset.done $0x0  }
0xa8: {  	[sflag:s31] =	ssyncadd.s32 $0xFFFFF000  }
0xa9: {  	_ =	swait.ge [sflag:s31], $0x1000  }
0xaa: {  	[sflag:s31] =	ssyncset.done $0x0  }
0xab: {  	[sflag:s31] =	ssyncadd.s32 $0xFFFFF000  }
0xac: {  	_ =	swait.ge [sflag:s31], $0x1000  }
0xad: {  	[sflag:s31] =	ssyncset.done $0x0  }
0xae: {  	[sflag:s31] =	ssyncadd.s32 $0xFFFFF000  }
0xaf: {  	p0 =	sne.s32 s1, $0x1;
	_ =	swait.ge [sflag:s31], $0x1000  }
.Ltmp1:
0xb0: {  	[sflag:s31] =	ssyncset.done $0x0;
	(pc) =	sbr.rel @p0 .LBB2_1-.Ltmp1, $4  }
0xb1: {  	[sflag:s31] =	ssyncadd.s32 $0xFFFFF000  }
0xb2: {  	[bflag:$0x0] =	sbarrier.arrive $0xFFFF  }
0xb3: {  	s1 =	sadd.s32 $0xFFFFFFFF, s1;
	s10 =	rddreg [dreg:$0x6]  }
0xb4: {  	[hbm:s10], [sflag:s6] =	dma.local [spmem:s7], $0xA0  }
.LBB2_2:
0xb5: {  	_ =	swait.ge [sflag:s4], $0xA0  }
0xb6: {  	[sflag:s4] =	ssyncset.done $0x0  }
0xb7: {  	[sflag:s4] =	ssyncadd.s32 $0xFFFFFF60  }
0xb8: {  	_ =	sfence.sel $0x180000  }
0xb9: {  	[bflag:$0x0] =	sbarrier.arrive $0xFFFF  }
0xba: {  	_ =	strace $0x90000056  }
0xbb: {  	s0 =	stileid.u32;
	[bflag:$0x2] =	sbarrier.arrive $0xFFFF  }
0xbc: {  	p0 =	sne.s32 s0, $0x0;
	s0 =	rddreg [dreg:$0x2]  }
0xbd: {  	s0 =	sadd.s32 @!p0 $0x100000, s0  }
0xbe: {  	[sflag:s0] =	ssyncadd.tile.s32 @!p0 $0x1;
	_ =	shalt  }
.Lfunc_end2:
_tile_overlayer_lowered:
.L_overlay_start_2:
0xbf: {  	(tag) =	ssettag $0x2  }
0xc0: {  	s0 =	rddreg [dreg:$0x0];
	s2 =	stileid.u32  }
0xc1: {  	s1 =	rddreg [dreg:$0x1];
	p0 =	sne.s32 s2, $0x0  }
0xc2: {  	s3 =	rddreg [dreg:$0x2];
	[bflag:$0x3] =	sbarrier.arrive $0xFFFF;
	s2 =	simm.s32 @!p0 $0x1C02  }
0xc3: {  	[timem:s3], [sflag:s2] =	dma.local @!p0 [hbm:s0], s1  }
0xc4: {  	s0 =	simm.s32 @!p0 $0x2  }
0xc5: {  	_ =	swait.ge @!p0 [sflag:s0], s1  }
0xc6: {  	s1 =	ssub.s32 @!p0 $0x0, s1;
	[sflag:s0] =	ssyncset.done @!p0 $0x0  }
0xc7: {  	[sflag:s0] =	ssyncadd.s32 @!p0 s1  }
0xc8: {  	[bflag:$0x3] =	sbarrier.arrive $0xFFFF  }
0xc9: {  	_ =	shalt  }

</sc_bundles>
